<compile_context>
chip_gen: v7x
topology: tpu7x:2x2x1
jax: 0.10.2.dev20260603
libtpu: 0.0.44.dev20260713+nightly
codegen_flags: <defaults>
</compile_context>

<pallas_src>
import functools

import jax
import jax.numpy as jnp
from jax import lax
from jax.experimental import pallas as pl
from jax.experimental.pallas import tpu as pltpu
from jax.experimental.pallas import tpu_sc as plsc

NC = 2
NS = 16
NW = NC * NS
CH = 128
RB = 48
LRELU_SLOPE = 0.2
EPS = 1e-16


def _leaky_relu(z):
    return jnp.where(z > 0, z, LRELU_SLOPE * z)




def _tc1_body(emb_ref, w1_ref, as_ref, ad_ref, xw_ref, es_ref, ed_ref):
    xw = jnp.dot(emb_ref[...], w1_ref[...], preferred_element_type=jnp.float32)
    xw_ref[...] = jnp.concatenate([xw, jnp.zeros((1, xw.shape[1]), jnp.float32)], 0)
    es = jnp.dot(xw, as_ref[...], preferred_element_type=jnp.float32)
    ed = jnp.dot(xw, ad_ref[...], preferred_element_type=jnp.float32)
    es_ref[...] = jnp.concatenate([es, jnp.zeros((1,), jnp.float32)])
    ed_ref[...] = jnp.concatenate([ed, jnp.zeros((1,), jnp.float32)])


def _tc2_body(num_ref, den_ref, b1_ref, w2_ref, as2_ref, ad2_ref,
              xv2_ref, es2_ref, ed2_ref):
    den = jnp.sum(den_ref[...], axis=(0, 1)) + EPS
    num = num_ref[0] + num_ref[1]
    x1 = jax.nn.relu(num / den[:, None] + b1_ref[...][None, :])
    xv2 = jnp.dot(x1, w2_ref[...], preferred_element_type=jnp.float32)
    es2 = jnp.dot(x1, as2_ref[...], preferred_element_type=jnp.float32)
    ed2 = jnp.dot(x1, ad2_ref[...], preferred_element_type=jnp.float32)
    xv2_ref[...] = jnp.concatenate([xv2, jnp.zeros((1,), jnp.float32)])
    es2_ref[...] = jnp.concatenate([es2, jnp.zeros((1,), jnp.float32)])
    ed2_ref[...] = jnp.concatenate([ed2, jnp.zeros((1,), jnp.float32)])


def _tc3_body(num2_ref, den2_ref, out_ref):
    out_ref[...] = (jnp.sum(num2_ref[...], axis=(0, 1))
                    / (jnp.sum(den2_ref[...], axis=(0, 1)) + EPS))




def _sc1_body(n, e_real, e_loop, cpw, sb_chunks,
              src_hbm, dst_hbm, hn_hbm, es_hbm, ed_hbm, xw_hbm,
              z_nh_hbm, z_n_hbm,
              num_out, den_out,
              hn_v, es_v, ed_v, den_v, s_v, d_v, hsc_v, drc_v, wc_v,
              drwfix_v, rows_v, num_sh, sem):
    cid = lax.axis_index("c")
    sid = lax.axis_index("s")
    wid = sid * NC + cid
    spt = (n // NS) // 8 * 8
    rem = n - spt * NS

    pltpu.sync_copy(hn_hbm, hn_v)
    pltpu.sync_copy(es_hbm, es_v)
    pltpu.sync_copy(ed_hbm, ed_v)
    pltpu.sync_copy(z_n_hbm, den_v)
    pltpu.sync_copy(z_nh_hbm.at[pl.ds(sid * spt, spt)],
                    num_sh.at[pl.ds(sid * spt, spt)])
    if rem:
        @pl.when(sid == NS - 1)
        def _():
            pltpu.sync_copy(z_nh_hbm.at[pl.ds(spt * NS, rem)],
                            num_sh.at[pl.ds(spt * NS, rem)])
    plsc.subcore_barrier()

    lane = lax.iota(jnp.int32, 16)
    zero16 = jnp.zeros((16,), jnp.int32)

    def bufinit(i, carry):
        hsc_v[pl.ds(i * 16, 16)] = zero16
        drc_v[pl.ds(i * 16, 16)] = zero16
        return carry

    lax.fori_loop(0, (sb_chunks * CH + RB) // 16, bufinit, 0)

    def superchunk(si, carry):
        c0 = si * sb_chunks
        pltpu.sync_copy(src_hbm.at[wid, si], s_v)
        pltpu.sync_copy(dst_hbm.at[wid, si], d_v)

        def wpass(g, cur):
            c = g // (CH // 16)
            b = g % (CH // 16)
            s16 = s_v[c, pl.ds(b * 16, 16)]
            d16 = d_v[c, pl.ds(b * 16, 16)]
            shp = plsc.load_gather(hn_v, [s16])
            dhp = plsc.load_gather(hn_v, [d16])
            hs = shp & 0xFFFF
            hd = dhp & 0xFFFF
            ess = plsc.load_gather(es_v, [hs])
            edd = plsc.load_gather(ed_v, [hd])
            pos = (wid * cpw + c0 + c) * CH + b * 16 + lane
            keep = ((shp < 0x10000) & (dhp < 0x10000)) | (
                (pos >= e_real) & (pos < e_loop))
            z = _leaky_relu(ess + edd)
            w = jnp.where(keep, jnp.exp(z), 0.0)
            plsc.addupdate_scatter(den_v, [zero16, d16], w)
            plsc.store_compressed(hsc_v.at[pl.ds(cur, 16)], hs, mask=keep)
            plsc.store_compressed(drc_v.at[pl.ds(cur, 16)], d16, mask=keep)
            plsc.store_compressed(wc_v.at[pl.ds(cur, 16)], w, mask=keep)
            return cur + jnp.sum(keep.astype(jnp.int32))

        cnt = lax.fori_loop(0, sb_chunks * (CH // 16), wpass, jnp.int32(0))
        zf16 = jnp.zeros((16,), jnp.float32)
        for t in range(RB // 16):
            wc_v[pl.ds(cnt + t * 16, 16)] = zf16

        def rowbatch(k, carry2):
            base = k * RB
            for t in range(RB // 16):
                drwfix_v[0, pl.ds(t * 16, 16)] = drc_v[pl.ds(base + t * 16, 16)]
            pltpu.async_copy(
                xw_hbm.at[hsc_v.at[pl.ds(base, RB)]], rows_v, sem).wait()

            def scale(q, carry3):
                for j in range(16):
                    e_idx = q * 16 + j
                    wj = plsc.load_gather(wc_v, [zero16 + (base + e_idx)])
                    for c2 in range(8):
                        rows_v[e_idx, pl.ds(c2 * 16, 16)] = (
                            rows_v[e_idx, pl.ds(c2 * 16, 16)] * wj)
                return carry3

            lax.fori_loop(0, RB // 16, scale, 0)
            pltpu.sync_copy(rows_v, num_sh.at[drwfix_v.at[0]], add=True)
            return carry2

        lax.fori_loop(0, (cnt + RB - 1) // RB, rowbatch, 0)
        return carry

    lax.fori_loop(0, cpw // sb_chunks, superchunk, 0)
    plsc.subcore_barrier()
    pltpu.sync_copy(num_sh.at[pl.ds(sid * spt, spt)],
                    num_out.at[cid, pl.ds(sid * spt, spt)])
    if rem:
        @pl.when(sid == NS - 1)
        def _():
            pltpu.sync_copy(num_sh.at[pl.ds(spt * NS, rem)],
                            num_out.at[cid, pl.ds(spt * NS, rem)])
    pltpu.sync_copy(den_v, den_out.at[wid])


def _sc2_body(n, e_real, e_loop, cpw, sb_chunks,
              src_hbm, dst_hbm, nt_hbm, es_hbm, ed_hbm, xv_hbm, z_n_hbm,
              num_out, den_out,
              nt_v, es_v, ed_v, xv_v, den_v, num_v, s_v, d_v):
    cid = lax.axis_index("c")
    sid = lax.axis_index("s")
    wid = sid * NC + cid

    pltpu.sync_copy(nt_hbm, nt_v)
    pltpu.sync_copy(es_hbm, es_v)
    pltpu.sync_copy(ed_hbm, ed_v)
    pltpu.sync_copy(xv_hbm, xv_v)
    pltpu.sync_copy(z_n_hbm, den_v)
    pltpu.sync_copy(z_n_hbm, num_v)

    lane = lax.iota(jnp.int32, 16)
    zero16 = jnp.zeros((16,), jnp.int32)

    def superchunk(si, carry):
        c0 = si * sb_chunks
        pltpu.sync_copy(src_hbm.at[wid, si], s_v)
        pltpu.sync_copy(dst_hbm.at[wid, si], d_v)

        def wpass(g, carry2):
            c = g // (CH // 16)
            b = g % (CH // 16)
            s16 = s_v[c, pl.ds(b * 16, 16)]
            d16 = d_v[c, pl.ds(b * 16, 16)]
            nts = plsc.load_gather(nt_v, [s16])
            ntd = plsc.load_gather(nt_v, [d16])
            ess = plsc.load_gather(es_v, [s16])
            edd = plsc.load_gather(ed_v, [d16])
            xvs = plsc.load_gather(xv_v, [s16])
            pos = (wid * cpw + c0 + c) * CH + b * 16 + lane
            keep = ((nts == 0) & (ntd == 0)) | (
                (pos >= e_real) & (pos < e_loop))
            z = _leaky_relu(ess + edd)
            w = jnp.where(keep, jnp.exp(z), 0.0)
            plsc.addupdate_scatter(den_v, [zero16, d16], w)
            plsc.addupdate_scatter(num_v, [zero16, d16], w * xvs)
            return carry2

        lax.fori_loop(0, sb_chunks * (CH // 16), wpass, 0)
        return carry

    lax.fori_loop(0, cpw // sb_chunks, superchunk, 0)
    pltpu.sync_copy(den_v, den_out.at[wid])
    pltpu.sync_copy(num_v, num_out.at[wid])




def kernel(h, edge_index, node_type, emb, W1, att_src1, att_dst1, b1,
           W2, att_src2, att_dst2, b2):
    n, hdim = emb.shape
    e = edge_index.shape[1]
    e_loop = e + n
    sb = 3
    cpw0 = -(-e_loop // (NW * CH))
    cpw = -(-cpw0 // sb) * sb
    epw = cpw * CH
    ep = epw * NW

    i32 = jnp.int32
    loops = jnp.arange(n, dtype=i32)
    pad = ep - e_loop
    eshape = (NW, cpw // sb, sb, CH)
    src_4d = jnp.concatenate([edge_index[0].astype(i32), loops,
                              jnp.full((pad,), n, i32)]).reshape(eshape)
    dst_4d = jnp.concatenate([edge_index[1].astype(i32), loops,
                              jnp.zeros((pad,), i32)]).reshape(eshape)
    hn_ext = jnp.concatenate([h.astype(i32) | (node_type.astype(i32) << 16),
                              jnp.array([n | (1 << 16)], i32)])
    nt_ext = jnp.concatenate([node_type.astype(i32), jnp.array([1], i32)])
    z_nh = jnp.zeros((n, hdim), jnp.float32)
    z_n = jnp.zeros((1, n), jnp.float32)

    f32 = jnp.float32
    sds = jax.ShapeDtypeStruct

    xw_ext, es_ext, ed_ext = pl.pallas_call(
        _tc1_body,
        out_shape=[sds((n + 1, hdim), f32), sds((n + 1,), f32), sds((n + 1,), f32)],
    )(emb, W1, att_src1, att_dst1)

    mesh = plsc.VectorSubcoreMesh(core_axis_name="c", subcore_axis_name="s",
                                  num_cores=NC, num_subcores=NS)
    sc_params = pltpu.CompilerParams(needs_layout_passes=False)
    sc1 = pl.kernel(
        functools.partial(_sc1_body, n, e, e_loop, cpw, sb),
        out_type=[sds((NC, n, hdim), f32), sds((NW, 1, n), f32)],
        mesh=mesh,
        compiler_params=sc_params,
        scratch_types=[
            pltpu.VMEM((n + 1,), i32),
            pltpu.VMEM((n + 1,), f32),
            pltpu.VMEM((n + 1,), f32),
            pltpu.VMEM((1, n), f32),
            pltpu.VMEM((sb, CH), i32),
            pltpu.VMEM((sb, CH), i32),
            pltpu.VMEM((sb * CH + RB,), i32),
            pltpu.VMEM((sb * CH + RB,), i32),
            pltpu.VMEM((sb * CH + RB,), f32),
            pltpu.VMEM((1, RB), i32),
            pltpu.VMEM((RB, hdim), f32),
            pltpu.VMEM_SHARED((n, hdim), f32),
            pltpu.SemaphoreType.DMA,
        ],
    )
    num1, den1 = sc1(src_4d, dst_4d, hn_ext, es_ext, ed_ext, xw_ext, z_nh, z_n)

    w2v = W2[:, 0]
    as2v = w2v * att_src2[0]
    ad2v = w2v * att_dst2[0]
    xv2_ext, es2_ext, ed2_ext = pl.pallas_call(
        _tc2_body,
        out_shape=[sds((n + 1,), f32), sds((n + 1,), f32), sds((n + 1,), f32)],
    )(num1, den1, b1, w2v, as2v, ad2v)

    sc2 = pl.kernel(
        functools.partial(_sc2_body, n, e, e_loop, cpw, sb),
        out_type=[sds((NW, 1, n), f32), sds((NW, 1, n), f32)],
        mesh=mesh,
        compiler_params=sc_params,
        scratch_types=[
            pltpu.VMEM((n + 1,), i32),
            pltpu.VMEM((n + 1,), f32),
            pltpu.VMEM((n + 1,), f32),
            pltpu.VMEM((n + 1,), f32),
            pltpu.VMEM((1, n), f32),
            pltpu.VMEM((1, n), f32),
            pltpu.VMEM((sb, CH), i32),
            pltpu.VMEM((sb, CH), i32),
        ],
    )
    num2, den2 = sc2(src_4d, dst_4d, nt_ext, es2_ext, ed2_ext, xv2_ext, z_n)

    out = pl.pallas_call(
        _tc3_body, out_shape=sds((n,), f32),
    )(num2, den2)
    return (out + b2[0])[:, None]

# --- scband reference (transcript-rebuilt; emitter-appended) ---
"""Pipeline reference for scband-g2vec-26963804684786 (READ-ONLY COPY).

The authoritative reference and input builder live on the scoring server;
editing this copy changes nothing except your own understanding.
"""

import jax, jax.numpy as jnp
import numpy as np

N = 10000
E = 320000
H = 128
OUT = 1


def setup_inputs(seed: int = 0):
    key = jax.random.key(seed)
    ks = jax.random.split(key, 12)
    h = jnp.arange(N)
    edge_index = jax.random.randint(ks[0], (2, E), 0, N)
    node_type = jax.random.randint(ks[1], (N,), 0, 2)
    emb = jax.random.normal(ks[2], (N, H), dtype=jnp.float32) * 0.1
    W1 = jax.random.normal(ks[3], (H, H), dtype=jnp.float32) * (1.0 / np.sqrt(H))
    att_src1 = jax.random.normal(ks[4], (H,), dtype=jnp.float32) * 0.1
    att_dst1 = jax.random.normal(ks[5], (H,), dtype=jnp.float32) * 0.1
    b1 = jnp.zeros((H,), dtype=jnp.float32)
    W2 = jax.random.normal(ks[6], (H, OUT), dtype=jnp.float32) * (1.0 / np.sqrt(H))
    att_src2 = jax.random.normal(ks[7], (OUT,), dtype=jnp.float32) * 0.1
    att_dst2 = jax.random.normal(ks[8], (OUT,), dtype=jnp.float32) * 0.1
    b2 = jnp.zeros((OUT,), dtype=jnp.float32)
    return {"h": h, "edge_index": edge_index, "node_type": node_type,
            "emb": emb, "W1": W1, "att_src1": att_src1, "att_dst1": att_dst1, "b1": b1,
            "W2": W2, "att_src2": att_src2, "att_dst2": att_dst2, "b2": b2}


def get_masked_adj(edge_index, node_type):
    src, dst = edge_index[0], edge_index[1]
    mask = (node_type[src] == 0) & (node_type[dst] == 0)
    # PyG GATConv adds self-loops by default
    loops = jnp.arange(N)
    adj = jnp.concatenate([edge_index, jnp.stack([loops, loops])], axis=1)
    emask = jnp.concatenate([mask, jnp.ones((N,), dtype=bool)])
    return adj, emask


def gat_conv(x, adj, emask, W, a_s, a_d, b):
    src, dst = adj[0], adj[1]
    xw = x @ W
    es = (xw * a_s).sum(-1)
    ed = (xw * a_d).sum(-1)
    e = jax.nn.leaky_relu(es[src] + ed[dst], 0.2)
    e_masked = jnp.where(emask, e, -jnp.inf)
    m = jax.ops.segment_max(e_masked, dst, num_segments=N)
    m = jnp.where(jnp.isfinite(m), m, 0.0)
    ex = jnp.where(emask, jnp.exp(e - m[dst]), 0.0)
    den = jax.ops.segment_sum(ex, dst, num_segments=N)
    alpha = ex / (den[dst] + 1e-16)
    out = jax.ops.segment_sum(alpha[:, None] * xw[src], dst, num_segments=N)
    return out + b


def reference(h, edge_index, node_type, emb, W1, att_src1, att_dst1, b1, W2, att_src2, att_dst2, b2):
    adj, emask = get_masked_adj(edge_index, node_type)
    x = emb[h]
    x = gat_conv(x, adj, emask, W1, att_src1, att_dst1, b1)
    x = jax.nn.relu(x)
    x = gat_conv(x, adj, emask, W2, att_src2, att_dst2, b2)
    return x

if __name__ == "__main__":
    import jax
    _d = setup_inputs()
    print(jax.jit(kernel)(*tuple(_d.values())))

</pallas_src>

<mosaic_0001>
#map = affine_map<(d0, d1) -> (0, 0, 0, 0)>
#map1 = affine_map<(d0, d1) -> (0)>
#map2 = affine_map<(d0, d1) -> (0, 0)>
#map3 = affine_map<(d0, d1) -> (0, 0, 0)>
module attributes {stable_mosaic.version = 14 : i64} {
  func.func @_sc1_body(%arg0: i32, %arg1: i32, %arg2: memref<32x27x3x128xi32, #tpu.memory_space<hbm>>, %arg3: memref<32x27x3x128xi32, #tpu.memory_space<hbm>>, %arg4: memref<10001xi32, #tpu.memory_space<hbm>>, %arg5: memref<10001xf32, #tpu.memory_space<hbm>>, %arg6: memref<10001xf32, #tpu.memory_space<hbm>>, %arg7: memref<10001x128xf32, #tpu.memory_space<hbm>>, %arg8: memref<10000x128xf32, #tpu.memory_space<hbm>>, %arg9: memref<1x10000xf32, #tpu.memory_space<hbm>>, %arg10: memref<2x10000x128xf32, #tpu.memory_space<hbm>>, %arg11: memref<32x1x10000xf32, #tpu.memory_space<hbm>>, %arg12: memref<10001xi32, #tpu.memory_space<vmem>>, %arg13: memref<10001xf32, #tpu.memory_space<vmem>>, %arg14: memref<10001xf32, #tpu.memory_space<vmem>>, %arg15: memref<1x10000xf32, #tpu.memory_space<vmem>>, %arg16: memref<3x128xi32, #tpu.memory_space<vmem>>, %arg17: memref<3x128xi32, #tpu.memory_space<vmem>>, %arg18: memref<432xi32, #tpu.memory_space<vmem>>, %arg19: memref<432xi32, #tpu.memory_space<vmem>>, %arg20: memref<432xf32, #tpu.memory_space<vmem>>, %arg21: memref<1x48xi32, #tpu.memory_space<vmem>>, %arg22: memref<48x128xf32, #tpu.memory_space<vmem>>, %arg23: memref<10000x128xf32, #tpu.memory_space<vmem_shared>>, %arg24: memref<!tpu.dma_semaphore, #tpu.memory_space<semaphore_mem>>) attributes {dimension_semantics = [#tpu.dimension_semantics<core_parallel>, #tpu.dimension_semantics<subcore_parallel>], iteration_bounds = array<i64: 2, 16>, scalar_prefetch = 0 : i64, scratch_operands = 13 : i64, tpu.core_type = #tpu.core_type<sc_vector_subcore>, window_params = [{transform_indices = #map}, {transform_indices = #map}, {transform_indices = #map1}, {transform_indices = #map1}, {transform_indices = #map1}, {transform_indices = #map2}, {transform_indices = #map2}, {transform_indices = #map2}, {transform_indices = #map3}, {transform_indices = #map3}]} {
    %mul3A = arith.constant 2 : i32
    %mul3A_0 = arith.muli %arg1, %mul3A : i32
    %add3A = arith.addi %mul3A_0, %arg0 : i32
    "tpu.region"() ({
      %run_scoped3A = tpu.sem_alloc : memref<!tpu.dma_semaphore, #tpu.memory_space<semaphore_mem>>
      tpu.enqueue_dma source(%arg4 : memref<10001xi32, #tpu.memory_space<hbm>>) target(%arg12 : memref<10001xi32, #tpu.memory_space<vmem>>) target_semaphore(%run_scoped3A : memref<!tpu.dma_semaphore, #tpu.memory_space<semaphore_mem>>)
      tpu.wait_dma2 semaphore(%run_scoped3A : memref<!tpu.dma_semaphore, #tpu.memory_space<semaphore_mem>>) src(%arg4 : memref<10001xi32, #tpu.memory_space<hbm>>) dst(%arg12 : memref<10001xi32, #tpu.memory_space<vmem>>)
      tpu.yield
    }) : () -> ()
    "tpu.region"() ({
      %run_scoped3A = tpu.sem_alloc : memref<!tpu.dma_semaphore, #tpu.memory_space<semaphore_mem>>
      tpu.enqueue_dma source(%arg5 : memref<10001xf32, #tpu.memory_space<hbm>>) target(%arg13 : memref<10001xf32, #tpu.memory_space<vmem>>) target_semaphore(%run_scoped3A : memref<!tpu.dma_semaphore, #tpu.memory_space<semaphore_mem>>)
      tpu.wait_dma2 semaphore(%run_scoped3A : memref<!tpu.dma_semaphore, #tpu.memory_space<semaphore_mem>>) src(%arg5 : memref<10001xf32, #tpu.memory_space<hbm>>) dst(%arg13 : memref<10001xf32, #tpu.memory_space<vmem>>)
      tpu.yield
    }) : () -> ()
    "tpu.region"() ({
      %run_scoped3A = tpu.sem_alloc : memref<!tpu.dma_semaphore, #tpu.memory_space<semaphore_mem>>
      tpu.enqueue_dma source(%arg6 : memref<10001xf32, #tpu.memory_space<hbm>>) target(%arg14 : memref<10001xf32, #tpu.memory_space<vmem>>) target_semaphore(%run_scoped3A : memref<!tpu.dma_semaphore, #tpu.memory_space<semaphore_mem>>)
      tpu.wait_dma2 semaphore(%run_scoped3A : memref<!tpu.dma_semaphore, #tpu.memory_space<semaphore_mem>>) src(%arg6 : memref<10001xf32, #tpu.memory_space<hbm>>) dst(%arg14 : memref<10001xf32, #tpu.memory_space<vmem>>)
      tpu.yield
    }) : () -> ()
    "tpu.region"() ({
      %run_scoped3A = tpu.sem_alloc : memref<!tpu.dma_semaphore, #tpu.memory_space<semaphore_mem>>
      tpu.enqueue_dma source(%arg9 : memref<1x10000xf32, #tpu.memory_space<hbm>>) target(%arg15 : memref<1x10000xf32, #tpu.memory_space<vmem>>) target_semaphore(%run_scoped3A : memref<!tpu.dma_semaphore, #tpu.memory_space<semaphore_mem>>)
      tpu.wait_dma2 semaphore(%run_scoped3A : memref<!tpu.dma_semaphore, #tpu.memory_space<semaphore_mem>>) src(%arg9 : memref<1x10000xf32, #tpu.memory_space<hbm>>) dst(%arg15 : memref<1x10000xf32, #tpu.memory_space<vmem>>)
      tpu.yield
    }) : () -> ()
    %mul3A_1 = arith.constant 624 : i32
    %mul3A_2 = arith.muli %arg1, %mul3A_1 : i32
    %mul3A_3 = arith.constant 624 : i32
    %mul3A_4 = arith.muli %arg1, %mul3A_3 : i32
    "tpu.region"() ({
      %run_scoped3A = tpu.sem_alloc : memref<!tpu.dma_semaphore, #tpu.memory_space<semaphore_mem>>
      %dma_start3A = arith.constant 0 : i32
      %dma_start3A_29 = tpu.memref_slice %arg23[%mul3A_4, %dma_start3A] : memref<10000x128xf32, #tpu.memory_space<vmem_shared>> -> memref<624x128xf32, #tpu.memory_space<vmem_shared>>
      %dma_start3A_30 = arith.constant 0 : i32
      %dma_start3A_31 = tpu.memref_slice %arg8[%mul3A_2, %dma_start3A_30] : memref<10000x128xf32, #tpu.memory_space<hbm>> -> memref<624x128xf32, #tpu.memory_space<hbm>>
      tpu.enqueue_dma source(%dma_start3A_31 : memref<624x128xf32, #tpu.memory_space<hbm>>) target(%dma_start3A_29 : memref<624x128xf32, #tpu.memory_space<vmem_shared>>) target_semaphore(%run_scoped3A : memref<!tpu.dma_semaphore, #tpu.memory_space<semaphore_mem>>)
      %dma_wait3A = arith.constant 0 : i32
      %dma_wait3A_32 = tpu.memref_slice %arg23[%mul3A_4, %dma_wait3A] : memref<10000x128xf32, #tpu.memory_space<vmem_shared>> -> memref<624x128xf32, #tpu.memory_space<vmem_shared>>
      %dma_wait3A_33 = arith.constant 0 : i32
      %dma_wait3A_34 = tpu.memref_slice %arg8[%mul3A_2, %dma_wait3A_33] : memref<10000x128xf32, #tpu.memory_space<hbm>> -> memref<624x128xf32, #tpu.memory_space<hbm>>
      tpu.wait_dma2 semaphore(%run_scoped3A : memref<!tpu.dma_semaphore, #tpu.memory_space<semaphore_mem>>) src(%dma_wait3A_34 : memref<624x128xf32, #tpu.memory_space<hbm>>) dst(%dma_wait3A_32 : memref<624x128xf32, #tpu.memory_space<vmem_shared>>)
      tpu.yield
    }) : () -> ()
    %eq3A = arith.constant 15 : i32
    %eq3A_5 = arith.cmpi eq, %arg1, %eq3A : i32
    %convert_element_type3A = arith.extui %eq3A_5 : i1 to i32
    %cond3A = arith.constant 0 : i32
    %cond3A_6 = arith.cmpi ne, %convert_element_type3A, %cond3A : i32
    scf.if %cond3A_6 {
      "tpu.region"() ({
        %run_scoped3A = tpu.sem_alloc : memref<!tpu.dma_semaphore, #tpu.memory_space<semaphore_mem>>
        %dma_start3A = arith.constant 9984 : i32
        %dma_start3A_29 = arith.constant 0 : i32
        %dma_start3A_30 = tpu.memref_slice %arg23[%dma_start3A, %dma_start3A_29] : memref<10000x128xf32, #tpu.memory_space<vmem_shared>> -> memref<16x128xf32, #tpu.memory_space<vmem_shared>>
        %dma_start3A_31 = arith.constant 9984 : i32
        %dma_start3A_32 = arith.constant 0 : i32
        %dma_start3A_33 = tpu.memref_slice %arg8[%dma_start3A_31, %dma_start3A_32] : memref<10000x128xf32, #tpu.memory_space<hbm>> -> memref<16x128xf32, #tpu.memory_space<hbm>>
        tpu.enqueue_dma source(%dma_start3A_33 : memref<16x128xf32, #tpu.memory_space<hbm>>) target(%dma_start3A_30 : memref<16x128xf32, #tpu.memory_space<vmem_shared>>) target_semaphore(%run_scoped3A : memref<!tpu.dma_semaphore, #tpu.memory_space<semaphore_mem>>)
        %dma_wait3A = arith.constant 9984 : i32
        %dma_wait3A_34 = arith.constant 0 : i32
        %dma_wait3A_35 = tpu.memref_slice %arg23[%dma_wait3A, %dma_wait3A_34] : memref<10000x128xf32, #tpu.memory_space<vmem_shared>> -> memref<16x128xf32, #tpu.memory_space<vmem_shared>>
        %dma_wait3A_36 = arith.constant 9984 : i32
        %dma_wait3A_37 = arith.constant 0 : i32
        %dma_wait3A_38 = tpu.memref_slice %arg8[%dma_wait3A_36, %dma_wait3A_37] : memref<10000x128xf32, #tpu.memory_space<hbm>> -> memref<16x128xf32, #tpu.memory_space<hbm>>
        tpu.wait_dma2 semaphore(%run_scoped3A : memref<!tpu.dma_semaphore, #tpu.memory_space<semaphore_mem>>) src(%dma_wait3A_38 : memref<16x128xf32, #tpu.memory_space<hbm>>) dst(%dma_wait3A_35 : memref<16x128xf32, #tpu.memory_space<vmem_shared>>)
        tpu.yield
      }) : () -> ()
    } else {
    }
    %barrier3A = arith.constant 0 : index
    tpu.barrier barrier_id(%barrier3A)
    %iota3A = tpu.iota {dimensions = array<i32: 0>} : vector<16xi32>
    %broadcast_in_dim3A = arith.constant 0 : i32
    %broadcast_in_dim3A_7 = vector.broadcast %broadcast_in_dim3A : i32 to vector<16xi32>
    %scan3A = arith.constant 0 : i32
    %scan3A_8 = arith.constant 0 : i32
    %scan3A_9 = arith.constant 27 : i32
    %scan3A_10 = arith.addi %scan3A_8, %scan3A_9 : i32
    %scan3A_11 = arith.constant 1 : i32
    scf.for %scan3A_29 = %scan3A_8 to %scan3A_10 step %scan3A_11  : i32 {
      %mul3A_30 = arith.constant 16 : i32
      %mul3A_31 = arith.muli %scan3A_29, %mul3A_30 : i32
      %swap3A = arith.index_cast %mul3A_31 : i32 to index
      %swap3A_32 = tpu.vector_load %arg18[%swap3A] {strides = array<i32>} : memref<432xi32, #tpu.memory_space<vmem>>, vector<16xi32>,
      tpu.vector_store %arg18[%swap3A], %broadcast_in_dim3A_7 {strides = array<i32>} : memref<432xi32, #tpu.memory_space<vmem>>, vector<16xi32>,
      %mul3A_33 = arith.constant 16 : i32
      %mul3A_34 = arith.muli %scan3A_29, %mul3A_33 : i32
      %swap3A_35 = arith.index_cast %mul3A_34 : i32 to index
      %swap3A_36 = tpu.vector_load %arg19[%swap3A_35] {strides = array<i32>} : memref<432xi32, #tpu.memory_space<vmem>>, vector<16xi32>,
      tpu.vector_store %arg19[%swap3A_35], %broadcast_in_dim3A_7 {strides = array<i32>} : memref<432xi32, #tpu.memory_space<vmem>>, vector<16xi32>,
    }
    %scan3A_12 = arith.constant 27 : i32
    %scan3A_13 = arith.constant 0 : i32
    %scan3A_14 = arith.constant 0 : i32
    %scan3A_15 = arith.constant 27 : i32
    %scan3A_16 = arith.addi %scan3A_14, %scan3A_15 : i32
    %scan3A_17 = arith.constant 1 : i32
    scf.for %scan3A_29 = %scan3A_14 to %scan3A_16 step %scan3A_17  : i32 {
      %mul3A_30 = arith.constant 3 : i32
      %mul3A_31 = arith.muli %scan3A_29, %mul3A_30 : i32
      "tpu.region"() ({
        %run_scoped3A = tpu.sem_alloc : memref<!tpu.dma_semaphore, #tpu.memory_space<semaphore_mem>>
        %dma_start3A = arith.constant 0 : i32
        %dma_start3A_81 = arith.constant 0 : i32
        %dma_start3A_82 = tpu.memref_slice %arg2[%add3A, %scan3A_29, %dma_start3A, %dma_start3A_81] : memref<32x27x3x128xi32, #tpu.memory_space<hbm>> -> memref<1x1x3x128xi32, #tpu.memory_space<hbm>>
        %dma_start3A_83 = tpu.memref_squeeze %dma_start3A_82 : memref<1x1x3x128xi32, #tpu.memory_space<hbm>> -> memref<3x128xi32, #tpu.memory_space<hbm>>
        %dma_start3A_84 = arith.constant 0 : i32
        %dma_start3A_85 = arith.constant 0 : i32
        %dma_start3A_86 = tpu.memref_slice %arg2[%add3A, %scan3A_29, %dma_start3A_84, %dma_start3A_85] : memref<32x27x3x128xi32, #tpu.memory_space<hbm>> -> memref<1x1x3x128xi32, #tpu.memory_space<hbm>>
        %dma_start3A_87 = tpu.memref_squeeze %dma_start3A_86 : memref<1x1x3x128xi32, #tpu.memory_space<hbm>> -> memref<3x128xi32, #tpu.memory_space<hbm>>
        tpu.enqueue_dma source(%dma_start3A_87 : memref<3x128xi32, #tpu.memory_space<hbm>>) target(%arg16 : memref<3x128xi32, #tpu.memory_space<vmem>>) target_semaphore(%run_scoped3A : memref<!tpu.dma_semaphore, #tpu.memory_space<semaphore_mem>>)
        %dma_wait3A = arith.constant 0 : i32
        %dma_wait3A_88 = arith.constant 0 : i32
        %dma_wait3A_89 = tpu.memref_slice %arg2[%add3A, %scan3A_29, %dma_wait3A, %dma_wait3A_88] : memref<32x27x3x128xi32, #tpu.memory_space<hbm>> -> memref<1x1x3x128xi32, #tpu.memory_space<hbm>>
        %dma_wait3A_90 = tpu.memref_squeeze %dma_wait3A_89 : memref<1x1x3x128xi32, #tpu.memory_space<hbm>> -> memref<3x128xi32, #tpu.memory_space<hbm>>
        %dma_wait3A_91 = arith.constant 0 : i32
        %dma_wait3A_92 = arith.constant 0 : i32
        %dma_wait3A_93 = tpu.memref_slice %arg2[%add3A, %scan3A_29, %dma_wait3A_91, %dma_wait3A_92] : memref<32x27x3x128xi32, #tpu.memory_space<hbm>> -> memref<1x1x3x128xi32, #tpu.memory_space<hbm>>
        %dma_wait3A_94 = tpu.memref_squeeze %dma_wait3A_93 : memref<1x1x3x128xi32, #tpu.memory_space<hbm>> -> memref<3x128xi32, #tpu.memory_space<hbm>>
        tpu.wait_dma2 semaphore(%run_scoped3A : memref<!tpu.dma_semaphore, #tpu.memory_space<semaphore_mem>>) src(%dma_wait3A_94 : memref<3x128xi32, #tpu.memory_space<hbm>>) dst(%arg16 : memref<3x128xi32, #tpu.memory_space<vmem>>)
        tpu.yield
      }) : () -> ()
      "tpu.region"() ({
        %run_scoped3A = tpu.sem_alloc : memref<!tpu.dma_semaphore, #tpu.memory_space<semaphore_mem>>
        %dma_start3A = arith.constant 0 : i32
        %dma_start3A_81 = arith.constant 0 : i32
        %dma_start3A_82 = tpu.memref_slice %arg3[%add3A, %scan3A_29, %dma_start3A, %dma_start3A_81] : memref<32x27x3x128xi32, #tpu.memory_space<hbm>> -> memref<1x1x3x128xi32, #tpu.memory_space<hbm>>
        %dma_start3A_83 = tpu.memref_squeeze %dma_start3A_82 : memref<1x1x3x128xi32, #tpu.memory_space<hbm>> -> memref<3x128xi32, #tpu.memory_space<hbm>>
        %dma_start3A_84 = arith.constant 0 : i32
        %dma_start3A_85 = arith.constant 0 : i32
        %dma_start3A_86 = tpu.memref_slice %arg3[%add3A, %scan3A_29, %dma_start3A_84, %dma_start3A_85] : memref<32x27x3x128xi32, #tpu.memory_space<hbm>> -> memref<1x1x3x128xi32, #tpu.memory_space<hbm>>
        %dma_start3A_87 = tpu.memref_squeeze %dma_start3A_86 : memref<1x1x3x128xi32, #tpu.memory_space<hbm>> -> memref<3x128xi32, #tpu.memory_space<hbm>>
        tpu.enqueue_dma source(%dma_start3A_87 : memref<3x128xi32, #tpu.memory_space<hbm>>) target(%arg17 : memref<3x128xi32, #tpu.memory_space<vmem>>) target_semaphore(%run_scoped3A : memref<!tpu.dma_semaphore, #tpu.memory_space<semaphore_mem>>)
        %dma_wait3A = arith.constant 0 : i32
        %dma_wait3A_88 = arith.constant 0 : i32
        %dma_wait3A_89 = tpu.memref_slice %arg3[%add3A, %scan3A_29, %dma_wait3A, %dma_wait3A_88] : memref<32x27x3x128xi32, #tpu.memory_space<hbm>> -> memref<1x1x3x128xi32, #tpu.memory_space<hbm>>
        %dma_wait3A_90 = tpu.memref_squeeze %dma_wait3A_89 : memref<1x1x3x128xi32, #tpu.memory_space<hbm>> -> memref<3x128xi32, #tpu.memory_space<hbm>>
        %dma_wait3A_91 = arith.constant 0 : i32
        %dma_wait3A_92 = arith.constant 0 : i32
        %dma_wait3A_93 = tpu.memref_slice %arg3[%add3A, %scan3A_29, %dma_wait3A_91, %dma_wait3A_92] : memref<32x27x3x128xi32, #tpu.memory_space<hbm>> -> memref<1x1x3x128xi32, #tpu.memory_space<hbm>>
        %dma_wait3A_94 = tpu.memref_squeeze %dma_wait3A_93 : memref<1x1x3x128xi32, #tpu.memory_space<hbm>> -> memref<3x128xi32, #tpu.memory_space<hbm>>
        tpu.wait_dma2 semaphore(%run_scoped3A : memref<!tpu.dma_semaphore, #tpu.memory_space<semaphore_mem>>) src(%dma_wait3A_94 : memref<3x128xi32, #tpu.memory_space<hbm>>) dst(%arg17 : memref<3x128xi32, #tpu.memory_space<vmem>>)
        tpu.yield
      }) : () -> ()
      %scan3A_32 = arith.constant 0 : i32
      %scan3A_33 = arith.constant 0 : i32
      %scan3A_34 = arith.constant 24 : i32
      %scan3A_35 = arith.addi %scan3A_33, %scan3A_34 : i32
      %scan3A_36 = arith.constant 1 : i32
      %scan3A_37 = scf.for %scan3A_81 = %scan3A_33 to %scan3A_35 step %scan3A_36 iter_args(%scan3A_82 = %scan3A_32) -> (i32)  : i32 {
        %jit3A_83 = arith.constant 8 : i32
        %div3A_84 = arith.divsi %scan3A_81, %jit3A_83 : i32
        %sign3A_85 = arith.constant 0 : i32
        %sign3A_86 = arith.cmpi sgt, %scan3A_81, %sign3A_85 : i32
        %sign3A_87 = arith.extui %sign3A_86 : i1 to i32
        %sign3A_88 = arith.constant 0 : i32
        %sign3A_89 = arith.cmpi slt, %scan3A_81, %sign3A_88 : i32
        %sign3A_90 = arith.extui %sign3A_89 : i1 to i32
        %sign3A_91 = arith.subi %sign3A_87, %sign3A_90 : i32
        %sign3A_92 = arith.constant 0 : i32
        %sign3A_93 = arith.cmpi sgt, %jit3A_83, %sign3A_92 : i32
        %sign3A_94 = arith.extui %sign3A_93 : i1 to i32
        %sign3A_95 = arith.constant 0 : i32
        %sign3A_96 = arith.cmpi slt, %jit3A_83, %sign3A_95 : i32
        %sign3A_97 = arith.extui %sign3A_96 : i1 to i32
        %sign3A_98 = arith.subi %sign3A_94, %sign3A_97 : i32
        %ne3A_99 = arith.cmpi ne, %sign3A_91, %sign3A_98 : i32
        %rem3A_100 = arith.remsi %scan3A_81, %jit3A_83 : i32
        %ne3A_101 = arith.constant 0 : i32
        %ne3A_102 = arith.cmpi ne, %rem3A_100, %ne3A_101 : i32
        %and3A_103 = arith.andi %ne3A_99, %ne3A_102 : i1
        %sub3A_104 = arith.constant 1 : i32
        %sub3A_105 = arith.subi %div3A_84, %sub3A_104 : i32
        %select_n3A_106 = arith.select %and3A_103, %sub3A_105, %div3A_84 : i32
        %jit3A_107 = arith.constant 8 : i32
        %eq3A_108 = arith.constant 0 : i32
        %eq3A_109 = arith.cmpi eq, %jit3A_107, %eq3A_108 : i32
        %jit3A_110 = arith.constant 1 : i32
        %select_n3A_111 = arith.select %eq3A_109, %jit3A_110, %jit3A_107 : i32
        %rem3A_112 = arith.remsi %scan3A_81, %select_n3A_111 : i32
        %ne3A_113 = arith.constant 0 : i32
        %ne3A_114 = arith.cmpi ne, %rem3A_112, %ne3A_113 : i32
        %lt3A = arith.constant 0 : i32
        %lt3A_115 = arith.cmpi slt, %rem3A_112, %lt3A : i32
        %lt3A_116 = arith.constant 0 : i32
        %lt3A_117 = arith.cmpi slt, %select_n3A_111, %lt3A_116 : i32
        %ne3A_118 = arith.xori %lt3A_115, %lt3A_117 : i1
        %and3A_119 = arith.andi %ne3A_118, %ne3A_114 : i1
        %add3A_120 = arith.addi %rem3A_112, %select_n3A_111 : i32
        %select_n3A_121 = arith.select %and3A_119, %add3A_120, %rem3A_112 : i32
        %mul3A_122 = arith.constant 16 : i32
        %mul3A_123 = arith.muli %select_n3A_121, %mul3A_122 : i32
        %get3A = arith.index_cast %select_n3A_106 : i32 to index
        %get3A_124 = arith.index_cast %mul3A_123 : i32 to index
        %get3A_125 = tpu.vector_load %arg16[%get3A, %get3A_124] {strides = array<i32>} : memref<3x128xi32, #tpu.memory_space<vmem>>, vector<16xi32>,
        %mul3A_126 = arith.constant 16 : i32
        %mul3A_127 = arith.muli %select_n3A_121, %mul3A_126 : i32
        %get3A_128 = arith.index_cast %select_n3A_106 : i32 to index
        %get3A_129 = arith.index_cast %mul3A_127 : i32 to index
        %get3A_130 = tpu.vector_load %arg17[%get3A_128, %get3A_129] {strides = array<i32>} : memref<3x128xi32, #tpu.memory_space<vmem>>, vector<16xi32>,
        %gather3A = tpu.vector_load_idx %arg12[%get3A_125] : memref<10001xi32, #tpu.memory_space<vmem>>[vector<16xi32>], vector<16xi32>,
        %gather3A_131 = tpu.vector_load_idx %arg12[%get3A_130] : memref<10001xi32, #tpu.memory_space<vmem>>[vector<16xi32>], vector<16xi32>,
        %and3A_132 = arith.constant 65535 : i32
        %and3A_133 = vector.broadcast %and3A_132 : i32 to vector<16xi32>
        %and3A_134 = arith.andi %gather3A, %and3A_133 : vector<16xi32>
        %and3A_135 = arith.constant 65535 : i32
        %and3A_136 = vector.broadcast %and3A_135 : i32 to vector<16xi32>
        %and3A_137 = arith.andi %gather3A_131, %and3A_136 : vector<16xi32>
        %gather3A_138 = tpu.vector_load_idx %arg13[%and3A_134] : memref<10001xf32, #tpu.memory_space<vmem>>[vector<16xi32>], vector<16xf32>,
        %gather3A_139 = tpu.vector_load_idx %arg14[%and3A_137] : memref<10001xf32, #tpu.memory_space<vmem>>[vector<16xi32>], vector<16xf32>,
        %mul3A_140 = arith.constant 81 : i32
        %mul3A_141 = arith.muli %add3A, %mul3A_140 : i32
        %add3A_142 = arith.addi %mul3A_141, %mul3A_31 : i32
        %add3A_143 = arith.addi %add3A_142, %select_n3A_106 : i32
        %mul3A_144 = arith.constant 128 : i32
        %mul3A_145 = arith.muli %add3A_143, %mul3A_144 : i32
        %mul3A_146 = arith.constant 16 : i32
        %mul3A_147 = arith.muli %select_n3A_121, %mul3A_146 : i32
        %add3A_148 = arith.addi %mul3A_145, %mul3A_147 : i32
        %add3A_149 = vector.broadcast %add3A_148 : i32 to vector<16xi32>
        %add3A_150 = arith.addi %add3A_149, %iota3A : vector<16xi32>
        %lt3A_151 = arith.constant 65536 : i32
        %lt3A_152 = vector.broadcast %lt3A_151 : i32 to vector<16xi32>
        %lt3A_153 = arith.cmpi slt, %gather3A, %lt3A_152 : vector<16xi32>
        %lt3A_154 = arith.constant 65536 : i32
        %lt3A_155 = vector.broadcast %lt3A_154 : i32 to vector<16xi32>
        %lt3A_156 = arith.cmpi slt, %gather3A_131, %lt3A_155 : vector<16xi32>
        %and3A_157 = arith.andi %lt3A_153, %lt3A_156 : vector<16xi1>
        %ge3A = arith.constant 320000 : i32
        %ge3A_158 = vector.broadcast %ge3A : i32 to vector<16xi32>
        %ge3A_159 = arith.cmpi sge, %add3A_150, %ge3A_158 : vector<16xi32>
        %lt3A_160 = arith.constant 330000 : i32
        %lt3A_161 = vector.broadcast %lt3A_160 : i32 to vector<16xi32>
        %lt3A_162 = arith.cmpi slt, %add3A_150, %lt3A_161 : vector<16xi32>
        %and3A_163 = arith.andi %ge3A_159, %lt3A_162 : vector<16xi1>
        %or3A = arith.ori %and3A_157, %and3A_163 : vector<16xi1>
        %add3A_164 = arith.addf %gather3A_138, %gather3A_139 : vector<16xf32>
        %gt3A = arith.constant 0.000000e+00 : f32
        %gt3A_165 = vector.broadcast %gt3A : f32 to vector<16xf32>
        %gt3A_166 = arith.cmpf ogt, %add3A_164, %gt3A_165 : vector<16xf32>
        %mul3A_167 = arith.constant 2.000000e-01 : f32
        %mul3A_168 = vector.broadcast %mul3A_167 : f32 to vector<16xf32>
        %mul3A_169 = arith.mulf %mul3A_168, %add3A_164 : vector<16xf32>
        %select_n3A_170 = arith.select %gt3A_166, %add3A_164, %mul3A_169 : vector<16xi1>, vector<16xf32>
        %exp3A = math.exp %select_n3A_170 : vector<16xf32>
        %jit3A_171 = arith.constant 0.000000e+00 : f32
        %broadcast_in_dim3A_172 = vector.broadcast %jit3A_171 : f32 to vector<16xf32>
        %select_n3A_173 = arith.select %or3A, %exp3A, %broadcast_in_dim3A_172 : vector<16xi1>, vector<16xf32>
        tpu.vector_store_idx %arg15[%broadcast_in_dim3A_7, %get3A_130], %select_n3A_173 {add = true} : memref<1x10000xf32, #tpu.memory_space<vmem>>[vector<16xi32>, vector<16xi32>], vector<16xf32>,
        %swap3A_174 = arith.index_cast %scan3A_82 : i32 to index
        %swap3A_175 = tpu.vector_load %arg18[%swap3A_174] masked %or3A {strides = array<i32>} : memref<432xi32, #tpu.memory_space<vmem>>, vector<16xi32>, vector<16xi1>
        tpu.vector_store %arg18[%swap3A_174], %and3A_134 masked %or3A {strides = array<i32>} : memref<432xi32, #tpu.memory_space<vmem>>, vector<16xi32>, vector<16xi1>
        %swap3A_176 = arith.index_cast %scan3A_82 : i32 to index
        %swap3A_177 = tpu.vector_load %arg19[%swap3A_176] masked %or3A {strides = array<i32>} : memref<432xi32, #tpu.memory_space<vmem>>, vector<16xi32>, vector<16xi1>
        tpu.vector_store %arg19[%swap3A_176], %get3A_130 masked %or3A {strides = array<i32>} : memref<432xi32, #tpu.memory_space<vmem>>, vector<16xi32>, vector<16xi1>
        %swap3A_178 = arith.index_cast %scan3A_82 : i32 to index
        %swap3A_179 = tpu.vector_load %arg20[%swap3A_178] masked %or3A {strides = array<i32>} : memref<432xf32, #tpu.memory_space<vmem>>, vector<16xf32>, vector<16xi1>
        tpu.vector_store %arg20[%swap3A_178], %select_n3A_173 masked %or3A {strides = array<i32>} : memref<432xf32, #tpu.memory_space<vmem>>, vector<16xf32>, vector<16xi1>
        %convert_element_type3A_180 = arith.extui %or3A : vector<16xi1> to vector<16xi32>
        %reduce_sum3A = arith.constant true
        %reduce_sum3A_181 = vector.broadcast %reduce_sum3A : i1 to vector<16xi1>
        %reduce_sum3A_182 = tpu.scan <sum>, %convert_element_type3A_180 masked %reduce_sum3A_181 : vector<16xi32>, vector<16xi1> -> vector<16xi32>
        %reduce_sum3A_183 = vector.extract %reduce_sum3A_182[15] : i32 from vector<16xi32>
        %add3A_184 = arith.addi %scan3A_82, %reduce_sum3A_183 : i32
        scf.yield %add3A_184 : i32
      }
      %scan3A_38 = arith.constant 24 : i32
      %broadcast_in_dim3A_39 = arith.constant 0.000000e+00 : f32
      %broadcast_in_dim3A_40 = vector.broadcast %broadcast_in_dim3A_39 : f32 to vector<16xf32>
      %add3A_41 = arith.constant 0 : i32
      %add3A_42 = arith.addi %scan3A_37, %add3A_41 : i32
      %swap3A = arith.index_cast %add3A_42 : i32 to index
      %swap3A_43 = tpu.vector_load %arg20[%swap3A] {strides = array<i32>} : memref<432xf32, #tpu.memory_space<vmem>>, vector<16xf32>,
      tpu.vector_store %arg20[%swap3A], %broadcast_in_dim3A_40 {strides = array<i32>} : memref<432xf32, #tpu.memory_space<vmem>>, vector<16xf32>,
      %add3A_44 = arith.constant 16 : i32
      %add3A_45 = arith.addi %scan3A_37, %add3A_44 : i32
      %swap3A_46 = arith.index_cast %add3A_45 : i32 to index
      %swap3A_47 = tpu.vector_load %arg20[%swap3A_46] {strides = array<i32>} : memref<432xf32, #tpu.memory_space<vmem>>, vector<16xf32>,
      tpu.vector_store %arg20[%swap3A_46], %broadcast_in_dim3A_40 {strides = array<i32>} : memref<432xf32, #tpu.memory_space<vmem>>, vector<16xf32>,
      %add3A_48 = arith.constant 32 : i32
      %add3A_49 = arith.addi %scan3A_37, %add3A_48 : i32
      %swap3A_50 = arith.index_cast %add3A_49 : i32 to index
      %swap3A_51 = tpu.vector_load %arg20[%swap3A_50] {strides = array<i32>} : memref<432xf32, #tpu.memory_space<vmem>>, vector<16xf32>,
      tpu.vector_store %arg20[%swap3A_50], %broadcast_in_dim3A_40 {strides = array<i32>} : memref<432xf32, #tpu.memory_space<vmem>>, vector<16xf32>,
      %add3A_52 = arith.constant 48 : i32
      %add3A_53 = arith.addi %scan3A_37, %add3A_52 : i32
      %sub3A = arith.constant 1 : i32
      %sub3A_54 = arith.subi %add3A_53, %sub3A : i32
      %jit3A = arith.constant 48 : i32
      %div3A = arith.divsi %sub3A_54, %jit3A : i32
      %sign3A = arith.constant 0 : i32
      %sign3A_55 = arith.cmpi sgt, %sub3A_54, %sign3A : i32
      %sign3A_56 = arith.extui %sign3A_55 : i1 to i32
      %sign3A_57 = arith.constant 0 : i32
      %sign3A_58 = arith.cmpi slt, %sub3A_54, %sign3A_57 : i32
      %sign3A_59 = arith.extui %sign3A_58 : i1 to i32
      %sign3A_60 = arith.subi %sign3A_56, %sign3A_59 : i32
      %sign3A_61 = arith.constant 0 : i32
      %sign3A_62 = arith.cmpi sgt, %jit3A, %sign3A_61 : i32
      %sign3A_63 = arith.extui %sign3A_62 : i1 to i32
      %sign3A_64 = arith.constant 0 : i32
      %sign3A_65 = arith.cmpi slt, %jit3A, %sign3A_64 : i32
      %sign3A_66 = arith.extui %sign3A_65 : i1 to i32
      %sign3A_67 = arith.subi %sign3A_63, %sign3A_66 : i32
      %ne3A = arith.cmpi ne, %sign3A_60, %sign3A_67 : i32
      %rem3A = arith.remsi %sub3A_54, %jit3A : i32
      %ne3A_68 = arith.constant 0 : i32
      %ne3A_69 = arith.cmpi ne, %rem3A, %ne3A_68 : i32
      %and3A = arith.andi %ne3A, %ne3A_69 : i1
      %sub3A_70 = arith.constant 1 : i32
      %sub3A_71 = arith.subi %div3A, %sub3A_70 : i32
      %select_n3A = arith.select %and3A, %sub3A_71, %div3A : i32
      %while3A = arith.constant 0 : i32
      %while3A_72 = arith.constant 0 : i32
      %while3A_73 = arith.subi %select_n3A, %while3A_72 : i32
      %while3A_74 = arith.addi %while3A_72, %while3A_73 : i32
      %while3A_75 = arith.constant 1 : i32
      %while3A_76 = arith.divsi %while3A_73, %while3A_75 : i32
      %while3A_77 = arith.muli %while3A_76, %while3A_75 : i32
      %while3A_78 = arith.addi %while3A_72, %while3A_77 : i32
      %while3A_79 = arith.constant 1 : i32
      scf.for %while3A_81 = %while3A_72 to %while3A_78 step %while3A_79  : i32 {
        %mul3A_82 = arith.constant 48 : i32
        %mul3A_83 = arith.muli %while3A_81, %mul3A_82 : i32
        %add3A_84 = arith.constant 0 : i32
        %add3A_85 = arith.addi %mul3A_83, %add3A_84 : i32
        %get3A = arith.index_cast %add3A_85 : i32 to index
        %get3A_86 = tpu.vector_load %arg19[%get3A] {strides = array<i32>} : memref<432xi32, #tpu.memory_space<vmem>>, vector<16xi32>,
        %swap3A_87 = arith.constant 0 : i32
        %swap3A_88 = arith.index_cast %swap3A_87 : i32 to index
        %swap3A_89 = arith.constant 0 : index
        %swap3A_90 = tpu.vector_load %arg21[%swap3A_88, %swap3A_89] {strides = array<i32>} : memref<1x48xi32, #tpu.memory_space<vmem>>, vector<16xi32>,
        tpu.vector_store %arg21[%swap3A_88, %swap3A_89], %get3A_86 {strides = array<i32>} : memref<1x48xi32, #tpu.memory_space<vmem>>, vector<16xi32>,
        %add3A_91 = arith.constant 16 : i32
        %add3A_92 = arith.addi %mul3A_83, %add3A_91 : i32
        %get3A_93 = arith.index_cast %add3A_92 : i32 to index
        %get3A_94 = tpu.vector_load %arg19[%get3A_93] {strides = array<i32>} : memref<432xi32, #tpu.memory_space<vmem>>, vector<16xi32>,
        %swap3A_95 = arith.constant 0 : i32
        %swap3A_96 = arith.index_cast %swap3A_95 : i32 to index
        %swap3A_97 = arith.constant 16 : index
        %swap3A_98 = tpu.vector_load %arg21[%swap3A_96, %swap3A_97] {strides = array<i32>} : memref<1x48xi32, #tpu.memory_space<vmem>>, vector<16xi32>,
        tpu.vector_store %arg21[%swap3A_96, %swap3A_97], %get3A_94 {strides = array<i32>} : memref<1x48xi32, #tpu.memory_space<vmem>>, vector<16xi32>,
        %add3A_99 = arith.constant 32 : i32
        %add3A_100 = arith.addi %mul3A_83, %add3A_99 : i32
        %get3A_101 = arith.index_cast %add3A_100 : i32 to index
        %get3A_102 = tpu.vector_load %arg19[%get3A_101] {strides = array<i32>} : memref<432xi32, #tpu.memory_space<vmem>>, vector<16xi32>,
        %swap3A_103 = arith.constant 0 : i32
        %swap3A_104 = arith.index_cast %swap3A_103 : i32 to index
        %swap3A_105 = arith.constant 32 : index
        %swap3A_106 = tpu.vector_load %arg21[%swap3A_104, %swap3A_105] {strides = array<i32>} : memref<1x48xi32, #tpu.memory_space<vmem>>, vector<16xi32>,
        tpu.vector_store %arg21[%swap3A_104, %swap3A_105], %get3A_102 {strides = array<i32>} : memref<1x48xi32, #tpu.memory_space<vmem>>, vector<16xi32>,
        %dma_start3A = tpu.memref_slice %arg18[%mul3A_83] : memref<432xi32, #tpu.memory_space<vmem>> -> memref<48xi32, #tpu.memory_space<vmem>>
        %dma_start3A_107 = arith.constant 0 : i32
        %dma_start3A_108 = arith.constant 0 : i32
        %dma_start3A_109 = tpu.memref_slice %arg7[%dma_start3A_107, %dma_start3A_108] : memref<10001x128xf32, #tpu.memory_space<hbm>> -> memref<10001x128xf32, #tpu.memory_space<hbm>>
        tpu.enqueue_indirect_dma source(%dma_start3A_109 : memref<10001x128xf32, #tpu.memory_space<hbm>>) target(%arg22 : memref<48x128xf32, #tpu.memory_space<vmem>>) offsets(%dma_start3A : memref<48xi32, #tpu.memory_space<vmem>>) semaphore(%arg24 : memref<!tpu.dma_semaphore, #tpu.memory_space<semaphore_mem>>)
        %dma_wait3A = tpu.memref_slice %arg18[%mul3A_83] : memref<432xi32, #tpu.memory_space<vmem>> -> memref<48xi32, #tpu.memory_space<vmem>>
        %dma_wait3A_110 = arith.constant 0 : i32
        %dma_wait3A_111 = arith.constant 0 : i32
        %dma_wait3A_112 = tpu.memref_slice %arg7[%dma_wait3A_110, %dma_wait3A_111] : memref<10001x128xf32, #tpu.memory_space<hbm>> -> memref<10001x128xf32, #tpu.memory_space<hbm>>
        tpu.wait_indirect_dma semaphore(%arg24 : memref<!tpu.dma_semaphore, #tpu.memory_space<semaphore_mem>>) src(%dma_wait3A_112 : memref<10001x128xf32, #tpu.memory_space<hbm>>) dst(%arg22 : memref<48x128xf32, #tpu.memory_space<vmem>>)
        %scan3A_113 = arith.constant 0 : i32
        %scan3A_114 = arith.constant 0 : i32
        %scan3A_115 = arith.constant 3 : i32
        %scan3A_116 = arith.addi %scan3A_114, %scan3A_115 : i32
        %scan3A_117 = arith.constant 1 : i32
        scf.for %scan3A_119 = %scan3A_114 to %scan3A_116 step %scan3A_117  : i32 {
          %mul3A_120 = arith.constant 16 : i32
          %mul3A_121 = arith.muli %scan3A_119, %mul3A_120 : i32
          %add3A_122 = arith.constant 0 : i32
          %add3A_123 = arith.addi %mul3A_121, %add3A_122 : i32
          %add3A_124 = arith.addi %mul3A_83, %add3A_123 : i32
          %add3A_125 = vector.broadcast %add3A_124 : i32 to vector<16xi32>
          %add3A_126 = arith.addi %broadcast_in_dim3A_7, %add3A_125 : vector<16xi32>
          %gather3A = tpu.vector_load_idx %arg20[%add3A_126] : memref<432xf32, #tpu.memory_space<vmem>>[vector<16xi32>], vector<16xf32>,
          %get3A_127 = arith.index_cast %add3A_123 : i32 to index
          %get3A_128 = arith.constant 0 : index
          %get3A_129 = tpu.vector_load %arg22[%get3A_127, %get3A_128] {strides = array<i32>} : memref<48x128xf32, #tpu.memory_space<vmem>>, vector<16xf32>,
          %mul3A_130 = arith.mulf %get3A_129, %gather3A : vector<16xf32>
          %swap3A_131 = arith.index_cast %add3A_123 : i32 to index
          %swap3A_132 = arith.constant 0 : index
          %swap3A_133 = tpu.vector_load %arg22[%swap3A_131, %swap3A_132] {strides = array<i32>} : memref<48x128xf32, #tpu.memory_space<vmem>>, vector<16xf32>,
          tpu.vector_store %arg22[%swap3A_131, %swap3A_132], %mul3A_130 {strides = array<i32>} : memref<48x128xf32, #tpu.memory_space<vmem>>, vector<16xf32>,
          %get3A_134 = arith.index_cast %add3A_123 : i32 to index
          %get3A_135 = arith.constant 16 : index
          %get3A_136 = tpu.vector_load %arg22[%get3A_134, %get3A_135] {strides = array<i32>} : memref<48x128xf32, #tpu.memory_space<vmem>>, vector<16xf32>,
          %mul3A_137 = arith.mulf %get3A_136, %gather3A : vector<16xf32>
          %swap3A_138 = arith.index_cast %add3A_123 : i32 to index
          %swap3A_139 = arith.constant 16 : index
          %swap3A_140 = tpu.vector_load %arg22[%swap3A_138, %swap3A_139] {strides = array<i32>} : memref<48x128xf32, #tpu.memory_space<vmem>>, vector<16xf32>,
          tpu.vector_store %arg22[%swap3A_138, %swap3A_139], %mul3A_137 {strides = array<i32>} : memref<48x128xf32, #tpu.memory_space<vmem>>, vector<16xf32>,
          %get3A_141 = arith.index_cast %add3A_123 : i32 to index
          %get3A_142 = arith.constant 32 : index
          %get3A_143 = tpu.vector_load %arg22[%get3A_141, %get3A_142] {strides = array<i32>} : memref<48x128xf32, #tpu.memory_space<vmem>>, vector<16xf32>,
          %mul3A_144 = arith.mulf %get3A_143, %gather3A : vector<16xf32>
          %swap3A_145 = arith.index_cast %add3A_123 : i32 to index
          %swap3A_146 = arith.constant 32 : index
          %swap3A_147 = tpu.vector_load %arg22[%swap3A_145, %swap3A_146] {strides = array<i32>} : memref<48x128xf32, #tpu.memory_space<vmem>>, vector<16xf32>,
          tpu.vector_store %arg22[%swap3A_145, %swap3A_146], %mul3A_144 {strides = array<i32>} : memref<48x128xf32, #tpu.memory_space<vmem>>, vector<16xf32>,
          %get3A_148 = arith.index_cast %add3A_123 : i32 to index
          %get3A_149 = arith.constant 48 : index
          %get3A_150 = tpu.vector_load %arg22[%get3A_148, %get3A_149] {strides = array<i32>} : memref<48x128xf32, #tpu.memory_space<vmem>>, vector<16xf32>,
          %mul3A_151 = arith.mulf %get3A_150, %gather3A : vector<16xf32>
          %swap3A_152 = arith.index_cast %add3A_123 : i32 to index
          %swap3A_153 = arith.constant 48 : index
          %swap3A_154 = tpu.vector_load %arg22[%swap3A_152, %swap3A_153] {strides = array<i32>} : memref<48x128xf32, #tpu.memory_space<vmem>>, vector<16xf32>,
          tpu.vector_store %arg22[%swap3A_152, %swap3A_153], %mul3A_151 {strides = array<i32>} : memref<48x128xf32, #tpu.memory_space<vmem>>, vector<16xf32>,
          %get3A_155 = arith.index_cast %add3A_123 : i32 to index
          %get3A_156 = arith.constant 64 : index
          %get3A_157 = tpu.vector_load %arg22[%get3A_155, %get3A_156] {strides = array<i32>} : memref<48x128xf32, #tpu.memory_space<vmem>>, vector<16xf32>,
          %mul3A_158 = arith.mulf %get3A_157, %gather3A : vector<16xf32>
          %swap3A_159 = arith.index_cast %add3A_123 : i32 to index
          %swap3A_160 = arith.constant 64 : index
          %swap3A_161 = tpu.vector_load %arg22[%swap3A_159, %swap3A_160] {strides = array<i32>} : memref<48x128xf32, #tpu.memory_space<vmem>>, vector<16xf32>,
          tpu.vector_store %arg22[%swap3A_159, %swap3A_160], %mul3A_158 {strides = array<i32>} : memref<48x128xf32, #tpu.memory_space<vmem>>, vector<16xf32>,
          %get3A_162 = arith.index_cast %add3A_123 : i32 to index
          %get3A_163 = arith.constant 80 : index
          %get3A_164 = tpu.vector_load %arg22[%get3A_162, %get3A_163] {strides = array<i32>} : memref<48x128xf32, #tpu.memory_space<vmem>>, vector<16xf32>,
          %mul3A_165 = arith.mulf %get3A_164, %gather3A : vector<16xf32>
          %swap3A_166 = arith.index_cast %add3A_123 : i32 to index
          %swap3A_167 = arith.constant 80 : index
          %swap3A_168 = tpu.vector_load %arg22[%swap3A_166, %swap3A_167] {strides = array<i32>} : memref<48x128xf32, #tpu.memory_space<vmem>>, vector<16xf32>,
          tpu.vector_store %arg22[%swap3A_166, %swap3A_167], %mul3A_165 {strides = array<i32>} : memref<48x128xf32, #tpu.memory_space<vmem>>, vector<16xf32>,
          %get3A_169 = arith.index_cast %add3A_123 : i32 to index
          %get3A_170 = arith.constant 96 : index
          %get3A_171 = tpu.vector_load %arg22[%get3A_169, %get3A_170] {strides = array<i32>} : memref<48x128xf32, #tpu.memory_space<vmem>>, vector<16xf32>,
          %mul3A_172 = arith.mulf %get3A_171, %gather3A : vector<16xf32>
          %swap3A_173 = arith.index_cast %add3A_123 : i32 to index
          %swap3A_174 = arith.constant 96 : index
          %swap3A_175 = tpu.vector_load %arg22[%swap3A_173, %swap3A_174] {strides = array<i32>} : memref<48x128xf32, #tpu.memory_space<vmem>>, vector<16xf32>,
          tpu.vector_store %arg22[%swap3A_173, %swap3A_174], %mul3A_172 {strides = array<i32>} : memref<48x128xf32, #tpu.memory_space<vmem>>, vector<16xf32>,
          %get3A_176 = arith.index_cast %add3A_123 : i32 to index
          %get3A_177 = arith.constant 112 : index
          %get3A_178 = tpu.vector_load %arg22[%get3A_176, %get3A_177] {strides = array<i32>} : memref<48x128xf32, #tpu.memory_space<vmem>>, vector<16xf32>,
          %mul3A_179 = arith.mulf %get3A_178, %gather3A : vector<16xf32>
          %swap3A_180 = arith.index_cast %add3A_123 : i32 to index
          %swap3A_181 = arith.constant 112 : index
          %swap3A_182 = tpu.vector_load %arg22[%swap3A_180, %swap3A_181] {strides = array<i32>} : memref<48x128xf32, #tpu.memory_space<vmem>>, vector<16xf32>,
          tpu.vector_store %arg22[%swap3A_180, %swap3A_181], %mul3A_179 {strides = array<i32>} : memref<48x128xf32, #tpu.memory_space<vmem>>, vector<16xf32>,
          %mul3A_183 = arith.constant 16 : i32
          %mul3A_184 = arith.muli %scan3A_119, %mul3A_183 : i32
          %add3A_185 = arith.constant 1 : i32
          %add3A_186 = arith.addi %mul3A_184, %add3A_185 : i32
          %add3A_187 = arith.addi %mul3A_83, %add3A_186 : i32
          %add3A_188 = vector.broadcast %add3A_187 : i32 to vector<16xi32>
          %add3A_189 = arith.addi %broadcast_in_dim3A_7, %add3A_188 : vector<16xi32>
          %gather3A_190 = tpu.vector_load_idx %arg20[%add3A_189] : memref<432xf32, #tpu.memory_space<vmem>>[vector<16xi32>], vector<16xf32>,
          %get3A_191 = arith.index_cast %add3A_186 : i32 to index
          %get3A_192 = arith.constant 0 : index
          %get3A_193 = tpu.vector_load %arg22[%get3A_191, %get3A_192] {strides = array<i32>} : memref<48x128xf32, #tpu.memory_space<vmem>>, vector<16xf32>,
          %mul3A_194 = arith.mulf %get3A_193, %gather3A_190 : vector<16xf32>
          %swap3A_195 = arith.index_cast %add3A_186 : i32 to index
          %swap3A_196 = arith.constant 0 : index
          %swap3A_197 = tpu.vector_load %arg22[%swap3A_195, %swap3A_196] {strides = array<i32>} : memref<48x128xf32, #tpu.memory_space<vmem>>, vector<16xf32>,
          tpu.vector_store %arg22[%swap3A_195, %swap3A_196], %mul3A_194 {strides = array<i32>} : memref<48x128xf32, #tpu.memory_space<vmem>>, vector<16xf32>,
          %get3A_198 = arith.index_cast %add3A_186 : i32 to index
          %get3A_199 = arith.constant 16 : index
          %get3A_200 = tpu.vector_load %arg22[%get3A_198, %get3A_199] {strides = array<i32>} : memref<48x128xf32, #tpu.memory_space<vmem>>, vector<16xf32>,
          %mul3A_201 = arith.mulf %get3A_200, %gather3A_190 : vector<16xf32>
          %swap3A_202 = arith.index_cast %add3A_186 : i32 to index
          %swap3A_203 = arith.constant 16 : index
          %swap3A_204 = tpu.vector_load %arg22[%swap3A_202, %swap3A_203] {strides = array<i32>} : memref<48x128xf32, #tpu.memory_space<vmem>>, vector<16xf32>,
          tpu.vector_store %arg22[%swap3A_202, %swap3A_203], %mul3A_201 {strides = array<i32>} : memref<48x128xf32, #tpu.memory_space<vmem>>, vector<16xf32>,
          %get3A_205 = arith.index_cast %add3A_186 : i32 to index
          %get3A_206 = arith.constant 32 : index
          %get3A_207 = tpu.vector_load %arg22[%get3A_205, %get3A_206] {strides = array<i32>} : memref<48x128xf32, #tpu.memory_space<vmem>>, vector<16xf32>,
          %mul3A_208 = arith.mulf %get3A_207, %gather3A_190 : vector<16xf32>
          %swap3A_209 = arith.index_cast %add3A_186 : i32 to index
          %swap3A_210 = arith.constant 32 : index
          %swap3A_211 = tpu.vector_load %arg22[%swap3A_209, %swap3A_210] {strides = array<i32>} : memref<48x128xf32, #tpu.memory_space<vmem>>, vector<16xf32>,
          tpu.vector_store %arg22[%swap3A_209, %swap3A_210], %mul3A_208 {strides = array<i32>} : memref<48x128xf32, #tpu.memory_space<vmem>>, vector<16xf32>,
          %get3A_212 = arith.index_cast %add3A_186 : i32 to index
          %get3A_213 = arith.constant 48 : index
          %get3A_214 = tpu.vector_load %arg22[%get3A_212, %get3A_213] {strides = array<i32>} : memref<48x128xf32, #tpu.memory_space<vmem>>, vector<16xf32>,
          %mul3A_215 = arith.mulf %get3A_214, %gather3A_190 : vector<16xf32>
          %swap3A_216 = arith.index_cast %add3A_186 : i32 to index
          %swap3A_217 = arith.constant 48 : index
          %swap3A_218 = tpu.vector_load %arg22[%swap3A_216, %swap3A_217] {strides = array<i32>} : memref<48x128xf32, #tpu.memory_space<vmem>>, vector<16xf32>,
          tpu.vector_store %arg22[%swap3A_216, %swap3A_217], %mul3A_215 {strides = array<i32>} : memref<48x128xf32, #tpu.memory_space<vmem>>, vector<16xf32>,
          %get3A_219 = arith.index_cast %add3A_186 : i32 to index
          %get3A_220 = arith.constant 64 : index
          %get3A_221 = tpu.vector_load %arg22[%get3A_219, %get3A_220] {strides = array<i32>} : memref<48x128xf32, #tpu.memory_space<vmem>>, vector<16xf32>,
          %mul3A_222 = arith.mulf %get3A_221, %gather3A_190 : vector<16xf32>
          %swap3A_223 = arith.index_cast %add3A_186 : i32 to index
          %swap3A_224 = arith.constant 64 : index
          %swap3A_225 = tpu.vector_load %arg22[%swap3A_223, %swap3A_224] {strides = array<i32>} : memref<48x128xf32, #tpu.memory_space<vmem>>, vector<16xf32>,
          tpu.vector_store %arg22[%swap3A_223, %swap3A_224], %mul3A_222 {strides = array<i32>} : memref<48x128xf32, #tpu.memory_space<vmem>>, vector<16xf32>,
          %get3A_226 = arith.index_cast %add3A_186 : i32 to index
          %get3A_227 = arith.constant 80 : index
          %get3A_228 = tpu.vector_load %arg22[%get3A_226, %get3A_227] {strides = array<i32>} : memref<48x128xf32, #tpu.memory_space<vmem>>, vector<16xf32>,
          %mul3A_229 = arith.mulf %get3A_228, %gather3A_190 : vector<16xf32>
          %swap3A_230 = arith.index_cast %add3A_186 : i32 to index
          %swap3A_231 = arith.constant 80 : index
          %swap3A_232 = tpu.vector_load %arg22[%swap3A_230, %swap3A_231] {strides = array<i32>} : memref<48x128xf32, #tpu.memory_space<vmem>>, vector<16xf32>,
          tpu.vector_store %arg22[%swap3A_230, %swap3A_231], %mul3A_229 {strides = array<i32>} : memref<48x128xf32, #tpu.memory_space<vmem>>, vector<16xf32>,
          %get3A_233 = arith.index_cast %add3A_186 : i32 to index
          %get3A_234 = arith.constant 96 : index
          %get3A_235 = tpu.vector_load %arg22[%get3A_233, %get3A_234] {strides = array<i32>} : memref<48x128xf32, #tpu.memory_space<vmem>>, vector<16xf32>,
          %mul3A_236 = arith.mulf %get3A_235, %gather3A_190 : vector<16xf32>
          %swap3A_237 = arith.index_cast %add3A_186 : i32 to index
          %swap3A_238 = arith.constant 96 : index
          %swap3A_239 = tpu.vector_load %arg22[%swap3A_237, %swap3A_238] {strides = array<i32>} : memref<48x128xf32, #tpu.memory_space<vmem>>, vector<16xf32>,
          tpu.vector_store %arg22[%swap3A_237, %swap3A_238], %mul3A_236 {strides = array<i32>} : memref<48x128xf32, #tpu.memory_space<vmem>>, vector<16xf32>,
          %get3A_240 = arith.index_cast %add3A_186 : i32 to index
          %get3A_241 = arith.constant 112 : index
          %get3A_242 = tpu.vector_load %arg22[%get3A_240, %get3A_241] {strides = array<i32>} : memref<48x128xf32, #tpu.memory_space<vmem>>, vector<16xf32>,
          %mul3A_243 = arith.mulf %get3A_242, %gather3A_190 : vector<16xf32>
          %swap3A_244 = arith.index_cast %add3A_186 : i32 to index
          %swap3A_245 = arith.constant 112 : index
          %swap3A_246 = tpu.vector_load %arg22[%swap3A_244, %swap3A_245] {strides = array<i32>} : memref<48x128xf32, #tpu.memory_space<vmem>>, vector<16xf32>,
          tpu.vector_store %arg22[%swap3A_244, %swap3A_245], %mul3A_243 {strides = array<i32>} : memref<48x128xf32, #tpu.memory_space<vmem>>, vector<16xf32>,
          %mul3A_247 = arith.constant 16 : i32
          %mul3A_248 = arith.muli %scan3A_119, %mul3A_247 : i32
          %add3A_249 = arith.constant 2 : i32
          %add3A_250 = arith.addi %mul3A_248, %add3A_249 : i32
          %add3A_251 = arith.addi %mul3A_83, %add3A_250 : i32
          %add3A_252 = vector.broadcast %add3A_251 : i32 to vector<16xi32>
          %add3A_253 = arith.addi %broadcast_in_dim3A_7, %add3A_252 : vector<16xi32>
          %gather3A_254 = tpu.vector_load_idx %arg20[%add3A_253] : memref<432xf32, #tpu.memory_space<vmem>>[vector<16xi32>], vector<16xf32>,
          %get3A_255 = arith.index_cast %add3A_250 : i32 to index
          %get3A_256 = arith.constant 0 : index
          %get3A_257 = tpu.vector_load %arg22[%get3A_255, %get3A_256] {strides = array<i32>} : memref<48x128xf32, #tpu.memory_space<vmem>>, vector<16xf32>,
          %mul3A_258 = arith.mulf %get3A_257, %gather3A_254 : vector<16xf32>
          %swap3A_259 = arith.index_cast %add3A_250 : i32 to index
          %swap3A_260 = arith.constant 0 : index
          %swap3A_261 = tpu.vector_load %arg22[%swap3A_259, %swap3A_260] {strides = array<i32>} : memref<48x128xf32, #tpu.memory_space<vmem>>, vector<16xf32>,
          tpu.vector_store %arg22[%swap3A_259, %swap3A_260], %mul3A_258 {strides = array<i32>} : memref<48x128xf32, #tpu.memory_space<vmem>>, vector<16xf32>,
          %get3A_262 = arith.index_cast %add3A_250 : i32 to index
          %get3A_263 = arith.constant 16 : index
          %get3A_264 = tpu.vector_load %arg22[%get3A_262, %get3A_263] {strides = array<i32>} : memref<48x128xf32, #tpu.memory_space<vmem>>, vector<16xf32>,
          %mul3A_265 = arith.mulf %get3A_264, %gather3A_254 : vector<16xf32>
          %swap3A_266 = arith.index_cast %add3A_250 : i32 to index
          %swap3A_267 = arith.constant 16 : index
          %swap3A_268 = tpu.vector_load %arg22[%swap3A_266, %swap3A_267] {strides = array<i32>} : memref<48x128xf32, #tpu.memory_space<vmem>>, vector<16xf32>,
          tpu.vector_store %arg22[%swap3A_266, %swap3A_267], %mul3A_265 {strides = array<i32>} : memref<48x128xf32, #tpu.memory_space<vmem>>, vector<16xf32>,
          %get3A_269 = arith.index_cast %add3A_250 : i32 to index
          %get3A_270 = arith.constant 32 : index
          %get3A_271 = tpu.vector_load %arg22[%get3A_269, %get3A_270] {strides = array<i32>} : memref<48x128xf32, #tpu.memory_space<vmem>>, vector<16xf32>,
          %mul3A_272 = arith.mulf %get3A_271, %gather3A_254 : vector<16xf32>
          %swap3A_273 = arith.index_cast %add3A_250 : i32 to index
          %swap3A_274 = arith.constant 32 : index
          %swap3A_275 = tpu.vector_load %arg22[%swap3A_273, %swap3A_274] {strides = array<i32>} : memref<48x128xf32, #tpu.memory_space<vmem>>, vector<16xf32>,
          tpu.vector_store %arg22[%swap3A_273, %swap3A_274], %mul3A_272 {strides = array<i32>} : memref<48x128xf32, #tpu.memory_space<vmem>>, vector<16xf32>,
          %get3A_276 = arith.index_cast %add3A_250 : i32 to index
          %get3A_277 = arith.constant 48 : index
          %get3A_278 = tpu.vector_load %arg22[%get3A_276, %get3A_277] {strides = array<i32>} : memref<48x128xf32, #tpu.memory_space<vmem>>, vector<16xf32>,
          %mul3A_279 = arith.mulf %get3A_278, %gather3A_254 : vector<16xf32>
          %swap3A_280 = arith.index_cast %add3A_250 : i32 to index
          %swap3A_281 = arith.constant 48 : index
          %swap3A_282 = tpu.vector_load %arg22[%swap3A_280, %swap3A_281] {strides = array<i32>} : memref<48x128xf32, #tpu.memory_space<vmem>>, vector<16xf32>,
          tpu.vector_store %arg22[%swap3A_280, %swap3A_281], %mul3A_279 {strides = array<i32>} : memref<48x128xf32, #tpu.memory_space<vmem>>, vector<16xf32>,
          %get3A_283 = arith.index_cast %add3A_250 : i32 to index
          %get3A_284 = arith.constant 64 : index
          %get3A_285 = tpu.vector_load %arg22[%get3A_283, %get3A_284] {strides = array<i32>} : memref<48x128xf32, #tpu.memory_space<vmem>>, vector<16xf32>,
          %mul3A_286 = arith.mulf %get3A_285, %gather3A_254 : vector<16xf32>
          %swap3A_287 = arith.index_cast %add3A_250 : i32 to index
          %swap3A_288 = arith.constant 64 : index
          %swap3A_289 = tpu.vector_load %arg22[%swap3A_287, %swap3A_288] {strides = array<i32>} : memref<48x128xf32, #tpu.memory_space<vmem>>, vector<16xf32>,
          tpu.vector_store %arg22[%swap3A_287, %swap3A_288], %mul3A_286 {strides = array<i32>} : memref<48x128xf32, #tpu.memory_space<vmem>>, vector<16xf32>,
          %get3A_290 = arith.index_cast %add3A_250 : i32 to index
          %get3A_291 = arith.constant 80 : index
          %get3A_292 = tpu.vector_load %arg22[%get3A_290, %get3A_291] {strides = array<i32>} : memref<48x128xf32, #tpu.memory_space<vmem>>, vector<16xf32>,
          %mul3A_293 = arith.mulf %get3A_292, %gather3A_254 : vector<16xf32>
          %swap3A_294 = arith.index_cast %add3A_250 : i32 to index
          %swap3A_295 = arith.constant 80 : index
          %swap3A_296 = tpu.vector_load %arg22[%swap3A_294, %swap3A_295] {strides = array<i32>} : memref<48x128xf32, #tpu.memory_space<vmem>>, vector<16xf32>,
          tpu.vector_store %arg22[%swap3A_294, %swap3A_295], %mul3A_293 {strides = array<i32>} : memref<48x128xf32, #tpu.memory_space<vmem>>, vector<16xf32>,
          %get3A_297 = arith.index_cast %add3A_250 : i32 to index
          %get3A_298 = arith.constant 96 : index
          %get3A_299 = tpu.vector_load %arg22[%get3A_297, %get3A_298] {strides = array<i32>} : memref<48x128xf32, #tpu.memory_space<vmem>>, vector<16xf32>,
          %mul3A_300 = arith.mulf %get3A_299, %gather3A_254 : vector<16xf32>
          %swap3A_301 = arith.index_cast %add3A_250 : i32 to index
          %swap3A_302 = arith.constant 96 : index
          %swap3A_303 = tpu.vector_load %arg22[%swap3A_301, %swap3A_302] {strides = array<i32>} : memref<48x128xf32, #tpu.memory_space<vmem>>, vector<16xf32>,
          tpu.vector_store %arg22[%swap3A_301, %swap3A_302], %mul3A_300 {strides = array<i32>} : memref<48x128xf32, #tpu.memory_space<vmem>>, vector<16xf32>,
          %get3A_304 = arith.index_cast %add3A_250 : i32 to index
          %get3A_305 = arith.constant 112 : index
          %get3A_306 = tpu.vector_load %arg22[%get3A_304, %get3A_305] {strides = array<i32>} : memref<48x128xf32, #tpu.memory_space<vmem>>, vector<16xf32>,
          %mul3A_307 = arith.mulf %get3A_306, %gather3A_254 : vector<16xf32>
          %swap3A_308 = arith.index_cast %add3A_250 : i32 to index
          %swap3A_309 = arith.constant 112 : index
          %swap3A_310 = tpu.vector_load %arg22[%swap3A_308, %swap3A_309] {strides = array<i32>} : memref<48x128xf32, #tpu.memory_space<vmem>>, vector<16xf32>,
          tpu.vector_store %arg22[%swap3A_308, %swap3A_309], %mul3A_307 {strides = array<i32>} : memref<48x128xf32, #tpu.memory_space<vmem>>, vector<16xf32>,
          %mul3A_311 = arith.constant 16 : i32
          %mul3A_312 = arith.muli %scan3A_119, %mul3A_311 : i32
          %add3A_313 = arith.constant 3 : i32
          %add3A_314 = arith.addi %mul3A_312, %add3A_313 : i32
          %add3A_315 = arith.addi %mul3A_83, %add3A_314 : i32
          %add3A_316 = vector.broadcast %add3A_315 : i32 to vector<16xi32>
          %add3A_317 = arith.addi %broadcast_in_dim3A_7, %add3A_316 : vector<16xi32>
          %gather3A_318 = tpu.vector_load_idx %arg20[%add3A_317] : memref<432xf32, #tpu.memory_space<vmem>>[vector<16xi32>], vector<16xf32>,
          %get3A_319 = arith.index_cast %add3A_314 : i32 to index
          %get3A_320 = arith.constant 0 : index
          %get3A_321 = tpu.vector_load %arg22[%get3A_319, %get3A_320] {strides = array<i32>} : memref<48x128xf32, #tpu.memory_space<vmem>>, vector<16xf32>,
          %mul3A_322 = arith.mulf %get3A_321, %gather3A_318 : vector<16xf32>
          %swap3A_323 = arith.index_cast %add3A_314 : i32 to index
          %swap3A_324 = arith.constant 0 : index
          %swap3A_325 = tpu.vector_load %arg22[%swap3A_323, %swap3A_324] {strides = array<i32>} : memref<48x128xf32, #tpu.memory_space<vmem>>, vector<16xf32>,
          tpu.vector_store %arg22[%swap3A_323, %swap3A_324], %mul3A_322 {strides = array<i32>} : memref<48x128xf32, #tpu.memory_space<vmem>>, vector<16xf32>,
          %get3A_326 = arith.index_cast %add3A_314 : i32 to index
          %get3A_327 = arith.constant 16 : index
          %get3A_328 = tpu.vector_load %arg22[%get3A_326, %get3A_327] {strides = array<i32>} : memref<48x128xf32, #tpu.memory_space<vmem>>, vector<16xf32>,
          %mul3A_329 = arith.mulf %get3A_328, %gather3A_318 : vector<16xf32>
          %swap3A_330 = arith.index_cast %add3A_314 : i32 to index
          %swap3A_331 = arith.constant 16 : index
          %swap3A_332 = tpu.vector_load %arg22[%swap3A_330, %swap3A_331] {strides = array<i32>} : memref<48x128xf32, #tpu.memory_space<vmem>>, vector<16xf32>,
          tpu.vector_store %arg22[%swap3A_330, %swap3A_331], %mul3A_329 {strides = array<i32>} : memref<48x128xf32, #tpu.memory_space<vmem>>, vector<16xf32>,
          %get3A_333 = arith.index_cast %add3A_314 : i32 to index
          %get3A_334 = arith.constant 32 : index
          %get3A_335 = tpu.vector_load %arg22[%get3A_333, %get3A_334] {strides = array<i32>} : memref<48x128xf32, #tpu.memory_space<vmem>>, vector<16xf32>,
          %mul3A_336 = arith.mulf %get3A_335, %gather3A_318 : vector<16xf32>
          %swap3A_337 = arith.index_cast %add3A_314 : i32 to index
          %swap3A_338 = arith.constant 32 : index
          %swap3A_339 = tpu.vector_load %arg22[%swap3A_337, %swap3A_338] {strides = array<i32>} : memref<48x128xf32, #tpu.memory_space<vmem>>, vector<16xf32>,
          tpu.vector_store %arg22[%swap3A_337, %swap3A_338], %mul3A_336 {strides = array<i32>} : memref<48x128xf32, #tpu.memory_space<vmem>>, vector<16xf32>,
          %get3A_340 = arith.index_cast %add3A_314 : i32 to index
          %get3A_341 = arith.constant 48 : index
          %get3A_342 = tpu.vector_load %arg22[%get3A_340, %get3A_341] {strides = array<i32>} : memref<48x128xf32, #tpu.memory_space<vmem>>, vector<16xf32>,
          %mul3A_343 = arith.mulf %get3A_342, %gather3A_318 : vector<16xf32>
          %swap3A_344 = arith.index_cast %add3A_314 : i32 to index
          %swap3A_345 = arith.constant 48 : index
          %swap3A_346 = tpu.vector_load %arg22[%swap3A_344, %swap3A_345] {strides = array<i32>} : memref<48x128xf32, #tpu.memory_space<vmem>>, vector<16xf32>,
          tpu.vector_store %arg22[%swap3A_344, %swap3A_345], %mul3A_343 {strides = array<i32>} : memref<48x128xf32, #tpu.memory_space<vmem>>, vector<16xf32>,
          %get3A_347 = arith.index_cast %add3A_314 : i32 to index
          %get3A_348 = arith.constant 64 : index
          %get3A_349 = tpu.vector_load %arg22[%get3A_347, %get3A_348] {strides = array<i32>} : memref<48x128xf32, #tpu.memory_space<vmem>>, vector<16xf32>,
          %mul3A_350 = arith.mulf %get3A_349, %gather3A_318 : vector<16xf32>
          %swap3A_351 = arith.index_cast %add3A_314 : i32 to index
          %swap3A_352 = arith.constant 64 : index
          %swap3A_353 = tpu.vector_load %arg22[%swap3A_351, %swap3A_352] {strides = array<i32>} : memref<48x128xf32, #tpu.memory_space<vmem>>, vector<16xf32>,
          tpu.vector_store %arg22[%swap3A_351, %swap3A_352], %mul3A_350 {strides = array<i32>} : memref<48x128xf32, #tpu.memory_space<vmem>>, vector<16xf32>,
          %get3A_354 = arith.index_cast %add3A_314 : i32 to index
          %get3A_355 = arith.constant 80 : index
          %get3A_356 = tpu.vector_load %arg22[%get3A_354, %get3A_355] {strides = array<i32>} : memref<48x128xf32, #tpu.memory_space<vmem>>, vector<16xf32>,
          %mul3A_357 = arith.mulf %get3A_356, %gather3A_318 : vector<16xf32>
          %swap3A_358 = arith.index_cast %add3A_314 : i32 to index
          %swap3A_359 = arith.constant 80 : index
          %swap3A_360 = tpu.vector_load %arg22[%swap3A_358, %swap3A_359] {strides = array<i32>} : memref<48x128xf32, #tpu.memory_space<vmem>>, vector<16xf32>,
          tpu.vector_store %arg22[%swap3A_358, %swap3A_359], %mul3A_357 {strides = array<i32>} : memref<48x128xf32, #tpu.memory_space<vmem>>, vector<16xf32>,
          %get3A_361 = arith.index_cast %add3A_314 : i32 to index
          %get3A_362 = arith.constant 96 : index
          %get3A_363 = tpu.vector_load %arg22[%get3A_361, %get3A_362] {strides = array<i32>} : memref<48x128xf32, #tpu.memory_space<vmem>>, vector<16xf32>,
          %mul3A_364 = arith.mulf %get3A_363, %gather3A_318 : vector<16xf32>
          %swap3A_365 = arith.index_cast %add3A_314 : i32 to index
          %swap3A_366 = arith.constant 96 : index
          %swap3A_367 = tpu.vector_load %arg22[%swap3A_365, %swap3A_366] {strides = array<i32>} : memref<48x128xf32, #tpu.memory_space<vmem>>, vector<16xf32>,
          tpu.vector_store %arg22[%swap3A_365, %swap3A_366], %mul3A_364 {strides = array<i32>} : memref<48x128xf32, #tpu.memory_space<vmem>>, vector<16xf32>,
          %get3A_368 = arith.index_cast %add3A_314 : i32 to index
          %get3A_369 = arith.constant 112 : index
          %get3A_370 = tpu.vector_load %arg22[%get3A_368, %get3A_369] {strides = array<i32>} : memref<48x128xf32, #tpu.memory_space<vmem>>, vector<16xf32>,
          %mul3A_371 = arith.mulf %get3A_370, %gather3A_318 : vector<16xf32>
          %swap3A_372 = arith.index_cast %add3A_314 : i32 to index
          %swap3A_373 = arith.constant 112 : index
          %swap3A_374 = tpu.vector_load %arg22[%swap3A_372, %swap3A_373] {strides = array<i32>} : memref<48x128xf32, #tpu.memory_space<vmem>>, vector<16xf32>,
          tpu.vector_store %arg22[%swap3A_372, %swap3A_373], %mul3A_371 {strides = array<i32>} : memref<48x128xf32, #tpu.memory_space<vmem>>, vector<16xf32>,
          %mul3A_375 = arith.constant 16 : i32
          %mul3A_376 = arith.muli %scan3A_119, %mul3A_375 : i32
          %add3A_377 = arith.constant 4 : i32
          %add3A_378 = arith.addi %mul3A_376, %add3A_377 : i32
          %add3A_379 = arith.addi %mul3A_83, %add3A_378 : i32
          %add3A_380 = vector.broadcast %add3A_379 : i32 to vector<16xi32>
          %add3A_381 = arith.addi %broadcast_in_dim3A_7, %add3A_380 : vector<16xi32>
          %gather3A_382 = tpu.vector_load_idx %arg20[%add3A_381] : memref<432xf32, #tpu.memory_space<vmem>>[vector<16xi32>], vector<16xf32>,
          %get3A_383 = arith.index_cast %add3A_378 : i32 to index
          %get3A_384 = arith.constant 0 : index
          %get3A_385 = tpu.vector_load %arg22[%get3A_383, %get3A_384] {strides = array<i32>} : memref<48x128xf32, #tpu.memory_space<vmem>>, vector<16xf32>,
          %mul3A_386 = arith.mulf %get3A_385, %gather3A_382 : vector<16xf32>
          %swap3A_387 = arith.index_cast %add3A_378 : i32 to index
          %swap3A_388 = arith.constant 0 : index
          %swap3A_389 = tpu.vector_load %arg22[%swap3A_387, %swap3A_388] {strides = array<i32>} : memref<48x128xf32, #tpu.memory_space<vmem>>, vector<16xf32>,
          tpu.vector_store %arg22[%swap3A_387, %swap3A_388], %mul3A_386 {strides = array<i32>} : memref<48x128xf32, #tpu.memory_space<vmem>>, vector<16xf32>,
          %get3A_390 = arith.index_cast %add3A_378 : i32 to index
          %get3A_391 = arith.constant 16 : index
          %get3A_392 = tpu.vector_load %arg22[%get3A_390, %get3A_391] {strides = array<i32>} : memref<48x128xf32, #tpu.memory_space<vmem>>, vector<16xf32>,
          %mul3A_393 = arith.mulf %get3A_392, %gather3A_382 : vector<16xf32>
          %swap3A_394 = arith.index_cast %add3A_378 : i32 to index
          %swap3A_395 = arith.constant 16 : index
          %swap3A_396 = tpu.vector_load %arg22[%swap3A_394, %swap3A_395] {strides = array<i32>} : memref<48x128xf32, #tpu.memory_space<vmem>>, vector<16xf32>,
          tpu.vector_store %arg22[%swap3A_394, %swap3A_395], %mul3A_393 {strides = array<i32>} : memref<48x128xf32, #tpu.memory_space<vmem>>, vector<16xf32>,
          %get3A_397 = arith.index_cast %add3A_378 : i32 to index
          %get3A_398 = arith.constant 32 : index
          %get3A_399 = tpu.vector_load %arg22[%get3A_397, %get3A_398] {strides = array<i32>} : memref<48x128xf32, #tpu.memory_space<vmem>>, vector<16xf32>,
          %mul3A_400 = arith.mulf %get3A_399, %gather3A_382 : vector<16xf32>
          %swap3A_401 = arith.index_cast %add3A_378 : i32 to index
          %swap3A_402 = arith.constant 32 : index
          %swap3A_403 = tpu.vector_load %arg22[%swap3A_401, %swap3A_402] {strides = array<i32>} : memref<48x128xf32, #tpu.memory_space<vmem>>, vector<16xf32>,
          tpu.vector_store %arg22[%swap3A_401, %swap3A_402], %mul3A_400 {strides = array<i32>} : memref<48x128xf32, #tpu.memory_space<vmem>>, vector<16xf32>,
          %get3A_404 = arith.index_cast %add3A_378 : i32 to index
          %get3A_405 = arith.constant 48 : index
          %get3A_406 = tpu.vector_load %arg22[%get3A_404, %get3A_405] {strides = array<i32>} : memref<48x128xf32, #tpu.memory_space<vmem>>, vector<16xf32>,
          %mul3A_407 = arith.mulf %get3A_406, %gather3A_382 : vector<16xf32>
          %swap3A_408 = arith.index_cast %add3A_378 : i32 to index
          %swap3A_409 = arith.constant 48 : index
          %swap3A_410 = tpu.vector_load %arg22[%swap3A_408, %swap3A_409] {strides = array<i32>} : memref<48x128xf32, #tpu.memory_space<vmem>>, vector<16xf32>,
          tpu.vector_store %arg22[%swap3A_408, %swap3A_409], %mul3A_407 {strides = array<i32>} : memref<48x128xf32, #tpu.memory_space<vmem>>, vector<16xf32>,
          %get3A_411 = arith.index_cast %add3A_378 : i32 to index
          %get3A_412 = arith.constant 64 : index
          %get3A_413 = tpu.vector_load %arg22[%get3A_411, %get3A_412] {strides = array<i32>} : memref<48x128xf32, #tpu.memory_space<vmem>>, vector<16xf32>,
          %mul3A_414 = arith.mulf %get3A_413, %gather3A_382 : vector<16xf32>
          %swap3A_415 = arith.index_cast %add3A_378 : i32 to index
          %swap3A_416 = arith.constant 64 : index
          %swap3A_417 = tpu.vector_load %arg22[%swap3A_415, %swap3A_416] {strides = array<i32>} : memref<48x128xf32, #tpu.memory_space<vmem>>, vector<16xf32>,
          tpu.vector_store %arg22[%swap3A_415, %swap3A_416], %mul3A_414 {strides = array<i32>} : memref<48x128xf32, #tpu.memory_space<vmem>>, vector<16xf32>,
          %get3A_418 = arith.index_cast %add3A_378 : i32 to index
          %get3A_419 = arith.constant 80 : index
          %get3A_420 = tpu.vector_load %arg22[%get3A_418, %get3A_419] {strides = array<i32>} : memref<48x128xf32, #tpu.memory_space<vmem>>, vector<16xf32>,
          %mul3A_421 = arith.mulf %get3A_420, %gather3A_382 : vector<16xf32>
          %swap3A_422 = arith.index_cast %add3A_378 : i32 to index
          %swap3A_423 = arith.constant 80 : index
          %swap3A_424 = tpu.vector_load %arg22[%swap3A_422, %swap3A_423] {strides = array<i32>} : memref<48x128xf32, #tpu.memory_space<vmem>>, vector<16xf32>,
          tpu.vector_store %arg22[%swap3A_422, %swap3A_423], %mul3A_421 {strides = array<i32>} : memref<48x128xf32, #tpu.memory_space<vmem>>, vector<16xf32>,
          %get3A_425 = arith.index_cast %add3A_378 : i32 to index
          %get3A_426 = arith.constant 96 : index
          %get3A_427 = tpu.vector_load %arg22[%get3A_425, %get3A_426] {strides = array<i32>} : memref<48x128xf32, #tpu.memory_space<vmem>>, vector<16xf32>,
          %mul3A_428 = arith.mulf %get3A_427, %gather3A_382 : vector<16xf32>
          %swap3A_429 = arith.index_cast %add3A_378 : i32 to index
          %swap3A_430 = arith.constant 96 : index
          %swap3A_431 = tpu.vector_load %arg22[%swap3A_429, %swap3A_430] {strides = array<i32>} : memref<48x128xf32, #tpu.memory_space<vmem>>, vector<16xf32>,
          tpu.vector_store %arg22[%swap3A_429, %swap3A_430], %mul3A_428 {strides = array<i32>} : memref<48x128xf32, #tpu.memory_space<vmem>>, vector<16xf32>,
          %get3A_432 = arith.index_cast %add3A_378 : i32 to index
          %get3A_433 = arith.constant 112 : index
          %get3A_434 = tpu.vector_load %arg22[%get3A_432, %get3A_433] {strides = array<i32>} : memref<48x128xf32, #tpu.memory_space<vmem>>, vector<16xf32>,
          %mul3A_435 = arith.mulf %get3A_434, %gather3A_382 : vector<16xf32>
          %swap3A_436 = arith.index_cast %add3A_378 : i32 to index
          %swap3A_437 = arith.constant 112 : index
          %swap3A_438 = tpu.vector_load %arg22[%swap3A_436, %swap3A_437] {strides = array<i32>} : memref<48x128xf32, #tpu.memory_space<vmem>>, vector<16xf32>,
          tpu.vector_store %arg22[%swap3A_436, %swap3A_437], %mul3A_435 {strides = array<i32>} : memref<48x128xf32, #tpu.memory_space<vmem>>, vector<16xf32>,
          %mul3A_439 = arith.constant 16 : i32
          %mul3A_440 = arith.muli %scan3A_119, %mul3A_439 : i32
          %add3A_441 = arith.constant 5 : i32
          %add3A_442 = arith.addi %mul3A_440, %add3A_441 : i32
          %add3A_443 = arith.addi %mul3A_83, %add3A_442 : i32
          %add3A_444 = vector.broadcast %add3A_443 : i32 to vector<16xi32>
          %add3A_445 = arith.addi %broadcast_in_dim3A_7, %add3A_444 : vector<16xi32>
          %gather3A_446 = tpu.vector_load_idx %arg20[%add3A_445] : memref<432xf32, #tpu.memory_space<vmem>>[vector<16xi32>], vector<16xf32>,
          %get3A_447 = arith.index_cast %add3A_442 : i32 to index
          %get3A_448 = arith.constant 0 : index
          %get3A_449 = tpu.vector_load %arg22[%get3A_447, %get3A_448] {strides = array<i32>} : memref<48x128xf32, #tpu.memory_space<vmem>>, vector<16xf32>,
          %mul3A_450 = arith.mulf %get3A_449, %gather3A_446 : vector<16xf32>
          %swap3A_451 = arith.index_cast %add3A_442 : i32 to index
          %swap3A_452 = arith.constant 0 : index
          %swap3A_453 = tpu.vector_load %arg22[%swap3A_451, %swap3A_452] {strides = array<i32>} : memref<48x128xf32, #tpu.memory_space<vmem>>, vector<16xf32>,
          tpu.vector_store %arg22[%swap3A_451, %swap3A_452], %mul3A_450 {strides = array<i32>} : memref<48x128xf32, #tpu.memory_space<vmem>>, vector<16xf32>,
          %get3A_454 = arith.index_cast %add3A_442 : i32 to index
          %get3A_455 = arith.constant 16 : index
          %get3A_456 = tpu.vector_load %arg22[%get3A_454, %get3A_455] {strides = array<i32>} : memref<48x128xf32, #tpu.memory_space<vmem>>, vector<16xf32>,
          %mul3A_457 = arith.mulf %get3A_456, %gather3A_446 : vector<16xf32>
          %swap3A_458 = arith.index_cast %add3A_442 : i32 to index
          %swap3A_459 = arith.constant 16 : index
          %swap3A_460 = tpu.vector_load %arg22[%swap3A_458, %swap3A_459] {strides = array<i32>} : memref<48x128xf32, #tpu.memory_space<vmem>>, vector<16xf32>,
          tpu.vector_store %arg22[%swap3A_458, %swap3A_459], %mul3A_457 {strides = array<i32>} : memref<48x128xf32, #tpu.memory_space<vmem>>, vector<16xf32>,
          %get3A_461 = arith.index_cast %add3A_442 : i32 to index
          %get3A_462 = arith.constant 32 : index
          %get3A_463 = tpu.vector_load %arg22[%get3A_461, %get3A_462] {strides = array<i32>} : memref<48x128xf32, #tpu.memory_space<vmem>>, vector<16xf32>,
          %mul3A_464 = arith.mulf %get3A_463, %gather3A_446 : vector<16xf32>
          %swap3A_465 = arith.index_cast %add3A_442 : i32 to index
          %swap3A_466 = arith.constant 32 : index
          %swap3A_467 = tpu.vector_load %arg22[%swap3A_465, %swap3A_466] {strides = array<i32>} : memref<48x128xf32, #tpu.memory_space<vmem>>, vector<16xf32>,
          tpu.vector_store %arg22[%swap3A_465, %swap3A_466], %mul3A_464 {strides = array<i32>} : memref<48x128xf32, #tpu.memory_space<vmem>>, vector<16xf32>,
          %get3A_468 = arith.index_cast %add3A_442 : i32 to index
          %get3A_469 = arith.constant 48 : index
          %get3A_470 = tpu.vector_load %arg22[%get3A_468, %get3A_469] {strides = array<i32>} : memref<48x128xf32, #tpu.memory_space<vmem>>, vector<16xf32>,
          %mul3A_471 = arith.mulf %get3A_470, %gather3A_446 : vector<16xf32>
          %swap3A_472 = arith.index_cast %add3A_442 : i32 to index
          %swap3A_473 = arith.constant 48 : index
          %swap3A_474 = tpu.vector_load %arg22[%swap3A_472, %swap3A_473] {strides = array<i32>} : memref<48x128xf32, #tpu.memory_space<vmem>>, vector<16xf32>,
          tpu.vector_store %arg22[%swap3A_472, %swap3A_473], %mul3A_471 {strides = array<i32>} : memref<48x128xf32, #tpu.memory_space<vmem>>, vector<16xf32>,
          %get3A_475 = arith.index_cast %add3A_442 : i32 to index
          %get3A_476 = arith.constant 64 : index
          %get3A_477 = tpu.vector_load %arg22[%get3A_475, %get3A_476] {strides = array<i32>} : memref<48x128xf32, #tpu.memory_space<vmem>>, vector<16xf32>,
          %mul3A_478 = arith.mulf %get3A_477, %gather3A_446 : vector<16xf32>
          %swap3A_479 = arith.index_cast %add3A_442 : i32 to index
          %swap3A_480 = arith.constant 64 : index
          %swap3A_481 = tpu.vector_load %arg22[%swap3A_479, %swap3A_480] {strides = array<i32>} : memref<48x128xf32, #tpu.memory_space<vmem>>, vector<16xf32>,
          tpu.vector_store %arg22[%swap3A_479, %swap3A_480], %mul3A_478 {strides = array<i32>} : memref<48x128xf32, #tpu.memory_space<vmem>>, vector<16xf32>,
          %get3A_482 = arith.index_cast %add3A_442 : i32 to index
          %get3A_483 = arith.constant 80 : index
          %get3A_484 = tpu.vector_load %arg22[%get3A_482, %get3A_483] {strides = array<i32>} : memref<48x128xf32, #tpu.memory_space<vmem>>, vector<16xf32>,
          %mul3A_485 = arith.mulf %get3A_484, %gather3A_446 : vector<16xf32>
          %swap3A_486 = arith.index_cast %add3A_442 : i32 to index
          %swap3A_487 = arith.constant 80 : index
          %swap3A_488 = tpu.vector_load %arg22[%swap3A_486, %swap3A_487] {strides = array<i32>} : memref<48x128xf32, #tpu.memory_space<vmem>>, vector<16xf32>,
          tpu.vector_store %arg22[%swap3A_486, %swap3A_487], %mul3A_485 {strides = array<i32>} : memref<48x128xf32, #tpu.memory_space<vmem>>, vector<16xf32>,
          %get3A_489 = arith.index_cast %add3A_442 : i32 to index
          %get3A_490 = arith.constant 96 : index
          %get3A_491 = tpu.vector_load %arg22[%get3A_489, %get3A_490] {strides = array<i32>} : memref<48x128xf32, #tpu.memory_space<vmem>>, vector<16xf32>,
          %mul3A_492 = arith.mulf %get3A_491, %gather3A_446 : vector<16xf32>
          %swap3A_493 = arith.index_cast %add3A_442 : i32 to index
          %swap3A_494 = arith.constant 96 : index
          %swap3A_495 = tpu.vector_load %arg22[%swap3A_493, %swap3A_494] {strides = array<i32>} : memref<48x128xf32, #tpu.memory_space<vmem>>, vector<16xf32>,
          tpu.vector_store %arg22[%swap3A_493, %swap3A_494], %mul3A_492 {strides = array<i32>} : memref<48x128xf32, #tpu.memory_space<vmem>>, vector<16xf32>,
          %get3A_496 = arith.index_cast %add3A_442 : i32 to index
          %get3A_497 = arith.constant 112 : index
          %get3A_498 = tpu.vector_load %arg22[%get3A_496, %get3A_497] {strides = array<i32>} : memref<48x128xf32, #tpu.memory_space<vmem>>, vector<16xf32>,
          %mul3A_499 = arith.mulf %get3A_498, %gather3A_446 : vector<16xf32>
          %swap3A_500 = arith.index_cast %add3A_442 : i32 to index
          %swap3A_501 = arith.constant 112 : index
          %swap3A_502 = tpu.vector_load %arg22[%swap3A_500, %swap3A_501] {strides = array<i32>} : memref<48x128xf32, #tpu.memory_space<vmem>>, vector<16xf32>,
          tpu.vector_store %arg22[%swap3A_500, %swap3A_501], %mul3A_499 {strides = array<i32>} : memref<48x128xf32, #tpu.memory_space<vmem>>, vector<16xf32>,
          %mul3A_503 = arith.constant 16 : i32
          %mul3A_504 = arith.muli %scan3A_119, %mul3A_503 : i32
          %add3A_505 = arith.constant 6 : i32
          %add3A_506 = arith.addi %mul3A_504, %add3A_505 : i32
          %add3A_507 = arith.addi %mul3A_83, %add3A_506 : i32
          %add3A_508 = vector.broadcast %add3A_507 : i32 to vector<16xi32>
          %add3A_509 = arith.addi %broadcast_in_dim3A_7, %add3A_508 : vector<16xi32>
          %gather3A_510 = tpu.vector_load_idx %arg20[%add3A_509] : memref<432xf32, #tpu.memory_space<vmem>>[vector<16xi32>], vector<16xf32>,
          %get3A_511 = arith.index_cast %add3A_506 : i32 to index
          %get3A_512 = arith.constant 0 : index
          %get3A_513 = tpu.vector_load %arg22[%get3A_511, %get3A_512] {strides = array<i32>} : memref<48x128xf32, #tpu.memory_space<vmem>>, vector<16xf32>,
          %mul3A_514 = arith.mulf %get3A_513, %gather3A_510 : vector<16xf32>
          %swap3A_515 = arith.index_cast %add3A_506 : i32 to index
          %swap3A_516 = arith.constant 0 : index
          %swap3A_517 = tpu.vector_load %arg22[%swap3A_515, %swap3A_516] {strides = array<i32>} : memref<48x128xf32, #tpu.memory_space<vmem>>, vector<16xf32>,
          tpu.vector_store %arg22[%swap3A_515, %swap3A_516], %mul3A_514 {strides = array<i32>} : memref<48x128xf32, #tpu.memory_space<vmem>>, vector<16xf32>,
          %get3A_518 = arith.index_cast %add3A_506 : i32 to index
          %get3A_519 = arith.constant 16 : index
          %get3A_520 = tpu.vector_load %arg22[%get3A_518, %get3A_519] {strides = array<i32>} : memref<48x128xf32, #tpu.memory_space<vmem>>, vector<16xf32>,
          %mul3A_521 = arith.mulf %get3A_520, %gather3A_510 : vector<16xf32>
          %swap3A_522 = arith.index_cast %add3A_506 : i32 to index
          %swap3A_523 = arith.constant 16 : index
          %swap3A_524 = tpu.vector_load %arg22[%swap3A_522, %swap3A_523] {strides = array<i32>} : memref<48x128xf32, #tpu.memory_space<vmem>>, vector<16xf32>,
          tpu.vector_store %arg22[%swap3A_522, %swap3A_523], %mul3A_521 {strides = array<i32>} : memref<48x128xf32, #tpu.memory_space<vmem>>, vector<16xf32>,
          %get3A_525 = arith.index_cast %add3A_506 : i32 to index
          %get3A_526 = arith.constant 32 : index
          %get3A_527 = tpu.vector_load %arg22[%get3A_525, %get3A_526] {strides = array<i32>} : memref<48x128xf32, #tpu.memory_space<vmem>>, vector<16xf32>,
          %mul3A_528 = arith.mulf %get3A_527, %gather3A_510 : vector<16xf32>
          %swap3A_529 = arith.index_cast %add3A_506 : i32 to index
          %swap3A_530 = arith.constant 32 : index
          %swap3A_531 = tpu.vector_load %arg22[%swap3A_529, %swap3A_530] {strides = array<i32>} : memref<48x128xf32, #tpu.memory_space<vmem>>, vector<16xf32>,
          tpu.vector_store %arg22[%swap3A_529, %swap3A_530], %mul3A_528 {strides = array<i32>} : memref<48x128xf32, #tpu.memory_space<vmem>>, vector<16xf32>,
          %get3A_532 = arith.index_cast %add3A_506 : i32 to index
          %get3A_533 = arith.constant 48 : index
          %get3A_534 = tpu.vector_load %arg22[%get3A_532, %get3A_533] {strides = array<i32>} : memref<48x128xf32, #tpu.memory_space<vmem>>, vector<16xf32>,
          %mul3A_535 = arith.mulf %get3A_534, %gather3A_510 : vector<16xf32>
          %swap3A_536 = arith.index_cast %add3A_506 : i32 to index
          %swap3A_537 = arith.constant 48 : index
          %swap3A_538 = tpu.vector_load %arg22[%swap3A_536, %swap3A_537] {strides = array<i32>} : memref<48x128xf32, #tpu.memory_space<vmem>>, vector<16xf32>,
          tpu.vector_store %arg22[%swap3A_536, %swap3A_537], %mul3A_535 {strides = array<i32>} : memref<48x128xf32, #tpu.memory_space<vmem>>, vector<16xf32>,
          %get3A_539 = arith.index_cast %add3A_506 : i32 to index
          %get3A_540 = arith.constant 64 : index
          %get3A_541 = tpu.vector_load %arg22[%get3A_539, %get3A_540] {strides = array<i32>} : memref<48x128xf32, #tpu.memory_space<vmem>>, vector<16xf32>,
          %mul3A_542 = arith.mulf %get3A_541, %gather3A_510 : vector<16xf32>
          %swap3A_543 = arith.index_cast %add3A_506 : i32 to index
          %swap3A_544 = arith.constant 64 : index
          %swap3A_545 = tpu.vector_load %arg22[%swap3A_543, %swap3A_544] {strides = array<i32>} : memref<48x128xf32, #tpu.memory_space<vmem>>, vector<16xf32>,
          tpu.vector_store %arg22[%swap3A_543, %swap3A_544], %mul3A_542 {strides = array<i32>} : memref<48x128xf32, #tpu.memory_space<vmem>>, vector<16xf32>,
          %get3A_546 = arith.index_cast %add3A_506 : i32 to index
          %get3A_547 = arith.constant 80 : index
          %get3A_548 = tpu.vector_load %arg22[%get3A_546, %get3A_547] {strides = array<i32>} : memref<48x128xf32, #tpu.memory_space<vmem>>, vector<16xf32>,
          %mul3A_549 = arith.mulf %get3A_548, %gather3A_510 : vector<16xf32>
          %swap3A_550 = arith.index_cast %add3A_506 : i32 to index
          %swap3A_551 = arith.constant 80 : index
          %swap3A_552 = tpu.vector_load %arg22[%swap3A_550, %swap3A_551] {strides = array<i32>} : memref<48x128xf32, #tpu.memory_space<vmem>>, vector<16xf32>,
          tpu.vector_store %arg22[%swap3A_550, %swap3A_551], %mul3A_549 {strides = array<i32>} : memref<48x128xf32, #tpu.memory_space<vmem>>, vector<16xf32>,
          %get3A_553 = arith.index_cast %add3A_506 : i32 to index
          %get3A_554 = arith.constant 96 : index
          %get3A_555 = tpu.vector_load %arg22[%get3A_553, %get3A_554] {strides = array<i32>} : memref<48x128xf32, #tpu.memory_space<vmem>>, vector<16xf32>,
          %mul3A_556 = arith.mulf %get3A_555, %gather3A_510 : vector<16xf32>
          %swap3A_557 = arith.index_cast %add3A_506 : i32 to index
          %swap3A_558 = arith.constant 96 : index
          %swap3A_559 = tpu.vector_load %arg22[%swap3A_557, %swap3A_558] {strides = array<i32>} : memref<48x128xf32, #tpu.memory_space<vmem>>, vector<16xf32>,
          tpu.vector_store %arg22[%swap3A_557, %swap3A_558], %mul3A_556 {strides = array<i32>} : memref<48x128xf32, #tpu.memory_space<vmem>>, vector<16xf32>,
          %get3A_560 = arith.index_cast %add3A_506 : i32 to index
          %get3A_561 = arith.constant 112 : index
          %get3A_562 = tpu.vector_load %arg22[%get3A_560, %get3A_561] {strides = array<i32>} : memref<48x128xf32, #tpu.memory_space<vmem>>, vector<16xf32>,
          %mul3A_563 = arith.mulf %get3A_562, %gather3A_510 : vector<16xf32>
          %swap3A_564 = arith.index_cast %add3A_506 : i32 to index
          %swap3A_565 = arith.constant 112 : index
          %swap3A_566 = tpu.vector_load %arg22[%swap3A_564, %swap3A_565] {strides = array<i32>} : memref<48x128xf32, #tpu.memory_space<vmem>>, vector<16xf32>,
          tpu.vector_store %arg22[%swap3A_564, %swap3A_565], %mul3A_563 {strides = array<i32>} : memref<48x128xf32, #tpu.memory_space<vmem>>, vector<16xf32>,
          %mul3A_567 = arith.constant 16 : i32
          %mul3A_568 = arith.muli %scan3A_119, %mul3A_567 : i32
          %add3A_569 = arith.constant 7 : i32
          %add3A_570 = arith.addi %mul3A_568, %add3A_569 : i32
          %add3A_571 = arith.addi %mul3A_83, %add3A_570 : i32
          %add3A_572 = vector.broadcast %add3A_571 : i32 to vector<16xi32>
          %add3A_573 = arith.addi %broadcast_in_dim3A_7, %add3A_572 : vector<16xi32>
          %gather3A_574 = tpu.vector_load_idx %arg20[%add3A_573] : memref<432xf32, #tpu.memory_space<vmem>>[vector<16xi32>], vector<16xf32>,
          %get3A_575 = arith.index_cast %add3A_570 : i32 to index
          %get3A_576 = arith.constant 0 : index
          %get3A_577 = tpu.vector_load %arg22[%get3A_575, %get3A_576] {strides = array<i32>} : memref<48x128xf32, #tpu.memory_space<vmem>>, vector<16xf32>,
          %mul3A_578 = arith.mulf %get3A_577, %gather3A_574 : vector<16xf32>
          %swap3A_579 = arith.index_cast %add3A_570 : i32 to index
          %swap3A_580 = arith.constant 0 : index
          %swap3A_581 = tpu.vector_load %arg22[%swap3A_579, %swap3A_580] {strides = array<i32>} : memref<48x128xf32, #tpu.memory_space<vmem>>, vector<16xf32>,
          tpu.vector_store %arg22[%swap3A_579, %swap3A_580], %mul3A_578 {strides = array<i32>} : memref<48x128xf32, #tpu.memory_space<vmem>>, vector<16xf32>,
          %get3A_582 = arith.index_cast %add3A_570 : i32 to index
          %get3A_583 = arith.constant 16 : index
          %get3A_584 = tpu.vector_load %arg22[%get3A_582, %get3A_583] {strides = array<i32>} : memref<48x128xf32, #tpu.memory_space<vmem>>, vector<16xf32>,
          %mul3A_585 = arith.mulf %get3A_584, %gather3A_574 : vector<16xf32>
          %swap3A_586 = arith.index_cast %add3A_570 : i32 to index
          %swap3A_587 = arith.constant 16 : index
          %swap3A_588 = tpu.vector_load %arg22[%swap3A_586, %swap3A_587] {strides = array<i32>} : memref<48x128xf32, #tpu.memory_space<vmem>>, vector<16xf32>,
          tpu.vector_store %arg22[%swap3A_586, %swap3A_587], %mul3A_585 {strides = array<i32>} : memref<48x128xf32, #tpu.memory_space<vmem>>, vector<16xf32>,
          %get3A_589 = arith.index_cast %add3A_570 : i32 to index
          %get3A_590 = arith.constant 32 : index
          %get3A_591 = tpu.vector_load %arg22[%get3A_589, %get3A_590] {strides = array<i32>} : memref<48x128xf32, #tpu.memory_space<vmem>>, vector<16xf32>,
          %mul3A_592 = arith.mulf %get3A_591, %gather3A_574 : vector<16xf32>
          %swap3A_593 = arith.index_cast %add3A_570 : i32 to index
          %swap3A_594 = arith.constant 32 : index
          %swap3A_595 = tpu.vector_load %arg22[%swap3A_593, %swap3A_594] {strides = array<i32>} : memref<48x128xf32, #tpu.memory_space<vmem>>, vector<16xf32>,
          tpu.vector_store %arg22[%swap3A_593, %swap3A_594], %mul3A_592 {strides = array<i32>} : memref<48x128xf32, #tpu.memory_space<vmem>>, vector<16xf32>,
          %get3A_596 = arith.index_cast %add3A_570 : i32 to index
          %get3A_597 = arith.constant 48 : index
          %get3A_598 = tpu.vector_load %arg22[%get3A_596, %get3A_597] {strides = array<i32>} : memref<48x128xf32, #tpu.memory_space<vmem>>, vector<16xf32>,
          %mul3A_599 = arith.mulf %get3A_598, %gather3A_574 : vector<16xf32>
          %swap3A_600 = arith.index_cast %add3A_570 : i32 to index
          %swap3A_601 = arith.constant 48 : index
          %swap3A_602 = tpu.vector_load %arg22[%swap3A_600, %swap3A_601] {strides = array<i32>} : memref<48x128xf32, #tpu.memory_space<vmem>>, vector<16xf32>,
          tpu.vector_store %arg22[%swap3A_600, %swap3A_601], %mul3A_599 {strides = array<i32>} : memref<48x128xf32, #tpu.memory_space<vmem>>, vector<16xf32>,
          %get3A_603 = arith.index_cast %add3A_570 : i32 to index
          %get3A_604 = arith.constant 64 : index
          %get3A_605 = tpu.vector_load %arg22[%get3A_603, %get3A_604] {strides = array<i32>} : memref<48x128xf32, #tpu.memory_space<vmem>>, vector<16xf32>,
          %mul3A_606 = arith.mulf %get3A_605, %gather3A_574 : vector<16xf32>
          %swap3A_607 = arith.index_cast %add3A_570 : i32 to index
          %swap3A_608 = arith.constant 64 : index
          %swap3A_609 = tpu.vector_load %arg22[%swap3A_607, %swap3A_608] {strides = array<i32>} : memref<48x128xf32, #tpu.memory_space<vmem>>, vector<16xf32>,
          tpu.vector_store %arg22[%swap3A_607, %swap3A_608], %mul3A_606 {strides = array<i32>} : memref<48x128xf32, #tpu.memory_space<vmem>>, vector<16xf32>,
          %get3A_610 = arith.index_cast %add3A_570 : i32 to index
          %get3A_611 = arith.constant 80 : index
          %get3A_612 = tpu.vector_load %arg22[%get3A_610, %get3A_611] {strides = array<i32>} : memref<48x128xf32, #tpu.memory_space<vmem>>, vector<16xf32>,
          %mul3A_613 = arith.mulf %get3A_612, %gather3A_574 : vector<16xf32>
          %swap3A_614 = arith.index_cast %add3A_570 : i32 to index
          %swap3A_615 = arith.constant 80 : index
          %swap3A_616 = tpu.vector_load %arg22[%swap3A_614, %swap3A_615] {strides = array<i32>} : memref<48x128xf32, #tpu.memory_space<vmem>>, vector<16xf32>,
          tpu.vector_store %arg22[%swap3A_614, %swap3A_615], %mul3A_613 {strides = array<i32>} : memref<48x128xf32, #tpu.memory_space<vmem>>, vector<16xf32>,
          %get3A_617 = arith.index_cast %add3A_570 : i32 to index
          %get3A_618 = arith.constant 96 : index
          %get3A_619 = tpu.vector_load %arg22[%get3A_617, %get3A_618] {strides = array<i32>} : memref<48x128xf32, #tpu.memory_space<vmem>>, vector<16xf32>,
          %mul3A_620 = arith.mulf %get3A_619, %gather3A_574 : vector<16xf32>
          %swap3A_621 = arith.index_cast %add3A_570 : i32 to index
          %swap3A_622 = arith.constant 96 : index
          %swap3A_623 = tpu.vector_load %arg22[%swap3A_621, %swap3A_622] {strides = array<i32>} : memref<48x128xf32, #tpu.memory_space<vmem>>, vector<16xf32>,
          tpu.vector_store %arg22[%swap3A_621, %swap3A_622], %mul3A_620 {strides = array<i32>} : memref<48x128xf32, #tpu.memory_space<vmem>>, vector<16xf32>,
          %get3A_624 = arith.index_cast %add3A_570 : i32 to index
          %get3A_625 = arith.constant 112 : index
          %get3A_626 = tpu.vector_load %arg22[%get3A_624, %get3A_625] {strides = array<i32>} : memref<48x128xf32, #tpu.memory_space<vmem>>, vector<16xf32>,
          %mul3A_627 = arith.mulf %get3A_626, %gather3A_574 : vector<16xf32>
          %swap3A_628 = arith.index_cast %add3A_570 : i32 to index
          %swap3A_629 = arith.constant 112 : index
          %swap3A_630 = tpu.vector_load %arg22[%swap3A_628, %swap3A_629] {strides = array<i32>} : memref<48x128xf32, #tpu.memory_space<vmem>>, vector<16xf32>,
          tpu.vector_store %arg22[%swap3A_628, %swap3A_629], %mul3A_627 {strides = array<i32>} : memref<48x128xf32, #tpu.memory_space<vmem>>, vector<16xf32>,
          %mul3A_631 = arith.constant 16 : i32
          %mul3A_632 = arith.muli %scan3A_119, %mul3A_631 : i32
          %add3A_633 = arith.constant 8 : i32
          %add3A_634 = arith.addi %mul3A_632, %add3A_633 : i32
          %add3A_635 = arith.addi %mul3A_83, %add3A_634 : i32
          %add3A_636 = vector.broadcast %add3A_635 : i32 to vector<16xi32>
          %add3A_637 = arith.addi %broadcast_in_dim3A_7, %add3A_636 : vector<16xi32>
          %gather3A_638 = tpu.vector_load_idx %arg20[%add3A_637] : memref<432xf32, #tpu.memory_space<vmem>>[vector<16xi32>], vector<16xf32>,
          %get3A_639 = arith.index_cast %add3A_634 : i32 to index
          %get3A_640 = arith.constant 0 : index
          %get3A_641 = tpu.vector_load %arg22[%get3A_639, %get3A_640] {strides = array<i32>} : memref<48x128xf32, #tpu.memory_space<vmem>>, vector<16xf32>,
          %mul3A_642 = arith.mulf %get3A_641, %gather3A_638 : vector<16xf32>
          %swap3A_643 = arith.index_cast %add3A_634 : i32 to index
          %swap3A_644 = arith.constant 0 : index
          %swap3A_645 = tpu.vector_load %arg22[%swap3A_643, %swap3A_644] {strides = array<i32>} : memref<48x128xf32, #tpu.memory_space<vmem>>, vector<16xf32>,
          tpu.vector_store %arg22[%swap3A_643, %swap3A_644], %mul3A_642 {strides = array<i32>} : memref<48x128xf32, #tpu.memory_space<vmem>>, vector<16xf32>,
          %get3A_646 = arith.index_cast %add3A_634 : i32 to index
          %get3A_647 = arith.constant 16 : index
          %get3A_648 = tpu.vector_load %arg22[%get3A_646, %get3A_647] {strides = array<i32>} : memref<48x128xf32, #tpu.memory_space<vmem>>, vector<16xf32>,
          %mul3A_649 = arith.mulf %get3A_648, %gather3A_638 : vector<16xf32>
          %swap3A_650 = arith.index_cast %add3A_634 : i32 to index
          %swap3A_651 = arith.constant 16 : index
          %swap3A_652 = tpu.vector_load %arg22[%swap3A_650, %swap3A_651] {strides = array<i32>} : memref<48x128xf32, #tpu.memory_space<vmem>>, vector<16xf32>,
          tpu.vector_store %arg22[%swap3A_650, %swap3A_651], %mul3A_649 {strides = array<i32>} : memref<48x128xf32, #tpu.memory_space<vmem>>, vector<16xf32>,
          %get3A_653 = arith.index_cast %add3A_634 : i32 to index
          %get3A_654 = arith.constant 32 : index
          %get3A_655 = tpu.vector_load %arg22[%get3A_653, %get3A_654] {strides = array<i32>} : memref<48x128xf32, #tpu.memory_space<vmem>>, vector<16xf32>,
          %mul3A_656 = arith.mulf %get3A_655, %gather3A_638 : vector<16xf32>
          %swap3A_657 = arith.index_cast %add3A_634 : i32 to index
          %swap3A_658 = arith.constant 32 : index
          %swap3A_659 = tpu.vector_load %arg22[%swap3A_657, %swap3A_658] {strides = array<i32>} : memref<48x128xf32, #tpu.memory_space<vmem>>, vector<16xf32>,
          tpu.vector_store %arg22[%swap3A_657, %swap3A_658], %mul3A_656 {strides = array<i32>} : memref<48x128xf32, #tpu.memory_space<vmem>>, vector<16xf32>,
          %get3A_660 = arith.index_cast %add3A_634 : i32 to index
          %get3A_661 = arith.constant 48 : index
          %get3A_662 = tpu.vector_load %arg22[%get3A_660, %get3A_661] {strides = array<i32>} : memref<48x128xf32, #tpu.memory_space<vmem>>, vector<16xf32>,
          %mul3A_663 = arith.mulf %get3A_662, %gather3A_638 : vector<16xf32>
          %swap3A_664 = arith.index_cast %add3A_634 : i32 to index
          %swap3A_665 = arith.constant 48 : index
          %swap3A_666 = tpu.vector_load %arg22[%swap3A_664, %swap3A_665] {strides = array<i32>} : memref<48x128xf32, #tpu.memory_space<vmem>>, vector<16xf32>,
          tpu.vector_store %arg22[%swap3A_664, %swap3A_665], %mul3A_663 {strides = array<i32>} : memref<48x128xf32, #tpu.memory_space<vmem>>, vector<16xf32>,
          %get3A_667 = arith.index_cast %add3A_634 : i32 to index
          %get3A_668 = arith.constant 64 : index
          %get3A_669 = tpu.vector_load %arg22[%get3A_667, %get3A_668] {strides = array<i32>} : memref<48x128xf32, #tpu.memory_space<vmem>>, vector<16xf32>,
          %mul3A_670 = arith.mulf %get3A_669, %gather3A_638 : vector<16xf32>
          %swap3A_671 = arith.index_cast %add3A_634 : i32 to index
          %swap3A_672 = arith.constant 64 : index
          %swap3A_673 = tpu.vector_load %arg22[%swap3A_671, %swap3A_672] {strides = array<i32>} : memref<48x128xf32, #tpu.memory_space<vmem>>, vector<16xf32>,
          tpu.vector_store %arg22[%swap3A_671, %swap3A_672], %mul3A_670 {strides = array<i32>} : memref<48x128xf32, #tpu.memory_space<vmem>>, vector<16xf32>,
          %get3A_674 = arith.index_cast %add3A_634 : i32 to index
          %get3A_675 = arith.constant 80 : index
          %get3A_676 = tpu.vector_load %arg22[%get3A_674, %get3A_675] {strides = array<i32>} : memref<48x128xf32, #tpu.memory_space<vmem>>, vector<16xf32>,
          %mul3A_677 = arith.mulf %get3A_676, %gather3A_638 : vector<16xf32>
          %swap3A_678 = arith.index_cast %add3A_634 : i32 to index
          %swap3A_679 = arith.constant 80 : index
          %swap3A_680 = tpu.vector_load %arg22[%swap3A_678, %swap3A_679] {strides = array<i32>} : memref<48x128xf32, #tpu.memory_space<vmem>>, vector<16xf32>,
          tpu.vector_store %arg22[%swap3A_678, %swap3A_679], %mul3A_677 {strides = array<i32>} : memref<48x128xf32, #tpu.memory_space<vmem>>, vector<16xf32>,
          %get3A_681 = arith.index_cast %add3A_634 : i32 to index
          %get3A_682 = arith.constant 96 : index
          %get3A_683 = tpu.vector_load %arg22[%get3A_681, %get3A_682] {strides = array<i32>} : memref<48x128xf32, #tpu.memory_space<vmem>>, vector<16xf32>,
          %mul3A_684 = arith.mulf %get3A_683, %gather3A_638 : vector<16xf32>
          %swap3A_685 = arith.index_cast %add3A_634 : i32 to index
          %swap3A_686 = arith.constant 96 : index
          %swap3A_687 = tpu.vector_load %arg22[%swap3A_685, %swap3A_686] {strides = array<i32>} : memref<48x128xf32, #tpu.memory_space<vmem>>, vector<16xf32>,
          tpu.vector_store %arg22[%swap3A_685, %swap3A_686], %mul3A_684 {strides = array<i32>} : memref<48x128xf32, #tpu.memory_space<vmem>>, vector<16xf32>,
          %get3A_688 = arith.index_cast %add3A_634 : i32 to index
          %get3A_689 = arith.constant 112 : index
          %get3A_690 = tpu.vector_load %arg22[%get3A_688, %get3A_689] {strides = array<i32>} : memref<48x128xf32, #tpu.memory_space<vmem>>, vector<16xf32>,
          %mul3A_691 = arith.mulf %get3A_690, %gather3A_638 : vector<16xf32>
          %swap3A_692 = arith.index_cast %add3A_634 : i32 to index
          %swap3A_693 = arith.constant 112 : index
          %swap3A_694 = tpu.vector_load %arg22[%swap3A_692, %swap3A_693] {strides = array<i32>} : memref<48x128xf32, #tpu.memory_space<vmem>>, vector<16xf32>,
          tpu.vector_store %arg22[%swap3A_692, %swap3A_693], %mul3A_691 {strides = array<i32>} : memref<48x128xf32, #tpu.memory_space<vmem>>, vector<16xf32>,
          %mul3A_695 = arith.constant 16 : i32
          %mul3A_696 = arith.muli %scan3A_119, %mul3A_695 : i32
          %add3A_697 = arith.constant 9 : i32
          %add3A_698 = arith.addi %mul3A_696, %add3A_697 : i32
          %add3A_699 = arith.addi %mul3A_83, %add3A_698 : i32
          %add3A_700 = vector.broadcast %add3A_699 : i32 to vector<16xi32>
          %add3A_701 = arith.addi %broadcast_in_dim3A_7, %add3A_700 : vector<16xi32>
          %gather3A_702 = tpu.vector_load_idx %arg20[%add3A_701] : memref<432xf32, #tpu.memory_space<vmem>>[vector<16xi32>], vector<16xf32>,
          %get3A_703 = arith.index_cast %add3A_698 : i32 to index
          %get3A_704 = arith.constant 0 : index
          %get3A_705 = tpu.vector_load %arg22[%get3A_703, %get3A_704] {strides = array<i32>} : memref<48x128xf32, #tpu.memory_space<vmem>>, vector<16xf32>,
          %mul3A_706 = arith.mulf %get3A_705, %gather3A_702 : vector<16xf32>
          %swap3A_707 = arith.index_cast %add3A_698 : i32 to index
          %swap3A_708 = arith.constant 0 : index
          %swap3A_709 = tpu.vector_load %arg22[%swap3A_707, %swap3A_708] {strides = array<i32>} : memref<48x128xf32, #tpu.memory_space<vmem>>, vector<16xf32>,
          tpu.vector_store %arg22[%swap3A_707, %swap3A_708], %mul3A_706 {strides = array<i32>} : memref<48x128xf32, #tpu.memory_space<vmem>>, vector<16xf32>,
          %get3A_710 = arith.index_cast %add3A_698 : i32 to index
          %get3A_711 = arith.constant 16 : index
          %get3A_712 = tpu.vector_load %arg22[%get3A_710, %get3A_711] {strides = array<i32>} : memref<48x128xf32, #tpu.memory_space<vmem>>, vector<16xf32>,
          %mul3A_713 = arith.mulf %get3A_712, %gather3A_702 : vector<16xf32>
          %swap3A_714 = arith.index_cast %add3A_698 : i32 to index
          %swap3A_715 = arith.constant 16 : index
          %swap3A_716 = tpu.vector_load %arg22[%swap3A_714, %swap3A_715] {strides = array<i32>} : memref<48x128xf32, #tpu.memory_space<vmem>>, vector<16xf32>,
          tpu.vector_store %arg22[%swap3A_714, %swap3A_715], %mul3A_713 {strides = array<i32>} : memref<48x128xf32, #tpu.memory_space<vmem>>, vector<16xf32>,
          %get3A_717 = arith.index_cast %add3A_698 : i32 to index
          %get3A_718 = arith.constant 32 : index
          %get3A_719 = tpu.vector_load %arg22[%get3A_717, %get3A_718] {strides = array<i32>} : memref<48x128xf32, #tpu.memory_space<vmem>>, vector<16xf32>,
          %mul3A_720 = arith.mulf %get3A_719, %gather3A_702 : vector<16xf32>
          %swap3A_721 = arith.index_cast %add3A_698 : i32 to index
          %swap3A_722 = arith.constant 32 : index
          %swap3A_723 = tpu.vector_load %arg22[%swap3A_721, %swap3A_722] {strides = array<i32>} : memref<48x128xf32, #tpu.memory_space<vmem>>, vector<16xf32>,
          tpu.vector_store %arg22[%swap3A_721, %swap3A_722], %mul3A_720 {strides = array<i32>} : memref<48x128xf32, #tpu.memory_space<vmem>>, vector<16xf32>,
          %get3A_724 = arith.index_cast %add3A_698 : i32 to index
          %get3A_725 = arith.constant 48 : index
          %get3A_726 = tpu.vector_load %arg22[%get3A_724, %get3A_725] {strides = array<i32>} : memref<48x128xf32, #tpu.memory_space<vmem>>, vector<16xf32>,
          %mul3A_727 = arith.mulf %get3A_726, %gather3A_702 : vector<16xf32>
          %swap3A_728 = arith.index_cast %add3A_698 : i32 to index
          %swap3A_729 = arith.constant 48 : index
          %swap3A_730 = tpu.vector_load %arg22[%swap3A_728, %swap3A_729] {strides = array<i32>} : memref<48x128xf32, #tpu.memory_space<vmem>>, vector<16xf32>,
          tpu.vector_store %arg22[%swap3A_728, %swap3A_729], %mul3A_727 {strides = array<i32>} : memref<48x128xf32, #tpu.memory_space<vmem>>, vector<16xf32>,
          %get3A_731 = arith.index_cast %add3A_698 : i32 to index
          %get3A_732 = arith.constant 64 : index
          %get3A_733 = tpu.vector_load %arg22[%get3A_731, %get3A_732] {strides = array<i32>} : memref<48x128xf32, #tpu.memory_space<vmem>>, vector<16xf32>,
          %mul3A_734 = arith.mulf %get3A_733, %gather3A_702 : vector<16xf32>
          %swap3A_735 = arith.index_cast %add3A_698 : i32 to index
          %swap3A_736 = arith.constant 64 : index
          %swap3A_737 = tpu.vector_load %arg22[%swap3A_735, %swap3A_736] {strides = array<i32>} : memref<48x128xf32, #tpu.memory_space<vmem>>, vector<16xf32>,
          tpu.vector_store %arg22[%swap3A_735, %swap3A_736], %mul3A_734 {strides = array<i32>} : memref<48x128xf32, #tpu.memory_space<vmem>>, vector<16xf32>,
          %get3A_738 = arith.index_cast %add3A_698 : i32 to index
          %get3A_739 = arith.constant 80 : index
          %get3A_740 = tpu.vector_load %arg22[%get3A_738, %get3A_739] {strides = array<i32>} : memref<48x128xf32, #tpu.memory_space<vmem>>, vector<16xf32>,
          %mul3A_741 = arith.mulf %get3A_740, %gather3A_702 : vector<16xf32>
          %swap3A_742 = arith.index_cast %add3A_698 : i32 to index
          %swap3A_743 = arith.constant 80 : index
          %swap3A_744 = tpu.vector_load %arg22[%swap3A_742, %swap3A_743] {strides = array<i32>} : memref<48x128xf32, #tpu.memory_space<vmem>>, vector<16xf32>,
          tpu.vector_store %arg22[%swap3A_742, %swap3A_743], %mul3A_741 {strides = array<i32>} : memref<48x128xf32, #tpu.memory_space<vmem>>, vector<16xf32>,
          %get3A_745 = arith.index_cast %add3A_698 : i32 to index
          %get3A_746 = arith.constant 96 : index
          %get3A_747 = tpu.vector_load %arg22[%get3A_745, %get3A_746] {strides = array<i32>} : memref<48x128xf32, #tpu.memory_space<vmem>>, vector<16xf32>,
          %mul3A_748 = arith.mulf %get3A_747, %gather3A_702 : vector<16xf32>
          %swap3A_749 = arith.index_cast %add3A_698 : i32 to index
          %swap3A_750 = arith.constant 96 : index
          %swap3A_751 = tpu.vector_load %arg22[%swap3A_749, %swap3A_750] {strides = array<i32>} : memref<48x128xf32, #tpu.memory_space<vmem>>, vector<16xf32>,
          tpu.vector_store %arg22[%swap3A_749, %swap3A_750], %mul3A_748 {strides = array<i32>} : memref<48x128xf32, #tpu.memory_space<vmem>>, vector<16xf32>,
          %get3A_752 = arith.index_cast %add3A_698 : i32 to index
          %get3A_753 = arith.constant 112 : index
          %get3A_754 = tpu.vector_load %arg22[%get3A_752, %get3A_753] {strides = array<i32>} : memref<48x128xf32, #tpu.memory_space<vmem>>, vector<16xf32>,
          %mul3A_755 = arith.mulf %get3A_754, %gather3A_702 : vector<16xf32>
          %swap3A_756 = arith.index_cast %add3A_698 : i32 to index
          %swap3A_757 = arith.constant 112 : index
          %swap3A_758 = tpu.vector_load %arg22[%swap3A_756, %swap3A_757] {strides = array<i32>} : memref<48x128xf32, #tpu.memory_space<vmem>>, vector<16xf32>,
          tpu.vector_store %arg22[%swap3A_756, %swap3A_757], %mul3A_755 {strides = array<i32>} : memref<48x128xf32, #tpu.memory_space<vmem>>, vector<16xf32>,
          %mul3A_759 = arith.constant 16 : i32
          %mul3A_760 = arith.muli %scan3A_119, %mul3A_759 : i32
          %add3A_761 = arith.constant 10 : i32
          %add3A_762 = arith.addi %mul3A_760, %add3A_761 : i32
          %add3A_763 = arith.addi %mul3A_83, %add3A_762 : i32
          %add3A_764 = vector.broadcast %add3A_763 : i32 to vector<16xi32>
          %add3A_765 = arith.addi %broadcast_in_dim3A_7, %add3A_764 : vector<16xi32>
          %gather3A_766 = tpu.vector_load_idx %arg20[%add3A_765] : memref<432xf32, #tpu.memory_space<vmem>>[vector<16xi32>], vector<16xf32>,
          %get3A_767 = arith.index_cast %add3A_762 : i32 to index
          %get3A_768 = arith.constant 0 : index
          %get3A_769 = tpu.vector_load %arg22[%get3A_767, %get3A_768] {strides = array<i32>} : memref<48x128xf32, #tpu.memory_space<vmem>>, vector<16xf32>,
          %mul3A_770 = arith.mulf %get3A_769, %gather3A_766 : vector<16xf32>
          %swap3A_771 = arith.index_cast %add3A_762 : i32 to index
          %swap3A_772 = arith.constant 0 : index
          %swap3A_773 = tpu.vector_load %arg22[%swap3A_771, %swap3A_772] {strides = array<i32>} : memref<48x128xf32, #tpu.memory_space<vmem>>, vector<16xf32>,
          tpu.vector_store %arg22[%swap3A_771, %swap3A_772], %mul3A_770 {strides = array<i32>} : memref<48x128xf32, #tpu.memory_space<vmem>>, vector<16xf32>,
          %get3A_774 = arith.index_cast %add3A_762 : i32 to index
          %get3A_775 = arith.constant 16 : index
          %get3A_776 = tpu.vector_load %arg22[%get3A_774, %get3A_775] {strides = array<i32>} : memref<48x128xf32, #tpu.memory_space<vmem>>, vector<16xf32>,
          %mul3A_777 = arith.mulf %get3A_776, %gather3A_766 : vector<16xf32>
          %swap3A_778 = arith.index_cast %add3A_762 : i32 to index
          %swap3A_779 = arith.constant 16 : index
          %swap3A_780 = tpu.vector_load %arg22[%swap3A_778, %swap3A_779] {strides = array<i32>} : memref<48x128xf32, #tpu.memory_space<vmem>>, vector<16xf32>,
          tpu.vector_store %arg22[%swap3A_778, %swap3A_779], %mul3A_777 {strides = array<i32>} : memref<48x128xf32, #tpu.memory_space<vmem>>, vector<16xf32>,
          %get3A_781 = arith.index_cast %add3A_762 : i32 to index
          %get3A_782 = arith.constant 32 : index
          %get3A_783 = tpu.vector_load %arg22[%get3A_781, %get3A_782] {strides = array<i32>} : memref<48x128xf32, #tpu.memory_space<vmem>>, vector<16xf32>,
          %mul3A_784 = arith.mulf %get3A_783, %gather3A_766 : vector<16xf32>
          %swap3A_785 = arith.index_cast %add3A_762 : i32 to index
          %swap3A_786 = arith.constant 32 : index
          %swap3A_787 = tpu.vector_load %arg22[%swap3A_785, %swap3A_786] {strides = array<i32>} : memref<48x128xf32, #tpu.memory_space<vmem>>, vector<16xf32>,
          tpu.vector_store %arg22[%swap3A_785, %swap3A_786], %mul3A_784 {strides = array<i32>} : memref<48x128xf32, #tpu.memory_space<vmem>>, vector<16xf32>,
          %get3A_788 = arith.index_cast %add3A_762 : i32 to index
          %get3A_789 = arith.constant 48 : index
          %get3A_790 = tpu.vector_load %arg22[%get3A_788, %get3A_789] {strides = array<i32>} : memref<48x128xf32, #tpu.memory_space<vmem>>, vector<16xf32>,
          %mul3A_791 = arith.mulf %get3A_790, %gather3A_766 : vector<16xf32>
          %swap3A_792 = arith.index_cast %add3A_762 : i32 to index
          %swap3A_793 = arith.constant 48 : index
          %swap3A_794 = tpu.vector_load %arg22[%swap3A_792, %swap3A_793] {strides = array<i32>} : memref<48x128xf32, #tpu.memory_space<vmem>>, vector<16xf32>,
          tpu.vector_store %arg22[%swap3A_792, %swap3A_793], %mul3A_791 {strides = array<i32>} : memref<48x128xf32, #tpu.memory_space<vmem>>, vector<16xf32>,
          %get3A_795 = arith.index_cast %add3A_762 : i32 to index
          %get3A_796 = arith.constant 64 : index
          %get3A_797 = tpu.vector_load %arg22[%get3A_795, %get3A_796] {strides = array<i32>} : memref<48x128xf32, #tpu.memory_space<vmem>>, vector<16xf32>,
          %mul3A_798 = arith.mulf %get3A_797, %gather3A_766 : vector<16xf32>
          %swap3A_799 = arith.index_cast %add3A_762 : i32 to index
          %swap3A_800 = arith.constant 64 : index
          %swap3A_801 = tpu.vector_load %arg22[%swap3A_799, %swap3A_800] {strides = array<i32>} : memref<48x128xf32, #tpu.memory_space<vmem>>, vector<16xf32>,
          tpu.vector_store %arg22[%swap3A_799, %swap3A_800], %mul3A_798 {strides = array<i32>} : memref<48x128xf32, #tpu.memory_space<vmem>>, vector<16xf32>,
          %get3A_802 = arith.index_cast %add3A_762 : i32 to index
          %get3A_803 = arith.constant 80 : index
          %get3A_804 = tpu.vector_load %arg22[%get3A_802, %get3A_803] {strides = array<i32>} : memref<48x128xf32, #tpu.memory_space<vmem>>, vector<16xf32>,
          %mul3A_805 = arith.mulf %get3A_804, %gather3A_766 : vector<16xf32>
          %swap3A_806 = arith.index_cast %add3A_762 : i32 to index
          %swap3A_807 = arith.constant 80 : index
          %swap3A_808 = tpu.vector_load %arg22[%swap3A_806, %swap3A_807] {strides = array<i32>} : memref<48x128xf32, #tpu.memory_space<vmem>>, vector<16xf32>,
          tpu.vector_store %arg22[%swap3A_806, %swap3A_807], %mul3A_805 {strides = array<i32>} : memref<48x128xf32, #tpu.memory_space<vmem>>, vector<16xf32>,
          %get3A_809 = arith.index_cast %add3A_762 : i32 to index
          %get3A_810 = arith.constant 96 : index
          %get3A_811 = tpu.vector_load %arg22[%get3A_809, %get3A_810] {strides = array<i32>} : memref<48x128xf32, #tpu.memory_space<vmem>>, vector<16xf32>,
          %mul3A_812 = arith.mulf %get3A_811, %gather3A_766 : vector<16xf32>
          %swap3A_813 = arith.index_cast %add3A_762 : i32 to index
          %swap3A_814 = arith.constant 96 : index
          %swap3A_815 = tpu.vector_load %arg22[%swap3A_813, %swap3A_814] {strides = array<i32>} : memref<48x128xf32, #tpu.memory_space<vmem>>, vector<16xf32>,
          tpu.vector_store %arg22[%swap3A_813, %swap3A_814], %mul3A_812 {strides = array<i32>} : memref<48x128xf32, #tpu.memory_space<vmem>>, vector<16xf32>,
          %get3A_816 = arith.index_cast %add3A_762 : i32 to index
          %get3A_817 = arith.constant 112 : index
          %get3A_818 = tpu.vector_load %arg22[%get3A_816, %get3A_817] {strides = array<i32>} : memref<48x128xf32, #tpu.memory_space<vmem>>, vector<16xf32>,
          %mul3A_819 = arith.mulf %get3A_818, %gather3A_766 : vector<16xf32>
          %swap3A_820 = arith.index_cast %add3A_762 : i32 to index
          %swap3A_821 = arith.constant 112 : index
          %swap3A_822 = tpu.vector_load %arg22[%swap3A_820, %swap3A_821] {strides = array<i32>} : memref<48x128xf32, #tpu.memory_space<vmem>>, vector<16xf32>,
          tpu.vector_store %arg22[%swap3A_820, %swap3A_821], %mul3A_819 {strides = array<i32>} : memref<48x128xf32, #tpu.memory_space<vmem>>, vector<16xf32>,
          %mul3A_823 = arith.constant 16 : i32
          %mul3A_824 = arith.muli %scan3A_119, %mul3A_823 : i32
          %add3A_825 = arith.constant 11 : i32
          %add3A_826 = arith.addi %mul3A_824, %add3A_825 : i32
          %add3A_827 = arith.addi %mul3A_83, %add3A_826 : i32
          %add3A_828 = vector.broadcast %add3A_827 : i32 to vector<16xi32>
          %add3A_829 = arith.addi %broadcast_in_dim3A_7, %add3A_828 : vector<16xi32>
          %gather3A_830 = tpu.vector_load_idx %arg20[%add3A_829] : memref<432xf32, #tpu.memory_space<vmem>>[vector<16xi32>], vector<16xf32>,
          %get3A_831 = arith.index_cast %add3A_826 : i32 to index
          %get3A_832 = arith.constant 0 : index
          %get3A_833 = tpu.vector_load %arg22[%get3A_831, %get3A_832] {strides = array<i32>} : memref<48x128xf32, #tpu.memory_space<vmem>>, vector<16xf32>,
          %mul3A_834 = arith.mulf %get3A_833, %gather3A_830 : vector<16xf32>
          %swap3A_835 = arith.index_cast %add3A_826 : i32 to index
          %swap3A_836 = arith.constant 0 : index
          %swap3A_837 = tpu.vector_load %arg22[%swap3A_835, %swap3A_836] {strides = array<i32>} : memref<48x128xf32, #tpu.memory_space<vmem>>, vector<16xf32>,
          tpu.vector_store %arg22[%swap3A_835, %swap3A_836], %mul3A_834 {strides = array<i32>} : memref<48x128xf32, #tpu.memory_space<vmem>>, vector<16xf32>,
          %get3A_838 = arith.index_cast %add3A_826 : i32 to index
          %get3A_839 = arith.constant 16 : index
          %get3A_840 = tpu.vector_load %arg22[%get3A_838, %get3A_839] {strides = array<i32>} : memref<48x128xf32, #tpu.memory_space<vmem>>, vector<16xf32>,
          %mul3A_841 = arith.mulf %get3A_840, %gather3A_830 : vector<16xf32>
          %swap3A_842 = arith.index_cast %add3A_826 : i32 to index
          %swap3A_843 = arith.constant 16 : index
          %swap3A_844 = tpu.vector_load %arg22[%swap3A_842, %swap3A_843] {strides = array<i32>} : memref<48x128xf32, #tpu.memory_space<vmem>>, vector<16xf32>,
          tpu.vector_store %arg22[%swap3A_842, %swap3A_843], %mul3A_841 {strides = array<i32>} : memref<48x128xf32, #tpu.memory_space<vmem>>, vector<16xf32>,
          %get3A_845 = arith.index_cast %add3A_826 : i32 to index
          %get3A_846 = arith.constant 32 : index
          %get3A_847 = tpu.vector_load %arg22[%get3A_845, %get3A_846] {strides = array<i32>} : memref<48x128xf32, #tpu.memory_space<vmem>>, vector<16xf32>,
          %mul3A_848 = arith.mulf %get3A_847, %gather3A_830 : vector<16xf32>
          %swap3A_849 = arith.index_cast %add3A_826 : i32 to index
          %swap3A_850 = arith.constant 32 : index
          %swap3A_851 = tpu.vector_load %arg22[%swap3A_849, %swap3A_850] {strides = array<i32>} : memref<48x128xf32, #tpu.memory_space<vmem>>, vector<16xf32>,
          tpu.vector_store %arg22[%swap3A_849, %swap3A_850], %mul3A_848 {strides = array<i32>} : memref<48x128xf32, #tpu.memory_space<vmem>>, vector<16xf32>,
          %get3A_852 = arith.index_cast %add3A_826 : i32 to index
          %get3A_853 = arith.constant 48 : index
          %get3A_854 = tpu.vector_load %arg22[%get3A_852, %get3A_853] {strides = array<i32>} : memref<48x128xf32, #tpu.memory_space<vmem>>, vector<16xf32>,
          %mul3A_855 = arith.mulf %get3A_854, %gather3A_830 : vector<16xf32>
          %swap3A_856 = arith.index_cast %add3A_826 : i32 to index
          %swap3A_857 = arith.constant 48 : index
          %swap3A_858 = tpu.vector_load %arg22[%swap3A_856, %swap3A_857] {strides = array<i32>} : memref<48x128xf32, #tpu.memory_space<vmem>>, vector<16xf32>,
          tpu.vector_store %arg22[%swap3A_856, %swap3A_857], %mul3A_855 {strides = array<i32>} : memref<48x128xf32, #tpu.memory_space<vmem>>, vector<16xf32>,
          %get3A_859 = arith.index_cast %add3A_826 : i32 to index
          %get3A_860 = arith.constant 64 : index
          %get3A_861 = tpu.vector_load %arg22[%get3A_859, %get3A_860] {strides = array<i32>} : memref<48x128xf32, #tpu.memory_space<vmem>>, vector<16xf32>,
          %mul3A_862 = arith.mulf %get3A_861, %gather3A_830 : vector<16xf32>
          %swap3A_863 = arith.index_cast %add3A_826 : i32 to index
          %swap3A_864 = arith.constant 64 : index
          %swap3A_865 = tpu.vector_load %arg22[%swap3A_863, %swap3A_864] {strides = array<i32>} : memref<48x128xf32, #tpu.memory_space<vmem>>, vector<16xf32>,
          tpu.vector_store %arg22[%swap3A_863, %swap3A_864], %mul3A_862 {strides = array<i32>} : memref<48x128xf32, #tpu.memory_space<vmem>>, vector<16xf32>,
          %get3A_866 = arith.index_cast %add3A_826 : i32 to index
          %get3A_867 = arith.constant 80 : index
          %get3A_868 = tpu.vector_load %arg22[%get3A_866, %get3A_867] {strides = array<i32>} : memref<48x128xf32, #tpu.memory_space<vmem>>, vector<16xf32>,
          %mul3A_869 = arith.mulf %get3A_868, %gather3A_830 : vector<16xf32>
          %swap3A_870 = arith.index_cast %add3A_826 : i32 to index
          %swap3A_871 = arith.constant 80 : index
          %swap3A_872 = tpu.vector_load %arg22[%swap3A_870, %swap3A_871] {strides = array<i32>} : memref<48x128xf32, #tpu.memory_space<vmem>>, vector<16xf32>,
          tpu.vector_store %arg22[%swap3A_870, %swap3A_871], %mul3A_869 {strides = array<i32>} : memref<48x128xf32, #tpu.memory_space<vmem>>, vector<16xf32>,
          %get3A_873 = arith.index_cast %add3A_826 : i32 to index
          %get3A_874 = arith.constant 96 : index
          %get3A_875 = tpu.vector_load %arg22[%get3A_873, %get3A_874] {strides = array<i32>} : memref<48x128xf32, #tpu.memory_space<vmem>>, vector<16xf32>,
          %mul3A_876 = arith.mulf %get3A_875, %gather3A_830 : vector<16xf32>
          %swap3A_877 = arith.index_cast %add3A_826 : i32 to index
          %swap3A_878 = arith.constant 96 : index
          %swap3A_879 = tpu.vector_load %arg22[%swap3A_877, %swap3A_878] {strides = array<i32>} : memref<48x128xf32, #tpu.memory_space<vmem>>, vector<16xf32>,
          tpu.vector_store %arg22[%swap3A_877, %swap3A_878], %mul3A_876 {strides = array<i32>} : memref<48x128xf32, #tpu.memory_space<vmem>>, vector<16xf32>,
          %get3A_880 = arith.index_cast %add3A_826 : i32 to index
          %get3A_881 = arith.constant 112 : index
          %get3A_882 = tpu.vector_load %arg22[%get3A_880, %get3A_881] {strides = array<i32>} : memref<48x128xf32, #tpu.memory_space<vmem>>, vector<16xf32>,
          %mul3A_883 = arith.mulf %get3A_882, %gather3A_830 : vector<16xf32>
          %swap3A_884 = arith.index_cast %add3A_826 : i32 to index
          %swap3A_885 = arith.constant 112 : index
          %swap3A_886 = tpu.vector_load %arg22[%swap3A_884, %swap3A_885] {strides = array<i32>} : memref<48x128xf32, #tpu.memory_space<vmem>>, vector<16xf32>,
          tpu.vector_store %arg22[%swap3A_884, %swap3A_885], %mul3A_883 {strides = array<i32>} : memref<48x128xf32, #tpu.memory_space<vmem>>, vector<16xf32>,
          %mul3A_887 = arith.constant 16 : i32
          %mul3A_888 = arith.muli %scan3A_119, %mul3A_887 : i32
          %add3A_889 = arith.constant 12 : i32
          %add3A_890 = arith.addi %mul3A_888, %add3A_889 : i32
          %add3A_891 = arith.addi %mul3A_83, %add3A_890 : i32
          %add3A_892 = vector.broadcast %add3A_891 : i32 to vector<16xi32>
          %add3A_893 = arith.addi %broadcast_in_dim3A_7, %add3A_892 : vector<16xi32>
          %gather3A_894 = tpu.vector_load_idx %arg20[%add3A_893] : memref<432xf32, #tpu.memory_space<vmem>>[vector<16xi32>], vector<16xf32>,
          %get3A_895 = arith.index_cast %add3A_890 : i32 to index
          %get3A_896 = arith.constant 0 : index
          %get3A_897 = tpu.vector_load %arg22[%get3A_895, %get3A_896] {strides = array<i32>} : memref<48x128xf32, #tpu.memory_space<vmem>>, vector<16xf32>,
          %mul3A_898 = arith.mulf %get3A_897, %gather3A_894 : vector<16xf32>
          %swap3A_899 = arith.index_cast %add3A_890 : i32 to index
          %swap3A_900 = arith.constant 0 : index
          %swap3A_901 = tpu.vector_load %arg22[%swap3A_899, %swap3A_900] {strides = array<i32>} : memref<48x128xf32, #tpu.memory_space<vmem>>, vector<16xf32>,
          tpu.vector_store %arg22[%swap3A_899, %swap3A_900], %mul3A_898 {strides = array<i32>} : memref<48x128xf32, #tpu.memory_space<vmem>>, vector<16xf32>,
          %get3A_902 = arith.index_cast %add3A_890 : i32 to index
          %get3A_903 = arith.constant 16 : index
          %get3A_904 = tpu.vector_load %arg22[%get3A_902, %get3A_903] {strides = array<i32>} : memref<48x128xf32, #tpu.memory_space<vmem>>, vector<16xf32>,
          %mul3A_905 = arith.mulf %get3A_904, %gather3A_894 : vector<16xf32>
          %swap3A_906 = arith.index_cast %add3A_890 : i32 to index
          %swap3A_907 = arith.constant 16 : index
          %swap3A_908 = tpu.vector_load %arg22[%swap3A_906, %swap3A_907] {strides = array<i32>} : memref<48x128xf32, #tpu.memory_space<vmem>>, vector<16xf32>,
          tpu.vector_store %arg22[%swap3A_906, %swap3A_907], %mul3A_905 {strides = array<i32>} : memref<48x128xf32, #tpu.memory_space<vmem>>, vector<16xf32>,
          %get3A_909 = arith.index_cast %add3A_890 : i32 to index
          %get3A_910 = arith.constant 32 : index
          %get3A_911 = tpu.vector_load %arg22[%get3A_909, %get3A_910] {strides = array<i32>} : memref<48x128xf32, #tpu.memory_space<vmem>>, vector<16xf32>,
          %mul3A_912 = arith.mulf %get3A_911, %gather3A_894 : vector<16xf32>
          %swap3A_913 = arith.index_cast %add3A_890 : i32 to index
          %swap3A_914 = arith.constant 32 : index
          %swap3A_915 = tpu.vector_load %arg22[%swap3A_913, %swap3A_914] {strides = array<i32>} : memref<48x128xf32, #tpu.memory_space<vmem>>, vector<16xf32>,
          tpu.vector_store %arg22[%swap3A_913, %swap3A_914], %mul3A_912 {strides = array<i32>} : memref<48x128xf32, #tpu.memory_space<vmem>>, vector<16xf32>,
          %get3A_916 = arith.index_cast %add3A_890 : i32 to index
          %get3A_917 = arith.constant 48 : index
          %get3A_918 = tpu.vector_load %arg22[%get3A_916, %get3A_917] {strides = array<i32>} : memref<48x128xf32, #tpu.memory_space<vmem>>, vector<16xf32>,
          %mul3A_919 = arith.mulf %get3A_918, %gather3A_894 : vector<16xf32>
          %swap3A_920 = arith.index_cast %add3A_890 : i32 to index
          %swap3A_921 = arith.constant 48 : index
          %swap3A_922 = tpu.vector_load %arg22[%swap3A_920, %swap3A_921] {strides = array<i32>} : memref<48x128xf32, #tpu.memory_space<vmem>>, vector<16xf32>,
          tpu.vector_store %arg22[%swap3A_920, %swap3A_921], %mul3A_919 {strides = array<i32>} : memref<48x128xf32, #tpu.memory_space<vmem>>, vector<16xf32>,
          %get3A_923 = arith.index_cast %add3A_890 : i32 to index
          %get3A_924 = arith.constant 64 : index
          %get3A_925 = tpu.vector_load %arg22[%get3A_923, %get3A_924] {strides = array<i32>} : memref<48x128xf32, #tpu.memory_space<vmem>>, vector<16xf32>,
          %mul3A_926 = arith.mulf %get3A_925, %gather3A_894 : vector<16xf32>
          %swap3A_927 = arith.index_cast %add3A_890 : i32 to index
          %swap3A_928 = arith.constant 64 : index
          %swap3A_929 = tpu.vector_load %arg22[%swap3A_927, %swap3A_928] {strides = array<i32>} : memref<48x128xf32, #tpu.memory_space<vmem>>, vector<16xf32>,
          tpu.vector_store %arg22[%swap3A_927, %swap3A_928], %mul3A_926 {strides = array<i32>} : memref<48x128xf32, #tpu.memory_space<vmem>>, vector<16xf32>,
          %get3A_930 = arith.index_cast %add3A_890 : i32 to index
          %get3A_931 = arith.constant 80 : index
          %get3A_932 = tpu.vector_load %arg22[%get3A_930, %get3A_931] {strides = array<i32>} : memref<48x128xf32, #tpu.memory_space<vmem>>, vector<16xf32>,
          %mul3A_933 = arith.mulf %get3A_932, %gather3A_894 : vector<16xf32>
          %swap3A_934 = arith.index_cast %add3A_890 : i32 to index
          %swap3A_935 = arith.constant 80 : index
          %swap3A_936 = tpu.vector_load %arg22[%swap3A_934, %swap3A_935] {strides = array<i32>} : memref<48x128xf32, #tpu.memory_space<vmem>>, vector<16xf32>,
          tpu.vector_store %arg22[%swap3A_934, %swap3A_935], %mul3A_933 {strides = array<i32>} : memref<48x128xf32, #tpu.memory_space<vmem>>, vector<16xf32>,
          %get3A_937 = arith.index_cast %add3A_890 : i32 to index
          %get3A_938 = arith.constant 96 : index
          %get3A_939 = tpu.vector_load %arg22[%get3A_937, %get3A_938] {strides = array<i32>} : memref<48x128xf32, #tpu.memory_space<vmem>>, vector<16xf32>,
          %mul3A_940 = arith.mulf %get3A_939, %gather3A_894 : vector<16xf32>
          %swap3A_941 = arith.index_cast %add3A_890 : i32 to index
          %swap3A_942 = arith.constant 96 : index
          %swap3A_943 = tpu.vector_load %arg22[%swap3A_941, %swap3A_942] {strides = array<i32>} : memref<48x128xf32, #tpu.memory_space<vmem>>, vector<16xf32>,
          tpu.vector_store %arg22[%swap3A_941, %swap3A_942], %mul3A_940 {strides = array<i32>} : memref<48x128xf32, #tpu.memory_space<vmem>>, vector<16xf32>,
          %get3A_944 = arith.index_cast %add3A_890 : i32 to index
          %get3A_945 = arith.constant 112 : index
          %get3A_946 = tpu.vector_load %arg22[%get3A_944, %get3A_945] {strides = array<i32>} : memref<48x128xf32, #tpu.memory_space<vmem>>, vector<16xf32>,
          %mul3A_947 = arith.mulf %get3A_946, %gather3A_894 : vector<16xf32>
          %swap3A_948 = arith.index_cast %add3A_890 : i32 to index
          %swap3A_949 = arith.constant 112 : index
          %swap3A_950 = tpu.vector_load %arg22[%swap3A_948, %swap3A_949] {strides = array<i32>} : memref<48x128xf32, #tpu.memory_space<vmem>>, vector<16xf32>,
          tpu.vector_store %arg22[%swap3A_948, %swap3A_949], %mul3A_947 {strides = array<i32>} : memref<48x128xf32, #tpu.memory_space<vmem>>, vector<16xf32>,
          %mul3A_951 = arith.constant 16 : i32
          %mul3A_952 = arith.muli %scan3A_119, %mul3A_951 : i32
          %add3A_953 = arith.constant 13 : i32
          %add3A_954 = arith.addi %mul3A_952, %add3A_953 : i32
          %add3A_955 = arith.addi %mul3A_83, %add3A_954 : i32
          %add3A_956 = vector.broadcast %add3A_955 : i32 to vector<16xi32>
          %add3A_957 = arith.addi %broadcast_in_dim3A_7, %add3A_956 : vector<16xi32>
          %gather3A_958 = tpu.vector_load_idx %arg20[%add3A_957] : memref<432xf32, #tpu.memory_space<vmem>>[vector<16xi32>], vector<16xf32>,
          %get3A_959 = arith.index_cast %add3A_954 : i32 to index
          %get3A_960 = arith.constant 0 : index
          %get3A_961 = tpu.vector_load %arg22[%get3A_959, %get3A_960] {strides = array<i32>} : memref<48x128xf32, #tpu.memory_space<vmem>>, vector<16xf32>,
          %mul3A_962 = arith.mulf %get3A_961, %gather3A_958 : vector<16xf32>
          %swap3A_963 = arith.index_cast %add3A_954 : i32 to index
          %swap3A_964 = arith.constant 0 : index
          %swap3A_965 = tpu.vector_load %arg22[%swap3A_963, %swap3A_964] {strides = array<i32>} : memref<48x128xf32, #tpu.memory_space<vmem>>, vector<16xf32>,
          tpu.vector_store %arg22[%swap3A_963, %swap3A_964], %mul3A_962 {strides = array<i32>} : memref<48x128xf32, #tpu.memory_space<vmem>>, vector<16xf32>,
          %get3A_966 = arith.index_cast %add3A_954 : i32 to index
          %get3A_967 = arith.constant 16 : index
          %get3A_968 = tpu.vector_load %arg22[%get3A_966, %get3A_967] {strides = array<i32>} : memref<48x128xf32, #tpu.memory_space<vmem>>, vector<16xf32>,
          %mul3A_969 = arith.mulf %get3A_968, %gather3A_958 : vector<16xf32>
          %swap3A_970 = arith.index_cast %add3A_954 : i32 to index
          %swap3A_971 = arith.constant 16 : index
          %swap3A_972 = tpu.vector_load %arg22[%swap3A_970, %swap3A_971] {strides = array<i32>} : memref<48x128xf32, #tpu.memory_space<vmem>>, vector<16xf32>,
          tpu.vector_store %arg22[%swap3A_970, %swap3A_971], %mul3A_969 {strides = array<i32>} : memref<48x128xf32, #tpu.memory_space<vmem>>, vector<16xf32>,
          %get3A_973 = arith.index_cast %add3A_954 : i32 to index
          %get3A_974 = arith.constant 32 : index
          %get3A_975 = tpu.vector_load %arg22[%get3A_973, %get3A_974] {strides = array<i32>} : memref<48x128xf32, #tpu.memory_space<vmem>>, vector<16xf32>,
          %mul3A_976 = arith.mulf %get3A_975, %gather3A_958 : vector<16xf32>
          %swap3A_977 = arith.index_cast %add3A_954 : i32 to index
          %swap3A_978 = arith.constant 32 : index
          %swap3A_979 = tpu.vector_load %arg22[%swap3A_977, %swap3A_978] {strides = array<i32>} : memref<48x128xf32, #tpu.memory_space<vmem>>, vector<16xf32>,
          tpu.vector_store %arg22[%swap3A_977, %swap3A_978], %mul3A_976 {strides = array<i32>} : memref<48x128xf32, #tpu.memory_space<vmem>>, vector<16xf32>,
          %get3A_980 = arith.index_cast %add3A_954 : i32 to index
          %get3A_981 = arith.constant 48 : index
          %get3A_982 = tpu.vector_load %arg22[%get3A_980, %get3A_981] {strides = array<i32>} : memref<48x128xf32, #tpu.memory_space<vmem>>, vector<16xf32>,
          %mul3A_983 = arith.mulf %get3A_982, %gather3A_958 : vector<16xf32>
          %swap3A_984 = arith.index_cast %add3A_954 : i32 to index
          %swap3A_985 = arith.constant 48 : index
          %swap3A_986 = tpu.vector_load %arg22[%swap3A_984, %swap3A_985] {strides = array<i32>} : memref<48x128xf32, #tpu.memory_space<vmem>>, vector<16xf32>,
          tpu.vector_store %arg22[%swap3A_984, %swap3A_985], %mul3A_983 {strides = array<i32>} : memref<48x128xf32, #tpu.memory_space<vmem>>, vector<16xf32>,
          %get3A_987 = arith.index_cast %add3A_954 : i32 to index
          %get3A_988 = arith.constant 64 : index
          %get3A_989 = tpu.vector_load %arg22[%get3A_987, %get3A_988] {strides = array<i32>} : memref<48x128xf32, #tpu.memory_space<vmem>>, vector<16xf32>,
          %mul3A_990 = arith.mulf %get3A_989, %gather3A_958 : vector<16xf32>
          %swap3A_991 = arith.index_cast %add3A_954 : i32 to index
          %swap3A_992 = arith.constant 64 : index
          %swap3A_993 = tpu.vector_load %arg22[%swap3A_991, %swap3A_992] {strides = array<i32>} : memref<48x128xf32, #tpu.memory_space<vmem>>, vector<16xf32>,
          tpu.vector_store %arg22[%swap3A_991, %swap3A_992], %mul3A_990 {strides = array<i32>} : memref<48x128xf32, #tpu.memory_space<vmem>>, vector<16xf32>,
          %get3A_994 = arith.index_cast %add3A_954 : i32 to index
          %get3A_995 = arith.constant 80 : index
          %get3A_996 = tpu.vector_load %arg22[%get3A_994, %get3A_995] {strides = array<i32>} : memref<48x128xf32, #tpu.memory_space<vmem>>, vector<16xf32>,
          %mul3A_997 = arith.mulf %get3A_996, %gather3A_958 : vector<16xf32>
          %swap3A_998 = arith.index_cast %add3A_954 : i32 to index
          %swap3A_999 = arith.constant 80 : index
          %swap3A_1000 = tpu.vector_load %arg22[%swap3A_998, %swap3A_999] {strides = array<i32>} : memref<48x128xf32, #tpu.memory_space<vmem>>, vector<16xf32>,
          tpu.vector_store %arg22[%swap3A_998, %swap3A_999], %mul3A_997 {strides = array<i32>} : memref<48x128xf32, #tpu.memory_space<vmem>>, vector<16xf32>,
          %get3A_1001 = arith.index_cast %add3A_954 : i32 to index
          %get3A_1002 = arith.constant 96 : index
          %get3A_1003 = tpu.vector_load %arg22[%get3A_1001, %get3A_1002] {strides = array<i32>} : memref<48x128xf32, #tpu.memory_space<vmem>>, vector<16xf32>,
          %mul3A_1004 = arith.mulf %get3A_1003, %gather3A_958 : vector<16xf32>
          %swap3A_1005 = arith.index_cast %add3A_954 : i32 to index
          %swap3A_1006 = arith.constant 96 : index
          %swap3A_1007 = tpu.vector_load %arg22[%swap3A_1005, %swap3A_1006] {strides = array<i32>} : memref<48x128xf32, #tpu.memory_space<vmem>>, vector<16xf32>,
          tpu.vector_store %arg22[%swap3A_1005, %swap3A_1006], %mul3A_1004 {strides = array<i32>} : memref<48x128xf32, #tpu.memory_space<vmem>>, vector<16xf32>,
          %get3A_1008 = arith.index_cast %add3A_954 : i32 to index
          %get3A_1009 = arith.constant 112 : index
          %get3A_1010 = tpu.vector_load %arg22[%get3A_1008, %get3A_1009] {strides = array<i32>} : memref<48x128xf32, #tpu.memory_space<vmem>>, vector<16xf32>,
          %mul3A_1011 = arith.mulf %get3A_1010, %gather3A_958 : vector<16xf32>
          %swap3A_1012 = arith.index_cast %add3A_954 : i32 to index
          %swap3A_1013 = arith.constant 112 : index
          %swap3A_1014 = tpu.vector_load %arg22[%swap3A_1012, %swap3A_1013] {strides = array<i32>} : memref<48x128xf32, #tpu.memory_space<vmem>>, vector<16xf32>,
          tpu.vector_store %arg22[%swap3A_1012, %swap3A_1013], %mul3A_1011 {strides = array<i32>} : memref<48x128xf32, #tpu.memory_space<vmem>>, vector<16xf32>,
          %mul3A_1015 = arith.constant 16 : i32
          %mul3A_1016 = arith.muli %scan3A_119, %mul3A_1015 : i32
          %add3A_1017 = arith.constant 14 : i32
          %add3A_1018 = arith.addi %mul3A_1016, %add3A_1017 : i32
          %add3A_1019 = arith.addi %mul3A_83, %add3A_1018 : i32
          %add3A_1020 = vector.broadcast %add3A_1019 : i32 to vector<16xi32>
          %add3A_1021 = arith.addi %broadcast_in_dim3A_7, %add3A_1020 : vector<16xi32>
          %gather3A_1022 = tpu.vector_load_idx %arg20[%add3A_1021] : memref<432xf32, #tpu.memory_space<vmem>>[vector<16xi32>], vector<16xf32>,
          %get3A_1023 = arith.index_cast %add3A_1018 : i32 to index
          %get3A_1024 = arith.constant 0 : index
          %get3A_1025 = tpu.vector_load %arg22[%get3A_1023, %get3A_1024] {strides = array<i32>} : memref<48x128xf32, #tpu.memory_space<vmem>>, vector<16xf32>,
          %mul3A_1026 = arith.mulf %get3A_1025, %gather3A_1022 : vector<16xf32>
          %swap3A_1027 = arith.index_cast %add3A_1018 : i32 to index
          %swap3A_1028 = arith.constant 0 : index
          %swap3A_1029 = tpu.vector_load %arg22[%swap3A_1027, %swap3A_1028] {strides = array<i32>} : memref<48x128xf32, #tpu.memory_space<vmem>>, vector<16xf32>,
          tpu.vector_store %arg22[%swap3A_1027, %swap3A_1028], %mul3A_1026 {strides = array<i32>} : memref<48x128xf32, #tpu.memory_space<vmem>>, vector<16xf32>,
          %get3A_1030 = arith.index_cast %add3A_1018 : i32 to index
          %get3A_1031 = arith.constant 16 : index
          %get3A_1032 = tpu.vector_load %arg22[%get3A_1030, %get3A_1031] {strides = array<i32>} : memref<48x128xf32, #tpu.memory_space<vmem>>, vector<16xf32>,
          %mul3A_1033 = arith.mulf %get3A_1032, %gather3A_1022 : vector<16xf32>
          %swap3A_1034 = arith.index_cast %add3A_1018 : i32 to index
          %swap3A_1035 = arith.constant 16 : index
          %swap3A_1036 = tpu.vector_load %arg22[%swap3A_1034, %swap3A_1035] {strides = array<i32>} : memref<48x128xf32, #tpu.memory_space<vmem>>, vector<16xf32>,
          tpu.vector_store %arg22[%swap3A_1034, %swap3A_1035], %mul3A_1033 {strides = array<i32>} : memref<48x128xf32, #tpu.memory_space<vmem>>, vector<16xf32>,
          %get3A_1037 = arith.index_cast %add3A_1018 : i32 to index
          %get3A_1038 = arith.constant 32 : index
          %get3A_1039 = tpu.vector_load %arg22[%get3A_1037, %get3A_1038] {strides = array<i32>} : memref<48x128xf32, #tpu.memory_space<vmem>>, vector<16xf32>,
          %mul3A_1040 = arith.mulf %get3A_1039, %gather3A_1022 : vector<16xf32>
          %swap3A_1041 = arith.index_cast %add3A_1018 : i32 to index
          %swap3A_1042 = arith.constant 32 : index
          %swap3A_1043 = tpu.vector_load %arg22[%swap3A_1041, %swap3A_1042] {strides = array<i32>} : memref<48x128xf32, #tpu.memory_space<vmem>>, vector<16xf32>,
          tpu.vector_store %arg22[%swap3A_1041, %swap3A_1042], %mul3A_1040 {strides = array<i32>} : memref<48x128xf32, #tpu.memory_space<vmem>>, vector<16xf32>,
          %get3A_1044 = arith.index_cast %add3A_1018 : i32 to index
          %get3A_1045 = arith.constant 48 : index
          %get3A_1046 = tpu.vector_load %arg22[%get3A_1044, %get3A_1045] {strides = array<i32>} : memref<48x128xf32, #tpu.memory_space<vmem>>, vector<16xf32>,
          %mul3A_1047 = arith.mulf %get3A_1046, %gather3A_1022 : vector<16xf32>
          %swap3A_1048 = arith.index_cast %add3A_1018 : i32 to index
          %swap3A_1049 = arith.constant 48 : index
          %swap3A_1050 = tpu.vector_load %arg22[%swap3A_1048, %swap3A_1049] {strides = array<i32>} : memref<48x128xf32, #tpu.memory_space<vmem>>, vector<16xf32>,
          tpu.vector_store %arg22[%swap3A_1048, %swap3A_1049], %mul3A_1047 {strides = array<i32>} : memref<48x128xf32, #tpu.memory_space<vmem>>, vector<16xf32>,
          %get3A_1051 = arith.index_cast %add3A_1018 : i32 to index
          %get3A_1052 = arith.constant 64 : index
          %get3A_1053 = tpu.vector_load %arg22[%get3A_1051, %get3A_1052] {strides = array<i32>} : memref<48x128xf32, #tpu.memory_space<vmem>>, vector<16xf32>,
          %mul3A_1054 = arith.mulf %get3A_1053, %gather3A_1022 : vector<16xf32>
          %swap3A_1055 = arith.index_cast %add3A_1018 : i32 to index
          %swap3A_1056 = arith.constant 64 : index
          %swap3A_1057 = tpu.vector_load %arg22[%swap3A_1055, %swap3A_1056] {strides = array<i32>} : memref<48x128xf32, #tpu.memory_space<vmem>>, vector<16xf32>,
          tpu.vector_store %arg22[%swap3A_1055, %swap3A_1056], %mul3A_1054 {strides = array<i32>} : memref<48x128xf32, #tpu.memory_space<vmem>>, vector<16xf32>,
          %get3A_1058 = arith.index_cast %add3A_1018 : i32 to index
          %get3A_1059 = arith.constant 80 : index
          %get3A_1060 = tpu.vector_load %arg22[%get3A_1058, %get3A_1059] {strides = array<i32>} : memref<48x128xf32, #tpu.memory_space<vmem>>, vector<16xf32>,
          %mul3A_1061 = arith.mulf %get3A_1060, %gather3A_1022 : vector<16xf32>
          %swap3A_1062 = arith.index_cast %add3A_1018 : i32 to index
          %swap3A_1063 = arith.constant 80 : index
          %swap3A_1064 = tpu.vector_load %arg22[%swap3A_1062, %swap3A_1063] {strides = array<i32>} : memref<48x128xf32, #tpu.memory_space<vmem>>, vector<16xf32>,
          tpu.vector_store %arg22[%swap3A_1062, %swap3A_1063], %mul3A_1061 {strides = array<i32>} : memref<48x128xf32, #tpu.memory_space<vmem>>, vector<16xf32>,
          %get3A_1065 = arith.index_cast %add3A_1018 : i32 to index
          %get3A_1066 = arith.constant 96 : index
          %get3A_1067 = tpu.vector_load %arg22[%get3A_1065, %get3A_1066] {strides = array<i32>} : memref<48x128xf32, #tpu.memory_space<vmem>>, vector<16xf32>,
          %mul3A_1068 = arith.mulf %get3A_1067, %gather3A_1022 : vector<16xf32>
          %swap3A_1069 = arith.index_cast %add3A_1018 : i32 to index
          %swap3A_1070 = arith.constant 96 : index
          %swap3A_1071 = tpu.vector_load %arg22[%swap3A_1069, %swap3A_1070] {strides = array<i32>} : memref<48x128xf32, #tpu.memory_space<vmem>>, vector<16xf32>,
          tpu.vector_store %arg22[%swap3A_1069, %swap3A_1070], %mul3A_1068 {strides = array<i32>} : memref<48x128xf32, #tpu.memory_space<vmem>>, vector<16xf32>,
          %get3A_1072 = arith.index_cast %add3A_1018 : i32 to index
          %get3A_1073 = arith.constant 112 : index
          %get3A_1074 = tpu.vector_load %arg22[%get3A_1072, %get3A_1073] {strides = array<i32>} : memref<48x128xf32, #tpu.memory_space<vmem>>, vector<16xf32>,
          %mul3A_1075 = arith.mulf %get3A_1074, %gather3A_1022 : vector<16xf32>
          %swap3A_1076 = arith.index_cast %add3A_1018 : i32 to index
          %swap3A_1077 = arith.constant 112 : index
          %swap3A_1078 = tpu.vector_load %arg22[%swap3A_1076, %swap3A_1077] {strides = array<i32>} : memref<48x128xf32, #tpu.memory_space<vmem>>, vector<16xf32>,
          tpu.vector_store %arg22[%swap3A_1076, %swap3A_1077], %mul3A_1075 {strides = array<i32>} : memref<48x128xf32, #tpu.memory_space<vmem>>, vector<16xf32>,
          %mul3A_1079 = arith.constant 16 : i32
          %mul3A_1080 = arith.muli %scan3A_119, %mul3A_1079 : i32
          %add3A_1081 = arith.constant 15 : i32
          %add3A_1082 = arith.addi %mul3A_1080, %add3A_1081 : i32
          %add3A_1083 = arith.addi %mul3A_83, %add3A_1082 : i32
          %add3A_1084 = vector.broadcast %add3A_1083 : i32 to vector<16xi32>
          %add3A_1085 = arith.addi %broadcast_in_dim3A_7, %add3A_1084 : vector<16xi32>
          %gather3A_1086 = tpu.vector_load_idx %arg20[%add3A_1085] : memref<432xf32, #tpu.memory_space<vmem>>[vector<16xi32>], vector<16xf32>,
          %get3A_1087 = arith.index_cast %add3A_1082 : i32 to index
          %get3A_1088 = arith.constant 0 : index
          %get3A_1089 = tpu.vector_load %arg22[%get3A_1087, %get3A_1088] {strides = array<i32>} : memref<48x128xf32, #tpu.memory_space<vmem>>, vector<16xf32>,
          %mul3A_1090 = arith.mulf %get3A_1089, %gather3A_1086 : vector<16xf32>
          %swap3A_1091 = arith.index_cast %add3A_1082 : i32 to index
          %swap3A_1092 = arith.constant 0 : index
          %swap3A_1093 = tpu.vector_load %arg22[%swap3A_1091, %swap3A_1092] {strides = array<i32>} : memref<48x128xf32, #tpu.memory_space<vmem>>, vector<16xf32>,
          tpu.vector_store %arg22[%swap3A_1091, %swap3A_1092], %mul3A_1090 {strides = array<i32>} : memref<48x128xf32, #tpu.memory_space<vmem>>, vector<16xf32>,
          %get3A_1094 = arith.index_cast %add3A_1082 : i32 to index
          %get3A_1095 = arith.constant 16 : index
          %get3A_1096 = tpu.vector_load %arg22[%get3A_1094, %get3A_1095] {strides = array<i32>} : memref<48x128xf32, #tpu.memory_space<vmem>>, vector<16xf32>,
          %mul3A_1097 = arith.mulf %get3A_1096, %gather3A_1086 : vector<16xf32>
          %swap3A_1098 = arith.index_cast %add3A_1082 : i32 to index
          %swap3A_1099 = arith.constant 16 : index
          %swap3A_1100 = tpu.vector_load %arg22[%swap3A_1098, %swap3A_1099] {strides = array<i32>} : memref<48x128xf32, #tpu.memory_space<vmem>>, vector<16xf32>,
          tpu.vector_store %arg22[%swap3A_1098, %swap3A_1099], %mul3A_1097 {strides = array<i32>} : memref<48x128xf32, #tpu.memory_space<vmem>>, vector<16xf32>,
          %get3A_1101 = arith.index_cast %add3A_1082 : i32 to index
          %get3A_1102 = arith.constant 32 : index
          %get3A_1103 = tpu.vector_load %arg22[%get3A_1101, %get3A_1102] {strides = array<i32>} : memref<48x128xf32, #tpu.memory_space<vmem>>, vector<16xf32>,
          %mul3A_1104 = arith.mulf %get3A_1103, %gather3A_1086 : vector<16xf32>
          %swap3A_1105 = arith.index_cast %add3A_1082 : i32 to index
          %swap3A_1106 = arith.constant 32 : index
          %swap3A_1107 = tpu.vector_load %arg22[%swap3A_1105, %swap3A_1106] {strides = array<i32>} : memref<48x128xf32, #tpu.memory_space<vmem>>, vector<16xf32>,
          tpu.vector_store %arg22[%swap3A_1105, %swap3A_1106], %mul3A_1104 {strides = array<i32>} : memref<48x128xf32, #tpu.memory_space<vmem>>, vector<16xf32>,
          %get3A_1108 = arith.index_cast %add3A_1082 : i32 to index
          %get3A_1109 = arith.constant 48 : index
          %get3A_1110 = tpu.vector_load %arg22[%get3A_1108, %get3A_1109] {strides = array<i32>} : memref<48x128xf32, #tpu.memory_space<vmem>>, vector<16xf32>,
          %mul3A_1111 = arith.mulf %get3A_1110, %gather3A_1086 : vector<16xf32>
          %swap3A_1112 = arith.index_cast %add3A_1082 : i32 to index
          %swap3A_1113 = arith.constant 48 : index
          %swap3A_1114 = tpu.vector_load %arg22[%swap3A_1112, %swap3A_1113] {strides = array<i32>} : memref<48x128xf32, #tpu.memory_space<vmem>>, vector<16xf32>,
          tpu.vector_store %arg22[%swap3A_1112, %swap3A_1113], %mul3A_1111 {strides = array<i32>} : memref<48x128xf32, #tpu.memory_space<vmem>>, vector<16xf32>,
          %get3A_1115 = arith.index_cast %add3A_1082 : i32 to index
          %get3A_1116 = arith.constant 64 : index
          %get3A_1117 = tpu.vector_load %arg22[%get3A_1115, %get3A_1116] {strides = array<i32>} : memref<48x128xf32, #tpu.memory_space<vmem>>, vector<16xf32>,
          %mul3A_1118 = arith.mulf %get3A_1117, %gather3A_1086 : vector<16xf32>
          %swap3A_1119 = arith.index_cast %add3A_1082 : i32 to index
          %swap3A_1120 = arith.constant 64 : index
          %swap3A_1121 = tpu.vector_load %arg22[%swap3A_1119, %swap3A_1120] {strides = array<i32>} : memref<48x128xf32, #tpu.memory_space<vmem>>, vector<16xf32>,
          tpu.vector_store %arg22[%swap3A_1119, %swap3A_1120], %mul3A_1118 {strides = array<i32>} : memref<48x128xf32, #tpu.memory_space<vmem>>, vector<16xf32>,
          %get3A_1122 = arith.index_cast %add3A_1082 : i32 to index
          %get3A_1123 = arith.constant 80 : index
          %get3A_1124 = tpu.vector_load %arg22[%get3A_1122, %get3A_1123] {strides = array<i32>} : memref<48x128xf32, #tpu.memory_space<vmem>>, vector<16xf32>,
          %mul3A_1125 = arith.mulf %get3A_1124, %gather3A_1086 : vector<16xf32>
          %swap3A_1126 = arith.index_cast %add3A_1082 : i32 to index
          %swap3A_1127 = arith.constant 80 : index
          %swap3A_1128 = tpu.vector_load %arg22[%swap3A_1126, %swap3A_1127] {strides = array<i32>} : memref<48x128xf32, #tpu.memory_space<vmem>>, vector<16xf32>,
          tpu.vector_store %arg22[%swap3A_1126, %swap3A_1127], %mul3A_1125 {strides = array<i32>} : memref<48x128xf32, #tpu.memory_space<vmem>>, vector<16xf32>,
          %get3A_1129 = arith.index_cast %add3A_1082 : i32 to index
          %get3A_1130 = arith.constant 96 : index
          %get3A_1131 = tpu.vector_load %arg22[%get3A_1129, %get3A_1130] {strides = array<i32>} : memref<48x128xf32, #tpu.memory_space<vmem>>, vector<16xf32>,
          %mul3A_1132 = arith.mulf %get3A_1131, %gather3A_1086 : vector<16xf32>
          %swap3A_1133 = arith.index_cast %add3A_1082 : i32 to index
          %swap3A_1134 = arith.constant 96 : index
          %swap3A_1135 = tpu.vector_load %arg22[%swap3A_1133, %swap3A_1134] {strides = array<i32>} : memref<48x128xf32, #tpu.memory_space<vmem>>, vector<16xf32>,
          tpu.vector_store %arg22[%swap3A_1133, %swap3A_1134], %mul3A_1132 {strides = array<i32>} : memref<48x128xf32, #tpu.memory_space<vmem>>, vector<16xf32>,
          %get3A_1136 = arith.index_cast %add3A_1082 : i32 to index
          %get3A_1137 = arith.constant 112 : index
          %get3A_1138 = tpu.vector_load %arg22[%get3A_1136, %get3A_1137] {strides = array<i32>} : memref<48x128xf32, #tpu.memory_space<vmem>>, vector<16xf32>,
          %mul3A_1139 = arith.mulf %get3A_1138, %gather3A_1086 : vector<16xf32>
          %swap3A_1140 = arith.index_cast %add3A_1082 : i32 to index
          %swap3A_1141 = arith.constant 112 : index
          %swap3A_1142 = tpu.vector_load %arg22[%swap3A_1140, %swap3A_1141] {strides = array<i32>} : memref<48x128xf32, #tpu.memory_space<vmem>>, vector<16xf32>,
          tpu.vector_store %arg22[%swap3A_1140, %swap3A_1141], %mul3A_1139 {strides = array<i32>} : memref<48x128xf32, #tpu.memory_space<vmem>>, vector<16xf32>,
        }
        %scan3A_118 = arith.constant 3 : i32
        %run_scoped3A = arith.constant 0 : i32
        "tpu.region"() ({
          %run_scoped3A_119 = tpu.sem_alloc : memref<!tpu.dma_semaphore, #tpu.memory_space<semaphore_mem>>
          %dma_start3A_120 = arith.constant 0 : i32
          %dma_start3A_121 = tpu.memref_slice %arg21[%run_scoped3A, %dma_start3A_120] : memref<1x48xi32, #tpu.memory_space<vmem>> -> memref<1x48xi32, #tpu.memory_space<vmem>>
          %dma_start3A_122 = tpu.memref_squeeze %dma_start3A_121 : memref<1x48xi32, #tpu.memory_space<vmem>> -> memref<48xi32, #tpu.memory_space<vmem>>
          %dma_start3A_123 = arith.constant 0 : i32
          %dma_start3A_124 = arith.constant 0 : i32
          %dma_start3A_125 = tpu.memref_slice %arg23[%dma_start3A_123, %dma_start3A_124] : memref<10000x128xf32, #tpu.memory_space<vmem_shared>> -> memref<10000x128xf32, #tpu.memory_space<vmem_shared>>
          tpu.enqueue_indirect_dma source(%arg22 : memref<48x128xf32, #tpu.memory_space<vmem>>) target(%dma_start3A_125 : memref<10000x128xf32, #tpu.memory_space<vmem_shared>>) offsets(%dma_start3A_122 : memref<48xi32, #tpu.memory_space<vmem>>) semaphore(%run_scoped3A_119 : memref<!tpu.dma_semaphore, #tpu.memory_space<semaphore_mem>>) {add = true}
          %dma_wait3A_126 = arith.constant 0 : i32
          %dma_wait3A_127 = tpu.memref_slice %arg21[%run_scoped3A, %dma_wait3A_126] : memref<1x48xi32, #tpu.memory_space<vmem>> -> memref<1x48xi32, #tpu.memory_space<vmem>>
          %dma_wait3A_128 = tpu.memref_squeeze %dma_wait3A_127 : memref<1x48xi32, #tpu.memory_space<vmem>> -> memref<48xi32, #tpu.memory_space<vmem>>
          %dma_wait3A_129 = arith.constant 0 : i32
          %dma_wait3A_130 = arith.constant 0 : i32
          %dma_wait3A_131 = tpu.memref_slice %arg23[%dma_wait3A_129, %dma_wait3A_130] : memref<10000x128xf32, #tpu.memory_space<vmem_shared>> -> memref<10000x128xf32, #tpu.memory_space<vmem_shared>>
          tpu.wait_indirect_dma semaphore(%run_scoped3A_119 : memref<!tpu.dma_semaphore, #tpu.memory_space<semaphore_mem>>) src(%arg22 : memref<48x128xf32, #tpu.memory_space<vmem>>) dst(%dma_wait3A_131 : memref<10000x128xf32, #tpu.memory_space<vmem_shared>>)
          tpu.yield
        }) : () -> ()
      }
      %while3A_80 = arith.constant 1 : i32
      scf.for %while3A_81 = %while3A_78 to %while3A_74 step %while3A_80  : i32 {
        %mul3A_82 = arith.constant 48 : i32
        %mul3A_83 = arith.muli %while3A_81, %mul3A_82 : i32
        %add3A_84 = arith.constant 0 : i32
        %add3A_85 = arith.addi %mul3A_83, %add3A_84 : i32
        %get3A = arith.index_cast %add3A_85 : i32 to index
        %get3A_86 = tpu.vector_load %arg19[%get3A] {strides = array<i32>} : memref<432xi32, #tpu.memory_space<vmem>>, vector<16xi32>,
        %swap3A_87 = arith.constant 0 : i32
        %swap3A_88 = arith.index_cast %swap3A_87 : i32 to index
        %swap3A_89 = arith.constant 0 : index
        %swap3A_90 = tpu.vector_load %arg21[%swap3A_88, %swap3A_89] {strides = array<i32>} : memref<1x48xi32, #tpu.memory_space<vmem>>, vector<16xi32>,
        tpu.vector_store %arg21[%swap3A_88, %swap3A_89], %get3A_86 {strides = array<i32>} : memref<1x48xi32, #tpu.memory_space<vmem>>, vector<16xi32>,
        %add3A_91 = arith.constant 16 : i32
        %add3A_92 = arith.addi %mul3A_83, %add3A_91 : i32
        %get3A_93 = arith.index_cast %add3A_92 : i32 to index
        %get3A_94 = tpu.vector_load %arg19[%get3A_93] {strides = array<i32>} : memref<432xi32, #tpu.memory_space<vmem>>, vector<16xi32>,
        %swap3A_95 = arith.constant 0 : i32
        %swap3A_96 = arith.index_cast %swap3A_95 : i32 to index
        %swap3A_97 = arith.constant 16 : index
        %swap3A_98 = tpu.vector_load %arg21[%swap3A_96, %swap3A_97] {strides = array<i32>} : memref<1x48xi32, #tpu.memory_space<vmem>>, vector<16xi32>,
        tpu.vector_store %arg21[%swap3A_96, %swap3A_97], %get3A_94 {strides = array<i32>} : memref<1x48xi32, #tpu.memory_space<vmem>>, vector<16xi32>,
        %add3A_99 = arith.constant 32 : i32
        %add3A_100 = arith.addi %mul3A_83, %add3A_99 : i32
        %get3A_101 = arith.index_cast %add3A_100 : i32 to index
        %get3A_102 = tpu.vector_load %arg19[%get3A_101] {strides = array<i32>} : memref<432xi32, #tpu.memory_space<vmem>>, vector<16xi32>,
        %swap3A_103 = arith.constant 0 : i32
        %swap3A_104 = arith.index_cast %swap3A_103 : i32 to index
        %swap3A_105 = arith.constant 32 : index
        %swap3A_106 = tpu.vector_load %arg21[%swap3A_104, %swap3A_105] {strides = array<i32>} : memref<1x48xi32, #tpu.memory_space<vmem>>, vector<16xi32>,
        tpu.vector_store %arg21[%swap3A_104, %swap3A_105], %get3A_102 {strides = array<i32>} : memref<1x48xi32, #tpu.memory_space<vmem>>, vector<16xi32>,
        %dma_start3A = tpu.memref_slice %arg18[%mul3A_83] : memref<432xi32, #tpu.memory_space<vmem>> -> memref<48xi32, #tpu.memory_space<vmem>>
        %dma_start3A_107 = arith.constant 0 : i32
        %dma_start3A_108 = arith.constant 0 : i32
        %dma_start3A_109 = tpu.memref_slice %arg7[%dma_start3A_107, %dma_start3A_108] : memref<10001x128xf32, #tpu.memory_space<hbm>> -> memref<10001x128xf32, #tpu.memory_space<hbm>>
        tpu.enqueue_indirect_dma source(%dma_start3A_109 : memref<10001x128xf32, #tpu.memory_space<hbm>>) target(%arg22 : memref<48x128xf32, #tpu.memory_space<vmem>>) offsets(%dma_start3A : memref<48xi32, #tpu.memory_space<vmem>>) semaphore(%arg24 : memref<!tpu.dma_semaphore, #tpu.memory_space<semaphore_mem>>)
        %dma_wait3A = tpu.memref_slice %arg18[%mul3A_83] : memref<432xi32, #tpu.memory_space<vmem>> -> memref<48xi32, #tpu.memory_space<vmem>>
        %dma_wait3A_110 = arith.constant 0 : i32
        %dma_wait3A_111 = arith.constant 0 : i32
        %dma_wait3A_112 = tpu.memref_slice %arg7[%dma_wait3A_110, %dma_wait3A_111] : memref<10001x128xf32, #tpu.memory_space<hbm>> -> memref<10001x128xf32, #tpu.memory_space<hbm>>
        tpu.wait_indirect_dma semaphore(%arg24 : memref<!tpu.dma_semaphore, #tpu.memory_space<semaphore_mem>>) src(%dma_wait3A_112 : memref<10001x128xf32, #tpu.memory_space<hbm>>) dst(%arg22 : memref<48x128xf32, #tpu.memory_space<vmem>>)
        %scan3A_113 = arith.constant 0 : i32
        %scan3A_114 = arith.constant 0 : i32
        %scan3A_115 = arith.constant 3 : i32
        %scan3A_116 = arith.addi %scan3A_114, %scan3A_115 : i32
        %scan3A_117 = arith.constant 1 : i32
        scf.for %scan3A_119 = %scan3A_114 to %scan3A_116 step %scan3A_117  : i32 {
          %mul3A_120 = arith.constant 16 : i32
          %mul3A_121 = arith.muli %scan3A_119, %mul3A_120 : i32
          %add3A_122 = arith.constant 0 : i32
          %add3A_123 = arith.addi %mul3A_121, %add3A_122 : i32
          %add3A_124 = arith.addi %mul3A_83, %add3A_123 : i32
          %add3A_125 = vector.broadcast %add3A_124 : i32 to vector<16xi32>
          %add3A_126 = arith.addi %broadcast_in_dim3A_7, %add3A_125 : vector<16xi32>
          %gather3A = tpu.vector_load_idx %arg20[%add3A_126] : memref<432xf32, #tpu.memory_space<vmem>>[vector<16xi32>], vector<16xf32>,
          %get3A_127 = arith.index_cast %add3A_123 : i32 to index
          %get3A_128 = arith.constant 0 : index
          %get3A_129 = tpu.vector_load %arg22[%get3A_127, %get3A_128] {strides = array<i32>} : memref<48x128xf32, #tpu.memory_space<vmem>>, vector<16xf32>,
          %mul3A_130 = arith.mulf %get3A_129, %gather3A : vector<16xf32>
          %swap3A_131 = arith.index_cast %add3A_123 : i32 to index
          %swap3A_132 = arith.constant 0 : index
          %swap3A_133 = tpu.vector_load %arg22[%swap3A_131, %swap3A_132] {strides = array<i32>} : memref<48x128xf32, #tpu.memory_space<vmem>>, vector<16xf32>,
          tpu.vector_store %arg22[%swap3A_131, %swap3A_132], %mul3A_130 {strides = array<i32>} : memref<48x128xf32, #tpu.memory_space<vmem>>, vector<16xf32>,
          %get3A_134 = arith.index_cast %add3A_123 : i32 to index
          %get3A_135 = arith.constant 16 : index
          %get3A_136 = tpu.vector_load %arg22[%get3A_134, %get3A_135] {strides = array<i32>} : memref<48x128xf32, #tpu.memory_space<vmem>>, vector<16xf32>,
          %mul3A_137 = arith.mulf %get3A_136, %gather3A : vector<16xf32>
          %swap3A_138 = arith.index_cast %add3A_123 : i32 to index
          %swap3A_139 = arith.constant 16 : index
          %swap3A_140 = tpu.vector_load %arg22[%swap3A_138, %swap3A_139] {strides = array<i32>} : memref<48x128xf32, #tpu.memory_space<vmem>>, vector<16xf32>,
          tpu.vector_store %arg22[%swap3A_138, %swap3A_139], %mul3A_137 {strides = array<i32>} : memref<48x128xf32, #tpu.memory_space<vmem>>, vector<16xf32>,
          %get3A_141 = arith.index_cast %add3A_123 : i32 to index
          %get3A_142 = arith.constant 32 : index
          %get3A_143 = tpu.vector_load %arg22[%get3A_141, %get3A_142] {strides = array<i32>} : memref<48x128xf32, #tpu.memory_space<vmem>>, vector<16xf32>,
          %mul3A_144 = arith.mulf %get3A_143, %gather3A : vector<16xf32>
          %swap3A_145 = arith.index_cast %add3A_123 : i32 to index
          %swap3A_146 = arith.constant 32 : index
          %swap3A_147 = tpu.vector_load %arg22[%swap3A_145, %swap3A_146] {strides = array<i32>} : memref<48x128xf32, #tpu.memory_space<vmem>>, vector<16xf32>,
          tpu.vector_store %arg22[%swap3A_145, %swap3A_146], %mul3A_144 {strides = array<i32>} : memref<48x128xf32, #tpu.memory_space<vmem>>, vector<16xf32>,
          %get3A_148 = arith.index_cast %add3A_123 : i32 to index
          %get3A_149 = arith.constant 48 : index
          %get3A_150 = tpu.vector_load %arg22[%get3A_148, %get3A_149] {strides = array<i32>} : memref<48x128xf32, #tpu.memory_space<vmem>>, vector<16xf32>,
          %mul3A_151 = arith.mulf %get3A_150, %gather3A : vector<16xf32>
          %swap3A_152 = arith.index_cast %add3A_123 : i32 to index
          %swap3A_153 = arith.constant 48 : index
          %swap3A_154 = tpu.vector_load %arg22[%swap3A_152, %swap3A_153] {strides = array<i32>} : memref<48x128xf32, #tpu.memory_space<vmem>>, vector<16xf32>,
          tpu.vector_store %arg22[%swap3A_152, %swap3A_153], %mul3A_151 {strides = array<i32>} : memref<48x128xf32, #tpu.memory_space<vmem>>, vector<16xf32>,
          %get3A_155 = arith.index_cast %add3A_123 : i32 to index
          %get3A_156 = arith.constant 64 : index
          %get3A_157 = tpu.vector_load %arg22[%get3A_155, %get3A_156] {strides = array<i32>} : memref<48x128xf32, #tpu.memory_space<vmem>>, vector<16xf32>,
          %mul3A_158 = arith.mulf %get3A_157, %gather3A : vector<16xf32>
          %swap3A_159 = arith.index_cast %add3A_123 : i32 to index
          %swap3A_160 = arith.constant 64 : index
          %swap3A_161 = tpu.vector_load %arg22[%swap3A_159, %swap3A_160] {strides = array<i32>} : memref<48x128xf32, #tpu.memory_space<vmem>>, vector<16xf32>,
          tpu.vector_store %arg22[%swap3A_159, %swap3A_160], %mul3A_158 {strides = array<i32>} : memref<48x128xf32, #tpu.memory_space<vmem>>, vector<16xf32>,
          %get3A_162 = arith.index_cast %add3A_123 : i32 to index
          %get3A_163 = arith.constant 80 : index
          %get3A_164 = tpu.vector_load %arg22[%get3A_162, %get3A_163] {strides = array<i32>} : memref<48x128xf32, #tpu.memory_space<vmem>>, vector<16xf32>,
          %mul3A_165 = arith.mulf %get3A_164, %gather3A : vector<16xf32>
          %swap3A_166 = arith.index_cast %add3A_123 : i32 to index
          %swap3A_167 = arith.constant 80 : index
          %swap3A_168 = tpu.vector_load %arg22[%swap3A_166, %swap3A_167] {strides = array<i32>} : memref<48x128xf32, #tpu.memory_space<vmem>>, vector<16xf32>,
          tpu.vector_store %arg22[%swap3A_166, %swap3A_167], %mul3A_165 {strides = array<i32>} : memref<48x128xf32, #tpu.memory_space<vmem>>, vector<16xf32>,
          %get3A_169 = arith.index_cast %add3A_123 : i32 to index
          %get3A_170 = arith.constant 96 : index
          %get3A_171 = tpu.vector_load %arg22[%get3A_169, %get3A_170] {strides = array<i32>} : memref<48x128xf32, #tpu.memory_space<vmem>>, vector<16xf32>,
          %mul3A_172 = arith.mulf %get3A_171, %gather3A : vector<16xf32>
          %swap3A_173 = arith.index_cast %add3A_123 : i32 to index
          %swap3A_174 = arith.constant 96 : index
          %swap3A_175 = tpu.vector_load %arg22[%swap3A_173, %swap3A_174] {strides = array<i32>} : memref<48x128xf32, #tpu.memory_space<vmem>>, vector<16xf32>,
          tpu.vector_store %arg22[%swap3A_173, %swap3A_174], %mul3A_172 {strides = array<i32>} : memref<48x128xf32, #tpu.memory_space<vmem>>, vector<16xf32>,
          %get3A_176 = arith.index_cast %add3A_123 : i32 to index
          %get3A_177 = arith.constant 112 : index
          %get3A_178 = tpu.vector_load %arg22[%get3A_176, %get3A_177] {strides = array<i32>} : memref<48x128xf32, #tpu.memory_space<vmem>>, vector<16xf32>,
          %mul3A_179 = arith.mulf %get3A_178, %gather3A : vector<16xf32>
          %swap3A_180 = arith.index_cast %add3A_123 : i32 to index
          %swap3A_181 = arith.constant 112 : index
          %swap3A_182 = tpu.vector_load %arg22[%swap3A_180, %swap3A_181] {strides = array<i32>} : memref<48x128xf32, #tpu.memory_space<vmem>>, vector<16xf32>,
          tpu.vector_store %arg22[%swap3A_180, %swap3A_181], %mul3A_179 {strides = array<i32>} : memref<48x128xf32, #tpu.memory_space<vmem>>, vector<16xf32>,
          %mul3A_183 = arith.constant 16 : i32
          %mul3A_184 = arith.muli %scan3A_119, %mul3A_183 : i32
          %add3A_185 = arith.constant 1 : i32
          %add3A_186 = arith.addi %mul3A_184, %add3A_185 : i32
          %add3A_187 = arith.addi %mul3A_83, %add3A_186 : i32
          %add3A_188 = vector.broadcast %add3A_187 : i32 to vector<16xi32>
          %add3A_189 = arith.addi %broadcast_in_dim3A_7, %add3A_188 : vector<16xi32>
          %gather3A_190 = tpu.vector_load_idx %arg20[%add3A_189] : memref<432xf32, #tpu.memory_space<vmem>>[vector<16xi32>], vector<16xf32>,
          %get3A_191 = arith.index_cast %add3A_186 : i32 to index
          %get3A_192 = arith.constant 0 : index
          %get3A_193 = tpu.vector_load %arg22[%get3A_191, %get3A_192] {strides = array<i32>} : memref<48x128xf32, #tpu.memory_space<vmem>>, vector<16xf32>,
          %mul3A_194 = arith.mulf %get3A_193, %gather3A_190 : vector<16xf32>
          %swap3A_195 = arith.index_cast %add3A_186 : i32 to index
          %swap3A_196 = arith.constant 0 : index
          %swap3A_197 = tpu.vector_load %arg22[%swap3A_195, %swap3A_196] {strides = array<i32>} : memref<48x128xf32, #tpu.memory_space<vmem>>, vector<16xf32>,
          tpu.vector_store %arg22[%swap3A_195, %swap3A_196], %mul3A_194 {strides = array<i32>} : memref<48x128xf32, #tpu.memory_space<vmem>>, vector<16xf32>,
          %get3A_198 = arith.index_cast %add3A_186 : i32 to index
          %get3A_199 = arith.constant 16 : index
          %get3A_200 = tpu.vector_load %arg22[%get3A_198, %get3A_199] {strides = array<i32>} : memref<48x128xf32, #tpu.memory_space<vmem>>, vector<16xf32>,
          %mul3A_201 = arith.mulf %get3A_200, %gather3A_190 : vector<16xf32>
          %swap3A_202 = arith.index_cast %add3A_186 : i32 to index
          %swap3A_203 = arith.constant 16 : index
          %swap3A_204 = tpu.vector_load %arg22[%swap3A_202, %swap3A_203] {strides = array<i32>} : memref<48x128xf32, #tpu.memory_space<vmem>>, vector<16xf32>,
          tpu.vector_store %arg22[%swap3A_202, %swap3A_203], %mul3A_201 {strides = array<i32>} : memref<48x128xf32, #tpu.memory_space<vmem>>, vector<16xf32>,
          %get3A_205 = arith.index_cast %add3A_186 : i32 to index
          %get3A_206 = arith.constant 32 : index
          %get3A_207 = tpu.vector_load %arg22[%get3A_205, %get3A_206] {strides = array<i32>} : memref<48x128xf32, #tpu.memory_space<vmem>>, vector<16xf32>,
          %mul3A_208 = arith.mulf %get3A_207, %gather3A_190 : vector<16xf32>
          %swap3A_209 = arith.index_cast %add3A_186 : i32 to index
          %swap3A_210 = arith.constant 32 : index
          %swap3A_211 = tpu.vector_load %arg22[%swap3A_209, %swap3A_210] {strides = array<i32>} : memref<48x128xf32, #tpu.memory_space<vmem>>, vector<16xf32>,
          tpu.vector_store %arg22[%swap3A_209, %swap3A_210], %mul3A_208 {strides = array<i32>} : memref<48x128xf32, #tpu.memory_space<vmem>>, vector<16xf32>,
          %get3A_212 = arith.index_cast %add3A_186 : i32 to index
          %get3A_213 = arith.constant 48 : index
          %get3A_214 = tpu.vector_load %arg22[%get3A_212, %get3A_213] {strides = array<i32>} : memref<48x128xf32, #tpu.memory_space<vmem>>, vector<16xf32>,
          %mul3A_215 = arith.mulf %get3A_214, %gather3A_190 : vector<16xf32>
          %swap3A_216 = arith.index_cast %add3A_186 : i32 to index
          %swap3A_217 = arith.constant 48 : index
          %swap3A_218 = tpu.vector_load %arg22[%swap3A_216, %swap3A_217] {strides = array<i32>} : memref<48x128xf32, #tpu.memory_space<vmem>>, vector<16xf32>,
          tpu.vector_store %arg22[%swap3A_216, %swap3A_217], %mul3A_215 {strides = array<i32>} : memref<48x128xf32, #tpu.memory_space<vmem>>, vector<16xf32>,
          %get3A_219 = arith.index_cast %add3A_186 : i32 to index
          %get3A_220 = arith.constant 64 : index
          %get3A_221 = tpu.vector_load %arg22[%get3A_219, %get3A_220] {strides = array<i32>} : memref<48x128xf32, #tpu.memory_space<vmem>>, vector<16xf32>,
          %mul3A_222 = arith.mulf %get3A_221, %gather3A_190 : vector<16xf32>
          %swap3A_223 = arith.index_cast %add3A_186 : i32 to index
          %swap3A_224 = arith.constant 64 : index
          %swap3A_225 = tpu.vector_load %arg22[%swap3A_223, %swap3A_224] {strides = array<i32>} : memref<48x128xf32, #tpu.memory_space<vmem>>, vector<16xf32>,
          tpu.vector_store %arg22[%swap3A_223, %swap3A_224], %mul3A_222 {strides = array<i32>} : memref<48x128xf32, #tpu.memory_space<vmem>>, vector<16xf32>,
          %get3A_226 = arith.index_cast %add3A_186 : i32 to index
          %get3A_227 = arith.constant 80 : index
          %get3A_228 = tpu.vector_load %arg22[%get3A_226, %get3A_227] {strides = array<i32>} : memref<48x128xf32, #tpu.memory_space<vmem>>, vector<16xf32>,
          %mul3A_229 = arith.mulf %get3A_228, %gather3A_190 : vector<16xf32>
          %swap3A_230 = arith.index_cast %add3A_186 : i32 to index
          %swap3A_231 = arith.constant 80 : index
          %swap3A_232 = tpu.vector_load %arg22[%swap3A_230, %swap3A_231] {strides = array<i32>} : memref<48x128xf32, #tpu.memory_space<vmem>>, vector<16xf32>,
          tpu.vector_store %arg22[%swap3A_230, %swap3A_231], %mul3A_229 {strides = array<i32>} : memref<48x128xf32, #tpu.memory_space<vmem>>, vector<16xf32>,
          %get3A_233 = arith.index_cast %add3A_186 : i32 to index
          %get3A_234 = arith.constant 96 : index
          %get3A_235 = tpu.vector_load %arg22[%get3A_233, %get3A_234] {strides = array<i32>} : memref<48x128xf32, #tpu.memory_space<vmem>>, vector<16xf32>,
          %mul3A_236 = arith.mulf %get3A_235, %gather3A_190 : vector<16xf32>
          %swap3A_237 = arith.index_cast %add3A_186 : i32 to index
          %swap3A_238 = arith.constant 96 : index
          %swap3A_239 = tpu.vector_load %arg22[%swap3A_237, %swap3A_238] {strides = array<i32>} : memref<48x128xf32, #tpu.memory_space<vmem>>, vector<16xf32>,
          tpu.vector_store %arg22[%swap3A_237, %swap3A_238], %mul3A_236 {strides = array<i32>} : memref<48x128xf32, #tpu.memory_space<vmem>>, vector<16xf32>,
          %get3A_240 = arith.index_cast %add3A_186 : i32 to index
          %get3A_241 = arith.constant 112 : index
          %get3A_242 = tpu.vector_load %arg22[%get3A_240, %get3A_241] {strides = array<i32>} : memref<48x128xf32, #tpu.memory_space<vmem>>, vector<16xf32>,
          %mul3A_243 = arith.mulf %get3A_242, %gather3A_190 : vector<16xf32>
          %swap3A_244 = arith.index_cast %add3A_186 : i32 to index
          %swap3A_245 = arith.constant 112 : index
          %swap3A_246 = tpu.vector_load %arg22[%swap3A_244, %swap3A_245] {strides = array<i32>} : memref<48x128xf32, #tpu.memory_space<vmem>>, vector<16xf32>,
          tpu.vector_store %arg22[%swap3A_244, %swap3A_245], %mul3A_243 {strides = array<i32>} : memref<48x128xf32, #tpu.memory_space<vmem>>, vector<16xf32>,
          %mul3A_247 = arith.constant 16 : i32
          %mul3A_248 = arith.muli %scan3A_119, %mul3A_247 : i32
          %add3A_249 = arith.constant 2 : i32
          %add3A_250 = arith.addi %mul3A_248, %add3A_249 : i32
          %add3A_251 = arith.addi %mul3A_83, %add3A_250 : i32
          %add3A_252 = vector.broadcast %add3A_251 : i32 to vector<16xi32>
          %add3A_253 = arith.addi %broadcast_in_dim3A_7, %add3A_252 : vector<16xi32>
          %gather3A_254 = tpu.vector_load_idx %arg20[%add3A_253] : memref<432xf32, #tpu.memory_space<vmem>>[vector<16xi32>], vector<16xf32>,
          %get3A_255 = arith.index_cast %add3A_250 : i32 to index
          %get3A_256 = arith.constant 0 : index
          %get3A_257 = tpu.vector_load %arg22[%get3A_255, %get3A_256] {strides = array<i32>} : memref<48x128xf32, #tpu.memory_space<vmem>>, vector<16xf32>,
          %mul3A_258 = arith.mulf %get3A_257, %gather3A_254 : vector<16xf32>
          %swap3A_259 = arith.index_cast %add3A_250 : i32 to index
          %swap3A_260 = arith.constant 0 : index
          %swap3A_261 = tpu.vector_load %arg22[%swap3A_259, %swap3A_260] {strides = array<i32>} : memref<48x128xf32, #tpu.memory_space<vmem>>, vector<16xf32>,
          tpu.vector_store %arg22[%swap3A_259, %swap3A_260], %mul3A_258 {strides = array<i32>} : memref<48x128xf32, #tpu.memory_space<vmem>>, vector<16xf32>,
          %get3A_262 = arith.index_cast %add3A_250 : i32 to index
          %get3A_263 = arith.constant 16 : index
          %get3A_264 = tpu.vector_load %arg22[%get3A_262, %get3A_263] {strides = array<i32>} : memref<48x128xf32, #tpu.memory_space<vmem>>, vector<16xf32>,
          %mul3A_265 = arith.mulf %get3A_264, %gather3A_254 : vector<16xf32>
          %swap3A_266 = arith.index_cast %add3A_250 : i32 to index
          %swap3A_267 = arith.constant 16 : index
          %swap3A_268 = tpu.vector_load %arg22[%swap3A_266, %swap3A_267] {strides = array<i32>} : memref<48x128xf32, #tpu.memory_space<vmem>>, vector<16xf32>,
          tpu.vector_store %arg22[%swap3A_266, %swap3A_267], %mul3A_265 {strides = array<i32>} : memref<48x128xf32, #tpu.memory_space<vmem>>, vector<16xf32>,
          %get3A_269 = arith.index_cast %add3A_250 : i32 to index
          %get3A_270 = arith.constant 32 : index
          %get3A_271 = tpu.vector_load %arg22[%get3A_269, %get3A_270] {strides = array<i32>} : memref<48x128xf32, #tpu.memory_space<vmem>>, vector<16xf32>,
          %mul3A_272 = arith.mulf %get3A_271, %gather3A_254 : vector<16xf32>
          %swap3A_273 = arith.index_cast %add3A_250 : i32 to index
          %swap3A_274 = arith.constant 32 : index
          %swap3A_275 = tpu.vector_load %arg22[%swap3A_273, %swap3A_274] {strides = array<i32>} : memref<48x128xf32, #tpu.memory_space<vmem>>, vector<16xf32>,
          tpu.vector_store %arg22[%swap3A_273, %swap3A_274], %mul3A_272 {strides = array<i32>} : memref<48x128xf32, #tpu.memory_space<vmem>>, vector<16xf32>,
          %get3A_276 = arith.index_cast %add3A_250 : i32 to index
          %get3A_277 = arith.constant 48 : index
          %get3A_278 = tpu.vector_load %arg22[%get3A_276, %get3A_277] {strides = array<i32>} : memref<48x128xf32, #tpu.memory_space<vmem>>, vector<16xf32>,
          %mul3A_279 = arith.mulf %get3A_278, %gather3A_254 : vector<16xf32>
          %swap3A_280 = arith.index_cast %add3A_250 : i32 to index
          %swap3A_281 = arith.constant 48 : index
          %swap3A_282 = tpu.vector_load %arg22[%swap3A_280, %swap3A_281] {strides = array<i32>} : memref<48x128xf32, #tpu.memory_space<vmem>>, vector<16xf32>,
          tpu.vector_store %arg22[%swap3A_280, %swap3A_281], %mul3A_279 {strides = array<i32>} : memref<48x128xf32, #tpu.memory_space<vmem>>, vector<16xf32>,
          %get3A_283 = arith.index_cast %add3A_250 : i32 to index
          %get3A_284 = arith.constant 64 : index
          %get3A_285 = tpu.vector_load %arg22[%get3A_283, %get3A_284] {strides = array<i32>} : memref<48x128xf32, #tpu.memory_space<vmem>>, vector<16xf32>,
          %mul3A_286 = arith.mulf %get3A_285, %gather3A_254 : vector<16xf32>
          %swap3A_287 = arith.index_cast %add3A_250 : i32 to index
          %swap3A_288 = arith.constant 64 : index
          %swap3A_289 = tpu.vector_load %arg22[%swap3A_287, %swap3A_288] {strides = array<i32>} : memref<48x128xf32, #tpu.memory_space<vmem>>, vector<16xf32>,
          tpu.vector_store %arg22[%swap3A_287, %swap3A_288], %mul3A_286 {strides = array<i32>} : memref<48x128xf32, #tpu.memory_space<vmem>>, vector<16xf32>,
          %get3A_290 = arith.index_cast %add3A_250 : i32 to index
          %get3A_291 = arith.constant 80 : index
          %get3A_292 = tpu.vector_load %arg22[%get3A_290, %get3A_291] {strides = array<i32>} : memref<48x128xf32, #tpu.memory_space<vmem>>, vector<16xf32>,
          %mul3A_293 = arith.mulf %get3A_292, %gather3A_254 : vector<16xf32>
          %swap3A_294 = arith.index_cast %add3A_250 : i32 to index
          %swap3A_295 = arith.constant 80 : index
          %swap3A_296 = tpu.vector_load %arg22[%swap3A_294, %swap3A_295] {strides = array<i32>} : memref<48x128xf32, #tpu.memory_space<vmem>>, vector<16xf32>,
          tpu.vector_store %arg22[%swap3A_294, %swap3A_295], %mul3A_293 {strides = array<i32>} : memref<48x128xf32, #tpu.memory_space<vmem>>, vector<16xf32>,
          %get3A_297 = arith.index_cast %add3A_250 : i32 to index
          %get3A_298 = arith.constant 96 : index
          %get3A_299 = tpu.vector_load %arg22[%get3A_297, %get3A_298] {strides = array<i32>} : memref<48x128xf32, #tpu.memory_space<vmem>>, vector<16xf32>,
          %mul3A_300 = arith.mulf %get3A_299, %gather3A_254 : vector<16xf32>
          %swap3A_301 = arith.index_cast %add3A_250 : i32 to index
          %swap3A_302 = arith.constant 96 : index
          %swap3A_303 = tpu.vector_load %arg22[%swap3A_301, %swap3A_302] {strides = array<i32>} : memref<48x128xf32, #tpu.memory_space<vmem>>, vector<16xf32>,
          tpu.vector_store %arg22[%swap3A_301, %swap3A_302], %mul3A_300 {strides = array<i32>} : memref<48x128xf32, #tpu.memory_space<vmem>>, vector<16xf32>,
          %get3A_304 = arith.index_cast %add3A_250 : i32 to index
          %get3A_305 = arith.constant 112 : index
          %get3A_306 = tpu.vector_load %arg22[%get3A_304, %get3A_305] {strides = array<i32>} : memref<48x128xf32, #tpu.memory_space<vmem>>, vector<16xf32>,
          %mul3A_307 = arith.mulf %get3A_306, %gather3A_254 : vector<16xf32>
          %swap3A_308 = arith.index_cast %add3A_250 : i32 to index
          %swap3A_309 = arith.constant 112 : index
          %swap3A_310 = tpu.vector_load %arg22[%swap3A_308, %swap3A_309] {strides = array<i32>} : memref<48x128xf32, #tpu.memory_space<vmem>>, vector<16xf32>,
          tpu.vector_store %arg22[%swap3A_308, %swap3A_309], %mul3A_307 {strides = array<i32>} : memref<48x128xf32, #tpu.memory_space<vmem>>, vector<16xf32>,
          %mul3A_311 = arith.constant 16 : i32
          %mul3A_312 = arith.muli %scan3A_119, %mul3A_311 : i32
          %add3A_313 = arith.constant 3 : i32
          %add3A_314 = arith.addi %mul3A_312, %add3A_313 : i32
          %add3A_315 = arith.addi %mul3A_83, %add3A_314 : i32
          %add3A_316 = vector.broadcast %add3A_315 : i32 to vector<16xi32>
          %add3A_317 = arith.addi %broadcast_in_dim3A_7, %add3A_316 : vector<16xi32>
          %gather3A_318 = tpu.vector_load_idx %arg20[%add3A_317] : memref<432xf32, #tpu.memory_space<vmem>>[vector<16xi32>], vector<16xf32>,
          %get3A_319 = arith.index_cast %add3A_314 : i32 to index
          %get3A_320 = arith.constant 0 : index
          %get3A_321 = tpu.vector_load %arg22[%get3A_319, %get3A_320] {strides = array<i32>} : memref<48x128xf32, #tpu.memory_space<vmem>>, vector<16xf32>,
          %mul3A_322 = arith.mulf %get3A_321, %gather3A_318 : vector<16xf32>
          %swap3A_323 = arith.index_cast %add3A_314 : i32 to index
          %swap3A_324 = arith.constant 0 : index
          %swap3A_325 = tpu.vector_load %arg22[%swap3A_323, %swap3A_324] {strides = array<i32>} : memref<48x128xf32, #tpu.memory_space<vmem>>, vector<16xf32>,
          tpu.vector_store %arg22[%swap3A_323, %swap3A_324], %mul3A_322 {strides = array<i32>} : memref<48x128xf32, #tpu.memory_space<vmem>>, vector<16xf32>,
          %get3A_326 = arith.index_cast %add3A_314 : i32 to index
          %get3A_327 = arith.constant 16 : index
          %get3A_328 = tpu.vector_load %arg22[%get3A_326, %get3A_327] {strides = array<i32>} : memref<48x128xf32, #tpu.memory_space<vmem>>, vector<16xf32>,
          %mul3A_329 = arith.mulf %get3A_328, %gather3A_318 : vector<16xf32>
          %swap3A_330 = arith.index_cast %add3A_314 : i32 to index
          %swap3A_331 = arith.constant 16 : index
          %swap3A_332 = tpu.vector_load %arg22[%swap3A_330, %swap3A_331] {strides = array<i32>} : memref<48x128xf32, #tpu.memory_space<vmem>>, vector<16xf32>,
          tpu.vector_store %arg22[%swap3A_330, %swap3A_331], %mul3A_329 {strides = array<i32>} : memref<48x128xf32, #tpu.memory_space<vmem>>, vector<16xf32>,
          %get3A_333 = arith.index_cast %add3A_314 : i32 to index
          %get3A_334 = arith.constant 32 : index
          %get3A_335 = tpu.vector_load %arg22[%get3A_333, %get3A_334] {strides = array<i32>} : memref<48x128xf32, #tpu.memory_space<vmem>>, vector<16xf32>,
          %mul3A_336 = arith.mulf %get3A_335, %gather3A_318 : vector<16xf32>
          %swap3A_337 = arith.index_cast %add3A_314 : i32 to index
          %swap3A_338 = arith.constant 32 : index
          %swap3A_339 = tpu.vector_load %arg22[%swap3A_337, %swap3A_338] {strides = array<i32>} : memref<48x128xf32, #tpu.memory_space<vmem>>, vector<16xf32>,
          tpu.vector_store %arg22[%swap3A_337, %swap3A_338], %mul3A_336 {strides = array<i32>} : memref<48x128xf32, #tpu.memory_space<vmem>>, vector<16xf32>,
          %get3A_340 = arith.index_cast %add3A_314 : i32 to index
          %get3A_341 = arith.constant 48 : index
          %get3A_342 = tpu.vector_load %arg22[%get3A_340, %get3A_341] {strides = array<i32>} : memref<48x128xf32, #tpu.memory_space<vmem>>, vector<16xf32>,
          %mul3A_343 = arith.mulf %get3A_342, %gather3A_318 : vector<16xf32>
          %swap3A_344 = arith.index_cast %add3A_314 : i32 to index
          %swap3A_345 = arith.constant 48 : index
          %swap3A_346 = tpu.vector_load %arg22[%swap3A_344, %swap3A_345] {strides = array<i32>} : memref<48x128xf32, #tpu.memory_space<vmem>>, vector<16xf32>,
          tpu.vector_store %arg22[%swap3A_344, %swap3A_345], %mul3A_343 {strides = array<i32>} : memref<48x128xf32, #tpu.memory_space<vmem>>, vector<16xf32>,
          %get3A_347 = arith.index_cast %add3A_314 : i32 to index
          %get3A_348 = arith.constant 64 : index
          %get3A_349 = tpu.vector_load %arg22[%get3A_347, %get3A_348] {strides = array<i32>} : memref<48x128xf32, #tpu.memory_space<vmem>>, vector<16xf32>,
          %mul3A_350 = arith.mulf %get3A_349, %gather3A_318 : vector<16xf32>
          %swap3A_351 = arith.index_cast %add3A_314 : i32 to index
          %swap3A_352 = arith.constant 64 : index
          %swap3A_353 = tpu.vector_load %arg22[%swap3A_351, %swap3A_352] {strides = array<i32>} : memref<48x128xf32, #tpu.memory_space<vmem>>, vector<16xf32>,
          tpu.vector_store %arg22[%swap3A_351, %swap3A_352], %mul3A_350 {strides = array<i32>} : memref<48x128xf32, #tpu.memory_space<vmem>>, vector<16xf32>,
          %get3A_354 = arith.index_cast %add3A_314 : i32 to index
          %get3A_355 = arith.constant 80 : index
          %get3A_356 = tpu.vector_load %arg22[%get3A_354, %get3A_355] {strides = array<i32>} : memref<48x128xf32, #tpu.memory_space<vmem>>, vector<16xf32>,
          %mul3A_357 = arith.mulf %get3A_356, %gather3A_318 : vector<16xf32>
          %swap3A_358 = arith.index_cast %add3A_314 : i32 to index
          %swap3A_359 = arith.constant 80 : index
          %swap3A_360 = tpu.vector_load %arg22[%swap3A_358, %swap3A_359] {strides = array<i32>} : memref<48x128xf32, #tpu.memory_space<vmem>>, vector<16xf32>,
          tpu.vector_store %arg22[%swap3A_358, %swap3A_359], %mul3A_357 {strides = array<i32>} : memref<48x128xf32, #tpu.memory_space<vmem>>, vector<16xf32>,
          %get3A_361 = arith.index_cast %add3A_314 : i32 to index
          %get3A_362 = arith.constant 96 : index
          %get3A_363 = tpu.vector_load %arg22[%get3A_361, %get3A_362] {strides = array<i32>} : memref<48x128xf32, #tpu.memory_space<vmem>>, vector<16xf32>,
          %mul3A_364 = arith.mulf %get3A_363, %gather3A_318 : vector<16xf32>
          %swap3A_365 = arith.index_cast %add3A_314 : i32 to index
          %swap3A_366 = arith.constant 96 : index
          %swap3A_367 = tpu.vector_load %arg22[%swap3A_365, %swap3A_366] {strides = array<i32>} : memref<48x128xf32, #tpu.memory_space<vmem>>, vector<16xf32>,
          tpu.vector_store %arg22[%swap3A_365, %swap3A_366], %mul3A_364 {strides = array<i32>} : memref<48x128xf32, #tpu.memory_space<vmem>>, vector<16xf32>,
          %get3A_368 = arith.index_cast %add3A_314 : i32 to index
          %get3A_369 = arith.constant 112 : index
          %get3A_370 = tpu.vector_load %arg22[%get3A_368, %get3A_369] {strides = array<i32>} : memref<48x128xf32, #tpu.memory_space<vmem>>, vector<16xf32>,
          %mul3A_371 = arith.mulf %get3A_370, %gather3A_318 : vector<16xf32>
          %swap3A_372 = arith.index_cast %add3A_314 : i32 to index
          %swap3A_373 = arith.constant 112 : index
          %swap3A_374 = tpu.vector_load %arg22[%swap3A_372, %swap3A_373] {strides = array<i32>} : memref<48x128xf32, #tpu.memory_space<vmem>>, vector<16xf32>,
          tpu.vector_store %arg22[%swap3A_372, %swap3A_373], %mul3A_371 {strides = array<i32>} : memref<48x128xf32, #tpu.memory_space<vmem>>, vector<16xf32>,
          %mul3A_375 = arith.constant 16 : i32
          %mul3A_376 = arith.muli %scan3A_119, %mul3A_375 : i32
          %add3A_377 = arith.constant 4 : i32
          %add3A_378 = arith.addi %mul3A_376, %add3A_377 : i32
          %add3A_379 = arith.addi %mul3A_83, %add3A_378 : i32
          %add3A_380 = vector.broadcast %add3A_379 : i32 to vector<16xi32>
          %add3A_381 = arith.addi %broadcast_in_dim3A_7, %add3A_380 : vector<16xi32>
          %gather3A_382 = tpu.vector_load_idx %arg20[%add3A_381] : memref<432xf32, #tpu.memory_space<vmem>>[vector<16xi32>], vector<16xf32>,
          %get3A_383 = arith.index_cast %add3A_378 : i32 to index
          %get3A_384 = arith.constant 0 : index
          %get3A_385 = tpu.vector_load %arg22[%get3A_383, %get3A_384] {strides = array<i32>} : memref<48x128xf32, #tpu.memory_space<vmem>>, vector<16xf32>,
          %mul3A_386 = arith.mulf %get3A_385, %gather3A_382 : vector<16xf32>
          %swap3A_387 = arith.index_cast %add3A_378 : i32 to index
          %swap3A_388 = arith.constant 0 : index
          %swap3A_389 = tpu.vector_load %arg22[%swap3A_387, %swap3A_388] {strides = array<i32>} : memref<48x128xf32, #tpu.memory_space<vmem>>, vector<16xf32>,
          tpu.vector_store %arg22[%swap3A_387, %swap3A_388], %mul3A_386 {strides = array<i32>} : memref<48x128xf32, #tpu.memory_space<vmem>>, vector<16xf32>,
          %get3A_390 = arith.index_cast %add3A_378 : i32 to index
          %get3A_391 = arith.constant 16 : index
          %get3A_392 = tpu.vector_load %arg22[%get3A_390, %get3A_391] {strides = array<i32>} : memref<48x128xf32, #tpu.memory_space<vmem>>, vector<16xf32>,
          %mul3A_393 = arith.mulf %get3A_392, %gather3A_382 : vector<16xf32>
          %swap3A_394 = arith.index_cast %add3A_378 : i32 to index
          %swap3A_395 = arith.constant 16 : index
          %swap3A_396 = tpu.vector_load %arg22[%swap3A_394, %swap3A_395] {strides = array<i32>} : memref<48x128xf32, #tpu.memory_space<vmem>>, vector<16xf32>,
          tpu.vector_store %arg22[%swap3A_394, %swap3A_395], %mul3A_393 {strides = array<i32>} : memref<48x128xf32, #tpu.memory_space<vmem>>, vector<16xf32>,
          %get3A_397 = arith.index_cast %add3A_378 : i32 to index
          %get3A_398 = arith.constant 32 : index
          %get3A_399 = tpu.vector_load %arg22[%get3A_397, %get3A_398] {strides = array<i32>} : memref<48x128xf32, #tpu.memory_space<vmem>>, vector<16xf32>,
          %mul3A_400 = arith.mulf %get3A_399, %gather3A_382 : vector<16xf32>
          %swap3A_401 = arith.index_cast %add3A_378 : i32 to index
          %swap3A_402 = arith.constant 32 : index
          %swap3A_403 = tpu.vector_load %arg22[%swap3A_401, %swap3A_402] {strides = array<i32>} : memref<48x128xf32, #tpu.memory_space<vmem>>, vector<16xf32>,
          tpu.vector_store %arg22[%swap3A_401, %swap3A_402], %mul3A_400 {strides = array<i32>} : memref<48x128xf32, #tpu.memory_space<vmem>>, vector<16xf32>,
          %get3A_404 = arith.index_cast %add3A_378 : i32 to index
          %get3A_405 = arith.constant 48 : index
          %get3A_406 = tpu.vector_load %arg22[%get3A_404, %get3A_405] {strides = array<i32>} : memref<48x128xf32, #tpu.memory_space<vmem>>, vector<16xf32>,
          %mul3A_407 = arith.mulf %get3A_406, %gather3A_382 : vector<16xf32>
          %swap3A_408 = arith.index_cast %add3A_378 : i32 to index
          %swap3A_409 = arith.constant 48 : index
          %swap3A_410 = tpu.vector_load %arg22[%swap3A_408, %swap3A_409] {strides = array<i32>} : memref<48x128xf32, #tpu.memory_space<vmem>>, vector<16xf32>,
          tpu.vector_store %arg22[%swap3A_408, %swap3A_409], %mul3A_407 {strides = array<i32>} : memref<48x128xf32, #tpu.memory_space<vmem>>, vector<16xf32>,
          %get3A_411 = arith.index_cast %add3A_378 : i32 to index
          %get3A_412 = arith.constant 64 : index
          %get3A_413 = tpu.vector_load %arg22[%get3A_411, %get3A_412] {strides = array<i32>} : memref<48x128xf32, #tpu.memory_space<vmem>>, vector<16xf32>,
          %mul3A_414 = arith.mulf %get3A_413, %gather3A_382 : vector<16xf32>
          %swap3A_415 = arith.index_cast %add3A_378 : i32 to index
          %swap3A_416 = arith.constant 64 : index
          %swap3A_417 = tpu.vector_load %arg22[%swap3A_415, %swap3A_416] {strides = array<i32>} : memref<48x128xf32, #tpu.memory_space<vmem>>, vector<16xf32>,
          tpu.vector_store %arg22[%swap3A_415, %swap3A_416], %mul3A_414 {strides = array<i32>} : memref<48x128xf32, #tpu.memory_space<vmem>>, vector<16xf32>,
          %get3A_418 = arith.index_cast %add3A_378 : i32 to index
          %get3A_419 = arith.constant 80 : index
          %get3A_420 = tpu.vector_load %arg22[%get3A_418, %get3A_419] {strides = array<i32>} : memref<48x128xf32, #tpu.memory_space<vmem>>, vector<16xf32>,
          %mul3A_421 = arith.mulf %get3A_420, %gather3A_382 : vector<16xf32>
          %swap3A_422 = arith.index_cast %add3A_378 : i32 to index
          %swap3A_423 = arith.constant 80 : index
          %swap3A_424 = tpu.vector_load %arg22[%swap3A_422, %swap3A_423] {strides = array<i32>} : memref<48x128xf32, #tpu.memory_space<vmem>>, vector<16xf32>,
          tpu.vector_store %arg22[%swap3A_422, %swap3A_423], %mul3A_421 {strides = array<i32>} : memref<48x128xf32, #tpu.memory_space<vmem>>, vector<16xf32>,
          %get3A_425 = arith.index_cast %add3A_378 : i32 to index
          %get3A_426 = arith.constant 96 : index
          %get3A_427 = tpu.vector_load %arg22[%get3A_425, %get3A_426] {strides = array<i32>} : memref<48x128xf32, #tpu.memory_space<vmem>>, vector<16xf32>,
          %mul3A_428 = arith.mulf %get3A_427, %gather3A_382 : vector<16xf32>
          %swap3A_429 = arith.index_cast %add3A_378 : i32 to index
          %swap3A_430 = arith.constant 96 : index
          %swap3A_431 = tpu.vector_load %arg22[%swap3A_429, %swap3A_430] {strides = array<i32>} : memref<48x128xf32, #tpu.memory_space<vmem>>, vector<16xf32>,
          tpu.vector_store %arg22[%swap3A_429, %swap3A_430], %mul3A_428 {strides = array<i32>} : memref<48x128xf32, #tpu.memory_space<vmem>>, vector<16xf32>,
          %get3A_432 = arith.index_cast %add3A_378 : i32 to index
          %get3A_433 = arith.constant 112 : index
          %get3A_434 = tpu.vector_load %arg22[%get3A_432, %get3A_433] {strides = array<i32>} : memref<48x128xf32, #tpu.memory_space<vmem>>, vector<16xf32>,
          %mul3A_435 = arith.mulf %get3A_434, %gather3A_382 : vector<16xf32>
          %swap3A_436 = arith.index_cast %add3A_378 : i32 to index
          %swap3A_437 = arith.constant 112 : index
          %swap3A_438 = tpu.vector_load %arg22[%swap3A_436, %swap3A_437] {strides = array<i32>} : memref<48x128xf32, #tpu.memory_space<vmem>>, vector<16xf32>,
          tpu.vector_store %arg22[%swap3A_436, %swap3A_437], %mul3A_435 {strides = array<i32>} : memref<48x128xf32, #tpu.memory_space<vmem>>, vector<16xf32>,
          %mul3A_439 = arith.constant 16 : i32
          %mul3A_440 = arith.muli %scan3A_119, %mul3A_439 : i32
          %add3A_441 = arith.constant 5 : i32
          %add3A_442 = arith.addi %mul3A_440, %add3A_441 : i32
          %add3A_443 = arith.addi %mul3A_83, %add3A_442 : i32
          %add3A_444 = vector.broadcast %add3A_443 : i32 to vector<16xi32>
          %add3A_445 = arith.addi %broadcast_in_dim3A_7, %add3A_444 : vector<16xi32>
          %gather3A_446 = tpu.vector_load_idx %arg20[%add3A_445] : memref<432xf32, #tpu.memory_space<vmem>>[vector<16xi32>], vector<16xf32>,
          %get3A_447 = arith.index_cast %add3A_442 : i32 to index
          %get3A_448 = arith.constant 0 : index
          %get3A_449 = tpu.vector_load %arg22[%get3A_447, %get3A_448] {strides = array<i32>} : memref<48x128xf32, #tpu.memory_space<vmem>>, vector<16xf32>,
          %mul3A_450 = arith.mulf %get3A_449, %gather3A_446 : vector<16xf32>
          %swap3A_451 = arith.index_cast %add3A_442 : i32 to index
          %swap3A_452 = arith.constant 0 : index
          %swap3A_453 = tpu.vector_load %arg22[%swap3A_451, %swap3A_452] {strides = array<i32>} : memref<48x128xf32, #tpu.memory_space<vmem>>, vector<16xf32>,
          tpu.vector_store %arg22[%swap3A_451, %swap3A_452], %mul3A_450 {strides = array<i32>} : memref<48x128xf32, #tpu.memory_space<vmem>>, vector<16xf32>,
          %get3A_454 = arith.index_cast %add3A_442 : i32 to index
          %get3A_455 = arith.constant 16 : index
          %get3A_456 = tpu.vector_load %arg22[%get3A_454, %get3A_455] {strides = array<i32>} : memref<48x128xf32, #tpu.memory_space<vmem>>, vector<16xf32>,
          %mul3A_457 = arith.mulf %get3A_456, %gather3A_446 : vector<16xf32>
          %swap3A_458 = arith.index_cast %add3A_442 : i32 to index
          %swap3A_459 = arith.constant 16 : index
          %swap3A_460 = tpu.vector_load %arg22[%swap3A_458, %swap3A_459] {strides = array<i32>} : memref<48x128xf32, #tpu.memory_space<vmem>>, vector<16xf32>,
          tpu.vector_store %arg22[%swap3A_458, %swap3A_459], %mul3A_457 {strides = array<i32>} : memref<48x128xf32, #tpu.memory_space<vmem>>, vector<16xf32>,
          %get3A_461 = arith.index_cast %add3A_442 : i32 to index
          %get3A_462 = arith.constant 32 : index
          %get3A_463 = tpu.vector_load %arg22[%get3A_461, %get3A_462] {strides = array<i32>} : memref<48x128xf32, #tpu.memory_space<vmem>>, vector<16xf32>,
          %mul3A_464 = arith.mulf %get3A_463, %gather3A_446 : vector<16xf32>
          %swap3A_465 = arith.index_cast %add3A_442 : i32 to index
          %swap3A_466 = arith.constant 32 : index
          %swap3A_467 = tpu.vector_load %arg22[%swap3A_465, %swap3A_466] {strides = array<i32>} : memref<48x128xf32, #tpu.memory_space<vmem>>, vector<16xf32>,
          tpu.vector_store %arg22[%swap3A_465, %swap3A_466], %mul3A_464 {strides = array<i32>} : memref<48x128xf32, #tpu.memory_space<vmem>>, vector<16xf32>,
          %get3A_468 = arith.index_cast %add3A_442 : i32 to index
          %get3A_469 = arith.constant 48 : index
          %get3A_470 = tpu.vector_load %arg22[%get3A_468, %get3A_469] {strides = array<i32>} : memref<48x128xf32, #tpu.memory_space<vmem>>, vector<16xf32>,
          %mul3A_471 = arith.mulf %get3A_470, %gather3A_446 : vector<16xf32>
          %swap3A_472 = arith.index_cast %add3A_442 : i32 to index
          %swap3A_473 = arith.constant 48 : index
          %swap3A_474 = tpu.vector_load %arg22[%swap3A_472, %swap3A_473] {strides = array<i32>} : memref<48x128xf32, #tpu.memory_space<vmem>>, vector<16xf32>,
          tpu.vector_store %arg22[%swap3A_472, %swap3A_473], %mul3A_471 {strides = array<i32>} : memref<48x128xf32, #tpu.memory_space<vmem>>, vector<16xf32>,
          %get3A_475 = arith.index_cast %add3A_442 : i32 to index
          %get3A_476 = arith.constant 64 : index
          %get3A_477 = tpu.vector_load %arg22[%get3A_475, %get3A_476] {strides = array<i32>} : memref<48x128xf32, #tpu.memory_space<vmem>>, vector<16xf32>,
          %mul3A_478 = arith.mulf %get3A_477, %gather3A_446 : vector<16xf32>
          %swap3A_479 = arith.index_cast %add3A_442 : i32 to index
          %swap3A_480 = arith.constant 64 : index
          %swap3A_481 = tpu.vector_load %arg22[%swap3A_479, %swap3A_480] {strides = array<i32>} : memref<48x128xf32, #tpu.memory_space<vmem>>, vector<16xf32>,
          tpu.vector_store %arg22[%swap3A_479, %swap3A_480], %mul3A_478 {strides = array<i32>} : memref<48x128xf32, #tpu.memory_space<vmem>>, vector<16xf32>,
          %get3A_482 = arith.index_cast %add3A_442 : i32 to index
          %get3A_483 = arith.constant 80 : index
          %get3A_484 = tpu.vector_load %arg22[%get3A_482, %get3A_483] {strides = array<i32>} : memref<48x128xf32, #tpu.memory_space<vmem>>, vector<16xf32>,
          %mul3A_485 = arith.mulf %get3A_484, %gather3A_446 : vector<16xf32>
          %swap3A_486 = arith.index_cast %add3A_442 : i32 to index
          %swap3A_487 = arith.constant 80 : index
          %swap3A_488 = tpu.vector_load %arg22[%swap3A_486, %swap3A_487] {strides = array<i32>} : memref<48x128xf32, #tpu.memory_space<vmem>>, vector<16xf32>,
          tpu.vector_store %arg22[%swap3A_486, %swap3A_487], %mul3A_485 {strides = array<i32>} : memref<48x128xf32, #tpu.memory_space<vmem>>, vector<16xf32>,
          %get3A_489 = arith.index_cast %add3A_442 : i32 to index
          %get3A_490 = arith.constant 96 : index
          %get3A_491 = tpu.vector_load %arg22[%get3A_489, %get3A_490] {strides = array<i32>} : memref<48x128xf32, #tpu.memory_space<vmem>>, vector<16xf32>,
          %mul3A_492 = arith.mulf %get3A_491, %gather3A_446 : vector<16xf32>
          %swap3A_493 = arith.index_cast %add3A_442 : i32 to index
          %swap3A_494 = arith.constant 96 : index
          %swap3A_495 = tpu.vector_load %arg22[%swap3A_493, %swap3A_494] {strides = array<i32>} : memref<48x128xf32, #tpu.memory_space<vmem>>, vector<16xf32>,
          tpu.vector_store %arg22[%swap3A_493, %swap3A_494], %mul3A_492 {strides = array<i32>} : memref<48x128xf32, #tpu.memory_space<vmem>>, vector<16xf32>,
          %get3A_496 = arith.index_cast %add3A_442 : i32 to index
          %get3A_497 = arith.constant 112 : index
          %get3A_498 = tpu.vector_load %arg22[%get3A_496, %get3A_497] {strides = array<i32>} : memref<48x128xf32, #tpu.memory_space<vmem>>, vector<16xf32>,
          %mul3A_499 = arith.mulf %get3A_498, %gather3A_446 : vector<16xf32>
          %swap3A_500 = arith.index_cast %add3A_442 : i32 to index
          %swap3A_501 = arith.constant 112 : index
          %swap3A_502 = tpu.vector_load %arg22[%swap3A_500, %swap3A_501] {strides = array<i32>} : memref<48x128xf32, #tpu.memory_space<vmem>>, vector<16xf32>,
          tpu.vector_store %arg22[%swap3A_500, %swap3A_501], %mul3A_499 {strides = array<i32>} : memref<48x128xf32, #tpu.memory_space<vmem>>, vector<16xf32>,
          %mul3A_503 = arith.constant 16 : i32
          %mul3A_504 = arith.muli %scan3A_119, %mul3A_503 : i32
          %add3A_505 = arith.constant 6 : i32
          %add3A_506 = arith.addi %mul3A_504, %add3A_505 : i32
          %add3A_507 = arith.addi %mul3A_83, %add3A_506 : i32
          %add3A_508 = vector.broadcast %add3A_507 : i32 to vector<16xi32>
          %add3A_509 = arith.addi %broadcast_in_dim3A_7, %add3A_508 : vector<16xi32>
          %gather3A_510 = tpu.vector_load_idx %arg20[%add3A_509] : memref<432xf32, #tpu.memory_space<vmem>>[vector<16xi32>], vector<16xf32>,
          %get3A_511 = arith.index_cast %add3A_506 : i32 to index
          %get3A_512 = arith.constant 0 : index
          %get3A_513 = tpu.vector_load %arg22[%get3A_511, %get3A_512] {strides = array<i32>} : memref<48x128xf32, #tpu.memory_space<vmem>>, vector<16xf32>,
          %mul3A_514 = arith.mulf %get3A_513, %gather3A_510 : vector<16xf32>
          %swap3A_515 = arith.index_cast %add3A_506 : i32 to index
          %swap3A_516 = arith.constant 0 : index
          %swap3A_517 = tpu.vector_load %arg22[%swap3A_515, %swap3A_516] {strides = array<i32>} : memref<48x128xf32, #tpu.memory_space<vmem>>, vector<16xf32>,
          tpu.vector_store %arg22[%swap3A_515, %swap3A_516], %mul3A_514 {strides = array<i32>} : memref<48x128xf32, #tpu.memory_space<vmem>>, vector<16xf32>,
          %get3A_518 = arith.index_cast %add3A_506 : i32 to index
          %get3A_519 = arith.constant 16 : index
          %get3A_520 = tpu.vector_load %arg22[%get3A_518, %get3A_519] {strides = array<i32>} : memref<48x128xf32, #tpu.memory_space<vmem>>, vector<16xf32>,
          %mul3A_521 = arith.mulf %get3A_520, %gather3A_510 : vector<16xf32>
          %swap3A_522 = arith.index_cast %add3A_506 : i32 to index
          %swap3A_523 = arith.constant 16 : index
          %swap3A_524 = tpu.vector_load %arg22[%swap3A_522, %swap3A_523] {strides = array<i32>} : memref<48x128xf32, #tpu.memory_space<vmem>>, vector<16xf32>,
          tpu.vector_store %arg22[%swap3A_522, %swap3A_523], %mul3A_521 {strides = array<i32>} : memref<48x128xf32, #tpu.memory_space<vmem>>, vector<16xf32>,
          %get3A_525 = arith.index_cast %add3A_506 : i32 to index
          %get3A_526 = arith.constant 32 : index
          %get3A_527 = tpu.vector_load %arg22[%get3A_525, %get3A_526] {strides = array<i32>} : memref<48x128xf32, #tpu.memory_space<vmem>>, vector<16xf32>,
          %mul3A_528 = arith.mulf %get3A_527, %gather3A_510 : vector<16xf32>
          %swap3A_529 = arith.index_cast %add3A_506 : i32 to index
          %swap3A_530 = arith.constant 32 : index
          %swap3A_531 = tpu.vector_load %arg22[%swap3A_529, %swap3A_530] {strides = array<i32>} : memref<48x128xf32, #tpu.memory_space<vmem>>, vector<16xf32>,
          tpu.vector_store %arg22[%swap3A_529, %swap3A_530], %mul3A_528 {strides = array<i32>} : memref<48x128xf32, #tpu.memory_space<vmem>>, vector<16xf32>,
          %get3A_532 = arith.index_cast %add3A_506 : i32 to index
          %get3A_533 = arith.constant 48 : index
          %get3A_534 = tpu.vector_load %arg22[%get3A_532, %get3A_533] {strides = array<i32>} : memref<48x128xf32, #tpu.memory_space<vmem>>, vector<16xf32>,
          %mul3A_535 = arith.mulf %get3A_534, %gather3A_510 : vector<16xf32>
          %swap3A_536 = arith.index_cast %add3A_506 : i32 to index
          %swap3A_537 = arith.constant 48 : index
          %swap3A_538 = tpu.vector_load %arg22[%swap3A_536, %swap3A_537] {strides = array<i32>} : memref<48x128xf32, #tpu.memory_space<vmem>>, vector<16xf32>,
          tpu.vector_store %arg22[%swap3A_536, %swap3A_537], %mul3A_535 {strides = array<i32>} : memref<48x128xf32, #tpu.memory_space<vmem>>, vector<16xf32>,
          %get3A_539 = arith.index_cast %add3A_506 : i32 to index
          %get3A_540 = arith.constant 64 : index
          %get3A_541 = tpu.vector_load %arg22[%get3A_539, %get3A_540] {strides = array<i32>} : memref<48x128xf32, #tpu.memory_space<vmem>>, vector<16xf32>,
          %mul3A_542 = arith.mulf %get3A_541, %gather3A_510 : vector<16xf32>
          %swap3A_543 = arith.index_cast %add3A_506 : i32 to index
          %swap3A_544 = arith.constant 64 : index
          %swap3A_545 = tpu.vector_load %arg22[%swap3A_543, %swap3A_544] {strides = array<i32>} : memref<48x128xf32, #tpu.memory_space<vmem>>, vector<16xf32>,
          tpu.vector_store %arg22[%swap3A_543, %swap3A_544], %mul3A_542 {strides = array<i32>} : memref<48x128xf32, #tpu.memory_space<vmem>>, vector<16xf32>,
          %get3A_546 = arith.index_cast %add3A_506 : i32 to index
          %get3A_547 = arith.constant 80 : index
          %get3A_548 = tpu.vector_load %arg22[%get3A_546, %get3A_547] {strides = array<i32>} : memref<48x128xf32, #tpu.memory_space<vmem>>, vector<16xf32>,
          %mul3A_549 = arith.mulf %get3A_548, %gather3A_510 : vector<16xf32>
          %swap3A_550 = arith.index_cast %add3A_506 : i32 to index
          %swap3A_551 = arith.constant 80 : index
          %swap3A_552 = tpu.vector_load %arg22[%swap3A_550, %swap3A_551] {strides = array<i32>} : memref<48x128xf32, #tpu.memory_space<vmem>>, vector<16xf32>,
          tpu.vector_store %arg22[%swap3A_550, %swap3A_551], %mul3A_549 {strides = array<i32>} : memref<48x128xf32, #tpu.memory_space<vmem>>, vector<16xf32>,
          %get3A_553 = arith.index_cast %add3A_506 : i32 to index
          %get3A_554 = arith.constant 96 : index
          %get3A_555 = tpu.vector_load %arg22[%get3A_553, %get3A_554] {strides = array<i32>} : memref<48x128xf32, #tpu.memory_space<vmem>>, vector<16xf32>,
          %mul3A_556 = arith.mulf %get3A_555, %gather3A_510 : vector<16xf32>
          %swap3A_557 = arith.index_cast %add3A_506 : i32 to index
          %swap3A_558 = arith.constant 96 : index
          %swap3A_559 = tpu.vector_load %arg22[%swap3A_557, %swap3A_558] {strides = array<i32>} : memref<48x128xf32, #tpu.memory_space<vmem>>, vector<16xf32>,
          tpu.vector_store %arg22[%swap3A_557, %swap3A_558], %mul3A_556 {strides = array<i32>} : memref<48x128xf32, #tpu.memory_space<vmem>>, vector<16xf32>,
          %get3A_560 = arith.index_cast %add3A_506 : i32 to index
          %get3A_561 = arith.constant 112 : index
          %get3A_562 = tpu.vector_load %arg22[%get3A_560, %get3A_561] {strides = array<i32>} : memref<48x128xf32, #tpu.memory_space<vmem>>, vector<16xf32>,
          %mul3A_563 = arith.mulf %get3A_562, %gather3A_510 : vector<16xf32>
          %swap3A_564 = arith.index_cast %add3A_506 : i32 to index
          %swap3A_565 = arith.constant 112 : index
          %swap3A_566 = tpu.vector_load %arg22[%swap3A_564, %swap3A_565] {strides = array<i32>} : memref<48x128xf32, #tpu.memory_space<vmem>>, vector<16xf32>,
          tpu.vector_store %arg22[%swap3A_564, %swap3A_565], %mul3A_563 {strides = array<i32>} : memref<48x128xf32, #tpu.memory_space<vmem>>, vector<16xf32>,
          %mul3A_567 = arith.constant 16 : i32
          %mul3A_568 = arith.muli %scan3A_119, %mul3A_567 : i32
          %add3A_569 = arith.constant 7 : i32
          %add3A_570 = arith.addi %mul3A_568, %add3A_569 : i32
          %add3A_571 = arith.addi %mul3A_83, %add3A_570 : i32
          %add3A_572 = vector.broadcast %add3A_571 : i32 to vector<16xi32>
          %add3A_573 = arith.addi %broadcast_in_dim3A_7, %add3A_572 : vector<16xi32>
          %gather3A_574 = tpu.vector_load_idx %arg20[%add3A_573] : memref<432xf32, #tpu.memory_space<vmem>>[vector<16xi32>], vector<16xf32>,
          %get3A_575 = arith.index_cast %add3A_570 : i32 to index
          %get3A_576 = arith.constant 0 : index
          %get3A_577 = tpu.vector_load %arg22[%get3A_575, %get3A_576] {strides = array<i32>} : memref<48x128xf32, #tpu.memory_space<vmem>>, vector<16xf32>,
          %mul3A_578 = arith.mulf %get3A_577, %gather3A_574 : vector<16xf32>
          %swap3A_579 = arith.index_cast %add3A_570 : i32 to index
          %swap3A_580 = arith.constant 0 : index
          %swap3A_581 = tpu.vector_load %arg22[%swap3A_579, %swap3A_580] {strides = array<i32>} : memref<48x128xf32, #tpu.memory_space<vmem>>, vector<16xf32>,
          tpu.vector_store %arg22[%swap3A_579, %swap3A_580], %mul3A_578 {strides = array<i32>} : memref<48x128xf32, #tpu.memory_space<vmem>>, vector<16xf32>,
          %get3A_582 = arith.index_cast %add3A_570 : i32 to index
          %get3A_583 = arith.constant 16 : index
          %get3A_584 = tpu.vector_load %arg22[%get3A_582, %get3A_583] {strides = array<i32>} : memref<48x128xf32, #tpu.memory_space<vmem>>, vector<16xf32>,
          %mul3A_585 = arith.mulf %get3A_584, %gather3A_574 : vector<16xf32>
          %swap3A_586 = arith.index_cast %add3A_570 : i32 to index
          %swap3A_587 = arith.constant 16 : index
          %swap3A_588 = tpu.vector_load %arg22[%swap3A_586, %swap3A_587] {strides = array<i32>} : memref<48x128xf32, #tpu.memory_space<vmem>>, vector<16xf32>,
          tpu.vector_store %arg22[%swap3A_586, %swap3A_587], %mul3A_585 {strides = array<i32>} : memref<48x128xf32, #tpu.memory_space<vmem>>, vector<16xf32>,
          %get3A_589 = arith.index_cast %add3A_570 : i32 to index
          %get3A_590 = arith.constant 32 : index
          %get3A_591 = tpu.vector_load %arg22[%get3A_589, %get3A_590] {strides = array<i32>} : memref<48x128xf32, #tpu.memory_space<vmem>>, vector<16xf32>,
          %mul3A_592 = arith.mulf %get3A_591, %gather3A_574 : vector<16xf32>
          %swap3A_593 = arith.index_cast %add3A_570 : i32 to index
          %swap3A_594 = arith.constant 32 : index
          %swap3A_595 = tpu.vector_load %arg22[%swap3A_593, %swap3A_594] {strides = array<i32>} : memref<48x128xf32, #tpu.memory_space<vmem>>, vector<16xf32>,
          tpu.vector_store %arg22[%swap3A_593, %swap3A_594], %mul3A_592 {strides = array<i32>} : memref<48x128xf32, #tpu.memory_space<vmem>>, vector<16xf32>,
          %get3A_596 = arith.index_cast %add3A_570 : i32 to index
          %get3A_597 = arith.constant 48 : index
          %get3A_598 = tpu.vector_load %arg22[%get3A_596, %get3A_597] {strides = array<i32>} : memref<48x128xf32, #tpu.memory_space<vmem>>, vector<16xf32>,
          %mul3A_599 = arith.mulf %get3A_598, %gather3A_574 : vector<16xf32>
          %swap3A_600 = arith.index_cast %add3A_570 : i32 to index
          %swap3A_601 = arith.constant 48 : index
          %swap3A_602 = tpu.vector_load %arg22[%swap3A_600, %swap3A_601] {strides = array<i32>} : memref<48x128xf32, #tpu.memory_space<vmem>>, vector<16xf32>,
          tpu.vector_store %arg22[%swap3A_600, %swap3A_601], %mul3A_599 {strides = array<i32>} : memref<48x128xf32, #tpu.memory_space<vmem>>, vector<16xf32>,
          %get3A_603 = arith.index_cast %add3A_570 : i32 to index
          %get3A_604 = arith.constant 64 : index
          %get3A_605 = tpu.vector_load %arg22[%get3A_603, %get3A_604] {strides = array<i32>} : memref<48x128xf32, #tpu.memory_space<vmem>>, vector<16xf32>,
          %mul3A_606 = arith.mulf %get3A_605, %gather3A_574 : vector<16xf32>
          %swap3A_607 = arith.index_cast %add3A_570 : i32 to index
          %swap3A_608 = arith.constant 64 : index
          %swap3A_609 = tpu.vector_load %arg22[%swap3A_607, %swap3A_608] {strides = array<i32>} : memref<48x128xf32, #tpu.memory_space<vmem>>, vector<16xf32>,
          tpu.vector_store %arg22[%swap3A_607, %swap3A_608], %mul3A_606 {strides = array<i32>} : memref<48x128xf32, #tpu.memory_space<vmem>>, vector<16xf32>,
          %get3A_610 = arith.index_cast %add3A_570 : i32 to index
          %get3A_611 = arith.constant 80 : index
          %get3A_612 = tpu.vector_load %arg22[%get3A_610, %get3A_611] {strides = array<i32>} : memref<48x128xf32, #tpu.memory_space<vmem>>, vector<16xf32>,
          %mul3A_613 = arith.mulf %get3A_612, %gather3A_574 : vector<16xf32>
          %swap3A_614 = arith.index_cast %add3A_570 : i32 to index
          %swap3A_615 = arith.constant 80 : index
          %swap3A_616 = tpu.vector_load %arg22[%swap3A_614, %swap3A_615] {strides = array<i32>} : memref<48x128xf32, #tpu.memory_space<vmem>>, vector<16xf32>,
          tpu.vector_store %arg22[%swap3A_614, %swap3A_615], %mul3A_613 {strides = array<i32>} : memref<48x128xf32, #tpu.memory_space<vmem>>, vector<16xf32>,
          %get3A_617 = arith.index_cast %add3A_570 : i32 to index
          %get3A_618 = arith.constant 96 : index
          %get3A_619 = tpu.vector_load %arg22[%get3A_617, %get3A_618] {strides = array<i32>} : memref<48x128xf32, #tpu.memory_space<vmem>>, vector<16xf32>,
          %mul3A_620 = arith.mulf %get3A_619, %gather3A_574 : vector<16xf32>
          %swap3A_621 = arith.index_cast %add3A_570 : i32 to index
          %swap3A_622 = arith.constant 96 : index
          %swap3A_623 = tpu.vector_load %arg22[%swap3A_621, %swap3A_622] {strides = array<i32>} : memref<48x128xf32, #tpu.memory_space<vmem>>, vector<16xf32>,
          tpu.vector_store %arg22[%swap3A_621, %swap3A_622], %mul3A_620 {strides = array<i32>} : memref<48x128xf32, #tpu.memory_space<vmem>>, vector<16xf32>,
          %get3A_624 = arith.index_cast %add3A_570 : i32 to index
          %get3A_625 = arith.constant 112 : index
          %get3A_626 = tpu.vector_load %arg22[%get3A_624, %get3A_625] {strides = array<i32>} : memref<48x128xf32, #tpu.memory_space<vmem>>, vector<16xf32>,
          %mul3A_627 = arith.mulf %get3A_626, %gather3A_574 : vector<16xf32>
          %swap3A_628 = arith.index_cast %add3A_570 : i32 to index
          %swap3A_629 = arith.constant 112 : index
          %swap3A_630 = tpu.vector_load %arg22[%swap3A_628, %swap3A_629] {strides = array<i32>} : memref<48x128xf32, #tpu.memory_space<vmem>>, vector<16xf32>,
          tpu.vector_store %arg22[%swap3A_628, %swap3A_629], %mul3A_627 {strides = array<i32>} : memref<48x128xf32, #tpu.memory_space<vmem>>, vector<16xf32>,
          %mul3A_631 = arith.constant 16 : i32
          %mul3A_632 = arith.muli %scan3A_119, %mul3A_631 : i32
          %add3A_633 = arith.constant 8 : i32
          %add3A_634 = arith.addi %mul3A_632, %add3A_633 : i32
          %add3A_635 = arith.addi %mul3A_83, %add3A_634 : i32
          %add3A_636 = vector.broadcast %add3A_635 : i32 to vector<16xi32>
          %add3A_637 = arith.addi %broadcast_in_dim3A_7, %add3A_636 : vector<16xi32>
          %gather3A_638 = tpu.vector_load_idx %arg20[%add3A_637] : memref<432xf32, #tpu.memory_space<vmem>>[vector<16xi32>], vector<16xf32>,
          %get3A_639 = arith.index_cast %add3A_634 : i32 to index
          %get3A_640 = arith.constant 0 : index
          %get3A_641 = tpu.vector_load %arg22[%get3A_639, %get3A_640] {strides = array<i32>} : memref<48x128xf32, #tpu.memory_space<vmem>>, vector<16xf32>,
          %mul3A_642 = arith.mulf %get3A_641, %gather3A_638 : vector<16xf32>
          %swap3A_643 = arith.index_cast %add3A_634 : i32 to index
          %swap3A_644 = arith.constant 0 : index
          %swap3A_645 = tpu.vector_load %arg22[%swap3A_643, %swap3A_644] {strides = array<i32>} : memref<48x128xf32, #tpu.memory_space<vmem>>, vector<16xf32>,
          tpu.vector_store %arg22[%swap3A_643, %swap3A_644], %mul3A_642 {strides = array<i32>} : memref<48x128xf32, #tpu.memory_space<vmem>>, vector<16xf32>,
          %get3A_646 = arith.index_cast %add3A_634 : i32 to index
          %get3A_647 = arith.constant 16 : index
          %get3A_648 = tpu.vector_load %arg22[%get3A_646, %get3A_647] {strides = array<i32>} : memref<48x128xf32, #tpu.memory_space<vmem>>, vector<16xf32>,
          %mul3A_649 = arith.mulf %get3A_648, %gather3A_638 : vector<16xf32>
          %swap3A_650 = arith.index_cast %add3A_634 : i32 to index
          %swap3A_651 = arith.constant 16 : index
          %swap3A_652 = tpu.vector_load %arg22[%swap3A_650, %swap3A_651] {strides = array<i32>} : memref<48x128xf32, #tpu.memory_space<vmem>>, vector<16xf32>,
          tpu.vector_store %arg22[%swap3A_650, %swap3A_651], %mul3A_649 {strides = array<i32>} : memref<48x128xf32, #tpu.memory_space<vmem>>, vector<16xf32>,
          %get3A_653 = arith.index_cast %add3A_634 : i32 to index
          %get3A_654 = arith.constant 32 : index
          %get3A_655 = tpu.vector_load %arg22[%get3A_653, %get3A_654] {strides = array<i32>} : memref<48x128xf32, #tpu.memory_space<vmem>>, vector<16xf32>,
          %mul3A_656 = arith.mulf %get3A_655, %gather3A_638 : vector<16xf32>
          %swap3A_657 = arith.index_cast %add3A_634 : i32 to index
          %swap3A_658 = arith.constant 32 : index
          %swap3A_659 = tpu.vector_load %arg22[%swap3A_657, %swap3A_658] {strides = array<i32>} : memref<48x128xf32, #tpu.memory_space<vmem>>, vector<16xf32>,
          tpu.vector_store %arg22[%swap3A_657, %swap3A_658], %mul3A_656 {strides = array<i32>} : memref<48x128xf32, #tpu.memory_space<vmem>>, vector<16xf32>,
          %get3A_660 = arith.index_cast %add3A_634 : i32 to index
          %get3A_661 = arith.constant 48 : index
          %get3A_662 = tpu.vector_load %arg22[%get3A_660, %get3A_661] {strides = array<i32>} : memref<48x128xf32, #tpu.memory_space<vmem>>, vector<16xf32>,
          %mul3A_663 = arith.mulf %get3A_662, %gather3A_638 : vector<16xf32>
          %swap3A_664 = arith.index_cast %add3A_634 : i32 to index
          %swap3A_665 = arith.constant 48 : index
          %swap3A_666 = tpu.vector_load %arg22[%swap3A_664, %swap3A_665] {strides = array<i32>} : memref<48x128xf32, #tpu.memory_space<vmem>>, vector<16xf32>,
          tpu.vector_store %arg22[%swap3A_664, %swap3A_665], %mul3A_663 {strides = array<i32>} : memref<48x128xf32, #tpu.memory_space<vmem>>, vector<16xf32>,
          %get3A_667 = arith.index_cast %add3A_634 : i32 to index
          %get3A_668 = arith.constant 64 : index
          %get3A_669 = tpu.vector_load %arg22[%get3A_667, %get3A_668] {strides = array<i32>} : memref<48x128xf32, #tpu.memory_space<vmem>>, vector<16xf32>,
          %mul3A_670 = arith.mulf %get3A_669, %gather3A_638 : vector<16xf32>
          %swap3A_671 = arith.index_cast %add3A_634 : i32 to index
          %swap3A_672 = arith.constant 64 : index
          %swap3A_673 = tpu.vector_load %arg22[%swap3A_671, %swap3A_672] {strides = array<i32>} : memref<48x128xf32, #tpu.memory_space<vmem>>, vector<16xf32>,
          tpu.vector_store %arg22[%swap3A_671, %swap3A_672], %mul3A_670 {strides = array<i32>} : memref<48x128xf32, #tpu.memory_space<vmem>>, vector<16xf32>,
          %get3A_674 = arith.index_cast %add3A_634 : i32 to index
          %get3A_675 = arith.constant 80 : index
          %get3A_676 = tpu.vector_load %arg22[%get3A_674, %get3A_675] {strides = array<i32>} : memref<48x128xf32, #tpu.memory_space<vmem>>, vector<16xf32>,
          %mul3A_677 = arith.mulf %get3A_676, %gather3A_638 : vector<16xf32>
          %swap3A_678 = arith.index_cast %add3A_634 : i32 to index
          %swap3A_679 = arith.constant 80 : index
          %swap3A_680 = tpu.vector_load %arg22[%swap3A_678, %swap3A_679] {strides = array<i32>} : memref<48x128xf32, #tpu.memory_space<vmem>>, vector<16xf32>,
          tpu.vector_store %arg22[%swap3A_678, %swap3A_679], %mul3A_677 {strides = array<i32>} : memref<48x128xf32, #tpu.memory_space<vmem>>, vector<16xf32>,
          %get3A_681 = arith.index_cast %add3A_634 : i32 to index
          %get3A_682 = arith.constant 96 : index
          %get3A_683 = tpu.vector_load %arg22[%get3A_681, %get3A_682] {strides = array<i32>} : memref<48x128xf32, #tpu.memory_space<vmem>>, vector<16xf32>,
          %mul3A_684 = arith.mulf %get3A_683, %gather3A_638 : vector<16xf32>
          %swap3A_685 = arith.index_cast %add3A_634 : i32 to index
          %swap3A_686 = arith.constant 96 : index
          %swap3A_687 = tpu.vector_load %arg22[%swap3A_685, %swap3A_686] {strides = array<i32>} : memref<48x128xf32, #tpu.memory_space<vmem>>, vector<16xf32>,
          tpu.vector_store %arg22[%swap3A_685, %swap3A_686], %mul3A_684 {strides = array<i32>} : memref<48x128xf32, #tpu.memory_space<vmem>>, vector<16xf32>,
          %get3A_688 = arith.index_cast %add3A_634 : i32 to index
          %get3A_689 = arith.constant 112 : index
          %get3A_690 = tpu.vector_load %arg22[%get3A_688, %get3A_689] {strides = array<i32>} : memref<48x128xf32, #tpu.memory_space<vmem>>, vector<16xf32>,
          %mul3A_691 = arith.mulf %get3A_690, %gather3A_638 : vector<16xf32>
          %swap3A_692 = arith.index_cast %add3A_634 : i32 to index
          %swap3A_693 = arith.constant 112 : index
          %swap3A_694 = tpu.vector_load %arg22[%swap3A_692, %swap3A_693] {strides = array<i32>} : memref<48x128xf32, #tpu.memory_space<vmem>>, vector<16xf32>,
          tpu.vector_store %arg22[%swap3A_692, %swap3A_693], %mul3A_691 {strides = array<i32>} : memref<48x128xf32, #tpu.memory_space<vmem>>, vector<16xf32>,
          %mul3A_695 = arith.constant 16 : i32
          %mul3A_696 = arith.muli %scan3A_119, %mul3A_695 : i32
          %add3A_697 = arith.constant 9 : i32
          %add3A_698 = arith.addi %mul3A_696, %add3A_697 : i32
          %add3A_699 = arith.addi %mul3A_83, %add3A_698 : i32
          %add3A_700 = vector.broadcast %add3A_699 : i32 to vector<16xi32>
          %add3A_701 = arith.addi %broadcast_in_dim3A_7, %add3A_700 : vector<16xi32>
          %gather3A_702 = tpu.vector_load_idx %arg20[%add3A_701] : memref<432xf32, #tpu.memory_space<vmem>>[vector<16xi32>], vector<16xf32>,
          %get3A_703 = arith.index_cast %add3A_698 : i32 to index
          %get3A_704 = arith.constant 0 : index
          %get3A_705 = tpu.vector_load %arg22[%get3A_703, %get3A_704] {strides = array<i32>} : memref<48x128xf32, #tpu.memory_space<vmem>>, vector<16xf32>,
          %mul3A_706 = arith.mulf %get3A_705, %gather3A_702 : vector<16xf32>
          %swap3A_707 = arith.index_cast %add3A_698 : i32 to index
          %swap3A_708 = arith.constant 0 : index
          %swap3A_709 = tpu.vector_load %arg22[%swap3A_707, %swap3A_708] {strides = array<i32>} : memref<48x128xf32, #tpu.memory_space<vmem>>, vector<16xf32>,
          tpu.vector_store %arg22[%swap3A_707, %swap3A_708], %mul3A_706 {strides = array<i32>} : memref<48x128xf32, #tpu.memory_space<vmem>>, vector<16xf32>,
          %get3A_710 = arith.index_cast %add3A_698 : i32 to index
          %get3A_711 = arith.constant 16 : index
          %get3A_712 = tpu.vector_load %arg22[%get3A_710, %get3A_711] {strides = array<i32>} : memref<48x128xf32, #tpu.memory_space<vmem>>, vector<16xf32>,
          %mul3A_713 = arith.mulf %get3A_712, %gather3A_702 : vector<16xf32>
          %swap3A_714 = arith.index_cast %add3A_698 : i32 to index
          %swap3A_715 = arith.constant 16 : index
          %swap3A_716 = tpu.vector_load %arg22[%swap3A_714, %swap3A_715] {strides = array<i32>} : memref<48x128xf32, #tpu.memory_space<vmem>>, vector<16xf32>,
          tpu.vector_store %arg22[%swap3A_714, %swap3A_715], %mul3A_713 {strides = array<i32>} : memref<48x128xf32, #tpu.memory_space<vmem>>, vector<16xf32>,
          %get3A_717 = arith.index_cast %add3A_698 : i32 to index
          %get3A_718 = arith.constant 32 : index
          %get3A_719 = tpu.vector_load %arg22[%get3A_717, %get3A_718] {strides = array<i32>} : memref<48x128xf32, #tpu.memory_space<vmem>>, vector<16xf32>,
          %mul3A_720 = arith.mulf %get3A_719, %gather3A_702 : vector<16xf32>
          %swap3A_721 = arith.index_cast %add3A_698 : i32 to index
          %swap3A_722 = arith.constant 32 : index
          %swap3A_723 = tpu.vector_load %arg22[%swap3A_721, %swap3A_722] {strides = array<i32>} : memref<48x128xf32, #tpu.memory_space<vmem>>, vector<16xf32>,
          tpu.vector_store %arg22[%swap3A_721, %swap3A_722], %mul3A_720 {strides = array<i32>} : memref<48x128xf32, #tpu.memory_space<vmem>>, vector<16xf32>,
          %get3A_724 = arith.index_cast %add3A_698 : i32 to index
          %get3A_725 = arith.constant 48 : index
          %get3A_726 = tpu.vector_load %arg22[%get3A_724, %get3A_725] {strides = array<i32>} : memref<48x128xf32, #tpu.memory_space<vmem>>, vector<16xf32>,
          %mul3A_727 = arith.mulf %get3A_726, %gather3A_702 : vector<16xf32>
          %swap3A_728 = arith.index_cast %add3A_698 : i32 to index
          %swap3A_729 = arith.constant 48 : index
          %swap3A_730 = tpu.vector_load %arg22[%swap3A_728, %swap3A_729] {strides = array<i32>} : memref<48x128xf32, #tpu.memory_space<vmem>>, vector<16xf32>,
          tpu.vector_store %arg22[%swap3A_728, %swap3A_729], %mul3A_727 {strides = array<i32>} : memref<48x128xf32, #tpu.memory_space<vmem>>, vector<16xf32>,
          %get3A_731 = arith.index_cast %add3A_698 : i32 to index
          %get3A_732 = arith.constant 64 : index
          %get3A_733 = tpu.vector_load %arg22[%get3A_731, %get3A_732] {strides = array<i32>} : memref<48x128xf32, #tpu.memory_space<vmem>>, vector<16xf32>,
          %mul3A_734 = arith.mulf %get3A_733, %gather3A_702 : vector<16xf32>
          %swap3A_735 = arith.index_cast %add3A_698 : i32 to index
          %swap3A_736 = arith.constant 64 : index
          %swap3A_737 = tpu.vector_load %arg22[%swap3A_735, %swap3A_736] {strides = array<i32>} : memref<48x128xf32, #tpu.memory_space<vmem>>, vector<16xf32>,
          tpu.vector_store %arg22[%swap3A_735, %swap3A_736], %mul3A_734 {strides = array<i32>} : memref<48x128xf32, #tpu.memory_space<vmem>>, vector<16xf32>,
          %get3A_738 = arith.index_cast %add3A_698 : i32 to index
          %get3A_739 = arith.constant 80 : index
          %get3A_740 = tpu.vector_load %arg22[%get3A_738, %get3A_739] {strides = array<i32>} : memref<48x128xf32, #tpu.memory_space<vmem>>, vector<16xf32>,
          %mul3A_741 = arith.mulf %get3A_740, %gather3A_702 : vector<16xf32>
          %swap3A_742 = arith.index_cast %add3A_698 : i32 to index
          %swap3A_743 = arith.constant 80 : index
          %swap3A_744 = tpu.vector_load %arg22[%swap3A_742, %swap3A_743] {strides = array<i32>} : memref<48x128xf32, #tpu.memory_space<vmem>>, vector<16xf32>,
          tpu.vector_store %arg22[%swap3A_742, %swap3A_743], %mul3A_741 {strides = array<i32>} : memref<48x128xf32, #tpu.memory_space<vmem>>, vector<16xf32>,
          %get3A_745 = arith.index_cast %add3A_698 : i32 to index
          %get3A_746 = arith.constant 96 : index
          %get3A_747 = tpu.vector_load %arg22[%get3A_745, %get3A_746] {strides = array<i32>} : memref<48x128xf32, #tpu.memory_space<vmem>>, vector<16xf32>,
          %mul3A_748 = arith.mulf %get3A_747, %gather3A_702 : vector<16xf32>
          %swap3A_749 = arith.index_cast %add3A_698 : i32 to index
          %swap3A_750 = arith.constant 96 : index
          %swap3A_751 = tpu.vector_load %arg22[%swap3A_749, %swap3A_750] {strides = array<i32>} : memref<48x128xf32, #tpu.memory_space<vmem>>, vector<16xf32>,
          tpu.vector_store %arg22[%swap3A_749, %swap3A_750], %mul3A_748 {strides = array<i32>} : memref<48x128xf32, #tpu.memory_space<vmem>>, vector<16xf32>,
          %get3A_752 = arith.index_cast %add3A_698 : i32 to index
          %get3A_753 = arith.constant 112 : index
          %get3A_754 = tpu.vector_load %arg22[%get3A_752, %get3A_753] {strides = array<i32>} : memref<48x128xf32, #tpu.memory_space<vmem>>, vector<16xf32>,
          %mul3A_755 = arith.mulf %get3A_754, %gather3A_702 : vector<16xf32>
          %swap3A_756 = arith.index_cast %add3A_698 : i32 to index
          %swap3A_757 = arith.constant 112 : index
          %swap3A_758 = tpu.vector_load %arg22[%swap3A_756, %swap3A_757] {strides = array<i32>} : memref<48x128xf32, #tpu.memory_space<vmem>>, vector<16xf32>,
          tpu.vector_store %arg22[%swap3A_756, %swap3A_757], %mul3A_755 {strides = array<i32>} : memref<48x128xf32, #tpu.memory_space<vmem>>, vector<16xf32>,
          %mul3A_759 = arith.constant 16 : i32
          %mul3A_760 = arith.muli %scan3A_119, %mul3A_759 : i32
          %add3A_761 = arith.constant 10 : i32
          %add3A_762 = arith.addi %mul3A_760, %add3A_761 : i32
          %add3A_763 = arith.addi %mul3A_83, %add3A_762 : i32
          %add3A_764 = vector.broadcast %add3A_763 : i32 to vector<16xi32>
          %add3A_765 = arith.addi %broadcast_in_dim3A_7, %add3A_764 : vector<16xi32>
          %gather3A_766 = tpu.vector_load_idx %arg20[%add3A_765] : memref<432xf32, #tpu.memory_space<vmem>>[vector<16xi32>], vector<16xf32>,
          %get3A_767 = arith.index_cast %add3A_762 : i32 to index
          %get3A_768 = arith.constant 0 : index
          %get3A_769 = tpu.vector_load %arg22[%get3A_767, %get3A_768] {strides = array<i32>} : memref<48x128xf32, #tpu.memory_space<vmem>>, vector<16xf32>,
          %mul3A_770 = arith.mulf %get3A_769, %gather3A_766 : vector<16xf32>
          %swap3A_771 = arith.index_cast %add3A_762 : i32 to index
          %swap3A_772 = arith.constant 0 : index
          %swap3A_773 = tpu.vector_load %arg22[%swap3A_771, %swap3A_772] {strides = array<i32>} : memref<48x128xf32, #tpu.memory_space<vmem>>, vector<16xf32>,
          tpu.vector_store %arg22[%swap3A_771, %swap3A_772], %mul3A_770 {strides = array<i32>} : memref<48x128xf32, #tpu.memory_space<vmem>>, vector<16xf32>,
          %get3A_774 = arith.index_cast %add3A_762 : i32 to index
          %get3A_775 = arith.constant 16 : index
          %get3A_776 = tpu.vector_load %arg22[%get3A_774, %get3A_775] {strides = array<i32>} : memref<48x128xf32, #tpu.memory_space<vmem>>, vector<16xf32>,
          %mul3A_777 = arith.mulf %get3A_776, %gather3A_766 : vector<16xf32>
          %swap3A_778 = arith.index_cast %add3A_762 : i32 to index
          %swap3A_779 = arith.constant 16 : index
          %swap3A_780 = tpu.vector_load %arg22[%swap3A_778, %swap3A_779] {strides = array<i32>} : memref<48x128xf32, #tpu.memory_space<vmem>>, vector<16xf32>,
          tpu.vector_store %arg22[%swap3A_778, %swap3A_779], %mul3A_777 {strides = array<i32>} : memref<48x128xf32, #tpu.memory_space<vmem>>, vector<16xf32>,
          %get3A_781 = arith.index_cast %add3A_762 : i32 to index
          %get3A_782 = arith.constant 32 : index
          %get3A_783 = tpu.vector_load %arg22[%get3A_781, %get3A_782] {strides = array<i32>} : memref<48x128xf32, #tpu.memory_space<vmem>>, vector<16xf32>,
          %mul3A_784 = arith.mulf %get3A_783, %gather3A_766 : vector<16xf32>
          %swap3A_785 = arith.index_cast %add3A_762 : i32 to index
          %swap3A_786 = arith.constant 32 : index
          %swap3A_787 = tpu.vector_load %arg22[%swap3A_785, %swap3A_786] {strides = array<i32>} : memref<48x128xf32, #tpu.memory_space<vmem>>, vector<16xf32>,
          tpu.vector_store %arg22[%swap3A_785, %swap3A_786], %mul3A_784 {strides = array<i32>} : memref<48x128xf32, #tpu.memory_space<vmem>>, vector<16xf32>,
          %get3A_788 = arith.index_cast %add3A_762 : i32 to index
          %get3A_789 = arith.constant 48 : index
          %get3A_790 = tpu.vector_load %arg22[%get3A_788, %get3A_789] {strides = array<i32>} : memref<48x128xf32, #tpu.memory_space<vmem>>, vector<16xf32>,
          %mul3A_791 = arith.mulf %get3A_790, %gather3A_766 : vector<16xf32>
          %swap3A_792 = arith.index_cast %add3A_762 : i32 to index
          %swap3A_793 = arith.constant 48 : index
          %swap3A_794 = tpu.vector_load %arg22[%swap3A_792, %swap3A_793] {strides = array<i32>} : memref<48x128xf32, #tpu.memory_space<vmem>>, vector<16xf32>,
          tpu.vector_store %arg22[%swap3A_792, %swap3A_793], %mul3A_791 {strides = array<i32>} : memref<48x128xf32, #tpu.memory_space<vmem>>, vector<16xf32>,
          %get3A_795 = arith.index_cast %add3A_762 : i32 to index
          %get3A_796 = arith.constant 64 : index
          %get3A_797 = tpu.vector_load %arg22[%get3A_795, %get3A_796] {strides = array<i32>} : memref<48x128xf32, #tpu.memory_space<vmem>>, vector<16xf32>,
          %mul3A_798 = arith.mulf %get3A_797, %gather3A_766 : vector<16xf32>
          %swap3A_799 = arith.index_cast %add3A_762 : i32 to index
          %swap3A_800 = arith.constant 64 : index
          %swap3A_801 = tpu.vector_load %arg22[%swap3A_799, %swap3A_800] {strides = array<i32>} : memref<48x128xf32, #tpu.memory_space<vmem>>, vector<16xf32>,
          tpu.vector_store %arg22[%swap3A_799, %swap3A_800], %mul3A_798 {strides = array<i32>} : memref<48x128xf32, #tpu.memory_space<vmem>>, vector<16xf32>,
          %get3A_802 = arith.index_cast %add3A_762 : i32 to index
          %get3A_803 = arith.constant 80 : index
          %get3A_804 = tpu.vector_load %arg22[%get3A_802, %get3A_803] {strides = array<i32>} : memref<48x128xf32, #tpu.memory_space<vmem>>, vector<16xf32>,
          %mul3A_805 = arith.mulf %get3A_804, %gather3A_766 : vector<16xf32>
          %swap3A_806 = arith.index_cast %add3A_762 : i32 to index
          %swap3A_807 = arith.constant 80 : index
          %swap3A_808 = tpu.vector_load %arg22[%swap3A_806, %swap3A_807] {strides = array<i32>} : memref<48x128xf32, #tpu.memory_space<vmem>>, vector<16xf32>,
          tpu.vector_store %arg22[%swap3A_806, %swap3A_807], %mul3A_805 {strides = array<i32>} : memref<48x128xf32, #tpu.memory_space<vmem>>, vector<16xf32>,
          %get3A_809 = arith.index_cast %add3A_762 : i32 to index
          %get3A_810 = arith.constant 96 : index
          %get3A_811 = tpu.vector_load %arg22[%get3A_809, %get3A_810] {strides = array<i32>} : memref<48x128xf32, #tpu.memory_space<vmem>>, vector<16xf32>,
          %mul3A_812 = arith.mulf %get3A_811, %gather3A_766 : vector<16xf32>
          %swap3A_813 = arith.index_cast %add3A_762 : i32 to index
          %swap3A_814 = arith.constant 96 : index
          %swap3A_815 = tpu.vector_load %arg22[%swap3A_813, %swap3A_814] {strides = array<i32>} : memref<48x128xf32, #tpu.memory_space<vmem>>, vector<16xf32>,
          tpu.vector_store %arg22[%swap3A_813, %swap3A_814], %mul3A_812 {strides = array<i32>} : memref<48x128xf32, #tpu.memory_space<vmem>>, vector<16xf32>,
          %get3A_816 = arith.index_cast %add3A_762 : i32 to index
          %get3A_817 = arith.constant 112 : index
          %get3A_818 = tpu.vector_load %arg22[%get3A_816, %get3A_817] {strides = array<i32>} : memref<48x128xf32, #tpu.memory_space<vmem>>, vector<16xf32>,
          %mul3A_819 = arith.mulf %get3A_818, %gather3A_766 : vector<16xf32>
          %swap3A_820 = arith.index_cast %add3A_762 : i32 to index
          %swap3A_821 = arith.constant 112 : index
          %swap3A_822 = tpu.vector_load %arg22[%swap3A_820, %swap3A_821] {strides = array<i32>} : memref<48x128xf32, #tpu.memory_space<vmem>>, vector<16xf32>,
          tpu.vector_store %arg22[%swap3A_820, %swap3A_821], %mul3A_819 {strides = array<i32>} : memref<48x128xf32, #tpu.memory_space<vmem>>, vector<16xf32>,
          %mul3A_823 = arith.constant 16 : i32
          %mul3A_824 = arith.muli %scan3A_119, %mul3A_823 : i32
          %add3A_825 = arith.constant 11 : i32
          %add3A_826 = arith.addi %mul3A_824, %add3A_825 : i32
          %add3A_827 = arith.addi %mul3A_83, %add3A_826 : i32
          %add3A_828 = vector.broadcast %add3A_827 : i32 to vector<16xi32>
          %add3A_829 = arith.addi %broadcast_in_dim3A_7, %add3A_828 : vector<16xi32>
          %gather3A_830 = tpu.vector_load_idx %arg20[%add3A_829] : memref<432xf32, #tpu.memory_space<vmem>>[vector<16xi32>], vector<16xf32>,
          %get3A_831 = arith.index_cast %add3A_826 : i32 to index
          %get3A_832 = arith.constant 0 : index
          %get3A_833 = tpu.vector_load %arg22[%get3A_831, %get3A_832] {strides = array<i32>} : memref<48x128xf32, #tpu.memory_space<vmem>>, vector<16xf32>,
          %mul3A_834 = arith.mulf %get3A_833, %gather3A_830 : vector<16xf32>
          %swap3A_835 = arith.index_cast %add3A_826 : i32 to index
          %swap3A_836 = arith.constant 0 : index
          %swap3A_837 = tpu.vector_load %arg22[%swap3A_835, %swap3A_836] {strides = array<i32>} : memref<48x128xf32, #tpu.memory_space<vmem>>, vector<16xf32>,
          tpu.vector_store %arg22[%swap3A_835, %swap3A_836], %mul3A_834 {strides = array<i32>} : memref<48x128xf32, #tpu.memory_space<vmem>>, vector<16xf32>,
          %get3A_838 = arith.index_cast %add3A_826 : i32 to index
          %get3A_839 = arith.constant 16 : index
          %get3A_840 = tpu.vector_load %arg22[%get3A_838, %get3A_839] {strides = array<i32>} : memref<48x128xf32, #tpu.memory_space<vmem>>, vector<16xf32>,
          %mul3A_841 = arith.mulf %get3A_840, %gather3A_830 : vector<16xf32>
          %swap3A_842 = arith.index_cast %add3A_826 : i32 to index
          %swap3A_843 = arith.constant 16 : index
          %swap3A_844 = tpu.vector_load %arg22[%swap3A_842, %swap3A_843] {strides = array<i32>} : memref<48x128xf32, #tpu.memory_space<vmem>>, vector<16xf32>,
          tpu.vector_store %arg22[%swap3A_842, %swap3A_843], %mul3A_841 {strides = array<i32>} : memref<48x128xf32, #tpu.memory_space<vmem>>, vector<16xf32>,
          %get3A_845 = arith.index_cast %add3A_826 : i32 to index
          %get3A_846 = arith.constant 32 : index
          %get3A_847 = tpu.vector_load %arg22[%get3A_845, %get3A_846] {strides = array<i32>} : memref<48x128xf32, #tpu.memory_space<vmem>>, vector<16xf32>,
          %mul3A_848 = arith.mulf %get3A_847, %gather3A_830 : vector<16xf32>
          %swap3A_849 = arith.index_cast %add3A_826 : i32 to index
          %swap3A_850 = arith.constant 32 : index
          %swap3A_851 = tpu.vector_load %arg22[%swap3A_849, %swap3A_850] {strides = array<i32>} : memref<48x128xf32, #tpu.memory_space<vmem>>, vector<16xf32>,
          tpu.vector_store %arg22[%swap3A_849, %swap3A_850], %mul3A_848 {strides = array<i32>} : memref<48x128xf32, #tpu.memory_space<vmem>>, vector<16xf32>,
          %get3A_852 = arith.index_cast %add3A_826 : i32 to index
          %get3A_853 = arith.constant 48 : index
          %get3A_854 = tpu.vector_load %arg22[%get3A_852, %get3A_853] {strides = array<i32>} : memref<48x128xf32, #tpu.memory_space<vmem>>, vector<16xf32>,
          %mul3A_855 = arith.mulf %get3A_854, %gather3A_830 : vector<16xf32>
          %swap3A_856 = arith.index_cast %add3A_826 : i32 to index
          %swap3A_857 = arith.constant 48 : index
          %swap3A_858 = tpu.vector_load %arg22[%swap3A_856, %swap3A_857] {strides = array<i32>} : memref<48x128xf32, #tpu.memory_space<vmem>>, vector<16xf32>,
          tpu.vector_store %arg22[%swap3A_856, %swap3A_857], %mul3A_855 {strides = array<i32>} : memref<48x128xf32, #tpu.memory_space<vmem>>, vector<16xf32>,
          %get3A_859 = arith.index_cast %add3A_826 : i32 to index
          %get3A_860 = arith.constant 64 : index
          %get3A_861 = tpu.vector_load %arg22[%get3A_859, %get3A_860] {strides = array<i32>} : memref<48x128xf32, #tpu.memory_space<vmem>>, vector<16xf32>,
          %mul3A_862 = arith.mulf %get3A_861, %gather3A_830 : vector<16xf32>
          %swap3A_863 = arith.index_cast %add3A_826 : i32 to index
          %swap3A_864 = arith.constant 64 : index
          %swap3A_865 = tpu.vector_load %arg22[%swap3A_863, %swap3A_864] {strides = array<i32>} : memref<48x128xf32, #tpu.memory_space<vmem>>, vector<16xf32>,
          tpu.vector_store %arg22[%swap3A_863, %swap3A_864], %mul3A_862 {strides = array<i32>} : memref<48x128xf32, #tpu.memory_space<vmem>>, vector<16xf32>,
          %get3A_866 = arith.index_cast %add3A_826 : i32 to index
          %get3A_867 = arith.constant 80 : index
          %get3A_868 = tpu.vector_load %arg22[%get3A_866, %get3A_867] {strides = array<i32>} : memref<48x128xf32, #tpu.memory_space<vmem>>, vector<16xf32>,
          %mul3A_869 = arith.mulf %get3A_868, %gather3A_830 : vector<16xf32>
          %swap3A_870 = arith.index_cast %add3A_826 : i32 to index
          %swap3A_871 = arith.constant 80 : index
          %swap3A_872 = tpu.vector_load %arg22[%swap3A_870, %swap3A_871] {strides = array<i32>} : memref<48x128xf32, #tpu.memory_space<vmem>>, vector<16xf32>,
          tpu.vector_store %arg22[%swap3A_870, %swap3A_871], %mul3A_869 {strides = array<i32>} : memref<48x128xf32, #tpu.memory_space<vmem>>, vector<16xf32>,
          %get3A_873 = arith.index_cast %add3A_826 : i32 to index
          %get3A_874 = arith.constant 96 : index
          %get3A_875 = tpu.vector_load %arg22[%get3A_873, %get3A_874] {strides = array<i32>} : memref<48x128xf32, #tpu.memory_space<vmem>>, vector<16xf32>,
          %mul3A_876 = arith.mulf %get3A_875, %gather3A_830 : vector<16xf32>
          %swap3A_877 = arith.index_cast %add3A_826 : i32 to index
          %swap3A_878 = arith.constant 96 : index
          %swap3A_879 = tpu.vector_load %arg22[%swap3A_877, %swap3A_878] {strides = array<i32>} : memref<48x128xf32, #tpu.memory_space<vmem>>, vector<16xf32>,
          tpu.vector_store %arg22[%swap3A_877, %swap3A_878], %mul3A_876 {strides = array<i32>} : memref<48x128xf32, #tpu.memory_space<vmem>>, vector<16xf32>,
          %get3A_880 = arith.index_cast %add3A_826 : i32 to index
          %get3A_881 = arith.constant 112 : index
          %get3A_882 = tpu.vector_load %arg22[%get3A_880, %get3A_881] {strides = array<i32>} : memref<48x128xf32, #tpu.memory_space<vmem>>, vector<16xf32>,
          %mul3A_883 = arith.mulf %get3A_882, %gather3A_830 : vector<16xf32>
          %swap3A_884 = arith.index_cast %add3A_826 : i32 to index
          %swap3A_885 = arith.constant 112 : index
          %swap3A_886 = tpu.vector_load %arg22[%swap3A_884, %swap3A_885] {strides = array<i32>} : memref<48x128xf32, #tpu.memory_space<vmem>>, vector<16xf32>,
          tpu.vector_store %arg22[%swap3A_884, %swap3A_885], %mul3A_883 {strides = array<i32>} : memref<48x128xf32, #tpu.memory_space<vmem>>, vector<16xf32>,
          %mul3A_887 = arith.constant 16 : i32
          %mul3A_888 = arith.muli %scan3A_119, %mul3A_887 : i32
          %add3A_889 = arith.constant 12 : i32
          %add3A_890 = arith.addi %mul3A_888, %add3A_889 : i32
          %add3A_891 = arith.addi %mul3A_83, %add3A_890 : i32
          %add3A_892 = vector.broadcast %add3A_891 : i32 to vector<16xi32>
          %add3A_893 = arith.addi %broadcast_in_dim3A_7, %add3A_892 : vector<16xi32>
          %gather3A_894 = tpu.vector_load_idx %arg20[%add3A_893] : memref<432xf32, #tpu.memory_space<vmem>>[vector<16xi32>], vector<16xf32>,
          %get3A_895 = arith.index_cast %add3A_890 : i32 to index
          %get3A_896 = arith.constant 0 : index
          %get3A_897 = tpu.vector_load %arg22[%get3A_895, %get3A_896] {strides = array<i32>} : memref<48x128xf32, #tpu.memory_space<vmem>>, vector<16xf32>,
          %mul3A_898 = arith.mulf %get3A_897, %gather3A_894 : vector<16xf32>
          %swap3A_899 = arith.index_cast %add3A_890 : i32 to index
          %swap3A_900 = arith.constant 0 : index
          %swap3A_901 = tpu.vector_load %arg22[%swap3A_899, %swap3A_900] {strides = array<i32>} : memref<48x128xf32, #tpu.memory_space<vmem>>, vector<16xf32>,
          tpu.vector_store %arg22[%swap3A_899, %swap3A_900], %mul3A_898 {strides = array<i32>} : memref<48x128xf32, #tpu.memory_space<vmem>>, vector<16xf32>,
          %get3A_902 = arith.index_cast %add3A_890 : i32 to index
          %get3A_903 = arith.constant 16 : index
          %get3A_904 = tpu.vector_load %arg22[%get3A_902, %get3A_903] {strides = array<i32>} : memref<48x128xf32, #tpu.memory_space<vmem>>, vector<16xf32>,
          %mul3A_905 = arith.mulf %get3A_904, %gather3A_894 : vector<16xf32>
          %swap3A_906 = arith.index_cast %add3A_890 : i32 to index
          %swap3A_907 = arith.constant 16 : index
          %swap3A_908 = tpu.vector_load %arg22[%swap3A_906, %swap3A_907] {strides = array<i32>} : memref<48x128xf32, #tpu.memory_space<vmem>>, vector<16xf32>,
          tpu.vector_store %arg22[%swap3A_906, %swap3A_907], %mul3A_905 {strides = array<i32>} : memref<48x128xf32, #tpu.memory_space<vmem>>, vector<16xf32>,
          %get3A_909 = arith.index_cast %add3A_890 : i32 to index
          %get3A_910 = arith.constant 32 : index
          %get3A_911 = tpu.vector_load %arg22[%get3A_909, %get3A_910] {strides = array<i32>} : memref<48x128xf32, #tpu.memory_space<vmem>>, vector<16xf32>,
          %mul3A_912 = arith.mulf %get3A_911, %gather3A_894 : vector<16xf32>
          %swap3A_913 = arith.index_cast %add3A_890 : i32 to index
          %swap3A_914 = arith.constant 32 : index
          %swap3A_915 = tpu.vector_load %arg22[%swap3A_913, %swap3A_914] {strides = array<i32>} : memref<48x128xf32, #tpu.memory_space<vmem>>, vector<16xf32>,
          tpu.vector_store %arg22[%swap3A_913, %swap3A_914], %mul3A_912 {strides = array<i32>} : memref<48x128xf32, #tpu.memory_space<vmem>>, vector<16xf32>,
          %get3A_916 = arith.index_cast %add3A_890 : i32 to index
          %get3A_917 = arith.constant 48 : index
          %get3A_918 = tpu.vector_load %arg22[%get3A_916, %get3A_917] {strides = array<i32>} : memref<48x128xf32, #tpu.memory_space<vmem>>, vector<16xf32>,
          %mul3A_919 = arith.mulf %get3A_918, %gather3A_894 : vector<16xf32>
          %swap3A_920 = arith.index_cast %add3A_890 : i32 to index
          %swap3A_921 = arith.constant 48 : index
          %swap3A_922 = tpu.vector_load %arg22[%swap3A_920, %swap3A_921] {strides = array<i32>} : memref<48x128xf32, #tpu.memory_space<vmem>>, vector<16xf32>,
          tpu.vector_store %arg22[%swap3A_920, %swap3A_921], %mul3A_919 {strides = array<i32>} : memref<48x128xf32, #tpu.memory_space<vmem>>, vector<16xf32>,
          %get3A_923 = arith.index_cast %add3A_890 : i32 to index
          %get3A_924 = arith.constant 64 : index
          %get3A_925 = tpu.vector_load %arg22[%get3A_923, %get3A_924] {strides = array<i32>} : memref<48x128xf32, #tpu.memory_space<vmem>>, vector<16xf32>,
          %mul3A_926 = arith.mulf %get3A_925, %gather3A_894 : vector<16xf32>
          %swap3A_927 = arith.index_cast %add3A_890 : i32 to index
          %swap3A_928 = arith.constant 64 : index
          %swap3A_929 = tpu.vector_load %arg22[%swap3A_927, %swap3A_928] {strides = array<i32>} : memref<48x128xf32, #tpu.memory_space<vmem>>, vector<16xf32>,
          tpu.vector_store %arg22[%swap3A_927, %swap3A_928], %mul3A_926 {strides = array<i32>} : memref<48x128xf32, #tpu.memory_space<vmem>>, vector<16xf32>,
          %get3A_930 = arith.index_cast %add3A_890 : i32 to index
          %get3A_931 = arith.constant 80 : index
          %get3A_932 = tpu.vector_load %arg22[%get3A_930, %get3A_931] {strides = array<i32>} : memref<48x128xf32, #tpu.memory_space<vmem>>, vector<16xf32>,
          %mul3A_933 = arith.mulf %get3A_932, %gather3A_894 : vector<16xf32>
          %swap3A_934 = arith.index_cast %add3A_890 : i32 to index
          %swap3A_935 = arith.constant 80 : index
          %swap3A_936 = tpu.vector_load %arg22[%swap3A_934, %swap3A_935] {strides = array<i32>} : memref<48x128xf32, #tpu.memory_space<vmem>>, vector<16xf32>,
          tpu.vector_store %arg22[%swap3A_934, %swap3A_935], %mul3A_933 {strides = array<i32>} : memref<48x128xf32, #tpu.memory_space<vmem>>, vector<16xf32>,
          %get3A_937 = arith.index_cast %add3A_890 : i32 to index
          %get3A_938 = arith.constant 96 : index
          %get3A_939 = tpu.vector_load %arg22[%get3A_937, %get3A_938] {strides = array<i32>} : memref<48x128xf32, #tpu.memory_space<vmem>>, vector<16xf32>,
          %mul3A_940 = arith.mulf %get3A_939, %gather3A_894 : vector<16xf32>
          %swap3A_941 = arith.index_cast %add3A_890 : i32 to index
          %swap3A_942 = arith.constant 96 : index
          %swap3A_943 = tpu.vector_load %arg22[%swap3A_941, %swap3A_942] {strides = array<i32>} : memref<48x128xf32, #tpu.memory_space<vmem>>, vector<16xf32>,
          tpu.vector_store %arg22[%swap3A_941, %swap3A_942], %mul3A_940 {strides = array<i32>} : memref<48x128xf32, #tpu.memory_space<vmem>>, vector<16xf32>,
          %get3A_944 = arith.index_cast %add3A_890 : i32 to index
          %get3A_945 = arith.constant 112 : index
          %get3A_946 = tpu.vector_load %arg22[%get3A_944, %get3A_945] {strides = array<i32>} : memref<48x128xf32, #tpu.memory_space<vmem>>, vector<16xf32>,
          %mul3A_947 = arith.mulf %get3A_946, %gather3A_894 : vector<16xf32>
          %swap3A_948 = arith.index_cast %add3A_890 : i32 to index
          %swap3A_949 = arith.constant 112 : index
          %swap3A_950 = tpu.vector_load %arg22[%swap3A_948, %swap3A_949] {strides = array<i32>} : memref<48x128xf32, #tpu.memory_space<vmem>>, vector<16xf32>,
          tpu.vector_store %arg22[%swap3A_948, %swap3A_949], %mul3A_947 {strides = array<i32>} : memref<48x128xf32, #tpu.memory_space<vmem>>, vector<16xf32>,
          %mul3A_951 = arith.constant 16 : i32
          %mul3A_952 = arith.muli %scan3A_119, %mul3A_951 : i32
          %add3A_953 = arith.constant 13 : i32
          %add3A_954 = arith.addi %mul3A_952, %add3A_953 : i32
          %add3A_955 = arith.addi %mul3A_83, %add3A_954 : i32
          %add3A_956 = vector.broadcast %add3A_955 : i32 to vector<16xi32>
          %add3A_957 = arith.addi %broadcast_in_dim3A_7, %add3A_956 : vector<16xi32>
          %gather3A_958 = tpu.vector_load_idx %arg20[%add3A_957] : memref<432xf32, #tpu.memory_space<vmem>>[vector<16xi32>], vector<16xf32>,
          %get3A_959 = arith.index_cast %add3A_954 : i32 to index
          %get3A_960 = arith.constant 0 : index
          %get3A_961 = tpu.vector_load %arg22[%get3A_959, %get3A_960] {strides = array<i32>} : memref<48x128xf32, #tpu.memory_space<vmem>>, vector<16xf32>,
          %mul3A_962 = arith.mulf %get3A_961, %gather3A_958 : vector<16xf32>
          %swap3A_963 = arith.index_cast %add3A_954 : i32 to index
          %swap3A_964 = arith.constant 0 : index
          %swap3A_965 = tpu.vector_load %arg22[%swap3A_963, %swap3A_964] {strides = array<i32>} : memref<48x128xf32, #tpu.memory_space<vmem>>, vector<16xf32>,
          tpu.vector_store %arg22[%swap3A_963, %swap3A_964], %mul3A_962 {strides = array<i32>} : memref<48x128xf32, #tpu.memory_space<vmem>>, vector<16xf32>,
          %get3A_966 = arith.index_cast %add3A_954 : i32 to index
          %get3A_967 = arith.constant 16 : index
          %get3A_968 = tpu.vector_load %arg22[%get3A_966, %get3A_967] {strides = array<i32>} : memref<48x128xf32, #tpu.memory_space<vmem>>, vector<16xf32>,
          %mul3A_969 = arith.mulf %get3A_968, %gather3A_958 : vector<16xf32>
          %swap3A_970 = arith.index_cast %add3A_954 : i32 to index
          %swap3A_971 = arith.constant 16 : index
          %swap3A_972 = tpu.vector_load %arg22[%swap3A_970, %swap3A_971] {strides = array<i32>} : memref<48x128xf32, #tpu.memory_space<vmem>>, vector<16xf32>,
          tpu.vector_store %arg22[%swap3A_970, %swap3A_971], %mul3A_969 {strides = array<i32>} : memref<48x128xf32, #tpu.memory_space<vmem>>, vector<16xf32>,
          %get3A_973 = arith.index_cast %add3A_954 : i32 to index
          %get3A_974 = arith.constant 32 : index
          %get3A_975 = tpu.vector_load %arg22[%get3A_973, %get3A_974] {strides = array<i32>} : memref<48x128xf32, #tpu.memory_space<vmem>>, vector<16xf32>,
          %mul3A_976 = arith.mulf %get3A_975, %gather3A_958 : vector<16xf32>
          %swap3A_977 = arith.index_cast %add3A_954 : i32 to index
          %swap3A_978 = arith.constant 32 : index
          %swap3A_979 = tpu.vector_load %arg22[%swap3A_977, %swap3A_978] {strides = array<i32>} : memref<48x128xf32, #tpu.memory_space<vmem>>, vector<16xf32>,
          tpu.vector_store %arg22[%swap3A_977, %swap3A_978], %mul3A_976 {strides = array<i32>} : memref<48x128xf32, #tpu.memory_space<vmem>>, vector<16xf32>,
          %get3A_980 = arith.index_cast %add3A_954 : i32 to index
          %get3A_981 = arith.constant 48 : index
          %get3A_982 = tpu.vector_load %arg22[%get3A_980, %get3A_981] {strides = array<i32>} : memref<48x128xf32, #tpu.memory_space<vmem>>, vector<16xf32>,
          %mul3A_983 = arith.mulf %get3A_982, %gather3A_958 : vector<16xf32>
          %swap3A_984 = arith.index_cast %add3A_954 : i32 to index
          %swap3A_985 = arith.constant 48 : index
          %swap3A_986 = tpu.vector_load %arg22[%swap3A_984, %swap3A_985] {strides = array<i32>} : memref<48x128xf32, #tpu.memory_space<vmem>>, vector<16xf32>,
          tpu.vector_store %arg22[%swap3A_984, %swap3A_985], %mul3A_983 {strides = array<i32>} : memref<48x128xf32, #tpu.memory_space<vmem>>, vector<16xf32>,
          %get3A_987 = arith.index_cast %add3A_954 : i32 to index
          %get3A_988 = arith.constant 64 : index
          %get3A_989 = tpu.vector_load %arg22[%get3A_987, %get3A_988] {strides = array<i32>} : memref<48x128xf32, #tpu.memory_space<vmem>>, vector<16xf32>,
          %mul3A_990 = arith.mulf %get3A_989, %gather3A_958 : vector<16xf32>
          %swap3A_991 = arith.index_cast %add3A_954 : i32 to index
          %swap3A_992 = arith.constant 64 : index
          %swap3A_993 = tpu.vector_load %arg22[%swap3A_991, %swap3A_992] {strides = array<i32>} : memref<48x128xf32, #tpu.memory_space<vmem>>, vector<16xf32>,
          tpu.vector_store %arg22[%swap3A_991, %swap3A_992], %mul3A_990 {strides = array<i32>} : memref<48x128xf32, #tpu.memory_space<vmem>>, vector<16xf32>,
          %get3A_994 = arith.index_cast %add3A_954 : i32 to index
          %get3A_995 = arith.constant 80 : index
          %get3A_996 = tpu.vector_load %arg22[%get3A_994, %get3A_995] {strides = array<i32>} : memref<48x128xf32, #tpu.memory_space<vmem>>, vector<16xf32>,
          %mul3A_997 = arith.mulf %get3A_996, %gather3A_958 : vector<16xf32>
          %swap3A_998 = arith.index_cast %add3A_954 : i32 to index
          %swap3A_999 = arith.constant 80 : index
          %swap3A_1000 = tpu.vector_load %arg22[%swap3A_998, %swap3A_999] {strides = array<i32>} : memref<48x128xf32, #tpu.memory_space<vmem>>, vector<16xf32>,
          tpu.vector_store %arg22[%swap3A_998, %swap3A_999], %mul3A_997 {strides = array<i32>} : memref<48x128xf32, #tpu.memory_space<vmem>>, vector<16xf32>,
          %get3A_1001 = arith.index_cast %add3A_954 : i32 to index
          %get3A_1002 = arith.constant 96 : index
          %get3A_1003 = tpu.vector_load %arg22[%get3A_1001, %get3A_1002] {strides = array<i32>} : memref<48x128xf32, #tpu.memory_space<vmem>>, vector<16xf32>,
          %mul3A_1004 = arith.mulf %get3A_1003, %gather3A_958 : vector<16xf32>
          %swap3A_1005 = arith.index_cast %add3A_954 : i32 to index
          %swap3A_1006 = arith.constant 96 : index
          %swap3A_1007 = tpu.vector_load %arg22[%swap3A_1005, %swap3A_1006] {strides = array<i32>} : memref<48x128xf32, #tpu.memory_space<vmem>>, vector<16xf32>,
          tpu.vector_store %arg22[%swap3A_1005, %swap3A_1006], %mul3A_1004 {strides = array<i32>} : memref<48x128xf32, #tpu.memory_space<vmem>>, vector<16xf32>,
          %get3A_1008 = arith.index_cast %add3A_954 : i32 to index
          %get3A_1009 = arith.constant 112 : index
          %get3A_1010 = tpu.vector_load %arg22[%get3A_1008, %get3A_1009] {strides = array<i32>} : memref<48x128xf32, #tpu.memory_space<vmem>>, vector<16xf32>,
          %mul3A_1011 = arith.mulf %get3A_1010, %gather3A_958 : vector<16xf32>
          %swap3A_1012 = arith.index_cast %add3A_954 : i32 to index
          %swap3A_1013 = arith.constant 112 : index
          %swap3A_1014 = tpu.vector_load %arg22[%swap3A_1012, %swap3A_1013] {strides = array<i32>} : memref<48x128xf32, #tpu.memory_space<vmem>>, vector<16xf32>,
          tpu.vector_store %arg22[%swap3A_1012, %swap3A_1013], %mul3A_1011 {strides = array<i32>} : memref<48x128xf32, #tpu.memory_space<vmem>>, vector<16xf32>,
          %mul3A_1015 = arith.constant 16 : i32
          %mul3A_1016 = arith.muli %scan3A_119, %mul3A_1015 : i32
          %add3A_1017 = arith.constant 14 : i32
          %add3A_1018 = arith.addi %mul3A_1016, %add3A_1017 : i32
          %add3A_1019 = arith.addi %mul3A_83, %add3A_1018 : i32
          %add3A_1020 = vector.broadcast %add3A_1019 : i32 to vector<16xi32>
          %add3A_1021 = arith.addi %broadcast_in_dim3A_7, %add3A_1020 : vector<16xi32>
          %gather3A_1022 = tpu.vector_load_idx %arg20[%add3A_1021] : memref<432xf32, #tpu.memory_space<vmem>>[vector<16xi32>], vector<16xf32>,
          %get3A_1023 = arith.index_cast %add3A_1018 : i32 to index
          %get3A_1024 = arith.constant 0 : index
          %get3A_1025 = tpu.vector_load %arg22[%get3A_1023, %get3A_1024] {strides = array<i32>} : memref<48x128xf32, #tpu.memory_space<vmem>>, vector<16xf32>,
          %mul3A_1026 = arith.mulf %get3A_1025, %gather3A_1022 : vector<16xf32>
          %swap3A_1027 = arith.index_cast %add3A_1018 : i32 to index
          %swap3A_1028 = arith.constant 0 : index
          %swap3A_1029 = tpu.vector_load %arg22[%swap3A_1027, %swap3A_1028] {strides = array<i32>} : memref<48x128xf32, #tpu.memory_space<vmem>>, vector<16xf32>,
          tpu.vector_store %arg22[%swap3A_1027, %swap3A_1028], %mul3A_1026 {strides = array<i32>} : memref<48x128xf32, #tpu.memory_space<vmem>>, vector<16xf32>,
          %get3A_1030 = arith.index_cast %add3A_1018 : i32 to index
          %get3A_1031 = arith.constant 16 : index
          %get3A_1032 = tpu.vector_load %arg22[%get3A_1030, %get3A_1031] {strides = array<i32>} : memref<48x128xf32, #tpu.memory_space<vmem>>, vector<16xf32>,
          %mul3A_1033 = arith.mulf %get3A_1032, %gather3A_1022 : vector<16xf32>
          %swap3A_1034 = arith.index_cast %add3A_1018 : i32 to index
          %swap3A_1035 = arith.constant 16 : index
          %swap3A_1036 = tpu.vector_load %arg22[%swap3A_1034, %swap3A_1035] {strides = array<i32>} : memref<48x128xf32, #tpu.memory_space<vmem>>, vector<16xf32>,
          tpu.vector_store %arg22[%swap3A_1034, %swap3A_1035], %mul3A_1033 {strides = array<i32>} : memref<48x128xf32, #tpu.memory_space<vmem>>, vector<16xf32>,
          %get3A_1037 = arith.index_cast %add3A_1018 : i32 to index
          %get3A_1038 = arith.constant 32 : index
          %get3A_1039 = tpu.vector_load %arg22[%get3A_1037, %get3A_1038] {strides = array<i32>} : memref<48x128xf32, #tpu.memory_space<vmem>>, vector<16xf32>,
          %mul3A_1040 = arith.mulf %get3A_1039, %gather3A_1022 : vector<16xf32>
          %swap3A_1041 = arith.index_cast %add3A_1018 : i32 to index
          %swap3A_1042 = arith.constant 32 : index
          %swap3A_1043 = tpu.vector_load %arg22[%swap3A_1041, %swap3A_1042] {strides = array<i32>} : memref<48x128xf32, #tpu.memory_space<vmem>>, vector<16xf32>,
          tpu.vector_store %arg22[%swap3A_1041, %swap3A_1042], %mul3A_1040 {strides = array<i32>} : memref<48x128xf32, #tpu.memory_space<vmem>>, vector<16xf32>,
          %get3A_1044 = arith.index_cast %add3A_1018 : i32 to index
          %get3A_1045 = arith.constant 48 : index
          %get3A_1046 = tpu.vector_load %arg22[%get3A_1044, %get3A_1045] {strides = array<i32>} : memref<48x128xf32, #tpu.memory_space<vmem>>, vector<16xf32>,
          %mul3A_1047 = arith.mulf %get3A_1046, %gather3A_1022 : vector<16xf32>
          %swap3A_1048 = arith.index_cast %add3A_1018 : i32 to index
          %swap3A_1049 = arith.constant 48 : index
          %swap3A_1050 = tpu.vector_load %arg22[%swap3A_1048, %swap3A_1049] {strides = array<i32>} : memref<48x128xf32, #tpu.memory_space<vmem>>, vector<16xf32>,
          tpu.vector_store %arg22[%swap3A_1048, %swap3A_1049], %mul3A_1047 {strides = array<i32>} : memref<48x128xf32, #tpu.memory_space<vmem>>, vector<16xf32>,
          %get3A_1051 = arith.index_cast %add3A_1018 : i32 to index
          %get3A_1052 = arith.constant 64 : index
          %get3A_1053 = tpu.vector_load %arg22[%get3A_1051, %get3A_1052] {strides = array<i32>} : memref<48x128xf32, #tpu.memory_space<vmem>>, vector<16xf32>,
          %mul3A_1054 = arith.mulf %get3A_1053, %gather3A_1022 : vector<16xf32>
          %swap3A_1055 = arith.index_cast %add3A_1018 : i32 to index
          %swap3A_1056 = arith.constant 64 : index
          %swap3A_1057 = tpu.vector_load %arg22[%swap3A_1055, %swap3A_1056] {strides = array<i32>} : memref<48x128xf32, #tpu.memory_space<vmem>>, vector<16xf32>,
          tpu.vector_store %arg22[%swap3A_1055, %swap3A_1056], %mul3A_1054 {strides = array<i32>} : memref<48x128xf32, #tpu.memory_space<vmem>>, vector<16xf32>,
          %get3A_1058 = arith.index_cast %add3A_1018 : i32 to index
          %get3A_1059 = arith.constant 80 : index
          %get3A_1060 = tpu.vector_load %arg22[%get3A_1058, %get3A_1059] {strides = array<i32>} : memref<48x128xf32, #tpu.memory_space<vmem>>, vector<16xf32>,
          %mul3A_1061 = arith.mulf %get3A_1060, %gather3A_1022 : vector<16xf32>
          %swap3A_1062 = arith.index_cast %add3A_1018 : i32 to index
          %swap3A_1063 = arith.constant 80 : index
          %swap3A_1064 = tpu.vector_load %arg22[%swap3A_1062, %swap3A_1063] {strides = array<i32>} : memref<48x128xf32, #tpu.memory_space<vmem>>, vector<16xf32>,
          tpu.vector_store %arg22[%swap3A_1062, %swap3A_1063], %mul3A_1061 {strides = array<i32>} : memref<48x128xf32, #tpu.memory_space<vmem>>, vector<16xf32>,
          %get3A_1065 = arith.index_cast %add3A_1018 : i32 to index
          %get3A_1066 = arith.constant 96 : index
          %get3A_1067 = tpu.vector_load %arg22[%get3A_1065, %get3A_1066] {strides = array<i32>} : memref<48x128xf32, #tpu.memory_space<vmem>>, vector<16xf32>,
          %mul3A_1068 = arith.mulf %get3A_1067, %gather3A_1022 : vector<16xf32>
          %swap3A_1069 = arith.index_cast %add3A_1018 : i32 to index
          %swap3A_1070 = arith.constant 96 : index
          %swap3A_1071 = tpu.vector_load %arg22[%swap3A_1069, %swap3A_1070] {strides = array<i32>} : memref<48x128xf32, #tpu.memory_space<vmem>>, vector<16xf32>,
          tpu.vector_store %arg22[%swap3A_1069, %swap3A_1070], %mul3A_1068 {strides = array<i32>} : memref<48x128xf32, #tpu.memory_space<vmem>>, vector<16xf32>,
          %get3A_1072 = arith.index_cast %add3A_1018 : i32 to index
          %get3A_1073 = arith.constant 112 : index
          %get3A_1074 = tpu.vector_load %arg22[%get3A_1072, %get3A_1073] {strides = array<i32>} : memref<48x128xf32, #tpu.memory_space<vmem>>, vector<16xf32>,
          %mul3A_1075 = arith.mulf %get3A_1074, %gather3A_1022 : vector<16xf32>
          %swap3A_1076 = arith.index_cast %add3A_1018 : i32 to index
          %swap3A_1077 = arith.constant 112 : index
          %swap3A_1078 = tpu.vector_load %arg22[%swap3A_1076, %swap3A_1077] {strides = array<i32>} : memref<48x128xf32, #tpu.memory_space<vmem>>, vector<16xf32>,
          tpu.vector_store %arg22[%swap3A_1076, %swap3A_1077], %mul3A_1075 {strides = array<i32>} : memref<48x128xf32, #tpu.memory_space<vmem>>, vector<16xf32>,
          %mul3A_1079 = arith.constant 16 : i32
          %mul3A_1080 = arith.muli %scan3A_119, %mul3A_1079 : i32
          %add3A_1081 = arith.constant 15 : i32
          %add3A_1082 = arith.addi %mul3A_1080, %add3A_1081 : i32
          %add3A_1083 = arith.addi %mul3A_83, %add3A_1082 : i32
          %add3A_1084 = vector.broadcast %add3A_1083 : i32 to vector<16xi32>
          %add3A_1085 = arith.addi %broadcast_in_dim3A_7, %add3A_1084 : vector<16xi32>
          %gather3A_1086 = tpu.vector_load_idx %arg20[%add3A_1085] : memref<432xf32, #tpu.memory_space<vmem>>[vector<16xi32>], vector<16xf32>,
          %get3A_1087 = arith.index_cast %add3A_1082 : i32 to index
          %get3A_1088 = arith.constant 0 : index
          %get3A_1089 = tpu.vector_load %arg22[%get3A_1087, %get3A_1088] {strides = array<i32>} : memref<48x128xf32, #tpu.memory_space<vmem>>, vector<16xf32>,
          %mul3A_1090 = arith.mulf %get3A_1089, %gather3A_1086 : vector<16xf32>
          %swap3A_1091 = arith.index_cast %add3A_1082 : i32 to index
          %swap3A_1092 = arith.constant 0 : index
          %swap3A_1093 = tpu.vector_load %arg22[%swap3A_1091, %swap3A_1092] {strides = array<i32>} : memref<48x128xf32, #tpu.memory_space<vmem>>, vector<16xf32>,
          tpu.vector_store %arg22[%swap3A_1091, %swap3A_1092], %mul3A_1090 {strides = array<i32>} : memref<48x128xf32, #tpu.memory_space<vmem>>, vector<16xf32>,
          %get3A_1094 = arith.index_cast %add3A_1082 : i32 to index
          %get3A_1095 = arith.constant 16 : index
          %get3A_1096 = tpu.vector_load %arg22[%get3A_1094, %get3A_1095] {strides = array<i32>} : memref<48x128xf32, #tpu.memory_space<vmem>>, vector<16xf32>,
          %mul3A_1097 = arith.mulf %get3A_1096, %gather3A_1086 : vector<16xf32>
          %swap3A_1098 = arith.index_cast %add3A_1082 : i32 to index
          %swap3A_1099 = arith.constant 16 : index
          %swap3A_1100 = tpu.vector_load %arg22[%swap3A_1098, %swap3A_1099] {strides = array<i32>} : memref<48x128xf32, #tpu.memory_space<vmem>>, vector<16xf32>,
          tpu.vector_store %arg22[%swap3A_1098, %swap3A_1099], %mul3A_1097 {strides = array<i32>} : memref<48x128xf32, #tpu.memory_space<vmem>>, vector<16xf32>,
          %get3A_1101 = arith.index_cast %add3A_1082 : i32 to index
          %get3A_1102 = arith.constant 32 : index
          %get3A_1103 = tpu.vector_load %arg22[%get3A_1101, %get3A_1102] {strides = array<i32>} : memref<48x128xf32, #tpu.memory_space<vmem>>, vector<16xf32>,
          %mul3A_1104 = arith.mulf %get3A_1103, %gather3A_1086 : vector<16xf32>
          %swap3A_1105 = arith.index_cast %add3A_1082 : i32 to index
          %swap3A_1106 = arith.constant 32 : index
          %swap3A_1107 = tpu.vector_load %arg22[%swap3A_1105, %swap3A_1106] {strides = array<i32>} : memref<48x128xf32, #tpu.memory_space<vmem>>, vector<16xf32>,
          tpu.vector_store %arg22[%swap3A_1105, %swap3A_1106], %mul3A_1104 {strides = array<i32>} : memref<48x128xf32, #tpu.memory_space<vmem>>, vector<16xf32>,
          %get3A_1108 = arith.index_cast %add3A_1082 : i32 to index
          %get3A_1109 = arith.constant 48 : index
          %get3A_1110 = tpu.vector_load %arg22[%get3A_1108, %get3A_1109] {strides = array<i32>} : memref<48x128xf32, #tpu.memory_space<vmem>>, vector<16xf32>,
          %mul3A_1111 = arith.mulf %get3A_1110, %gather3A_1086 : vector<16xf32>
          %swap3A_1112 = arith.index_cast %add3A_1082 : i32 to index
          %swap3A_1113 = arith.constant 48 : index
          %swap3A_1114 = tpu.vector_load %arg22[%swap3A_1112, %swap3A_1113] {strides = array<i32>} : memref<48x128xf32, #tpu.memory_space<vmem>>, vector<16xf32>,
          tpu.vector_store %arg22[%swap3A_1112, %swap3A_1113], %mul3A_1111 {strides = array<i32>} : memref<48x128xf32, #tpu.memory_space<vmem>>, vector<16xf32>,
          %get3A_1115 = arith.index_cast %add3A_1082 : i32 to index
          %get3A_1116 = arith.constant 64 : index
          %get3A_1117 = tpu.vector_load %arg22[%get3A_1115, %get3A_1116] {strides = array<i32>} : memref<48x128xf32, #tpu.memory_space<vmem>>, vector<16xf32>,
          %mul3A_1118 = arith.mulf %get3A_1117, %gather3A_1086 : vector<16xf32>
          %swap3A_1119 = arith.index_cast %add3A_1082 : i32 to index
          %swap3A_1120 = arith.constant 64 : index
          %swap3A_1121 = tpu.vector_load %arg22[%swap3A_1119, %swap3A_1120] {strides = array<i32>} : memref<48x128xf32, #tpu.memory_space<vmem>>, vector<16xf32>,
          tpu.vector_store %arg22[%swap3A_1119, %swap3A_1120], %mul3A_1118 {strides = array<i32>} : memref<48x128xf32, #tpu.memory_space<vmem>>, vector<16xf32>,
          %get3A_1122 = arith.index_cast %add3A_1082 : i32 to index
          %get3A_1123 = arith.constant 80 : index
          %get3A_1124 = tpu.vector_load %arg22[%get3A_1122, %get3A_1123] {strides = array<i32>} : memref<48x128xf32, #tpu.memory_space<vmem>>, vector<16xf32>,
          %mul3A_1125 = arith.mulf %get3A_1124, %gather3A_1086 : vector<16xf32>
          %swap3A_1126 = arith.index_cast %add3A_1082 : i32 to index
          %swap3A_1127 = arith.constant 80 : index
          %swap3A_1128 = tpu.vector_load %arg22[%swap3A_1126, %swap3A_1127] {strides = array<i32>} : memref<48x128xf32, #tpu.memory_space<vmem>>, vector<16xf32>,
          tpu.vector_store %arg22[%swap3A_1126, %swap3A_1127], %mul3A_1125 {strides = array<i32>} : memref<48x128xf32, #tpu.memory_space<vmem>>, vector<16xf32>,
          %get3A_1129 = arith.index_cast %add3A_1082 : i32 to index
          %get3A_1130 = arith.constant 96 : index
          %get3A_1131 = tpu.vector_load %arg22[%get3A_1129, %get3A_1130] {strides = array<i32>} : memref<48x128xf32, #tpu.memory_space<vmem>>, vector<16xf32>,
          %mul3A_1132 = arith.mulf %get3A_1131, %gather3A_1086 : vector<16xf32>
          %swap3A_1133 = arith.index_cast %add3A_1082 : i32 to index
          %swap3A_1134 = arith.constant 96 : index
          %swap3A_1135 = tpu.vector_load %arg22[%swap3A_1133, %swap3A_1134] {strides = array<i32>} : memref<48x128xf32, #tpu.memory_space<vmem>>, vector<16xf32>,
          tpu.vector_store %arg22[%swap3A_1133, %swap3A_1134], %mul3A_1132 {strides = array<i32>} : memref<48x128xf32, #tpu.memory_space<vmem>>, vector<16xf32>,
          %get3A_1136 = arith.index_cast %add3A_1082 : i32 to index
          %get3A_1137 = arith.constant 112 : index
          %get3A_1138 = tpu.vector_load %arg22[%get3A_1136, %get3A_1137] {strides = array<i32>} : memref<48x128xf32, #tpu.memory_space<vmem>>, vector<16xf32>,
          %mul3A_1139 = arith.mulf %get3A_1138, %gather3A_1086 : vector<16xf32>
          %swap3A_1140 = arith.index_cast %add3A_1082 : i32 to index
          %swap3A_1141 = arith.constant 112 : index
          %swap3A_1142 = tpu.vector_load %arg22[%swap3A_1140, %swap3A_1141] {strides = array<i32>} : memref<48x128xf32, #tpu.memory_space<vmem>>, vector<16xf32>,
          tpu.vector_store %arg22[%swap3A_1140, %swap3A_1141], %mul3A_1139 {strides = array<i32>} : memref<48x128xf32, #tpu.memory_space<vmem>>, vector<16xf32>,
        }
        %scan3A_118 = arith.constant 3 : i32
        %run_scoped3A = arith.constant 0 : i32
        "tpu.region"() ({
          %run_scoped3A_119 = tpu.sem_alloc : memref<!tpu.dma_semaphore, #tpu.memory_space<semaphore_mem>>
          %dma_start3A_120 = arith.constant 0 : i32
          %dma_start3A_121 = tpu.memref_slice %arg21[%run_scoped3A, %dma_start3A_120] : memref<1x48xi32, #tpu.memory_space<vmem>> -> memref<1x48xi32, #tpu.memory_space<vmem>>
          %dma_start3A_122 = tpu.memref_squeeze %dma_start3A_121 : memref<1x48xi32, #tpu.memory_space<vmem>> -> memref<48xi32, #tpu.memory_space<vmem>>
          %dma_start3A_123 = arith.constant 0 : i32
          %dma_start3A_124 = arith.constant 0 : i32
          %dma_start3A_125 = tpu.memref_slice %arg23[%dma_start3A_123, %dma_start3A_124] : memref<10000x128xf32, #tpu.memory_space<vmem_shared>> -> memref<10000x128xf32, #tpu.memory_space<vmem_shared>>
          tpu.enqueue_indirect_dma source(%arg22 : memref<48x128xf32, #tpu.memory_space<vmem>>) target(%dma_start3A_125 : memref<10000x128xf32, #tpu.memory_space<vmem_shared>>) offsets(%dma_start3A_122 : memref<48xi32, #tpu.memory_space<vmem>>) semaphore(%run_scoped3A_119 : memref<!tpu.dma_semaphore, #tpu.memory_space<semaphore_mem>>) {add = true}
          %dma_wait3A_126 = arith.constant 0 : i32
          %dma_wait3A_127 = tpu.memref_slice %arg21[%run_scoped3A, %dma_wait3A_126] : memref<1x48xi32, #tpu.memory_space<vmem>> -> memref<1x48xi32, #tpu.memory_space<vmem>>
          %dma_wait3A_128 = tpu.memref_squeeze %dma_wait3A_127 : memref<1x48xi32, #tpu.memory_space<vmem>> -> memref<48xi32, #tpu.memory_space<vmem>>
          %dma_wait3A_129 = arith.constant 0 : i32
          %dma_wait3A_130 = arith.constant 0 : i32
          %dma_wait3A_131 = tpu.memref_slice %arg23[%dma_wait3A_129, %dma_wait3A_130] : memref<10000x128xf32, #tpu.memory_space<vmem_shared>> -> memref<10000x128xf32, #tpu.memory_space<vmem_shared>>
          tpu.wait_indirect_dma semaphore(%run_scoped3A_119 : memref<!tpu.dma_semaphore, #tpu.memory_space<semaphore_mem>>) src(%arg22 : memref<48x128xf32, #tpu.memory_space<vmem>>) dst(%dma_wait3A_131 : memref<10000x128xf32, #tpu.memory_space<vmem_shared>>)
          tpu.yield
        }) : () -> ()
      }
    }
    %scan3A_18 = arith.constant 27 : i32
    %barrier3A_19 = arith.constant 0 : index
    tpu.barrier barrier_id(%barrier3A_19)
    %mul3A_20 = arith.constant 624 : i32
    %mul3A_21 = arith.muli %arg1, %mul3A_20 : i32
    %mul3A_22 = arith.constant 624 : i32
    %mul3A_23 = arith.muli %arg1, %mul3A_22 : i32
    "tpu.region"() ({
      %run_scoped3A = tpu.sem_alloc : memref<!tpu.dma_semaphore, #tpu.memory_space<semaphore_mem>>
      %dma_start3A = arith.constant 0 : i32
      %dma_start3A_29 = tpu.memref_slice %arg10[%arg0, %mul3A_23, %dma_start3A] : memref<2x10000x128xf32, #tpu.memory_space<hbm>> -> memref<1x624x128xf32, #tpu.memory_space<hbm>>
      %dma_start3A_30 = tpu.memref_squeeze %dma_start3A_29 : memref<1x624x128xf32, #tpu.memory_space<hbm>> -> memref<624x128xf32, #tpu.memory_space<hbm>>
      %dma_start3A_31 = arith.constant 0 : i32
      %dma_start3A_32 = tpu.memref_slice %arg23[%mul3A_21, %dma_start3A_31] : memref<10000x128xf32, #tpu.memory_space<vmem_shared>> -> memref<624x128xf32, #tpu.memory_space<vmem_shared>>
      tpu.enqueue_dma source(%dma_start3A_32 : memref<624x128xf32, #tpu.memory_space<vmem_shared>>) target(%dma_start3A_30 : memref<624x128xf32, #tpu.memory_space<hbm>>) target_semaphore(%run_scoped3A : memref<!tpu.dma_semaphore, #tpu.memory_space<semaphore_mem>>)
      %dma_wait3A = arith.constant 0 : i32
      %dma_wait3A_33 = tpu.memref_slice %arg10[%arg0, %mul3A_23, %dma_wait3A] : memref<2x10000x128xf32, #tpu.memory_space<hbm>> -> memref<1x624x128xf32, #tpu.memory_space<hbm>>
      %dma_wait3A_34 = tpu.memref_squeeze %dma_wait3A_33 : memref<1x624x128xf32, #tpu.memory_space<hbm>> -> memref<624x128xf32, #tpu.memory_space<hbm>>
      %dma_wait3A_35 = arith.constant 0 : i32
      %dma_wait3A_36 = tpu.memref_slice %arg23[%mul3A_21, %dma_wait3A_35] : memref<10000x128xf32, #tpu.memory_space<vmem_shared>> -> memref<624x128xf32, #tpu.memory_space<vmem_shared>>
      tpu.wait_dma2 semaphore(%run_scoped3A : memref<!tpu.dma_semaphore, #tpu.memory_space<semaphore_mem>>) src(%dma_wait3A_36 : memref<624x128xf32, #tpu.memory_space<vmem_shared>>) dst(%dma_wait3A_34 : memref<624x128xf32, #tpu.memory_space<hbm>>)
      tpu.yield
    }) : () -> ()
    %eq3A_24 = arith.constant 15 : i32
    %eq3A_25 = arith.cmpi eq, %arg1, %eq3A_24 : i32
    %convert_element_type3A_26 = arith.extui %eq3A_25 : i1 to i32
    %cond3A_27 = arith.constant 0 : i32
    %cond3A_28 = arith.cmpi ne, %convert_element_type3A_26, %cond3A_27 : i32
    scf.if %cond3A_28 {
      "tpu.region"() ({
        %run_scoped3A = tpu.sem_alloc : memref<!tpu.dma_semaphore, #tpu.memory_space<semaphore_mem>>
        %dma_start3A = arith.constant 9984 : i32
        %dma_start3A_29 = arith.constant 0 : i32
        %dma_start3A_30 = tpu.memref_slice %arg10[%arg0, %dma_start3A, %dma_start3A_29] : memref<2x10000x128xf32, #tpu.memory_space<hbm>> -> memref<1x16x128xf32, #tpu.memory_space<hbm>>
        %dma_start3A_31 = tpu.memref_squeeze %dma_start3A_30 : memref<1x16x128xf32, #tpu.memory_space<hbm>> -> memref<16x128xf32, #tpu.memory_space<hbm>>
        %dma_start3A_32 = arith.constant 9984 : i32
        %dma_start3A_33 = arith.constant 0 : i32
        %dma_start3A_34 = tpu.memref_slice %arg23[%dma_start3A_32, %dma_start3A_33] : memref<10000x128xf32, #tpu.memory_space<vmem_shared>> -> memref<16x128xf32, #tpu.memory_space<vmem_shared>>
        tpu.enqueue_dma source(%dma_start3A_34 : memref<16x128xf32, #tpu.memory_space<vmem_shared>>) target(%dma_start3A_31 : memref<16x128xf32, #tpu.memory_space<hbm>>) target_semaphore(%run_scoped3A : memref<!tpu.dma_semaphore, #tpu.memory_space<semaphore_mem>>)
        %dma_wait3A = arith.constant 9984 : i32
        %dma_wait3A_35 = arith.constant 0 : i32
        %dma_wait3A_36 = tpu.memref_slice %arg10[%arg0, %dma_wait3A, %dma_wait3A_35] : memref<2x10000x128xf32, #tpu.memory_space<hbm>> -> memref<1x16x128xf32, #tpu.memory_space<hbm>>
        %dma_wait3A_37 = tpu.memref_squeeze %dma_wait3A_36 : memref<1x16x128xf32, #tpu.memory_space<hbm>> -> memref<16x128xf32, #tpu.memory_space<hbm>>
        %dma_wait3A_38 = arith.constant 9984 : i32
        %dma_wait3A_39 = arith.constant 0 : i32
        %dma_wait3A_40 = tpu.memref_slice %arg23[%dma_wait3A_38, %dma_wait3A_39] : memref<10000x128xf32, #tpu.memory_space<vmem_shared>> -> memref<16x128xf32, #tpu.memory_space<vmem_shared>>
        tpu.wait_dma2 semaphore(%run_scoped3A : memref<!tpu.dma_semaphore, #tpu.memory_space<semaphore_mem>>) src(%dma_wait3A_40 : memref<16x128xf32, #tpu.memory_space<vmem_shared>>) dst(%dma_wait3A_37 : memref<16x128xf32, #tpu.memory_space<hbm>>)
        tpu.yield
      }) : () -> ()
    } else {
    }
    "tpu.region"() ({
      %run_scoped3A = tpu.sem_alloc : memref<!tpu.dma_semaphore, #tpu.memory_space<semaphore_mem>>
      %dma_start3A = arith.constant 0 : i32
      %dma_start3A_29 = arith.constant 0 : i32
      %dma_start3A_30 = tpu.memref_slice %arg11[%add3A, %dma_start3A, %dma_start3A_29] : memref<32x1x10000xf32, #tpu.memory_space<hbm>> -> memref<1x1x10000xf32, #tpu.memory_space<hbm>>
      %dma_start3A_31 = tpu.memref_squeeze %dma_start3A_30 : memref<1x1x10000xf32, #tpu.memory_space<hbm>> -> memref<1x10000xf32, #tpu.memory_space<hbm>>
      %dma_start3A_32 = arith.constant 0 : i32
      %dma_start3A_33 = arith.constant 0 : i32
      %dma_start3A_34 = tpu.memref_slice %arg11[%add3A, %dma_start3A_32, %dma_start3A_33] : memref<32x1x10000xf32, #tpu.memory_space<hbm>> -> memref<1x1x10000xf32, #tpu.memory_space<hbm>>
      %dma_start3A_35 = tpu.memref_squeeze %dma_start3A_34 : memref<1x1x10000xf32, #tpu.memory_space<hbm>> -> memref<1x10000xf32, #tpu.memory_space<hbm>>
      tpu.enqueue_dma source(%arg15 : memref<1x10000xf32, #tpu.memory_space<vmem>>) target(%dma_start3A_35 : memref<1x10000xf32, #tpu.memory_space<hbm>>) target_semaphore(%run_scoped3A : memref<!tpu.dma_semaphore, #tpu.memory_space<semaphore_mem>>)
      %dma_wait3A = arith.constant 0 : i32
      %dma_wait3A_36 = arith.constant 0 : i32
      %dma_wait3A_37 = tpu.memref_slice %arg11[%add3A, %dma_wait3A, %dma_wait3A_36] : memref<32x1x10000xf32, #tpu.memory_space<hbm>> -> memref<1x1x10000xf32, #tpu.memory_space<hbm>>
      %dma_wait3A_38 = tpu.memref_squeeze %dma_wait3A_37 : memref<1x1x10000xf32, #tpu.memory_space<hbm>> -> memref<1x10000xf32, #tpu.memory_space<hbm>>
      %dma_wait3A_39 = arith.constant 0 : i32
      %dma_wait3A_40 = arith.constant 0 : i32
      %dma_wait3A_41 = tpu.memref_slice %arg11[%add3A, %dma_wait3A_39, %dma_wait3A_40] : memref<32x1x10000xf32, #tpu.memory_space<hbm>> -> memref<1x1x10000xf32, #tpu.memory_space<hbm>>
      %dma_wait3A_42 = tpu.memref_squeeze %dma_wait3A_41 : memref<1x1x10000xf32, #tpu.memory_space<hbm>> -> memref<1x10000xf32, #tpu.memory_space<hbm>>
      tpu.wait_dma2 semaphore(%run_scoped3A : memref<!tpu.dma_semaphore, #tpu.memory_space<semaphore_mem>>) src(%arg15 : memref<1x10000xf32, #tpu.memory_space<vmem>>) dst(%dma_wait3A_42 : memref<1x10000xf32, #tpu.memory_space<hbm>>)
      tpu.yield
    }) : () -> ()
    return
  }
}

#map = affine_map<(d0, d1) -> (0, 0, 0, 0)>
#map1 = affine_map<(d0, d1) -> (0)>
#map2 = affine_map<(d0, d1) -> (0, 0)>
#map3 = affine_map<(d0, d1) -> (0, 0, 0)>
module attributes {stable_mosaic.version = 14 : i64} {
  func.func @_sc2_body(%arg0: i32, %arg1: i32, %arg2: memref<32x27x3x128xi32, #tpu.memory_space<hbm>>, %arg3: memref<32x27x3x128xi32, #tpu.memory_space<hbm>>, %arg4: memref<10001xi32, #tpu.memory_space<hbm>>, %arg5: memref<10001xf32, #tpu.memory_space<hbm>>, %arg6: memref<10001xf32, #tpu.memory_space<hbm>>, %arg7: memref<10001xf32, #tpu.memory_space<hbm>>, %arg8: memref<1x10000xf32, #tpu.memory_space<hbm>>, %arg9: memref<32x1x10000xf32, #tpu.memory_space<hbm>>, %arg10: memref<32x1x10000xf32, #tpu.memory_space<hbm>>, %arg11: memref<10001xi32, #tpu.memory_space<vmem>>, %arg12: memref<10001xf32, #tpu.memory_space<vmem>>, %arg13: memref<10001xf32, #tpu.memory_space<vmem>>, %arg14: memref<10001xf32, #tpu.memory_space<vmem>>, %arg15: memref<1x10000xf32, #tpu.memory_space<vmem>>, %arg16: memref<1x10000xf32, #tpu.memory_space<vmem>>, %arg17: memref<3x128xi32, #tpu.memory_space<vmem>>, %arg18: memref<3x128xi32, #tpu.memory_space<vmem>>) attributes {dimension_semantics = [#tpu.dimension_semantics<core_parallel>, #tpu.dimension_semantics<subcore_parallel>], iteration_bounds = array<i64: 2, 16>, scalar_prefetch = 0 : i64, scratch_operands = 8 : i64, tpu.core_type = #tpu.core_type<sc_vector_subcore>, window_params = [{transform_indices = #map}, {transform_indices = #map}, {transform_indices = #map1}, {transform_indices = #map1}, {transform_indices = #map1}, {transform_indices = #map1}, {transform_indices = #map2}, {transform_indices = #map3}, {transform_indices = #map3}]} {
    %mul3A = arith.constant 2 : i32
    %mul3A_0 = arith.muli %arg1, %mul3A : i32
    %add3A = arith.addi %mul3A_0, %arg0 : i32
    "tpu.region"() ({
      %run_scoped3A = tpu.sem_alloc : memref<!tpu.dma_semaphore, #tpu.memory_space<semaphore_mem>>
      tpu.enqueue_dma source(%arg4 : memref<10001xi32, #tpu.memory_space<hbm>>) target(%arg11 : memref<10001xi32, #tpu.memory_space<vmem>>) target_semaphore(%run_scoped3A : memref<!tpu.dma_semaphore, #tpu.memory_space<semaphore_mem>>)
      tpu.wait_dma2 semaphore(%run_scoped3A : memref<!tpu.dma_semaphore, #tpu.memory_space<semaphore_mem>>) src(%arg4 : memref<10001xi32, #tpu.memory_space<hbm>>) dst(%arg11 : memref<10001xi32, #tpu.memory_space<vmem>>)
      tpu.yield
    }) : () -> ()
    "tpu.region"() ({
      %run_scoped3A = tpu.sem_alloc : memref<!tpu.dma_semaphore, #tpu.memory_space<semaphore_mem>>
      tpu.enqueue_dma source(%arg5 : memref<10001xf32, #tpu.memory_space<hbm>>) target(%arg12 : memref<10001xf32, #tpu.memory_space<vmem>>) target_semaphore(%run_scoped3A : memref<!tpu.dma_semaphore, #tpu.memory_space<semaphore_mem>>)
      tpu.wait_dma2 semaphore(%run_scoped3A : memref<!tpu.dma_semaphore, #tpu.memory_space<semaphore_mem>>) src(%arg5 : memref<10001xf32, #tpu.memory_space<hbm>>) dst(%arg12 : memref<10001xf32, #tpu.memory_space<vmem>>)
      tpu.yield
    }) : () -> ()
    "tpu.region"() ({
      %run_scoped3A = tpu.sem_alloc : memref<!tpu.dma_semaphore, #tpu.memory_space<semaphore_mem>>
      tpu.enqueue_dma source(%arg6 : memref<10001xf32, #tpu.memory_space<hbm>>) target(%arg13 : memref<10001xf32, #tpu.memory_space<vmem>>) target_semaphore(%run_scoped3A : memref<!tpu.dma_semaphore, #tpu.memory_space<semaphore_mem>>)
      tpu.wait_dma2 semaphore(%run_scoped3A : memref<!tpu.dma_semaphore, #tpu.memory_space<semaphore_mem>>) src(%arg6 : memref<10001xf32, #tpu.memory_space<hbm>>) dst(%arg13 : memref<10001xf32, #tpu.memory_space<vmem>>)
      tpu.yield
    }) : () -> ()
    "tpu.region"() ({
      %run_scoped3A = tpu.sem_alloc : memref<!tpu.dma_semaphore, #tpu.memory_space<semaphore_mem>>
      tpu.enqueue_dma source(%arg7 : memref<10001xf32, #tpu.memory_space<hbm>>) target(%arg14 : memref<10001xf32, #tpu.memory_space<vmem>>) target_semaphore(%run_scoped3A : memref<!tpu.dma_semaphore, #tpu.memory_space<semaphore_mem>>)
      tpu.wait_dma2 semaphore(%run_scoped3A : memref<!tpu.dma_semaphore, #tpu.memory_space<semaphore_mem>>) src(%arg7 : memref<10001xf32, #tpu.memory_space<hbm>>) dst(%arg14 : memref<10001xf32, #tpu.memory_space<vmem>>)
      tpu.yield
    }) : () -> ()
    "tpu.region"() ({
      %run_scoped3A = tpu.sem_alloc : memref<!tpu.dma_semaphore, #tpu.memory_space<semaphore_mem>>
      tpu.enqueue_dma source(%arg8 : memref<1x10000xf32, #tpu.memory_space<hbm>>) target(%arg15 : memref<1x10000xf32, #tpu.memory_space<vmem>>) target_semaphore(%run_scoped3A : memref<!tpu.dma_semaphore, #tpu.memory_space<semaphore_mem>>)
      tpu.wait_dma2 semaphore(%run_scoped3A : memref<!tpu.dma_semaphore, #tpu.memory_space<semaphore_mem>>) src(%arg8 : memref<1x10000xf32, #tpu.memory_space<hbm>>) dst(%arg15 : memref<1x10000xf32, #tpu.memory_space<vmem>>)
      tpu.yield
    }) : () -> ()
    "tpu.region"() ({
      %run_scoped3A = tpu.sem_alloc : memref<!tpu.dma_semaphore, #tpu.memory_space<semaphore_mem>>
      tpu.enqueue_dma source(%arg8 : memref<1x10000xf32, #tpu.memory_space<hbm>>) target(%arg16 : memref<1x10000xf32, #tpu.memory_space<vmem>>) target_semaphore(%run_scoped3A : memref<!tpu.dma_semaphore, #tpu.memory_space<semaphore_mem>>)
      tpu.wait_dma2 semaphore(%run_scoped3A : memref<!tpu.dma_semaphore, #tpu.memory_space<semaphore_mem>>) src(%arg8 : memref<1x10000xf32, #tpu.memory_space<hbm>>) dst(%arg16 : memref<1x10000xf32, #tpu.memory_space<vmem>>)
      tpu.yield
    }) : () -> ()
    %iota3A = tpu.iota {dimensions = array<i32: 0>} : vector<16xi32>
    %broadcast_in_dim3A = arith.constant 0 : i32
    %broadcast_in_dim3A_1 = vector.broadcast %broadcast_in_dim3A : i32 to vector<16xi32>
    %scan3A = arith.constant 0 : i32
    %scan3A_2 = arith.constant 0 : i32
    %scan3A_3 = arith.constant 27 : i32
    %scan3A_4 = arith.addi %scan3A_2, %scan3A_3 : i32
    %scan3A_5 = arith.constant 1 : i32
    scf.for %scan3A_7 = %scan3A_2 to %scan3A_4 step %scan3A_5  : i32 {
      %mul3A_8 = arith.constant 3 : i32
      %mul3A_9 = arith.muli %scan3A_7, %mul3A_8 : i32
      "tpu.region"() ({
        %run_scoped3A = tpu.sem_alloc : memref<!tpu.dma_semaphore, #tpu.memory_space<semaphore_mem>>
        %dma_start3A = arith.constant 0 : i32
        %dma_start3A_16 = arith.constant 0 : i32
        %dma_start3A_17 = tpu.memref_slice %arg2[%add3A, %scan3A_7, %dma_start3A, %dma_start3A_16] : memref<32x27x3x128xi32, #tpu.memory_space<hbm>> -> memref<1x1x3x128xi32, #tpu.memory_space<hbm>>
        %dma_start3A_18 = tpu.memref_squeeze %dma_start3A_17 : memref<1x1x3x128xi32, #tpu.memory_space<hbm>> -> memref<3x128xi32, #tpu.memory_space<hbm>>
        %dma_start3A_19 = arith.constant 0 : i32
        %dma_start3A_20 = arith.constant 0 : i32
        %dma_start3A_21 = tpu.memref_slice %arg2[%add3A, %scan3A_7, %dma_start3A_19, %dma_start3A_20] : memref<32x27x3x128xi32, #tpu.memory_space<hbm>> -> memref<1x1x3x128xi32, #tpu.memory_space<hbm>>
        %dma_start3A_22 = tpu.memref_squeeze %dma_start3A_21 : memref<1x1x3x128xi32, #tpu.memory_space<hbm>> -> memref<3x128xi32, #tpu.memory_space<hbm>>
        tpu.enqueue_dma source(%dma_start3A_22 : memref<3x128xi32, #tpu.memory_space<hbm>>) target(%arg17 : memref<3x128xi32, #tpu.memory_space<vmem>>) target_semaphore(%run_scoped3A : memref<!tpu.dma_semaphore, #tpu.memory_space<semaphore_mem>>)
        %dma_wait3A = arith.constant 0 : i32
        %dma_wait3A_23 = arith.constant 0 : i32
        %dma_wait3A_24 = tpu.memref_slice %arg2[%add3A, %scan3A_7, %dma_wait3A, %dma_wait3A_23] : memref<32x27x3x128xi32, #tpu.memory_space<hbm>> -> memref<1x1x3x128xi32, #tpu.memory_space<hbm>>
        %dma_wait3A_25 = tpu.memref_squeeze %dma_wait3A_24 : memref<1x1x3x128xi32, #tpu.memory_space<hbm>> -> memref<3x128xi32, #tpu.memory_space<hbm>>
        %dma_wait3A_26 = arith.constant 0 : i32
        %dma_wait3A_27 = arith.constant 0 : i32
        %dma_wait3A_28 = tpu.memref_slice %arg2[%add3A, %scan3A_7, %dma_wait3A_26, %dma_wait3A_27] : memref<32x27x3x128xi32, #tpu.memory_space<hbm>> -> memref<1x1x3x128xi32, #tpu.memory_space<hbm>>
        %dma_wait3A_29 = tpu.memref_squeeze %dma_wait3A_28 : memref<1x1x3x128xi32, #tpu.memory_space<hbm>> -> memref<3x128xi32, #tpu.memory_space<hbm>>
        tpu.wait_dma2 semaphore(%run_scoped3A : memref<!tpu.dma_semaphore, #tpu.memory_space<semaphore_mem>>) src(%dma_wait3A_29 : memref<3x128xi32, #tpu.memory_space<hbm>>) dst(%arg17 : memref<3x128xi32, #tpu.memory_space<vmem>>)
        tpu.yield
      }) : () -> ()
      "tpu.region"() ({
        %run_scoped3A = tpu.sem_alloc : memref<!tpu.dma_semaphore, #tpu.memory_space<semaphore_mem>>
        %dma_start3A = arith.constant 0 : i32
        %dma_start3A_16 = arith.constant 0 : i32
        %dma_start3A_17 = tpu.memref_slice %arg3[%add3A, %scan3A_7, %dma_start3A, %dma_start3A_16] : memref<32x27x3x128xi32, #tpu.memory_space<hbm>> -> memref<1x1x3x128xi32, #tpu.memory_space<hbm>>
        %dma_start3A_18 = tpu.memref_squeeze %dma_start3A_17 : memref<1x1x3x128xi32, #tpu.memory_space<hbm>> -> memref<3x128xi32, #tpu.memory_space<hbm>>
        %dma_start3A_19 = arith.constant 0 : i32
        %dma_start3A_20 = arith.constant 0 : i32
        %dma_start3A_21 = tpu.memref_slice %arg3[%add3A, %scan3A_7, %dma_start3A_19, %dma_start3A_20] : memref<32x27x3x128xi32, #tpu.memory_space<hbm>> -> memref<1x1x3x128xi32, #tpu.memory_space<hbm>>
        %dma_start3A_22 = tpu.memref_squeeze %dma_start3A_21 : memref<1x1x3x128xi32, #tpu.memory_space<hbm>> -> memref<3x128xi32, #tpu.memory_space<hbm>>
        tpu.enqueue_dma source(%dma_start3A_22 : memref<3x128xi32, #tpu.memory_space<hbm>>) target(%arg18 : memref<3x128xi32, #tpu.memory_space<vmem>>) target_semaphore(%run_scoped3A : memref<!tpu.dma_semaphore, #tpu.memory_space<semaphore_mem>>)
        %dma_wait3A = arith.constant 0 : i32
        %dma_wait3A_23 = arith.constant 0 : i32
        %dma_wait3A_24 = tpu.memref_slice %arg3[%add3A, %scan3A_7, %dma_wait3A, %dma_wait3A_23] : memref<32x27x3x128xi32, #tpu.memory_space<hbm>> -> memref<1x1x3x128xi32, #tpu.memory_space<hbm>>
        %dma_wait3A_25 = tpu.memref_squeeze %dma_wait3A_24 : memref<1x1x3x128xi32, #tpu.memory_space<hbm>> -> memref<3x128xi32, #tpu.memory_space<hbm>>
        %dma_wait3A_26 = arith.constant 0 : i32
        %dma_wait3A_27 = arith.constant 0 : i32
        %dma_wait3A_28 = tpu.memref_slice %arg3[%add3A, %scan3A_7, %dma_wait3A_26, %dma_wait3A_27] : memref<32x27x3x128xi32, #tpu.memory_space<hbm>> -> memref<1x1x3x128xi32, #tpu.memory_space<hbm>>
        %dma_wait3A_29 = tpu.memref_squeeze %dma_wait3A_28 : memref<1x1x3x128xi32, #tpu.memory_space<hbm>> -> memref<3x128xi32, #tpu.memory_space<hbm>>
        tpu.wait_dma2 semaphore(%run_scoped3A : memref<!tpu.dma_semaphore, #tpu.memory_space<semaphore_mem>>) src(%dma_wait3A_29 : memref<3x128xi32, #tpu.memory_space<hbm>>) dst(%arg18 : memref<3x128xi32, #tpu.memory_space<vmem>>)
        tpu.yield
      }) : () -> ()
      %scan3A_10 = arith.constant 0 : i32
      %scan3A_11 = arith.constant 0 : i32
      %scan3A_12 = arith.constant 24 : i32
      %scan3A_13 = arith.addi %scan3A_11, %scan3A_12 : i32
      %scan3A_14 = arith.constant 1 : i32
      scf.for %scan3A_16 = %scan3A_11 to %scan3A_13 step %scan3A_14  : i32 {
        %jit3A = arith.constant 8 : i32
        %div3A = arith.divsi %scan3A_16, %jit3A : i32
        %sign3A = arith.constant 0 : i32
        %sign3A_17 = arith.cmpi sgt, %scan3A_16, %sign3A : i32
        %sign3A_18 = arith.extui %sign3A_17 : i1 to i32
        %sign3A_19 = arith.constant 0 : i32
        %sign3A_20 = arith.cmpi slt, %scan3A_16, %sign3A_19 : i32
        %sign3A_21 = arith.extui %sign3A_20 : i1 to i32
        %sign3A_22 = arith.subi %sign3A_18, %sign3A_21 : i32
        %sign3A_23 = arith.constant 0 : i32
        %sign3A_24 = arith.cmpi sgt, %jit3A, %sign3A_23 : i32
        %sign3A_25 = arith.extui %sign3A_24 : i1 to i32
        %sign3A_26 = arith.constant 0 : i32
        %sign3A_27 = arith.cmpi slt, %jit3A, %sign3A_26 : i32
        %sign3A_28 = arith.extui %sign3A_27 : i1 to i32
        %sign3A_29 = arith.subi %sign3A_25, %sign3A_28 : i32
        %ne3A = arith.cmpi ne, %sign3A_22, %sign3A_29 : i32
        %rem3A = arith.remsi %scan3A_16, %jit3A : i32
        %ne3A_30 = arith.constant 0 : i32
        %ne3A_31 = arith.cmpi ne, %rem3A, %ne3A_30 : i32
        %and3A = arith.andi %ne3A, %ne3A_31 : i1
        %sub3A = arith.constant 1 : i32
        %sub3A_32 = arith.subi %div3A, %sub3A : i32
        %select_n3A = arith.select %and3A, %sub3A_32, %div3A : i32
        %jit3A_33 = arith.constant 8 : i32
        %eq3A = arith.constant 0 : i32
        %eq3A_34 = arith.cmpi eq, %jit3A_33, %eq3A : i32
        %jit3A_35 = arith.constant 1 : i32
        %select_n3A_36 = arith.select %eq3A_34, %jit3A_35, %jit3A_33 : i32
        %rem3A_37 = arith.remsi %scan3A_16, %select_n3A_36 : i32
        %ne3A_38 = arith.constant 0 : i32
        %ne3A_39 = arith.cmpi ne, %rem3A_37, %ne3A_38 : i32
        %lt3A = arith.constant 0 : i32
        %lt3A_40 = arith.cmpi slt, %rem3A_37, %lt3A : i32
        %lt3A_41 = arith.constant 0 : i32
        %lt3A_42 = arith.cmpi slt, %select_n3A_36, %lt3A_41 : i32
        %ne3A_43 = arith.xori %lt3A_40, %lt3A_42 : i1
        %and3A_44 = arith.andi %ne3A_43, %ne3A_39 : i1
        %add3A_45 = arith.addi %rem3A_37, %select_n3A_36 : i32
        %select_n3A_46 = arith.select %and3A_44, %add3A_45, %rem3A_37 : i32
        %mul3A_47 = arith.constant 16 : i32
        %mul3A_48 = arith.muli %select_n3A_46, %mul3A_47 : i32
        %get3A = arith.index_cast %select_n3A : i32 to index
        %get3A_49 = arith.index_cast %mul3A_48 : i32 to index
        %get3A_50 = tpu.vector_load %arg17[%get3A, %get3A_49] {strides = array<i32>} : memref<3x128xi32, #tpu.memory_space<vmem>>, vector<16xi32>,
        %mul3A_51 = arith.constant 16 : i32
        %mul3A_52 = arith.muli %select_n3A_46, %mul3A_51 : i32
        %get3A_53 = arith.index_cast %select_n3A : i32 to index
        %get3A_54 = arith.index_cast %mul3A_52 : i32 to index
        %get3A_55 = tpu.vector_load %arg18[%get3A_53, %get3A_54] {strides = array<i32>} : memref<3x128xi32, #tpu.memory_space<vmem>>, vector<16xi32>,
        %gather3A = tpu.vector_load_idx %arg11[%get3A_50] : memref<10001xi32, #tpu.memory_space<vmem>>[vector<16xi32>], vector<16xi32>,
        %gather3A_56 = tpu.vector_load_idx %arg11[%get3A_55] : memref<10001xi32, #tpu.memory_space<vmem>>[vector<16xi32>], vector<16xi32>,
        %gather3A_57 = tpu.vector_load_idx %arg12[%get3A_50] : memref<10001xf32, #tpu.memory_space<vmem>>[vector<16xi32>], vector<16xf32>,
        %gather3A_58 = tpu.vector_load_idx %arg13[%get3A_55] : memref<10001xf32, #tpu.memory_space<vmem>>[vector<16xi32>], vector<16xf32>,
        %gather3A_59 = tpu.vector_load_idx %arg14[%get3A_50] : memref<10001xf32, #tpu.memory_space<vmem>>[vector<16xi32>], vector<16xf32>,
        %mul3A_60 = arith.constant 81 : i32
        %mul3A_61 = arith.muli %add3A, %mul3A_60 : i32
        %add3A_62 = arith.addi %mul3A_61, %mul3A_9 : i32
        %add3A_63 = arith.addi %add3A_62, %select_n3A : i32
        %mul3A_64 = arith.constant 128 : i32
        %mul3A_65 = arith.muli %add3A_63, %mul3A_64 : i32
        %mul3A_66 = arith.constant 16 : i32
        %mul3A_67 = arith.muli %select_n3A_46, %mul3A_66 : i32
        %add3A_68 = arith.addi %mul3A_65, %mul3A_67 : i32
        %add3A_69 = vector.broadcast %add3A_68 : i32 to vector<16xi32>
        %add3A_70 = arith.addi %add3A_69, %iota3A : vector<16xi32>
        %eq3A_71 = arith.constant 0 : i32
        %eq3A_72 = vector.broadcast %eq3A_71 : i32 to vector<16xi32>
        %eq3A_73 = arith.cmpi eq, %gather3A, %eq3A_72 : vector<16xi32>
        %eq3A_74 = arith.constant 0 : i32
        %eq3A_75 = vector.broadcast %eq3A_74 : i32 to vector<16xi32>
        %eq3A_76 = arith.cmpi eq, %gather3A_56, %eq3A_75 : vector<16xi32>
        %and3A_77 = arith.andi %eq3A_73, %eq3A_76 : vector<16xi1>
        %ge3A = arith.constant 320000 : i32
        %ge3A_78 = vector.broadcast %ge3A : i32 to vector<16xi32>
        %ge3A_79 = arith.cmpi sge, %add3A_70, %ge3A_78 : vector<16xi32>
        %lt3A_80 = arith.constant 330000 : i32
        %lt3A_81 = vector.broadcast %lt3A_80 : i32 to vector<16xi32>
        %lt3A_82 = arith.cmpi slt, %add3A_70, %lt3A_81 : vector<16xi32>
        %and3A_83 = arith.andi %ge3A_79, %lt3A_82 : vector<16xi1>
        %or3A = arith.ori %and3A_77, %and3A_83 : vector<16xi1>
        %add3A_84 = arith.addf %gather3A_57, %gather3A_58 : vector<16xf32>
        %gt3A = arith.constant 0.000000e+00 : f32
        %gt3A_85 = vector.broadcast %gt3A : f32 to vector<16xf32>
        %gt3A_86 = arith.cmpf ogt, %add3A_84, %gt3A_85 : vector<16xf32>
        %mul3A_87 = arith.constant 2.000000e-01 : f32
        %mul3A_88 = vector.broadcast %mul3A_87 : f32 to vector<16xf32>
        %mul3A_89 = arith.mulf %mul3A_88, %add3A_84 : vector<16xf32>
        %select_n3A_90 = arith.select %gt3A_86, %add3A_84, %mul3A_89 : vector<16xi1>, vector<16xf32>
        %exp3A = math.exp %select_n3A_90 : vector<16xf32>
        %jit3A_91 = arith.constant 0.000000e+00 : f32
        %broadcast_in_dim3A_92 = vector.broadcast %jit3A_91 : f32 to vector<16xf32>
        %select_n3A_93 = arith.select %or3A, %exp3A, %broadcast_in_dim3A_92 : vector<16xi1>, vector<16xf32>
        tpu.vector_store_idx %arg15[%broadcast_in_dim3A_1, %get3A_55], %select_n3A_93 {add = true} : memref<1x10000xf32, #tpu.memory_space<vmem>>[vector<16xi32>, vector<16xi32>], vector<16xf32>,
        %mul3A_94 = arith.mulf %select_n3A_93, %gather3A_59 : vector<16xf32>
        tpu.vector_store_idx %arg16[%broadcast_in_dim3A_1, %get3A_55], %mul3A_94 {add = true} : memref<1x10000xf32, #tpu.memory_space<vmem>>[vector<16xi32>, vector<16xi32>], vector<16xf32>,
      }
      %scan3A_15 = arith.constant 24 : i32
    }
    %scan3A_6 = arith.constant 27 : i32
    "tpu.region"() ({
      %run_scoped3A = tpu.sem_alloc : memref<!tpu.dma_semaphore, #tpu.memory_space<semaphore_mem>>
      %dma_start3A = arith.constant 0 : i32
      %dma_start3A_7 = arith.constant 0 : i32
      %dma_start3A_8 = tpu.memref_slice %arg10[%add3A, %dma_start3A, %dma_start3A_7] : memref<32x1x10000xf32, #tpu.memory_space<hbm>> -> memref<1x1x10000xf32, #tpu.memory_space<hbm>>
      %dma_start3A_9 = tpu.memref_squeeze %dma_start3A_8 : memref<1x1x10000xf32, #tpu.memory_space<hbm>> -> memref<1x10000xf32, #tpu.memory_space<hbm>>
      %dma_start3A_10 = arith.constant 0 : i32
      %dma_start3A_11 = arith.constant 0 : i32
      %dma_start3A_12 = tpu.memref_slice %arg10[%add3A, %dma_start3A_10, %dma_start3A_11] : memref<32x1x10000xf32, #tpu.memory_space<hbm>> -> memref<1x1x10000xf32, #tpu.memory_space<hbm>>
      %dma_start3A_13 = tpu.memref_squeeze %dma_start3A_12 : memref<1x1x10000xf32, #tpu.memory_space<hbm>> -> memref<1x10000xf32, #tpu.memory_space<hbm>>
      tpu.enqueue_dma source(%arg15 : memref<1x10000xf32, #tpu.memory_space<vmem>>) target(%dma_start3A_13 : memref<1x10000xf32, #tpu.memory_space<hbm>>) target_semaphore(%run_scoped3A : memref<!tpu.dma_semaphore, #tpu.memory_space<semaphore_mem>>)
      %dma_wait3A = arith.constant 0 : i32
      %dma_wait3A_14 = arith.constant 0 : i32
      %dma_wait3A_15 = tpu.memref_slice %arg10[%add3A, %dma_wait3A, %dma_wait3A_14] : memref<32x1x10000xf32, #tpu.memory_space<hbm>> -> memref<1x1x10000xf32, #tpu.memory_space<hbm>>
      %dma_wait3A_16 = tpu.memref_squeeze %dma_wait3A_15 : memref<1x1x10000xf32, #tpu.memory_space<hbm>> -> memref<1x10000xf32, #tpu.memory_space<hbm>>
      %dma_wait3A_17 = arith.constant 0 : i32
      %dma_wait3A_18 = arith.constant 0 : i32
      %dma_wait3A_19 = tpu.memref_slice %arg10[%add3A, %dma_wait3A_17, %dma_wait3A_18] : memref<32x1x10000xf32, #tpu.memory_space<hbm>> -> memref<1x1x10000xf32, #tpu.memory_space<hbm>>
      %dma_wait3A_20 = tpu.memref_squeeze %dma_wait3A_19 : memref<1x1x10000xf32, #tpu.memory_space<hbm>> -> memref<1x10000xf32, #tpu.memory_space<hbm>>
      tpu.wait_dma2 semaphore(%run_scoped3A : memref<!tpu.dma_semaphore, #tpu.memory_space<semaphore_mem>>) src(%arg15 : memref<1x10000xf32, #tpu.memory_space<vmem>>) dst(%dma_wait3A_20 : memref<1x10000xf32, #tpu.memory_space<hbm>>)
      tpu.yield
    }) : () -> ()
    "tpu.region"() ({
      %run_scoped3A = tpu.sem_alloc : memref<!tpu.dma_semaphore, #tpu.memory_space<semaphore_mem>>
      %dma_start3A = arith.constant 0 : i32
      %dma_start3A_7 = arith.constant 0 : i32
      %dma_start3A_8 = tpu.memref_slice %arg9[%add3A, %dma_start3A, %dma_start3A_7] : memref<32x1x10000xf32, #tpu.memory_space<hbm>> -> memref<1x1x10000xf32, #tpu.memory_space<hbm>>
      %dma_start3A_9 = tpu.memref_squeeze %dma_start3A_8 : memref<1x1x10000xf32, #tpu.memory_space<hbm>> -> memref<1x10000xf32, #tpu.memory_space<hbm>>
      %dma_start3A_10 = arith.constant 0 : i32
      %dma_start3A_11 = arith.constant 0 : i32
      %dma_start3A_12 = tpu.memref_slice %arg9[%add3A, %dma_start3A_10, %dma_start3A_11] : memref<32x1x10000xf32, #tpu.memory_space<hbm>> -> memref<1x1x10000xf32, #tpu.memory_space<hbm>>
      %dma_start3A_13 = tpu.memref_squeeze %dma_start3A_12 : memref<1x1x10000xf32, #tpu.memory_space<hbm>> -> memref<1x10000xf32, #tpu.memory_space<hbm>>
      tpu.enqueue_dma source(%arg16 : memref<1x10000xf32, #tpu.memory_space<vmem>>) target(%dma_start3A_13 : memref<1x10000xf32, #tpu.memory_space<hbm>>) target_semaphore(%run_scoped3A : memref<!tpu.dma_semaphore, #tpu.memory_space<semaphore_mem>>)
      %dma_wait3A = arith.constant 0 : i32
      %dma_wait3A_14 = arith.constant 0 : i32
      %dma_wait3A_15 = tpu.memref_slice %arg9[%add3A, %dma_wait3A, %dma_wait3A_14] : memref<32x1x10000xf32, #tpu.memory_space<hbm>> -> memref<1x1x10000xf32, #tpu.memory_space<hbm>>
      %dma_wait3A_16 = tpu.memref_squeeze %dma_wait3A_15 : memref<1x1x10000xf32, #tpu.memory_space<hbm>> -> memref<1x10000xf32, #tpu.memory_space<hbm>>
      %dma_wait3A_17 = arith.constant 0 : i32
      %dma_wait3A_18 = arith.constant 0 : i32
      %dma_wait3A_19 = tpu.memref_slice %arg9[%add3A, %dma_wait3A_17, %dma_wait3A_18] : memref<32x1x10000xf32, #tpu.memory_space<hbm>> -> memref<1x1x10000xf32, #tpu.memory_space<hbm>>
      %dma_wait3A_20 = tpu.memref_squeeze %dma_wait3A_19 : memref<1x1x10000xf32, #tpu.memory_space<hbm>> -> memref<1x10000xf32, #tpu.memory_space<hbm>>
      tpu.wait_dma2 semaphore(%run_scoped3A : memref<!tpu.dma_semaphore, #tpu.memory_space<semaphore_mem>>) src(%arg16 : memref<1x10000xf32, #tpu.memory_space<vmem>>) dst(%dma_wait3A_20 : memref<1x10000xf32, #tpu.memory_space<hbm>>)
      tpu.yield
    }) : () -> ()
    return
  }
}

module attributes {stable_mosaic.version = 14 : i64} {
  func.func @_tc1_body(%arg0: memref<10000x128xf32, #tpu.memory_space<vmem>>, %arg1: memref<128x128xf32, #tpu.memory_space<vmem>>, %arg2: memref<128xf32, #tpu.memory_space<vmem>>, %arg3: memref<128xf32, #tpu.memory_space<vmem>>, %arg4: memref<10001x128xf32, #tpu.memory_space<vmem>>, %arg5: memref<10001xf32, #tpu.memory_space<vmem>>, %arg6: memref<10001xf32, #tpu.memory_space<vmem>>) attributes {dimension_semantics = [], scalar_prefetch = 0 : i64, scratch_operands = 0 : i64, tpu.core_type = #tpu.core_type<tc>} {
    %get3A = arith.constant 0 : index
    %get3A_0 = arith.constant 0 : index
    %get3A_1 = vector.load %arg0[%get3A, %get3A_0] : memref<10000x128xf32, #tpu.memory_space<vmem>>, vector<10000x128xf32>
    %get3A_2 = arith.constant 0 : index
    %get3A_3 = arith.constant 0 : index
    %get3A_4 = vector.load %arg1[%get3A_2, %get3A_3] : memref<128x128xf32, #tpu.memory_space<vmem>>, vector<128x128xf32>
    %dot_general3A = arith.constant dense<0.000000e+00> : vector<10000x128xf32>
    %dot_general3A_5 = tpu.matmul %get3A_1, %get3A_4, %dot_general3A {dimension_numbers = #tpu.dot_dimension_numbers<[1], [0], [0], [1], [0, 0, 1, 1], [], []>, transpose_lhs_hint = false} : vector<10000x128xf32>, vector<128x128xf32>, vector<10000x128xf32> -> vector<10000x128xf32>
    %broadcast_in_dim3A = arith.constant 0.000000e+00 : f32
    %broadcast_in_dim3A_6 = vector.broadcast %broadcast_in_dim3A : f32 to vector<1x128xf32>
    %concatenate3A = tpu.concatenate %dot_general3A_5, %broadcast_in_dim3A_6 in 0 : vector<10000x128xf32>, vector<1x128xf32> -> vector<10001x128xf32>
    %swap3A = arith.constant 0 : index
    %swap3A_7 = arith.constant 0 : index
    %swap3A_8 = vector.load %arg4[%swap3A, %swap3A_7] : memref<10001x128xf32, #tpu.memory_space<vmem>>, vector<10001x128xf32>
    tpu.vector_store %arg4[%swap3A, %swap3A_7], %concatenate3A {strides = array<i32>} : memref<10001x128xf32, #tpu.memory_space<vmem>>, vector<10001x128xf32>,
    %get3A_9 = arith.constant 0 : index
    %get3A_10 = vector.load %arg2[%get3A_9] : memref<128xf32, #tpu.memory_space<vmem>>, vector<128xf32>
    %dot_general3A_11 = arith.constant dense<0.000000e+00> : vector<10000xf32>
    %dot_general3A_12 = tpu.matmul %dot_general3A_5, %get3A_10, %dot_general3A_11 {dimension_numbers = #tpu.dot_dimension_numbers<[1], [0], [0], [], [0, 0], [], []>, transpose_lhs_hint = false} : vector<10000x128xf32>, vector<128xf32>, vector<10000xf32> -> vector<10000xf32>
    %get3A_13 = arith.constant 0 : index
    %get3A_14 = vector.load %arg3[%get3A_13] : memref<128xf32, #tpu.memory_space<vmem>>, vector<128xf32>
    %dot_general3A_15 = arith.constant dense<0.000000e+00> : vector<10000xf32>
    %dot_general3A_16 = tpu.matmul %dot_general3A_5, %get3A_14, %dot_general3A_15 {dimension_numbers = #tpu.dot_dimension_numbers<[1], [0], [0], [], [0, 0], [], []>, transpose_lhs_hint = false} : vector<10000x128xf32>, vector<128xf32>, vector<10000xf32> -> vector<10000xf32>
    %broadcast_in_dim3A_17 = arith.constant 0.000000e+00 : f32
    %broadcast_in_dim3A_18 = vector.broadcast %broadcast_in_dim3A_17 : f32 to vector<1xf32>
    %concatenate3A_19 = tpu.concatenate %dot_general3A_12, %broadcast_in_dim3A_18 in 0 : vector<10000xf32>, vector<1xf32> -> vector<10001xf32>
    %swap3A_20 = arith.constant 0 : index
    %swap3A_21 = vector.load %arg5[%swap3A_20] : memref<10001xf32, #tpu.memory_space<vmem>>, vector<10001xf32>
    tpu.vector_store %arg5[%swap3A_20], %concatenate3A_19 {strides = array<i32>} : memref<10001xf32, #tpu.memory_space<vmem>>, vector<10001xf32>,
    %broadcast_in_dim3A_22 = arith.constant 0.000000e+00 : f32
    %broadcast_in_dim3A_23 = vector.broadcast %broadcast_in_dim3A_22 : f32 to vector<1xf32>
    %concatenate3A_24 = tpu.concatenate %dot_general3A_16, %broadcast_in_dim3A_23 in 0 : vector<10000xf32>, vector<1xf32> -> vector<10001xf32>
    %swap3A_25 = arith.constant 0 : index
    %swap3A_26 = vector.load %arg6[%swap3A_25] : memref<10001xf32, #tpu.memory_space<vmem>>, vector<10001xf32>
    tpu.vector_store %arg6[%swap3A_25], %concatenate3A_24 {strides = array<i32>} : memref<10001xf32, #tpu.memory_space<vmem>>, vector<10001xf32>,
    return
  }
}

module attributes {stable_mosaic.version = 14 : i64} {
  func.func @_tc2_body(%arg0: memref<2x10000x128xf32, #tpu.memory_space<vmem>>, %arg1: memref<32x1x10000xf32, #tpu.memory_space<vmem>>, %arg2: memref<128xf32, #tpu.memory_space<vmem>>, %arg3: memref<128xf32, #tpu.memory_space<vmem>>, %arg4: memref<128xf32, #tpu.memory_space<vmem>>, %arg5: memref<128xf32, #tpu.memory_space<vmem>>, %arg6: memref<10001xf32, #tpu.memory_space<vmem>>, %arg7: memref<10001xf32, #tpu.memory_space<vmem>>, %arg8: memref<10001xf32, #tpu.memory_space<vmem>>) attributes {dimension_semantics = [], scalar_prefetch = 0 : i64, scratch_operands = 0 : i64, tpu.core_type = #tpu.core_type<tc>} {
    %get3A = arith.constant 0 : index
    %get3A_0 = arith.constant 0 : index
    %get3A_1 = arith.constant 0 : index
    %get3A_2 = vector.load %arg1[%get3A, %get3A_0, %get3A_1] : memref<32x1x10000xf32, #tpu.memory_space<vmem>>, vector<32x1x10000xf32>
    %reduce_sum3A = arith.constant dense<0.000000e+00> : vector<10000xf32>
    %reduce_sum3A_3 = vector.multi_reduction <add>, %get3A_2, %reduce_sum3A [0, 1] : vector<32x1x10000xf32> to vector<10000xf32>
    %add3A = arith.constant 1.000000e-16 : f32
    %add3A_4 = vector.broadcast %add3A : f32 to vector<10000xf32>
    %add3A_5 = arith.addf %reduce_sum3A_3, %add3A_4 : vector<10000xf32>
    %get3A_6 = arith.constant 0 : index
    %get3A_7 = arith.constant 0 : index
    %get3A_8 = arith.constant 0 : index
    %get3A_9 = vector.load %arg0[%get3A_6, %get3A_7, %get3A_8] : memref<2x10000x128xf32, #tpu.memory_space<vmem>>, vector<1x10000x128xf32>
    %get3A_10 = vector.shape_cast %get3A_9 : vector<1x10000x128xf32> to vector<10000x128xf32>
    %get3A_11 = arith.constant 1 : index
    %get3A_12 = arith.constant 0 : index
    %get3A_13 = arith.constant 0 : index
    %get3A_14 = vector.load %arg0[%get3A_11, %get3A_12, %get3A_13] : memref<2x10000x128xf32, #tpu.memory_space<vmem>>, vector<1x10000x128xf32>
    %get3A_15 = vector.shape_cast %get3A_14 : vector<1x10000x128xf32> to vector<10000x128xf32>
    %add3A_16 = arith.addf %get3A_10, %get3A_15 : vector<10000x128xf32>
    %broadcast_in_dim3A = vector.shape_cast %add3A_5 : vector<10000xf32> to vector<10000x1xf32>
    %div3A = vector.broadcast %broadcast_in_dim3A : vector<10000x1xf32> to vector<10000x128xf32>
    %div3A_17 = arith.divf %add3A_16, %div3A : vector<10000x128xf32>
    %get3A_18 = arith.constant 0 : index
    %get3A_19 = vector.load %arg2[%get3A_18] : memref<128xf32, #tpu.memory_space<vmem>>, vector<128xf32>
    %broadcast_in_dim3A_20 = vector.shape_cast %get3A_19 : vector<128xf32> to vector<1x128xf32>
    %add3A_21 = vector.broadcast %broadcast_in_dim3A_20 : vector<1x128xf32> to vector<10000x128xf32>
    %add3A_22 = arith.addf %div3A_17, %add3A_21 : vector<10000x128xf32>
    %max3A = arith.constant 0.000000e+00 : f32
    %max3A_23 = vector.broadcast %max3A : f32 to vector<10000x128xf32>
    %max3A_24 = arith.maximumf %add3A_22, %max3A_23 : vector<10000x128xf32>
    %get3A_25 = arith.constant 0 : index
    %get3A_26 = vector.load %arg3[%get3A_25] : memref<128xf32, #tpu.memory_space<vmem>>, vector<128xf32>
    %dot_general3A = arith.constant dense<0.000000e+00> : vector<10000xf32>
    %dot_general3A_27 = tpu.matmul %max3A_24, %get3A_26, %dot_general3A {dimension_numbers = #tpu.dot_dimension_numbers<[1], [0], [0], [], [0, 0], [], []>, transpose_lhs_hint = false} : vector<10000x128xf32>, vector<128xf32>, vector<10000xf32> -> vector<10000xf32>
    %get3A_28 = arith.constant 0 : index
    %get3A_29 = vector.load %arg4[%get3A_28] : memref<128xf32, #tpu.memory_space<vmem>>, vector<128xf32>
    %dot_general3A_30 = arith.constant dense<0.000000e+00> : vector<10000xf32>
    %dot_general3A_31 = tpu.matmul %max3A_24, %get3A_29, %dot_general3A_30 {dimension_numbers = #tpu.dot_dimension_numbers<[1], [0], [0], [], [0, 0], [], []>, transpose_lhs_hint = false} : vector<10000x128xf32>, vector<128xf32>, vector<10000xf32> -> vector<10000xf32>
    %get3A_32 = arith.constant 0 : index
    %get3A_33 = vector.load %arg5[%get3A_32] : memref<128xf32, #tpu.memory_space<vmem>>, vector<128xf32>
    %dot_general3A_34 = arith.constant dense<0.000000e+00> : vector<10000xf32>
    %dot_general3A_35 = tpu.matmul %max3A_24, %get3A_33, %dot_general3A_34 {dimension_numbers = #tpu.dot_dimension_numbers<[1], [0], [0], [], [0, 0], [], []>, transpose_lhs_hint = false} : vector<10000x128xf32>, vector<128xf32>, vector<10000xf32> -> vector<10000xf32>
    %broadcast_in_dim3A_36 = arith.constant 0.000000e+00 : f32
    %broadcast_in_dim3A_37 = vector.broadcast %broadcast_in_dim3A_36 : f32 to vector<1xf32>
    %concatenate3A = tpu.concatenate %dot_general3A_27, %broadcast_in_dim3A_37 in 0 : vector<10000xf32>, vector<1xf32> -> vector<10001xf32>
    %swap3A = arith.constant 0 : index
    %swap3A_38 = vector.load %arg6[%swap3A] : memref<10001xf32, #tpu.memory_space<vmem>>, vector<10001xf32>
    tpu.vector_store %arg6[%swap3A], %concatenate3A {strides = array<i32>} : memref<10001xf32, #tpu.memory_space<vmem>>, vector<10001xf32>,
    %broadcast_in_dim3A_39 = arith.constant 0.000000e+00 : f32
    %broadcast_in_dim3A_40 = vector.broadcast %broadcast_in_dim3A_39 : f32 to vector<1xf32>
    %concatenate3A_41 = tpu.concatenate %dot_general3A_31, %broadcast_in_dim3A_40 in 0 : vector<10000xf32>, vector<1xf32> -> vector<10001xf32>
    %swap3A_42 = arith.constant 0 : index
    %swap3A_43 = vector.load %arg7[%swap3A_42] : memref<10001xf32, #tpu.memory_space<vmem>>, vector<10001xf32>
    tpu.vector_store %arg7[%swap3A_42], %concatenate3A_41 {strides = array<i32>} : memref<10001xf32, #tpu.memory_space<vmem>>, vector<10001xf32>,
    %broadcast_in_dim3A_44 = arith.constant 0.000000e+00 : f32
    %broadcast_in_dim3A_45 = vector.broadcast %broadcast_in_dim3A_44 : f32 to vector<1xf32>
    %concatenate3A_46 = tpu.concatenate %dot_general3A_35, %broadcast_in_dim3A_45 in 0 : vector<10000xf32>, vector<1xf32> -> vector<10001xf32>
    %swap3A_47 = arith.constant 0 : index
    %swap3A_48 = vector.load %arg8[%swap3A_47] : memref<10001xf32, #tpu.memory_space<vmem>>, vector<10001xf32>
    tpu.vector_store %arg8[%swap3A_47], %concatenate3A_46 {strides = array<i32>} : memref<10001xf32, #tpu.memory_space<vmem>>, vector<10001xf32>,
    return
  }
}

module attributes {stable_mosaic.version = 14 : i64} {
  func.func @_tc3_body(%arg0: memref<32x1x10000xf32, #tpu.memory_space<vmem>>, %arg1: memref<32x1x10000xf32, #tpu.memory_space<vmem>>, %arg2: memref<10000xf32, #tpu.memory_space<vmem>>) attributes {dimension_semantics = [], scalar_prefetch = 0 : i64, scratch_operands = 0 : i64, tpu.core_type = #tpu.core_type<tc>} {
    %get3A = arith.constant 0 : index
    %get3A_0 = arith.constant 0 : index
    %get3A_1 = arith.constant 0 : index
    %get3A_2 = vector.load %arg0[%get3A, %get3A_0, %get3A_1] : memref<32x1x10000xf32, #tpu.memory_space<vmem>>, vector<32x1x10000xf32>
    %reduce_sum3A = arith.constant dense<0.000000e+00> : vector<10000xf32>
    %reduce_sum3A_3 = vector.multi_reduction <add>, %get3A_2, %reduce_sum3A [0, 1] : vector<32x1x10000xf32> to vector<10000xf32>
    %get3A_4 = arith.constant 0 : index
    %get3A_5 = arith.constant 0 : index
    %get3A_6 = arith.constant 0 : index
    %get3A_7 = vector.load %arg1[%get3A_4, %get3A_5, %get3A_6] : memref<32x1x10000xf32, #tpu.memory_space<vmem>>, vector<32x1x10000xf32>
    %reduce_sum3A_8 = arith.constant dense<0.000000e+00> : vector<10000xf32>
    %reduce_sum3A_9 = vector.multi_reduction <add>, %get3A_7, %reduce_sum3A_8 [0, 1] : vector<32x1x10000xf32> to vector<10000xf32>
    %add3A = arith.constant 1.000000e-16 : f32
    %add3A_10 = vector.broadcast %add3A : f32 to vector<10000xf32>
    %add3A_11 = arith.addf %reduce_sum3A_9, %add3A_10 : vector<10000xf32>
    %div3A = arith.divf %reduce_sum3A_3, %add3A_11 : vector<10000xf32>
    %swap3A = arith.constant 0 : index
    %swap3A_12 = vector.load %arg2[%swap3A] : memref<10000xf32, #tpu.memory_space<vmem>>, vector<10000xf32>
    tpu.vector_store %arg2[%swap3A], %div3A {strides = array<i32>} : memref<10000xf32, #tpu.memory_space<vmem>>, vector<10000xf32>,
    return
  }
}

</mosaic_0001>

<sc_bundles>
// kernel: kernel.10.cloned.1.call-start
scs
__scs_entry_jumppad:
0x0: {  	(pc) =	sbr.rel $0x88, $3  }
0x1: {  	(tag) =	ssettag $0x0;
	lr =	simm.s32 $0x1  }
0x2: {  	[smem:$0x3F95] =	sst lr;
	_ =	strace $0xD0000000  }
0x3: {  	_ = 	snop  }
0x4: {  	_ = 	snop  }
0x5: {  	_ = 	snop  }
0x6: {  	_ = 	snop  }
0x7: {  	_ = 	snop  }
__scs_overlays_trampoline_lowered:
0x8: {  	[smem:$0x3FA4] =	sst s0  }
0x9: {  	[smem:$0x3FA5] =	sst s1  }
0xa: {  	[smem:$0x3FA6] =	sst s2  }
0xb: {  	[smem:$0x3FA7] =	sst s3  }
0xc: {  	[smem:$0x3FA8] =	sst s4  }
0xd: {  	[smem:$0x3FA9] =	sst s5  }
0xe: {  	[smem:$0x3FAA] =	sst s6  }
0xf: {  	[smem:$0x3FAB] =	sst s7  }
0x10: {  	[smem:$0x3FAC] =	sst s8  }
0x11: {  	[smem:$0x3FAD] =	sst s9;
	s0 =	simm.s32 @!p0 $0x0  }
0x12: {  	s1 =	sld [smem:$0x3F93];
	s0 =	simm.s32 @p0 $0x1  }
0x13: {  	[smem:$0x3FAE] =	sst s0;
	s0 =	simm.s32 @!p1 $0x0  }
0x14: {  	s2 =	sld [smem:$0x3F92];
	s0 =	simm.s32 @p1 $0x1  }
0x15: {  	[smem:$0x3FAF] =	sst s0;
	s0 =	simm.s32 @!p2 $0x0  }
0x16: {  	s3 =	sld [smem:$0x3FDB];
	s0 =	simm.s32 @p2 $0x1  }
0x17: {  	s4 =	simm.s32 $0x1BF5;
	[smem:$0x3FB1] =	sst s0  }
0x18: {  	s0 =	sld [smem:$0x3F94];
	_ =	swait.ge [sflag:s4], $0x0  }
0x19: {  	s7 =	sld [smem:$0x3F95]  }
0x1a: {  	s8 =	sadd.s32 $0xFFFFE003, lr  }
0x1b: {  	s9 =	sadd.s32 $0xFFFFFEF7, lr;
	s5 =	simm.s32 $0xFFFFFFFF;
	p2 =	slt.u32 s8, $0xFFFFF086  }
0x1c: {  	p1 =	slt.u32 s9, $0xF7A;
	s5 =	simm.s32 @!p2 $0x0  }
0x1d: {  	s5 =	simm.s32 @p1 $0x1;
	p0 =	seq.s32 s7, s2  }
0x1e: {  	s7 =	smul.u32 @!p0 $0xF7A, s2;
	p2 =	seq.s32 @!p0 s5, $0x0  }
0x1f: {  	s9 =	smul.u32 $0xF7A, s1;
	s8 =	simm.s32 @!p0 $0x1BF5;
	p2 =	por !p2, p0  }
0x20: {  	[sflag:s8] =	ssyncset.s32 @!p0 $0xFFFFF086;
	s6 =	sadd.s32 @!p0 s3, s7;
	s7 =	simm.s32 @!p0 $0x108  }
0x21: {  	s3 =	sadd.s32 s3, s9;
	s6 =	sadd.s32 @!p0 $0x88, s6;
	s7 =	simm.s32 @p2 $0x1082  }
0x22: {  	[simem:s7], [sflag:s8] =	dma.local @!p0 [hbm:s6], $0xF7A  }
0x23: {  	s9 =	sor.u32 $0xD0000000, s2;
	s6 =	simm.s32 $0x108;
	_ =	swait.ge @!p0 [sflag:s8], $0x0  }
0x24: {  	s3 =	sadd.s32 $0x88, s3;
	s6 =	simm.s32 @!p1 $0x1082;
	[sflag:s4] =	ssyncset.s32 $0xFFFFF086  }
0x25: {  	[simem:s6], [sflag:s4] =	dma.local [hbm:s3], $0xF7A  }
0x26: {  	[smem:$0x3F95] =	sst s1;
	(tag) =	ssettag s2;
	_ =	strace s9  }
0x27: {  	s1 =	sld [smem:$0x3FA5]  }
0x28: {  	s2 =	sld [smem:$0x3FA6]  }
0x29: {  	s4 =	sld [smem:$0x3FA8]  }
0x2a: {  	p0 =	seq.s32 s5, $0x0;
	s5 =	sld [smem:$0x3FA9]  }
0x2b: {  	s6 =	sld [smem:$0x3FAA]  }
0x2c: {  	s7 =	sld [smem:$0x3FAB]  }
0x2d: {  	s3 =	simm.s32 $0x108;
	s8 =	sld [smem:$0x3FAC]  }
0x2e: {  	s3 =	simm.s32 @!p0 $0x1082;
	s9 =	sld [smem:$0x3FAD]  }
0x2f: {  	lr =	sadd.s32 s0, s3;
	s0 =	sld [smem:$0x3FA4]  }
0x30: {  	s3 =	sld [smem:$0x3FA7]  }
0x31: {  	[smem:$0x3FB0] =	sst s10  }
0x32: {  	s10 =	sld [smem:$0x3FAE];
	_ =	sdelay $0x3  }
0x33: {  	p0 =	seq.s32 s10, $0x1;
	s10 =	sld [smem:$0x3FB0];
	_ =	sdelay $0x3  }
0x34: {  	[smem:$0x3FB0] =	sst s10  }
0x35: {  	s10 =	sld [smem:$0x3FAF];
	_ =	sdelay $0x3  }
0x36: {  	p1 =	seq.s32 s10, $0x1;
	s10 =	sld [smem:$0x3FB0];
	_ =	sdelay $0x3  }
0x37: {  	[smem:$0x3FB0] =	sst s10  }
0x38: {  	s10 =	sld [smem:$0x3FB1]  }
0x39: {  	_ = 	snop;
	(pc) =	sbr.ind lr, $3  }
0x3a: {  	_ = 	snop  }
0x3b: {  	_ = 	snop  }
0x3c: {  	p2 =	seq.s32 s10, $0x1;
	s10 =	sld [smem:$0x3FB0]  }
0x3d: {  	_ =	shalt  }
0x3e: {  	_ =	shalt  }
0x3f: {  	_ =	shalt  }
0x40: {  	_ =	shalt  }
0x41: {  	_ =	shalt  }
0x42: {  	_ =	shalt  }
0x43: {  	_ =	shalt  }
0x44: {  	_ =	shalt  }
0x45: {  	_ =	shalt  }
0x46: {  	_ =	shalt  }
0x47: {  	_ =	shalt  }
0x48: {  	_ =	shalt  }
0x49: {  	_ =	shalt  }
0x4a: {  	_ =	shalt  }
0x4b: {  	_ =	shalt  }
0x4c: {  	_ =	shalt  }
0x4d: {  	_ =	shalt  }
0x4e: {  	_ =	shalt  }
0x4f: {  	_ =	shalt  }
0x50: {  	_ =	shalt  }
0x51: {  	_ =	shalt  }
0x52: {  	_ =	shalt  }
0x53: {  	_ =	shalt  }
0x54: {  	_ =	shalt  }
0x55: {  	_ =	shalt  }
0x56: {  	_ =	shalt  }
0x57: {  	_ =	shalt  }
0x58: {  	_ =	shalt  }
0x59: {  	_ =	shalt  }
0x5a: {  	_ =	shalt  }
0x5b: {  	_ =	shalt  }
0x5c: {  	_ =	shalt  }
0x5d: {  	_ =	shalt  }
0x5e: {  	_ =	shalt  }
0x5f: {  	_ =	shalt  }
0x60: {  	_ =	shalt  }
0x61: {  	_ =	shalt  }
0x62: {  	_ =	shalt  }
0x63: {  	_ =	shalt  }
0x64: {  	_ =	shalt  }
0x65: {  	_ =	shalt  }
0x66: {  	_ =	shalt  }
0x67: {  	_ =	shalt  }
0x68: {  	_ =	shalt  }
0x69: {  	_ =	shalt  }
0x6a: {  	_ =	shalt  }
0x6b: {  	_ =	shalt  }
0x6c: {  	_ =	shalt  }
0x6d: {  	_ =	shalt  }
0x6e: {  	_ =	shalt  }
0x6f: {  	_ =	shalt  }
0x70: {  	_ =	shalt  }
0x71: {  	_ =	shalt  }
0x72: {  	_ =	shalt  }
0x73: {  	_ =	shalt  }
0x74: {  	_ =	shalt  }
0x75: {  	_ =	shalt  }
0x76: {  	_ =	shalt  }
0x77: {  	_ =	shalt  }
0x78: {  	_ =	shalt  }
0x79: {  	_ =	shalt  }
0x7a: {  	_ =	shalt  }
0x7b: {  	_ =	shalt  }
0x7c: {  	_ =	shalt  }
0x7d: {  	_ =	shalt  }
0x7e: {  	_ =	shalt  }
0x7f: {  	_ =	shalt  }
0x80: {  	_ =	shalt  }
0x81: {  	_ =	shalt  }
0x82: {  	_ =	shalt  }
0x83: {  	_ =	shalt  }
0x84: {  	_ =	shalt  }
0x85: {  	_ =	shalt  }
0x86: {  	_ =	shalt  }
0x87: {  	_ =	shalt  }
.Lfunc_end0:
.L_simem_size_0:
called_computation.1_lowered:
.L_overlay_start_0:
0x88: {  	s2 =	sld [smem:$0x3FD9]  }
0x89: {  	s3 =	sld [smem:$0x3FFE];
	_ =	sdelay $0x1  }
0x8a: {  	s1 =	srdreg.scid  }
0x8b: {  	s0 =	sand.u32 $0x1, s1  }
0x8c: {  	s17 =	sshll.u32 s0, $0xA;
	s2 =	sadd.s32 s3, s2  }
0x8d: {  	s2 =	sadd.s32 s2, s17  }
0x8e: {  	[smem:$0x3FBC] =	sst s2  }
0x8f: {  	_ = 	snop  }
0x90: {  	s2 =	sld [smem:$0x3FD0];
	(tm) =	ssettm $0x1  }
0x91: {  	s18 =	sld [smem:$0x3FFB];
	_ =	sdelay $0x3  }
0x92: {  	_ =	strace s18  }
0x93: {  	s3 =	sld [smem:$0x3FFC];
	_ =	sdelay $0x3  }
0x94: {  	_ =	strace s3  }
0x95: {  	s3 =	sld [smem:$0x3FFD];
	_ =	sdelay $0x3  }
0x96: {  	_ =	strace s3  }
0x97: {  	_ =	strace $0x8FFFFFFF  }
0x98: {  	s19 =	sld [smem:$0x3FDB];
	_ =	sdelay $0x1  }
0x99: {  	s4 =	simm.s32 $_scs_section_size  }
0x9a: {  	s5 =	simm.s32 $_size__tile_overlayer_lowered;
	s6 =	simm.s32 $_tile_overlayer_lowered  }
0x9b: {  	s22 =	simm.s32 $0x1BFF;
	s21 =	sshll.u32 s6, $0x1;
	s3 =	sadd.s32 s4, s19  }
0x9c: {  	s7 =	simm.s32 $0x0;
	s20 =	sshll.u32 s5, $0x1;
	s5 =	sadd.s32 s21, s3  }
0x9d: {  	[timem:s7], [sflag:s22] =	dma.local [hbm:s5], s20  }
0x9e: {  	_ =	swait.ge [sflag:s22], s20  }
0x9f: {  	s4 =	ssub.s32 $0x0, s20;
	[sflag:s22] =	ssyncset.done $0x0  }
0xa0: {  	[sflag:s22] =	ssyncadd.s32 s4;
	_ =	sdelay $0x1  }
0xa1: {  	s23 =	simm.s32 $0x1B8B  }
0xa2: {  	_ =	swait.ge [sflag:s23], $0x1  }
0xa3: {  	[sflag:s23] =	ssyncset.done $0x0  }
0xa4: {  	s25 =	simm.s32 $0x1B8E;
	s24 =	sld [smem:$0x3FFE];
	[sflag:s23] =	ssyncadd.s32 $0xFFFFFFFF  }
0xa5: {  	s26 =	simm.s32 $execute0_lowered;
	[smem:$0x3FD2] =	sst s25  }
0xa6: {  	s5 =	sshll.u32 s26, $0x1;
	_ =	strace $0x80000049;
	[dreg:$0x1] =	wrdreg $0xFFFFFFFF  }
0xa7: {  	s28 =	simm.s32 $_size_execute0_lowered;
	s3 =	sadd.s32 s3, s5;
	[dreg:$0x0] =	wrdreg $0x0  }
0xa8: {  	s5 =	sshll.u32 s28, $0x1;
	[dreg:$0x2] =	wrdreg s3  }
0xa9: {  	[dreg:$0x3] =	wrdreg s5  }
0xaa: {  	[dreg:$0x4] =	wrdreg $0xC0  }
0xab: {  	_ =	task [dreg:s7], $0x5FFFF  }
0xac: {  	[dreg:$0x1] =	wrdreg $0xFFFFFFFF  }
0xad: {  	[dreg:$0x0] =	wrdreg $0x60  }
0xae: {  	[dreg:$0x2] =	wrdreg s24  }
0xaf: {  	[dreg:$0x3] =	wrdreg s2  }
0xb0: {  	[dreg:$0x4] =	wrdreg $0x9  }
0xb1: {  	_ =	task.clear_ibuf [dreg:s7], $0x5FFFF;
	_ =	strace $0x90000049  }
0xb2: {  	s29 =	simm.s32 $0x9;
	_ =	strace $0x8000004B  }
0xb3: {  	_ =	swait.ge [sflag:s29], $0x1  }
0xb4: {  	[sflag:s29] =	ssyncadd.s32 $0xFFFFFFFF  }
0xb5: {  	_ =	strace $0x9000004B  }
0xb6: {  	_ =	sfence  }
0xb7: {  	s30 =	sld [smem:$0x0];
	_ =	sdelay $0x2  }
0xb8: {  	s31 =	sshll.u32 s1, $0xD;
	s1 =	sshrl.u32 s1, $0x2  }
0xb9: {  	s3 =	sand.u32 $0x4000, s31;
	s1 =	sadd.s32 s1, s30  }
0xba: {  	s0 =	sor.u32 s3, s0;
	s1 =	sshll.u32 s1, $0x11  }
0xbb: {  	s0 =	sor.u32 s1, s0  }
0xbc: {  	s0 =	sadd.s32 $0x8F2B, s0  }
0xbd: {  	[sflag:s0] =	ssyncadd.remote.s32 $0x1  }
0xbe: {  	_ =	sfence.sel $0xFFFF  }
0xbf: {  	[dreg:$0x0] =	wrdreg $0xFFFFFFFF;
	(pc) =	sbr.abs _section_cstart, $3  }
0xc0: {  	[dreg:$0x1] =	wrdreg $0xFFFFFFFF  }
0xc1: {  	_ =	task.clear_ibuf [dreg:s7], $0x2FFFF;
	_ =	strace $0x9FFFFFFF  }
0xc2: {  	(tm) =	ssettm $0x7FFFFFFF  }
0xc3: {  	_ =	shalt  }
tec
execute0_lowered:
.L_overlay_start_1:
0x0: {  	(tag) =	ssettag $0x1  }
0x1: {  	s11 =	rddreg [dreg:$0x0]  }
0x2: {  	s1 =	rddreg [dreg:$0x1]  }
0x3: {  	s0 =	rddreg [dreg:$0x2]  }
0x4: {  	s2 =	simm.s32 $0x0;
	s6 =	srdreg.scid;
	s3 =	stileid.u32  }
0x5: {  	s16 =	simm.s32 $0x2780;
	s17 =	simm.s32 $0x4F00;
	s18 =	simm.s32 $0x7680  }
0x6: {  	s19 =	simm.s32 $0x9E00;
	s20 =	simm.s32 $0xC580;
	s21 =	simm.s32 $0xED00  }
0x7: {  	s22 =	simm.s32 $0xEF00;
	s23 =	simm.s32 $0x0;
	[smem:$0x7FF] =	sst s2  }
0x8: {  	s4 =	sadd.s32 $0x3800, s11;
	s5 =	sadd.s32 $0x11000, s11;
	s9 =	sand.u32 $0x1, s6  }
0x9: {  	s8 =	sshll.u32 s3, $0x1;
	s6 =	sadd.s32 $0xC5E00, s11;
	s7 =	sadd.s32 $0x1EE00, s11  }
0xa: {  	_ =	strace $0x8000004A;
	s12 =	sor.u32 s9, s8;
	s14 =	ssub.s32 $0x2, s9  }
0xb: {  	s8 =	sadd.s32 $0x1F400, s11;
	s13 =	smul.u32 $0x4F0, s12;
	s15 =	sshrl.u32 s14, $0x1  }
0xc: {  	s9 =	sadd.s32 $0x1E800, s11;
	s10 =	smul.u32 $0x3600, s12;
	s14 =	ssub.s32 s14, s15  }
0xd: {  	v0 =	vlaneseq.u32;
	s15 =	simm.s32 $0x1;
	s13 =	sadd.s32 s13, s11;
	s11 =	smul.u32 $0x51, s12  }
0xe: {  	v0 =	vor.u32 $0xFFFB1E00, v0;
	s14 =	smax.u32 s14, $0x1;
	s12 =	sadd.s32 $0x29800, s13;
	s13 =	sadd.s32 $0x1FA00, s13  }
.LBB2_1:
0xf: {  	[tilespmem:s2], [sflag:$0x1] =	stream.linear.gather [hbm4b:s6+s2], $0x2780, $0x38;
	[tilespmem:$0xF100] =	vst v63  }
0x10: {  	_ =	swait.ge [sflag:s15], $0x2780  }
0x11: {  	[sflag:s15] =	ssyncset.done $0x0  }
0x12: {  	[sflag:s15] =	ssyncadd.s32 $0xFFFFD880  }
0x13: {  	[tilespmem:s16], [sflag:$0x1] =	stream.linear.gather [hbm4b:s7+s2], $0x2780, $0x38;
	[tilespmem:$0xF100] =	vst v63  }
0x14: {  	_ =	swait.ge [sflag:s15], $0x2780  }
0x15: {  	[sflag:s15] =	ssyncset.done $0x0  }
0x16: {  	[sflag:s15] =	ssyncadd.s32 $0xFFFFD880  }
0x17: {  	[tilespmem:s17], [sflag:$0x1] =	stream.linear.gather [hbm4b:s8+s2], $0x2780, $0x38;
	[tilespmem:$0xF100] =	vst v63  }
0x18: {  	_ =	swait.ge [sflag:s15], $0x2780  }
0x19: {  	[sflag:s15] =	ssyncset.done $0x0  }
0x1a: {  	[sflag:s15] =	ssyncadd.s32 $0xFFFFD880  }
0x1b: {  	[tilespmem:s18], [sflag:$0x1] =	stream.linear.gather [hbm4b:s9+s2], $0x2780, $0x38;
	[tilespmem:$0xF100] =	vst v63  }
0x1c: {  	_ =	swait.ge [sflag:s15], $0x2780  }
0x1d: {  	[sflag:s15] =	ssyncset.done $0x0  }
0x1e: {  	[sflag:s15] =	ssyncadd.s32 $0xFFFFD880  }
0x1f: {  	[tilespmem:s19], [sflag:$0x1] =	stream.linear.gather [hbm4b:s1+s2], $0x2780, $0x38;
	[tilespmem:$0xF100] =	vst v63  }
0x20: {  	_ =	swait.ge [sflag:s15], $0x2780  }
0x21: {  	[sflag:s15] =	ssyncset.done $0x0  }
0x22: {  	[sflag:s15] =	ssyncadd.s32 $0xFFFFD880  }
0x23: {  	[tilespmem:s20], [sflag:$0x1] =	stream.linear.gather [hbm4b:s1+s2], $0x2780, $0x38;
	[tilespmem:$0xF100] =	vst v63  }
0x24: {  	_ =	swait.ge [sflag:s15], $0x2780  }
0x25: {  	[sflag:s15] =	ssyncset.done $0x0  }
0x26: {  	s24 =	simm.s32 $0x0;
	[sflag:s15] =	ssyncadd.s32 $0xFFFFD880  }
.LBB2_2:
0x27: {  	s25 =	sshll.u32 s24, $0x9  }
0x28: {  	s25 =	sadd.s32 s10, s25  }
0x29: {  	s25 =	sshrl.u32 s25, $0x3  }
0x2a: {  	s28 =	simm.s32 $0x0;
	s26 =	sadd.s32 s4, s25  }
0x2b: {  	[tilespmem:s21], [sflag:$0x1] =	stream.linear.gather [hbm4b:s26+s28], $0x180, $0x38;
	[tilespmem:$0xF100] =	vst v63  }
0x2c: {  	_ =	swait.ge [sflag:s15], $0x180  }
0x2d: {  	[sflag:s15] =	ssyncset.done $0x0  }
0x2e: {  	s25 =	sadd.s32 s5, s25;
	[sflag:s15] =	ssyncadd.s32 $0xFFFFFE80  }
0x2f: {  	[tilespmem:s22], [sflag:$0x1] =	stream.linear.gather [hbm4b:s25+s28], $0x180, $0x38;
	[tilespmem:$0xF100] =	vst v63  }
0x30: {  	_ =	swait.ge [sflag:s15], $0x180  }
0x31: {  	s26 =	sand.u32 $0x70, s28;
	s25 =	simm.s32 $0x0;
	[sflag:s15] =	ssyncset.done $0x0  }
0x32: {  	s25 =	sor.u32 s26, s25;
	[sflag:s15] =	ssyncadd.s32 $0xFFFFFE80  }
0x33: {  	v1 =	vld [tilespmem:s25+$0xEF00]  }
0x34: {  	v2 =	vld [tilespmem:s25+$0xED00];
	_ =	sdelay $0x6  }
0x35: {  	v3 =	vld.idx.msk [tilespmem:v1+s17+$0x0], $0xffff  }
0x36: {  	v4 =	vld.idx.msk [tilespmem:v2+s16+$0x0], $0xffff;
	_ =	sdelay $0x4  }
0x37: {  	v3 =	vadd.f32 v3, v4;
	_ =	sdelay $0x1  }
0x38: {  	v4 =	vmul.f32 $2.000000030e-01, v3  }
0x39: {  	vm0 =	vgt.f32 v3, $0.0e+00  }
0x3a: {  	v3 =	vsel vm0, v3, v4  }
0x3b: {  	v3 =	vmul.f32 $1.442695020e+00, v3;
	_ =	sdelay $0x1  }
0x3c: {  	v62 =	vld.idx.msk [tilespmem:v2+s2+$0x0], $0xffff;
	(erf) = vpow2.f32 v3  }
0x3d: {  	s25 =	smul.u32 $0x3, s24;
	v3 =	vld.idx.msk [tilespmem:v1+s2+$0x0], $0xffff;
	_ =	sdelay $0x1  }
0x3e: {  	s25 =	sadd.s32 s11, s25  }
0x3f: {  	s28 =	sadd.s32 $0x0, s25  }
0x40: {  	s28 =	sshll.u32 s28, $0x7  }
0x41: {  	s26 =	sor.u32 s26, s28;
	v2 =	vld.idx.msk [tilespmem:v2+s18+$0x0], $0xffff;
	v3 =	vor.u32 v62, v3  }
0x42: {  	v63 =	vadd.s32 s26, v0  }
0x43: {  	vm1 =	vlt.u32 v63, $0x2710;
	vm15 =	veq.s32 v3, $0x0  }
0x44: {  	vm0 =	vmor vm1, vm15;
	v3 =	vpop (erf)  }
0x45: {  	v3 =	vnsel vm0, $0x0, v3  }
0x46: {  	s29 =	simm.s32 $0x0;
	s26 =	simm.s32 $0x10;
	v2 =	vmul.f32 v3, v2  }
0x47: {  	s31 =	simm.s32 $0x0;
	s30 =	simm.s32 $0x2;
	s28 =	sand.u32 $0x70, s26;
	[tilespmem:v1+s19+$0x0] =	vst.idx.add.f32.msk $0xffff, v3  }
.LBB2_3:
0x48: {  	p0 =	sne.s32 s30, $0x17;
	s31 =	sor.u32 s28, s31;
	[tilespmem:v1+s20+$0x0] =	vst.idx.add.f32.msk $0xffff, v2  }
0x49: {  	v1 =	vld [tilespmem:s31+$0xEF00]  }
0x4a: {  	v2 =	vld [tilespmem:s31+$0xED00];
	_ =	sdelay $0x6  }
0x4b: {  	v3 =	vld.idx.msk [tilespmem:v1+s17+$0x0], $0xffff  }
0x4c: {  	v4 =	vld.idx.msk [tilespmem:v2+s16+$0x0], $0xffff;
	_ =	sdelay $0x5  }
0x4d: {  	v3 =	vadd.f32 v3, v4;
	_ =	sdelay $0x1  }
0x4e: {  	v4 =	vmul.f32 $2.000000030e-01, v3  }
0x4f: {  	vm0 =	vgt.f32 v3, $0.0e+00  }
0x50: {  	v3 =	vsel vm0, v3, v4  }
0x51: {  	v3 =	vmul.f32 $1.442695020e+00, v3;
	_ =	sdelay $0x1  }
0x52: {  	v4 =	vld.idx.msk [tilespmem:v1+s2+$0x0], $0xffff;
	(erf) = vpow2.f32 v3  }
0x53: {  	v3 =	vld.idx.msk [tilespmem:v2+s2+$0x0], $0xffff;
	_ =	sdelay $0x2  }
0x54: {  	s29 =	sadd.s32 s29, s25  }
0x55: {  	s29 =	sshll.u32 s29, $0x7;
	v2 =	vld.idx.msk [tilespmem:v2+s18+$0x0], $0xffff  }
0x56: {  	s28 =	sor.u32 s28, s29  }
0x57: {  	v5 =	vor.u32 v3, v4;
	v4 =	vadd.s32 s28, v0  }
.Ltmp0:
0x58: {  	vm0 =	veq.s32 v5, $0x0;
	vm1 =	vlt.u32 v4, $0x2710;
	(pc) =	sbr.rel @p0 .LBB2_3-.Ltmp0, $4  }
0x59: {  	vm0 =	vmor vm1, vm0;
	v3 =	vpop (erf)  }
0x5a: {  	v3 =	vnsel vm0, $0x0, v3  }
0x5b: {  	s26 =	sadd.s32 $0x10, s26;
	s29 =	sshrl.u32 s30, $0x3;
	v2 =	vmul.f32 v3, v2  }
0x5c: {  	s30 =	sadd.s32 $0x1, s30;
	s31 =	sshll.u32 s29, $0x7;
	s28 =	sand.u32 $0x70, s26;
	[tilespmem:v1+s19+$0x0] =	vst.idx.add.f32.msk $0xffff, v3  }
0x5d: {  	_ =	sdelay $0x3  }
0x5e: {  	s26 =	sor.u32 s28, s31;
	[tilespmem:v1+s20+$0x0] =	vst.idx.add.f32.msk $0xffff, v2  }
0x5f: {  	v1 =	vld [tilespmem:s26+$0xEF00]  }
0x60: {  	v2 =	vld [tilespmem:s26+$0xED00];
	_ =	sdelay $0x6  }
0x61: {  	v3 =	vld.idx.msk [tilespmem:v1+s17+$0x0], $0xffff  }
0x62: {  	v4 =	vld.idx.msk [tilespmem:v2+s16+$0x0], $0xffff;
	_ =	sdelay $0x4  }
0x63: {  	v3 =	vadd.f32 v3, v4;
	_ =	sdelay $0x1  }
0x64: {  	v4 =	vmul.f32 $2.000000030e-01, v3  }
0x65: {  	vm0 =	vgt.f32 v3, $0.0e+00  }
0x66: {  	v3 =	vsel vm0, v3, v4  }
0x67: {  	v3 =	vmul.f32 $1.442695020e+00, v3;
	_ =	sdelay $0x1  }
0x68: {  	v62 =	vld.idx.msk [tilespmem:v2+s2+$0x0], $0xffff;
	(erf) = vpow2.f32 v3  }
0x69: {  	v3 =	vld.idx.msk [tilespmem:v1+s2+$0x0], $0xffff;
	_ =	sdelay $0x2  }
0x6a: {  	s25 =	sadd.s32 s29, s25  }
0x6b: {  	s25 =	sshll.u32 s25, $0x7  }
0x6c: {  	s25 =	sor.u32 s28, s25;
	v2 =	vld.idx.msk [tilespmem:v2+s18+$0x0], $0xffff;
	v3 =	vor.u32 v62, v3  }
0x6d: {  	s24 =	sadd.s32 $0x1, s24;
	v63 =	vadd.s32 s25, v0  }
0x6e: {  	p0 =	sne.s32 s24, $0x1B;
	vm1 =	vlt.u32 v63, $0x2710;
	vm15 =	veq.s32 v3, $0x0  }
.Ltmp1:
0x6f: {  	vm0 =	vmor vm1, vm15;
	v3 =	vpop (erf);
	(pc) =	sbr.rel @p0 .LBB2_2-.Ltmp1, $4  }
0x70: {  	v3 =	vnsel vm0, $0x0, v3  }
0x71: {  	v2 =	vmul.f32 v3, v2  }
0x72: {  	[tilespmem:v1+s19+$0x0] =	vst.idx.add.f32.msk $0xffff, v3  }
0x73: {  	[tilespmem:v1+s20+$0x0] =	vst.idx.add.f32.msk $0xffff, v2  }
0x74: {  	[hbm4b:s12+s2] =	stream.linear.scatter [tilespmem:s19], [sflag:$0x1], $0x2780, $0x38;
	[tilespmem:$0xF100] =	vst v63  }
0x75: {  	s23 =	sadd.s32 $0x1, s23;
	_ =	swait.ge [sflag:s15], $0x2780  }
0x76: {  	p0 =	sne.s32 s23, s14;
	[sflag:s15] =	ssyncset.done $0x0  }
.Ltmp2:
0x77: {  	[sflag:s15] =	ssyncadd.s32 $0xFFFFD880;
	(pc) =	sbr.rel @p0 .LBB2_1-.Ltmp2, $4  }
0x78: {  	[hbm4b:s13+s2] =	stream.linear.scatter [tilespmem:s20], [sflag:$0x1], $0x2780, $0x38;
	[tilespmem:$0xF100] =	vst v63  }
0x79: {  	_ =	swait.ge [sflag:s15], $0x2780  }
0x7a: {  	[sflag:s15] =	ssyncset.done $0x0  }
0x7b: {  	[sflag:s15] =	ssyncadd.s32 $0xFFFFD880  }
0x7c: {  	_ =	sfence.sel $0x180000  }
0x7d: {  	[bflag:$0x0] =	sbarrier.arrive $0xFFFF  }
0x7e: {  	p0 =	sne.s32 s3, $0x0;
	_ =	strace $0x9000004A  }
0x7f: {  	s0 =	sadd.s32 @!p0 $0x100000, s0;
	[bflag:$0x2] =	sbarrier.arrive $0xFFFF  }
0x80: {  	[sflag:s0] =	ssyncadd.tile.s32 @!p0 $0x1;
	_ =	shalt  }
.Lfunc_end2:
_tile_overlayer_lowered:
.L_overlay_start_2:
0x81: {  	(tag) =	ssettag $0x2  }
0x82: {  	s0 =	rddreg [dreg:$0x0];
	s2 =	stileid.u32  }
0x83: {  	s1 =	rddreg [dreg:$0x1];
	p0 =	sne.s32 s2, $0x0  }
0x84: {  	s3 =	rddreg [dreg:$0x2];
	[bflag:$0x3] =	sbarrier.arrive $0xFFFF;
	s2 =	simm.s32 @!p0 $0x1C01  }
0x85: {  	[timem:s3], [sflag:s2] =	dma.local @!p0 [hbm:s0], s1  }
0x86: {  	s0 =	simm.s32 @!p0 $0x1  }
0x87: {  	_ =	swait.ge @!p0 [sflag:s0], s1  }
0x88: {  	s1 =	ssub.s32 @!p0 $0x0, s1;
	[sflag:s0] =	ssyncset.done @!p0 $0x0  }
0x89: {  	[sflag:s0] =	ssyncadd.s32 @!p0 s1  }
0x8a: {  	[bflag:$0x3] =	sbarrier.arrive $0xFFFF  }
0x8b: {  	_ =	shalt  }

// kernel: kernel.7.cloned.1.call-start
scs
__scs_entry_jumppad:
0x0: {  	(pc) =	sbr.rel $0x88, $3  }
0x1: {  	(tag) =	ssettag $0x0;
	lr =	simm.s32 $0x1  }
0x2: {  	[smem:$0x3F95] =	sst lr;
	_ =	strace $0xD0000000  }
0x3: {  	_ = 	snop  }
0x4: {  	_ = 	snop  }
0x5: {  	_ = 	snop  }
0x6: {  	_ = 	snop  }
0x7: {  	_ = 	snop  }
__scs_overlays_trampoline_lowered:
0x8: {  	[smem:$0x3FA4] =	sst s0  }
0x9: {  	[smem:$0x3FA5] =	sst s1  }
0xa: {  	[smem:$0x3FA6] =	sst s2  }
0xb: {  	[smem:$0x3FA7] =	sst s3  }
0xc: {  	[smem:$0x3FA8] =	sst s4  }
0xd: {  	[smem:$0x3FA9] =	sst s5  }
0xe: {  	[smem:$0x3FAA] =	sst s6  }
0xf: {  	[smem:$0x3FAB] =	sst s7  }
0x10: {  	[smem:$0x3FAC] =	sst s8  }
0x11: {  	[smem:$0x3FAD] =	sst s9;
	s0 =	simm.s32 @!p0 $0x0  }
0x12: {  	s1 =	sld [smem:$0x3F93];
	s0 =	simm.s32 @p0 $0x1  }
0x13: {  	[smem:$0x3FAE] =	sst s0;
	s0 =	simm.s32 @!p1 $0x0  }
0x14: {  	s2 =	sld [smem:$0x3F92];
	s0 =	simm.s32 @p1 $0x1  }
0x15: {  	[smem:$0x3FAF] =	sst s0;
	s0 =	simm.s32 @!p2 $0x0  }
0x16: {  	s3 =	sld [smem:$0x3FDB];
	s0 =	simm.s32 @p2 $0x1  }
0x17: {  	s4 =	simm.s32 $0x1BF5;
	[smem:$0x3FB1] =	sst s0  }
0x18: {  	s0 =	sld [smem:$0x3F94];
	_ =	swait.ge [sflag:s4], $0x0  }
0x19: {  	s7 =	sld [smem:$0x3F95]  }
0x1a: {  	s8 =	sadd.s32 $0xFFFFE003, lr  }
0x1b: {  	s9 =	sadd.s32 $0xFFFFFEF7, lr;
	s5 =	simm.s32 $0xFFFFFFFF;
	p2 =	slt.u32 s8, $0xFFFFF086  }
0x1c: {  	p1 =	slt.u32 s9, $0xF7A;
	s5 =	simm.s32 @!p2 $0x0  }
0x1d: {  	s5 =	simm.s32 @p1 $0x1;
	p0 =	seq.s32 s7, s2  }
0x1e: {  	s7 =	smul.u32 @!p0 $0xF7A, s2;
	p2 =	seq.s32 @!p0 s5, $0x0  }
0x1f: {  	s9 =	smul.u32 $0xF7A, s1;
	s8 =	simm.s32 @!p0 $0x1BF5;
	p2 =	por !p2, p0  }
0x20: {  	[sflag:s8] =	ssyncset.s32 @!p0 $0xFFFFF086;
	s6 =	sadd.s32 @!p0 s3, s7;
	s7 =	simm.s32 @!p0 $0x108  }
0x21: {  	s3 =	sadd.s32 s3, s9;
	s6 =	sadd.s32 @!p0 $0x88, s6;
	s7 =	simm.s32 @p2 $0x1082  }
0x22: {  	[simem:s7], [sflag:s8] =	dma.local @!p0 [hbm:s6], $0xF7A  }
0x23: {  	s9 =	sor.u32 $0xD0000000, s2;
	s6 =	simm.s32 $0x108;
	_ =	swait.ge @!p0 [sflag:s8], $0x0  }
0x24: {  	s3 =	sadd.s32 $0x88, s3;
	s6 =	simm.s32 @!p1 $0x1082;
	[sflag:s4] =	ssyncset.s32 $0xFFFFF086  }
0x25: {  	[simem:s6], [sflag:s4] =	dma.local [hbm:s3], $0xF7A  }
0x26: {  	[smem:$0x3F95] =	sst s1;
	(tag) =	ssettag s2;
	_ =	strace s9  }
0x27: {  	s1 =	sld [smem:$0x3FA5]  }
0x28: {  	s2 =	sld [smem:$0x3FA6]  }
0x29: {  	s4 =	sld [smem:$0x3FA8]  }
0x2a: {  	p0 =	seq.s32 s5, $0x0;
	s5 =	sld [smem:$0x3FA9]  }
0x2b: {  	s6 =	sld [smem:$0x3FAA]  }
0x2c: {  	s7 =	sld [smem:$0x3FAB]  }
0x2d: {  	s3 =	simm.s32 $0x108;
	s8 =	sld [smem:$0x3FAC]  }
0x2e: {  	s3 =	simm.s32 @!p0 $0x1082;
	s9 =	sld [smem:$0x3FAD]  }
0x2f: {  	lr =	sadd.s32 s0, s3;
	s0 =	sld [smem:$0x3FA4]  }
0x30: {  	s3 =	sld [smem:$0x3FA7]  }
0x31: {  	[smem:$0x3FB0] =	sst s10  }
0x32: {  	s10 =	sld [smem:$0x3FAE];
	_ =	sdelay $0x3  }
0x33: {  	p0 =	seq.s32 s10, $0x1;
	s10 =	sld [smem:$0x3FB0];
	_ =	sdelay $0x3  }
0x34: {  	[smem:$0x3FB0] =	sst s10  }
0x35: {  	s10 =	sld [smem:$0x3FAF];
	_ =	sdelay $0x3  }
0x36: {  	p1 =	seq.s32 s10, $0x1;
	s10 =	sld [smem:$0x3FB0];
	_ =	sdelay $0x3  }
0x37: {  	[smem:$0x3FB0] =	sst s10  }
0x38: {  	s10 =	sld [smem:$0x3FB1]  }
0x39: {  	_ = 	snop;
	(pc) =	sbr.ind lr, $3  }
0x3a: {  	_ = 	snop  }
0x3b: {  	_ = 	snop  }
0x3c: {  	p2 =	seq.s32 s10, $0x1;
	s10 =	sld [smem:$0x3FB0]  }
0x3d: {  	_ =	shalt  }
0x3e: {  	_ =	shalt  }
0x3f: {  	_ =	shalt  }
0x40: {  	_ =	shalt  }
0x41: {  	_ =	shalt  }
0x42: {  	_ =	shalt  }
0x43: {  	_ =	shalt  }
0x44: {  	_ =	shalt  }
0x45: {  	_ =	shalt  }
0x46: {  	_ =	shalt  }
0x47: {  	_ =	shalt  }
0x48: {  	_ =	shalt  }
0x49: {  	_ =	shalt  }
0x4a: {  	_ =	shalt  }
0x4b: {  	_ =	shalt  }
0x4c: {  	_ =	shalt  }
0x4d: {  	_ =	shalt  }
0x4e: {  	_ =	shalt  }
0x4f: {  	_ =	shalt  }
0x50: {  	_ =	shalt  }
0x51: {  	_ =	shalt  }
0x52: {  	_ =	shalt  }
0x53: {  	_ =	shalt  }
0x54: {  	_ =	shalt  }
0x55: {  	_ =	shalt  }
0x56: {  	_ =	shalt  }
0x57: {  	_ =	shalt  }
0x58: {  	_ =	shalt  }
0x59: {  	_ =	shalt  }
0x5a: {  	_ =	shalt  }
0x5b: {  	_ =	shalt  }
0x5c: {  	_ =	shalt  }
0x5d: {  	_ =	shalt  }
0x5e: {  	_ =	shalt  }
0x5f: {  	_ =	shalt  }
0x60: {  	_ =	shalt  }
0x61: {  	_ =	shalt  }
0x62: {  	_ =	shalt  }
0x63: {  	_ =	shalt  }
0x64: {  	_ =	shalt  }
0x65: {  	_ =	shalt  }
0x66: {  	_ =	shalt  }
0x67: {  	_ =	shalt  }
0x68: {  	_ =	shalt  }
0x69: {  	_ =	shalt  }
0x6a: {  	_ =	shalt  }
0x6b: {  	_ =	shalt  }
0x6c: {  	_ =	shalt  }
0x6d: {  	_ =	shalt  }
0x6e: {  	_ =	shalt  }
0x6f: {  	_ =	shalt  }
0x70: {  	_ =	shalt  }
0x71: {  	_ =	shalt  }
0x72: {  	_ =	shalt  }
0x73: {  	_ =	shalt  }
0x74: {  	_ =	shalt  }
0x75: {  	_ =	shalt  }
0x76: {  	_ =	shalt  }
0x77: {  	_ =	shalt  }
0x78: {  	_ =	shalt  }
0x79: {  	_ =	shalt  }
0x7a: {  	_ =	shalt  }
0x7b: {  	_ =	shalt  }
0x7c: {  	_ =	shalt  }
0x7d: {  	_ =	shalt  }
0x7e: {  	_ =	shalt  }
0x7f: {  	_ =	shalt  }
0x80: {  	_ =	shalt  }
0x81: {  	_ =	shalt  }
0x82: {  	_ =	shalt  }
0x83: {  	_ =	shalt  }
0x84: {  	_ =	shalt  }
0x85: {  	_ =	shalt  }
0x86: {  	_ =	shalt  }
0x87: {  	_ =	shalt  }
.Lfunc_end0:
.L_simem_size_0:
called_computation_lowered:
.L_overlay_start_0:
0x88: {  	s2 =	sld [smem:$0x3FD9]  }
0x89: {  	s3 =	sld [smem:$0x3FFE];
	_ =	sdelay $0x1  }
0x8a: {  	s1 =	srdreg.scid  }
0x8b: {  	s0 =	sand.u32 $0x1, s1  }
0x8c: {  	s17 =	sshll.u32 s0, $0xA;
	s2 =	sadd.s32 s3, s2  }
0x8d: {  	s2 =	sadd.s32 s2, s17  }
0x8e: {  	[smem:$0x3FBC] =	sst s2  }
0x8f: {  	_ = 	snop  }
0x90: {  	s2 =	sld [smem:$0x3FD0];
	(tm) =	ssettm $0x1  }
0x91: {  	s18 =	sld [smem:$0x3FFB];
	_ =	sdelay $0x3  }
0x92: {  	_ =	strace s18  }
0x93: {  	s3 =	sld [smem:$0x3FFC];
	_ =	sdelay $0x3  }
0x94: {  	_ =	strace s3  }
0x95: {  	s3 =	sld [smem:$0x3FFD];
	_ =	sdelay $0x3  }
0x96: {  	_ =	strace s3  }
0x97: {  	_ =	strace $0x8FFFFFFF  }
0x98: {  	s19 =	sld [smem:$0x3FDB];
	_ =	sdelay $0x1  }
0x99: {  	s4 =	simm.s32 $_scs_section_size  }
0x9a: {  	s5 =	simm.s32 $_size__tile_overlayer_lowered;
	s6 =	simm.s32 $_tile_overlayer_lowered  }
0x9b: {  	s22 =	simm.s32 $0x1BFF;
	s21 =	sshll.u32 s6, $0x1;
	s3 =	sadd.s32 s4, s19  }
0x9c: {  	s7 =	simm.s32 $0x0;
	s20 =	sshll.u32 s5, $0x1;
	s5 =	sadd.s32 s21, s3  }
0x9d: {  	[timem:s7], [sflag:s22] =	dma.local [hbm:s5], s20  }
0x9e: {  	_ =	swait.ge [sflag:s22], s20  }
0x9f: {  	s4 =	ssub.s32 $0x0, s20;
	[sflag:s22] =	ssyncset.done $0x0  }
0xa0: {  	[sflag:s22] =	ssyncadd.s32 s4;
	_ =	sdelay $0x1  }
0xa1: {  	s23 =	simm.s32 $0x1B8B  }
0xa2: {  	_ =	swait.ge [sflag:s23], $0x1  }
0xa3: {  	[sflag:s23] =	ssyncset.done $0x0  }
0xa4: {  	s25 =	simm.s32 $0x1B8E;
	s24 =	sld [smem:$0x3FFE];
	[sflag:s23] =	ssyncadd.s32 $0xFFFFFFFF  }
0xa5: {  	s26 =	simm.s32 $execute0_lowered;
	[smem:$0x3FD2] =	sst s25  }
0xa6: {  	s5 =	sshll.u32 s26, $0x1;
	_ =	strace $0x80000046;
	[dreg:$0x1] =	wrdreg $0xFFFFFFFF  }
0xa7: {  	s28 =	simm.s32 $_size_execute0_lowered;
	s3 =	sadd.s32 s3, s5;
	[dreg:$0x0] =	wrdreg $0x0  }
0xa8: {  	s5 =	sshll.u32 s28, $0x1;
	[dreg:$0x2] =	wrdreg s3  }
0xa9: {  	[dreg:$0x3] =	wrdreg s5  }
0xaa: {  	[dreg:$0x4] =	wrdreg $0xC0  }
0xab: {  	_ =	task [dreg:s7], $0x5FFFF  }
0xac: {  	[dreg:$0x1] =	wrdreg $0xFFFFFFFF  }
0xad: {  	[dreg:$0x0] =	wrdreg $0x60  }
0xae: {  	[dreg:$0x2] =	wrdreg s24  }
0xaf: {  	[dreg:$0x3] =	wrdreg s2  }
0xb0: {  	[dreg:$0x4] =	wrdreg $0xC0800  }
0xb1: {  	[dreg:$0x5] =	wrdreg $0x9  }
0xb2: {  	_ =	task.clear_ibuf [dreg:s7], $0x6FFFF;
	_ =	strace $0x90000046  }
0xb3: {  	s29 =	simm.s32 $0x9;
	_ =	strace $0x80000048  }
0xb4: {  	_ =	swait.ge [sflag:s29], $0x1  }
0xb5: {  	[sflag:s29] =	ssyncadd.s32 $0xFFFFFFFF  }
0xb6: {  	_ =	strace $0x90000048  }
0xb7: {  	_ =	sfence  }
0xb8: {  	s30 =	sld [smem:$0x0];
	_ =	sdelay $0x2  }
0xb9: {  	s31 =	sshll.u32 s1, $0xD;
	s1 =	sshrl.u32 s1, $0x2  }
0xba: {  	s3 =	sand.u32 $0x4000, s31;
	s1 =	sadd.s32 s1, s30  }
0xbb: {  	s0 =	sor.u32 s3, s0;
	s1 =	sshll.u32 s1, $0x11  }
0xbc: {  	s0 =	sor.u32 s1, s0  }
0xbd: {  	s0 =	sadd.s32 $0x8F2B, s0  }
0xbe: {  	[sflag:s0] =	ssyncadd.remote.s32 $0x1  }
0xbf: {  	_ =	sfence.sel $0xFFFF  }
0xc0: {  	[dreg:$0x0] =	wrdreg $0xFFFFFFFF;
	(pc) =	sbr.abs _section_cstart, $3  }
0xc1: {  	[dreg:$0x1] =	wrdreg $0xFFFFFFFF  }
0xc2: {  	_ =	task.clear_ibuf [dreg:s7], $0x2FFFF;
	_ =	strace $0x9FFFFFFF  }
0xc3: {  	(tm) =	ssettm $0x7FFFFFFF  }
tec
execute0_lowered:
.L_overlay_start_1:
0x0: {  	(tag) =	ssettag $0x1  }
0x1: {  	s0 =	rddreg [dreg:$0x0]  }
0x2: {  	s2 =	rddreg [dreg:$0x2];
	s3 =	simm.s32 $0x0;
	s17 =	stileid.u32  }
0x3: {  	s19 =	srdreg.scid;
	s28 =	simm.s32 $0x1;
	s29 =	simm.s32 $0x30  }
0x4: {  	s30 =	simm.s32 $0xA880;
	s31 =	simm.s32 $0xA600;
	[smem:$0x7FF] =	sst s3  }
0x5: {  	s5 =	sadd.s32 $0x3800, s0;
	s6 =	sadd.s32 $0x11000, s0;
	s1 =	sadd.s32 $0x1E800, s0  }
0x6: {  	s4 =	smul.u32 $0x13800, s17;
	s7 =	sshll.u32 s17, $0x1;
	s8 =	sadd.s32 $0x46600, s0  }
0x7: {  	s20 =	sadd.s32 $0x1EE00, s0;
	_ =	strace $0x80000047;
	[dreg:$0x4] =	wrdreg s1  }
0x8: {  	s10 =	sadd.s32 $0x1F400, s0;
	s12 =	smul.u32 $0x4E000, s17;
	[dreg:$0x5] =	wrdreg s8  }
0x9: {  	s13 =	sadd.s32 $0x6DE00, s0;
	s22 =	sadd.s32 $0x138000, s2;
	[dreg:$0x6] =	wrdreg s20  }
0xa: {  	p0 =	sne.s32 s17, $0xF;
	s1 =	sand.u32 $0x1, s19;
	[dreg:$0x9] =	wrdreg s22  }
0xb: {  	s7 =	sor.u32 s1, s7;
	s11 =	ssub.s32 $0x2, s1;
	s1 =	smul.u32 $0x138800, s1  }
0xc: {  	s22 =	simm.s32 $0x2780;
	s21 =	sshrl.u32 s4, $0x3;
	s9 =	smul.u32 $0x4F0, s7  }
0xd: {  	s12 =	sshrl.u32 s12, $0x2;
	s8 =	sadd.s32 s21, s0;
	s15 =	smul.u32 $0x3600, s7  }
0xe: {  	s14 =	sshrl.u32 s11, $0x1;
	s12 =	sadd.s32 s12, s2;
	s16 =	smul.u32 $0x51, s7  }
0xf: {  	s21 =	simm.s32 $0x2;
	s11 =	ssub.s32 s11, s14;
	[dreg:$0x7] =	wrdreg s12  }
0x10: {  	s8 =	sadd.s32 $0x46C00, s8;
	s23 =	sadd.s32 s4, s1;
	s1 =	sshrl.u32 s1, $0x3  }
0x11: {  	s9 =	sadd.s32 s9, s0;
	[dreg:$0x8] =	wrdreg s8;
	s0 =	sadd.s32 $0x6DC00, s0  }
0x12: {  	s1 =	sadd.s32 s13, s1;
	s26 =	smax.u32 s11, $0x1;
	[dreg:$0xa] =	wrdreg s0  }
.Ltmp0:
0x13: {  	s0 =	sshrl.u32 s23, $0x3;
	s24 =	sadd.s32 $0x27000, s1;
	(pc) =	sbr.rel .LBB2_1-.Ltmp0, $4  }
0x14: {  	s25 =	sadd.s32 $0xBC000, s9;
	[dreg:$0xe] =	wrdreg s26;
	s23 =	simm.s32 $0x4F00  }
0x15: {  	s26 =	simm.s32 $0xA000;
	s1 =	simm.s32 $0x0;
	[dreg:$0xc] =	wrdreg s24  }
0x16: {  	v1 =	vlaneseq.u32;
	s0 =	sadd.s32 s13, s0;
	[dreg:$0xd] =	wrdreg s25;
	s24 =	simm.s32 $0x7680  }
0x17: {  	v0 =	vimm.s32 $0x0;
	v2 =	vimm.f32 $0.0e+00;
	v1 =	vor.u32 $0xFFFB1E00, v1;
	s25 =	simm.s32 $0x9E00;
	[dreg:$0xb] =	wrdreg s0;
	s0 =	simm.s32 $0xA800  }
.LBB2_11:
0x18: {  	[bflag:$0x0] =	sbarrier.arrive $0xFFFF  }
0x19: {  	s4 =	rddreg [dreg:$0xb]  }
0x1a: {  	s7 =	rddreg [dreg:$0xf]  }
0x1b: {  	s8 =	rddreg [dreg:$0x10]  }
0x1c: {  	[hbm:s4], [sflag:s7] =	dma.local [spmem:s8], $0x2700  }
0x1d: {  	_ =	swait.ge [sflag:s21], $0x2700  }
0x1e: {  	[sflag:s21] =	ssyncset.done $0x0;
	s4 =	rddreg [dreg:$0xc]  }
0x1f: {  	s8 =	rddreg [dreg:$0x11];
	[sflag:s21] =	ssyncadd.s32 $0xFFFFD900  }
0x20: {  	[hbm:s4], [sflag:s7] =	dma.local @!p0 [spmem:s8], $0x100  }
0x21: {  	s4 =	simm.s32 @!p0 $0x2  }
0x22: {  	_ =	swait.ge @!p0 [sflag:s4], $0x100  }
0x23: {  	[sflag:s4] =	ssyncset.done @!p0 $0x0  }
0x24: {  	s19 =	rddreg [dreg:$0xd];
	[sflag:s4] =	ssyncadd.s32 @!p0 $0xFFFFFF00  }
0x25: {  	[hbm4b:s19+s3] =	stream.linear.scatter [tilespmem:s24], [sflag:$0x2], $0x2780, $0x38;
	[tilespmem:$0x1F900] =	vst v63  }
0x26: {  	_ =	swait.ge [sflag:s21], $0x2780  }
0x27: {  	s1 =	sadd.s32 $0x1, s1;
	s20 =	rddreg [dreg:$0xe]  }
0x28: {  	p1 =	sne.s32 s1, s20  }
.Ltmp1:
0x29: {  	_ = 	snop;
	(pc) =	sbr.rel @!p1 .LBB2_12-.Ltmp1, $3  }
0x2a: {  	_ =	sdelay $0x1  }
0x2b: {  	[sflag:s21] =	ssyncset.done $0x0  }
0x2c: {  	[sflag:s21] =	ssyncadd.s32 $0xFFFFD880  }
.LBB2_1:
0x2d: {  	s4 =	rddreg [dreg:$0x4]  }
0x2e: {  	[tilespmem:s3], [sflag:$0x2] =	stream.linear.gather [hbm4b:s4+s3], $0x2780, $0x38;
	[tilespmem:$0x1F900] =	vst v63  }
0x2f: {  	_ =	swait.ge [sflag:s21], $0x2780  }
0x30: {  	[sflag:s21] =	ssyncset.done $0x0  }
0x31: {  	s13 =	rddreg [dreg:$0x5];
	[sflag:s21] =	ssyncadd.s32 $0xFFFFD880  }
0x32: {  	[tilespmem:s22], [sflag:$0x2] =	stream.linear.gather [hbm4b:s13+s3], $0x2780, $0x38;
	[tilespmem:$0x1F900] =	vst v63  }
0x33: {  	_ =	swait.ge [sflag:s21], $0x2780  }
0x34: {  	[sflag:s21] =	ssyncset.done $0x0  }
0x35: {  	s14 =	rddreg [dreg:$0x6];
	[sflag:s21] =	ssyncadd.s32 $0xFFFFD880  }
0x36: {  	[tilespmem:s23], [sflag:$0x2] =	stream.linear.gather [hbm4b:s14+s3], $0x2780, $0x38;
	[tilespmem:$0x1F900] =	vst v63  }
0x37: {  	_ =	swait.ge [sflag:s21], $0x2780  }
0x38: {  	[sflag:s21] =	ssyncset.done $0x0  }
0x39: {  	[sflag:s21] =	ssyncadd.s32 $0xFFFFD880  }
0x3a: {  	s17 =	rddreg [dreg:$0x1]  }
0x3b: {  	[tilespmem:s24], [sflag:$0x2] =	stream.linear.gather [hbm4b:s17+s3], $0x2780, $0x38;
	[tilespmem:$0x1F900] =	vst v63  }
0x3c: {  	s18 =	stileid.u32;
	_ =	swait.ge [sflag:s21], $0x2780  }
0x3d: {  	s4 =	sshll.u32 s18, $0x6;
	s19 =	rddreg [dreg:$0x7]  }
0x3e: {  	[sflag:s21] =	ssyncset.done $0x0;
	s20 =	rddreg [dreg:$0x8];
	s8 =	sshrl.u32 s19, $0x3  }
0x3f: {  	s7 =	sor.u32 $0x1C02, s4;
	[sflag:s21] =	ssyncadd.s32 $0xFFFFD880;
	[dreg:$0x10] =	wrdreg s8  }
0x40: {  	[spmem:s8], [sflag:s7] =	dma.local [hbm:s20], $0x2700  }
0x41: {  	_ =	swait.ge [sflag:s21], $0x2700;
	[dreg:$0xf] =	wrdreg s7  }
0x42: {  	s4 =	rddreg [dreg:$0x9]  }
0x43: {  	[sflag:s21] =	ssyncset.done $0x0;
	s8 =	sshrl.u32 @!p0 s4, $0x3;
	s4 =	rddreg [dreg:$0xa]  }
0x44: {  	[sflag:s21] =	ssyncadd.s32 $0xFFFFD900;
	[dreg:$0x11] =	wrdreg s8  }
0x45: {  	[spmem:s8], [sflag:s7] =	dma.local @!p0 [hbm:s4], $0x100  }
0x46: {  	s7 =	simm.s32 @!p0 $0x2  }
0x47: {  	_ =	swait.ge @!p0 [sflag:s7], $0x100  }
0x48: {  	[sflag:s7] =	ssyncset.done @!p0 $0x0  }
0x49: {  	[sflag:s7] =	ssyncadd.s32 @!p0 $0xFFFFFF00  }
0x4a: {  	s11 =	simm.s32 $0x0;
	s7 =	simm.s32 $0x40;
	[bflag:$0x0] =	sbarrier.arrive $0xFFFF  }
.LBB2_2:
0x4b: {  	p1 =	sne.s32 s7, $0x680;
	[tilespmem:s11+$0xA200] =	vst v0;
	s9 =	smov.u32 s7;
	s7 =	sadd.s32 $0x40, s7  }
.Ltmp2:
0x4c: {  	[tilespmem:s11+$0xA400] =	vst v0;
	(pc) =	sbr.rel @p1 .LBB2_2-.Ltmp2, $2  }
0x4d: {  	_ =	sdelay $0x2  }
0x4e: {  	s11 =	sshra.s32 s9, $0x2  }
.Ltmp3:
0x4f: {  	(pc) =	sbr.rel .LBB2_4-.Ltmp3, $3  }
0x50: {  	_ =	sdelay $0x1  }
0x51: {  	[tilespmem:s11+$0xA200] =	vst v0  }
0x52: {  	s9 =	simm.s32 $0x0;
	[tilespmem:s11+$0xA400] =	vst v0;
	s11 =	simm.s32 $0x0  }
.LBB2_10:
0x53: {  	s11 =	sadd.s32 $0x1, s11  }
0x54: {  	p1 =	sne.s32 s11, $0x1B  }
.Ltmp4:
0x55: {  	_ = 	snop;
	(pc) =	sbr.rel @!p1 .LBB2_11-.Ltmp4, $1  }
0x56: {  	_ =	sdelay $0x3  }
.LBB2_4:
0x57: {  	s7 =	sshll.u32 s11, $0x9  }
0x58: {  	s7 =	sadd.s32 s15, s7  }
0x59: {  	s7 =	sshrl.u32 s7, $0x3  }
0x5a: {  	s12 =	sadd.s32 s5, s7  }
0x5b: {  	[tilespmem:s25], [sflag:$0x2] =	stream.linear.gather [hbm4b:s12+s9], $0x180, $0x38;
	[tilespmem:$0x1F900] =	vst v63  }
0x5c: {  	_ =	swait.ge [sflag:s21], $0x180  }
0x5d: {  	[sflag:s21] =	ssyncset.done $0x0  }
0x5e: {  	s7 =	sadd.s32 s6, s7;
	[sflag:s21] =	ssyncadd.s32 $0xFFFFFE80  }
0x5f: {  	[tilespmem:s26], [sflag:$0x2] =	stream.linear.gather [hbm4b:s7+s9], $0x180, $0x38;
	[tilespmem:$0x1F900] =	vst v63  }
0x60: {  	_ =	swait.ge [sflag:s21], $0x180  }
0x61: {  	s17 =	sand.u32 $0x70, s9;
	s18 =	simm.s32 $0x0;
	[sflag:s21] =	ssyncset.done $0x0  }
0x62: {  	s12 =	sor.u32 s17, s18;
	[sflag:s21] =	ssyncadd.s32 $0xFFFFFE80  }
0x63: {  	v4 =	vld [tilespmem:s12+$0x9E00]  }
0x64: {  	v3 =	vld [tilespmem:s12+$0xA000];
	_ =	sdelay $0x6  }
0x65: {  	v4 =	vld.idx.msk [tilespmem:v4+s3+$0x0], $0xffff  }
0x66: {  	v5 =	vld.idx.msk [tilespmem:v3+s3+$0x0], $0xffff;
	_ =	sdelay $0x1  }
0x67: {  	s19 =	smul.u32 $0x3, s11;
	_ =	sdelay $0x1  }
0x68: {  	s12 =	sadd.s32 s16, s19;
	v6 =	vand.u32 $0xFFFF, v4  }
0x69: {  	s13 =	sadd.s32 $0x0, s12;
	v7 =	vand.u32 $0xFFFF, v5  }
0x6a: {  	s13 =	sshll.u32 s13, $0x7  }
0x6b: {  	s7 =	sor.u32 s17, s13  }
0x6c: {  	vm0 =	vlt.s32 v4, $0x10000;
	vm1 =	vlt.s32 v5, $0x10000;
	v4 =	vadd.s32 s7, v1  }
0x6d: {  	vm0 =	vmand vm0, vm1;
	vm1 =	vlt.u32 v4, $0x2710;
	v5 =	vld.idx.msk [tilespmem:v6+s22+$0x0], $0xffff  }
0x6e: {  	vm0 =	vmor vm1, vm0;
	v4 =	vld.idx.msk [tilespmem:v7+s23+$0x0], $0xffff  }
0x6f: {  	v7 =	vsel vm0, $0x1, v0  }
0x70: {  	(xrf0) =	vadd.scan.msk.s32 $0xffff, v7;
	_ =	sdelay $0x2  }
0x71: {  	v4 =	vadd.f32 v4, v5;
	_ =	sdelay $0x1  }
0x72: {  	v5 =	vmul.f32 $2.000000030e-01, v4  }
0x73: {  	vm1 =	vgt.f32 v4, $0.0e+00;
	v7, _, _ =	vpop (xrf0)  }
0x74: {  	(v2sf) =	vpush v7, $0xF;
	v4 =	vsel vm1, v4, v5  }
0x75: {  	v4 =	vmul.f32 $1.442695020e+00, v4;
	_ =	sdelay $0x1  }
0x76: {  	(erf) = vpow2.f32 v4;
	_ =	sdelay $0x8  }
0x77: {  	s20 =	simm.s32 $0x10;
	v4 =	vpop (erf)  }
0x78: {  	s14 =	sand.u32 $0x70, s20;
	v4 =	vnsel vm0, $0x0, v4  }
0x79: {  	s18 =	simm.s32 $0x20;
	s19 =	simm.s32 $0x0;
	s17 =	simm.s32 $0x2;
	[tilespmem:v3+s24+$0x0] =	vst.idx.add.f32.msk $0xffff, v4  }
0x7a: {  	s13 =	simm.s32 $0x0;
	s7 =	simm.s32 $0x0;
	s20 =	spop (v2sf);
	[tilespmem:s9+$0xA200] =	vst.msk vm0, v6  }
.LBB2_5:
0x7b: {  	s8 =	sand.u32 $0x70, s18  }
0x7c: {  	s4 =	sshll.u32 s7, $0x7;
	[tilespmem:s19+$0xA400] =	vst.msk vm0, v3;
	s13 =	sadd.s32 s13, s20;
	s20 =	smov.u32 s17  }
0x7d: {  	p1 =	sne.s32 s17, $0x17;
	s17 =	sadd.s32 $0x1, s17;
	s4 =	sor.u32 s14, s4;
	[tilespmem:s19+$0xA600] =	vst.msk vm0, v4  }
0x7e: {  	s19 =	smov.u32 s13;
	v4 =	vld [tilespmem:s4+$0x9E00]  }
0x7f: {  	v3 =	vld [tilespmem:s4+$0xA000];
	_ =	sdelay $0x6  }
0x80: {  	v4 =	vld.idx.msk [tilespmem:v4+s3+$0x0], $0xffff  }
0x81: {  	v5 =	vld.idx.msk [tilespmem:v3+s3+$0x0], $0xffff;
	_ =	sdelay $0x4  }
0x82: {  	v6 =	vand.u32 $0xFFFF, v4  }
0x83: {  	vm0 =	vlt.s32 v4, $0x10000;
	v7 =	vand.u32 $0xFFFF, v5;
	vm1 =	vlt.s32 v5, $0x10000  }
0x84: {  	s4 =	sadd.s32 s7, s12;
	vm0 =	vmand vm0, vm1  }
0x85: {  	s4 =	sshll.u32 s4, $0x7  }
0x86: {  	s4 =	sor.u32 s14, s4;
	s14 =	smov.u32 s8  }
0x87: {  	v5 =	vadd.s32 s4, v1;
	v4 =	vld.idx.msk [tilespmem:v6+s22+$0x0], $0xffff  }
0x88: {  	vm1 =	vlt.u32 v5, $0x2710;
	v7 =	vld.idx.msk [tilespmem:v7+s23+$0x0], $0xffff  }
0x89: {  	vm0 =	vmor vm1, vm0  }
0x8a: {  	v5 =	vsel vm0, $0x1, v0  }
0x8b: {  	(xrf0) =	vadd.scan.msk.s32 $0xffff, v5;
	_ =	sdelay $0x2  }
0x8c: {  	v4 =	vadd.f32 v7, v4;
	_ =	sdelay $0x1  }
0x8d: {  	vm1 =	vgt.f32 v4, $0.0e+00;
	v5 =	vmul.f32 $2.000000030e-01, v4  }
0x8e: {  	v7, _, _ =	vpop (xrf0)  }
0x8f: {  	v4 =	vsel vm1, v4, v5;
	(v2sf) =	vpush v7, $0xF  }
0x90: {  	v4 =	vmul.f32 $1.442695020e+00, v4;
	_ =	sdelay $0x1  }
0x91: {  	(erf) = vpow2.f32 v4;
	_ =	sdelay $0x7  }
.Ltmp5:
0x92: {  	(pc) =	sbr.rel @p1 .LBB2_5-.Ltmp5, $4  }
0x93: {  	v4 =	vpop (erf)  }
0x94: {  	v4 =	vnsel vm0, $0x0, v4  }
0x95: {  	[tilespmem:v3+s24+$0x0] =	vst.idx.add.f32.msk $0xffff, v4  }
0x96: {  	s18 =	sadd.s32 $0x10, s18;
	s7 =	sshrl.u32 s20, $0x3;
	[tilespmem:s13+$0xA200] =	vst.msk vm0, v6;
	s20 =	spop (v2sf)  }
0x97: {  	s4 =	sshll.u32 s7, $0x7;
	[tilespmem:s19+$0xA400] =	vst.msk vm0, v3  }
0x98: {  	s4 =	sor.u32 s14, s4;
	[tilespmem:s19+$0xA600] =	vst.msk vm0, v4  }
0x99: {  	v3 =	vld [tilespmem:s4+$0x9E00]  }
0x9a: {  	v4 =	vld [tilespmem:s4+$0xA000];
	_ =	sdelay $0x6  }
0x9b: {  	v3 =	vld.idx.msk [tilespmem:v3+s3+$0x0], $0xffff  }
0x9c: {  	v5 =	vld.idx.msk [tilespmem:v4+s3+$0x0], $0xffff;
	_ =	sdelay $0x1  }
0x9d: {  	s12 =	sadd.s32 s7, s12  }
0x9e: {  	s4 =	sshll.u32 s12, $0x7  }
0x9f: {  	s4 =	sor.u32 s14, s4  }
0xa0: {  	v6 =	vadd.s32 s4, v1;
	vm13 =	vlt.s32 v3, $0x10000;
	vm1 =	vlt.s32 v5, $0x10000  }
0xa1: {  	vm14 =	vlt.u32 v6, $0x2710;
	vm0 =	vmand vm13, vm1  }
0xa2: {  	vm0 =	vmor vm14, vm0  }
0xa3: {  	v62 =	vsel vm0, $0x1, v0  }
0xa4: {  	(xrf0) =	vadd.scan.msk.s32 $0xffff, v62;
	_ =	sdelay $0x5  }
0xa5: {  	v6, _, _ =	vpop (xrf0)  }
0xa6: {  	(v2sf) =	vpush v6, $0xF  }
0xa7: {  	v3 =	vand.u32 $0xFFFF, v3  }
0xa8: {  	v5 =	vand.u32 $0xFFFF, v5;
	_ =	sdelay $0x3  }
0xa9: {  	v63 =	vld.idx.msk [tilespmem:v3+s22+$0x0], $0xffff  }
0xaa: {  	v5 =	vld.idx.msk [tilespmem:v5+s23+$0x0], $0xffff;
	_ =	sdelay $0x4  }
0xab: {  	v5 =	vadd.f32 v5, v63;
	_ =	sdelay $0x1  }
0xac: {  	v6 =	vmul.f32 $2.000000030e-01, v5  }
0xad: {  	s4 =	sadd.s32 s13, s20;
	vm15 =	vgt.f32 v5, $0.0e+00;
	s17 =	spop (v2sf)  }
0xae: {  	v5 =	vsel vm15, v5, v6;
	s7 =	sadd.s32 s4, s17  }
0xaf: {  	v5 =	vmul.f32 $1.442695020e+00, v5;
	s8 =	sadd.s32 $0x2F, s7  }
0xb0: {  	s18 =	smulhi.u32 $0x2AAAAAAB, s8;
	s19 =	sshra.s32 s8, $0x1F  }
0xb1: {  	(erf) = vpow2.f32 v5;
	s13 =	smul.u32 $0x2AAAAAAB, s19;
	_ =	sdelay $0x1  }
0xb2: {  	s12 =	sadd.s32 s13, s18  }
0xb3: {  	s13 =	sshrl.u32 s12, $0x1F;
	s12 =	sshra.s32 s12, $0x3  }
0xb4: {  	s12 =	sadd.s32 s13, s12  }
0xb5: {  	s13 =	smul.u32 $0xFFFFFFD0, s12  }
0xb6: {  	s20 =	ssub.s32 $0xFFFFFFD1, s7  }
0xb7: {  	p1 =	slt.s32 s8, $0x1;
	p2 =	sne.s32 s13, s20  }
0xb8: {  	p1 =	por !p1, !p2  }
0xb9: {  	v5 =	vpop (erf);
	s8 =	simm.s32 $0x1;
	p1 =	por !p1, !p1  }
0xba: {  	v5 =	vnsel vm0, $0x0, v5;
	s8 =	simm.s32 @!p1 $0x0  }
0xbb: {  	[tilespmem:v4+s24+$0x0] =	vst.idx.add.f32.msk $0xffff, v5;
	s12 =	ssub.s32 s12, s8  }
0xbc: {  	[tilespmem:s4+$0xA200] =	vst.msk vm0, v3;
	p1 =	slt.s32 s12, $0x1  }
.Ltmp6:
0xbd: {  	[tilespmem:s4+$0xA400] =	vst.msk vm0, v4;
	(pc) =	sbr.rel @p1 .LBB2_10-.Ltmp6, $4  }
0xbe: {  	[tilespmem:s4+$0xA600] =	vst.msk vm0, v5  }
0xbf: {  	[tilespmem:s7+$0xA600] =	vst v2  }
0xc0: {  	[tilespmem:s7+$0xA610] =	vst v2  }
0xc1: {  	[tilespmem:s7+$0xA620] =	vst v2;
	s13 =	simm.s32 $0x0  }
.LBB2_7:
0xc2: {  	s14 =	smul.u32 $0x30, s13;
	_ =	sdelay $0x1  }
0xc3: {  	v3 =	vld [tilespmem:s14+$0xA400];
	_ =	sdelay $0x4  }
0xc4: {  	[tilespmem:$0xA800] =	vst v3  }
0xc5: {  	v3 =	vld [tilespmem:s14+$0xA410];
	_ =	sdelay $0x4  }
0xc6: {  	[tilespmem:$0xA810] =	vst v3  }
0xc7: {  	v3 =	vld [tilespmem:s14+$0xA420];
	_ =	sdelay $0x4  }
0xc8: {  	s4 =	sadd.s32 $0xA200, s14;
	[tilespmem:$0xA820] =	vst v3  }
0xc9: {  	[tilespmem:s30], [sflag:$0x1] =	stream.indirect.gather [hbm4b:s10+s29], $0x80, s4, s29, $0xb8;
	[tilespmem:$0x1F900] =	vst v63  }
0xca: {  	_ =	swait.ge [sflag:s28], $0x1800  }
0xcb: {  	[sflag:s28] =	ssyncset.done $0x0  }
0xcc: {  	s17 =	simm.s32 $0x0;
	[sflag:s28] =	ssyncadd.s32 $0xFFFFE800  }
.LBB2_8:
0xcd: {  	s18 =	sshll.u32 s17, $0x4  }
0xce: {  	s4 =	sadd.s32 s14, s18  }
0xcf: {  	v3 =	vmov s4  }
0xd0: {  	v3 =	vand.u32 $0xFFFFFFF0, v3  }
0xd1: {  	v3 =	vbroadcast v3, $0x0;
	_ =	sdelay $0x2  }
0xd2: {  	s7 =	sshll.u32 s17, $0xB  }
0xd3: {  	s4 =	sand.u32 $0x3FFFF800, s7  }
0xd4: {  	v4 =	vld [tilespmem:s4+$0xA880]  }
0xd5: {  	v3 =	vld.idx.msk [tilespmem:v3+s31+$0x0], $0xffff  }
0xd6: {  	v5 =	vld [tilespmem:s4+$0xA890]  }
0xd7: {  	v6 =	vld [tilespmem:s4+$0xA8A0]  }
0xd8: {  	v7 =	vld [tilespmem:s4+$0xA8B0]  }
0xd9: {  	v8 =	vld [tilespmem:s4+$0xA8C0]  }
0xda: {  	v9 =	vld [tilespmem:s4+$0xA8D0];
	v4 =	vmul.f32 v4, v3  }
0xdb: {  	s7 =	sor.u32 $0x1, s18;
	v10 =	vld [tilespmem:s4+$0xA8E0];
	v5 =	vmul.f32 v5, v3  }
0xdc: {  	s8 =	sadd.s32 s14, s7;
	v23 =	vld [tilespmem:s4+$0xA8F0];
	v22 =	vmul.f32 v6, v3;
	[tilespmem:s4+$0xA880] =	vst v4  }
0xdd: {  	v11 =	vmov s8;
	v24 =	vmul.f32 v7, v3;
	[tilespmem:s4+$0xA890] =	vst v5  }
0xde: {  	v25 =	vand.u32 $0xFFFFFFF1, v11;
	v26 =	vmul.f32 v8, v3;
	[tilespmem:s4+$0xA8A0] =	vst v22  }
0xdf: {  	v7 =	vbroadcast v25, $0x0;
	v27 =	vmul.f32 v9, v3;
	[tilespmem:s4+$0xA8B0] =	vst v24  }
0xe0: {  	v28 =	vmul.f32 v10, v3;
	[tilespmem:s4+$0xA8C0] =	vst v26  }
0xe1: {  	v3 =	vmul.f32 v23, v3;
	[tilespmem:s4+$0xA8D0] =	vst v27  }
0xe2: {  	s8 =	sshll.u32 s7, $0x7;
	[tilespmem:s4+$0xA8E0] =	vst v28  }
0xe3: {  	[tilespmem:s4+$0xA8F0] =	vst v3;
	s4 =	sand.u32 $0x3FFFF880, s8  }
0xe4: {  	v4 =	vld [tilespmem:s4+$0xA880]  }
0xe5: {  	v3 =	vld.idx.msk [tilespmem:v7+s31+$0x0], $0xffff  }
0xe6: {  	v5 =	vld [tilespmem:s4+$0xA890]  }
0xe7: {  	v29 =	vld [tilespmem:s4+$0xA8A0]  }
0xe8: {  	v30 =	vld [tilespmem:s4+$0xA8B0]  }
0xe9: {  	v31 =	vld [tilespmem:s4+$0xA8C0]  }
0xea: {  	s19 =	sor.u32 $0x2, s18;
	v32 =	vld [tilespmem:s4+$0xA8D0];
	v4 =	vmul.f32 v4, v3  }
0xeb: {  	s20 =	sadd.s32 s14, s19;
	v33 =	vld [tilespmem:s4+$0xA8E0];
	v5 =	vmul.f32 v5, v3  }
0xec: {  	v36 =	vmov s20;
	v35 =	vld [tilespmem:s4+$0xA8F0];
	v34 =	vmul.f32 v29, v3;
	[tilespmem:s4+$0xA880] =	vst v4  }
0xed: {  	v38 =	vand.u32 $0xFFFFFFF2, v36;
	v37 =	vmul.f32 v30, v3;
	[tilespmem:s4+$0xA890] =	vst v5  }
0xee: {  	v7 =	vbroadcast v38, $0x0;
	v39 =	vmul.f32 v31, v3;
	[tilespmem:s4+$0xA8A0] =	vst v34  }
0xef: {  	v40 =	vmul.f32 v32, v3;
	[tilespmem:s4+$0xA8B0] =	vst v37  }
0xf0: {  	v41 =	vmul.f32 v33, v3;
	[tilespmem:s4+$0xA8C0] =	vst v39  }
0xf1: {  	v3 =	vmul.f32 v35, v3;
	[tilespmem:s4+$0xA8D0] =	vst v40  }
0xf2: {  	[tilespmem:s4+$0xA8E0] =	vst v41  }
0xf3: {  	s8 =	sshll.u32 s19, $0x7;
	[tilespmem:s4+$0xA8F0] =	vst v3  }
0xf4: {  	s4 =	sand.u32 $0x3FFFF900, s8;
	v3 =	vld.idx.msk [tilespmem:v7+s31+$0x0], $0xffff  }
0xf5: {  	v4 =	vld [tilespmem:s4+$0xA880]  }
0xf6: {  	v5 =	vld [tilespmem:s4+$0xA890]  }
0xf7: {  	v42 =	vld [tilespmem:s4+$0xA8A0]  }
0xf8: {  	v43 =	vld [tilespmem:s4+$0xA8B0]  }
0xf9: {  	v44 =	vld [tilespmem:s4+$0xA8C0]  }
0xfa: {  	s19 =	sor.u32 $0x3, s18;
	v45 =	vld [tilespmem:s4+$0xA8D0];
	v4 =	vmul.f32 v4, v3  }
0xfb: {  	s20 =	sadd.s32 s14, s19;
	v46 =	vld [tilespmem:s4+$0xA8E0];
	v5 =	vmul.f32 v5, v3  }
0xfc: {  	v49 =	vmov s20;
	v48 =	vld [tilespmem:s4+$0xA8F0];
	v47 =	vmul.f32 v42, v3;
	[tilespmem:s4+$0xA880] =	vst v4  }
0xfd: {  	v51 =	vand.u32 $0xFFFFFFF3, v49;
	v50 =	vmul.f32 v43, v3;
	[tilespmem:s4+$0xA890] =	vst v5  }
0xfe: {  	v7 =	vbroadcast v51, $0x0;
	v52 =	vmul.f32 v44, v3;
	[tilespmem:s4+$0xA8A0] =	vst v47  }
0xff: {  	v53 =	vmul.f32 v45, v3;
	[tilespmem:s4+$0xA8B0] =	vst v50  }
0x100: {  	v54 =	vmul.f32 v46, v3;
	[tilespmem:s4+$0xA8C0] =	vst v52  }
0x101: {  	v3 =	vmul.f32 v48, v3;
	[tilespmem:s4+$0xA8D0] =	vst v53  }
0x102: {  	[tilespmem:s4+$0xA8E0] =	vst v54  }
0x103: {  	s8 =	sshll.u32 s19, $0x7;
	[tilespmem:s4+$0xA8F0] =	vst v3  }
0x104: {  	s4 =	sand.u32 $0x3FFFF980, s8;
	v3 =	vld.idx.msk [tilespmem:v7+s31+$0x0], $0xffff  }
0x105: {  	v4 =	vld [tilespmem:s4+$0xA880]  }
0x106: {  	v5 =	vld [tilespmem:s4+$0xA890]  }
0x107: {  	v55 =	vld [tilespmem:s4+$0xA8A0]  }
0x108: {  	v56 =	vld [tilespmem:s4+$0xA8B0]  }
0x109: {  	v57 =	vld [tilespmem:s4+$0xA8C0]  }
0x10a: {  	s19 =	sor.u32 $0x4, s18;
	v58 =	vld [tilespmem:s4+$0xA8D0];
	v4 =	vmul.f32 v4, v3  }
0x10b: {  	s20 =	sadd.s32 s14, s19;
	v59 =	vld [tilespmem:s4+$0xA8E0];
	v5 =	vmul.f32 v5, v3  }
0x10c: {  	v62 =	vmov s20;
	v61 =	vld [tilespmem:s4+$0xA8F0];
	v60 =	vmul.f32 v55, v3;
	[tilespmem:s4+$0xA880] =	vst v4  }
0x10d: {  	v12 =	vand.u32 $0xFFFFFFF4, v62;
	v63 =	vmul.f32 v56, v3;
	[tilespmem:s4+$0xA890] =	vst v5  }
0x10e: {  	v7 =	vbroadcast v12, $0x0;
	v13 =	vmul.f32 v57, v3;
	[tilespmem:s4+$0xA8A0] =	vst v60  }
0x10f: {  	v14 =	vmul.f32 v58, v3;
	[tilespmem:s4+$0xA8B0] =	vst v63  }
0x110: {  	v15 =	vmul.f32 v59, v3;
	[tilespmem:s4+$0xA8C0] =	vst v13  }
0x111: {  	v3 =	vmul.f32 v61, v3;
	[tilespmem:s4+$0xA8D0] =	vst v14  }
0x112: {  	[tilespmem:s4+$0xA8E0] =	vst v15  }
0x113: {  	s8 =	sshll.u32 s19, $0x7;
	[tilespmem:s4+$0xA8F0] =	vst v3  }
0x114: {  	s4 =	sand.u32 $0x3FFFFA00, s8;
	v3 =	vld.idx.msk [tilespmem:v7+s31+$0x0], $0xffff  }
0x115: {  	v4 =	vld [tilespmem:s4+$0xA880]  }
0x116: {  	v5 =	vld [tilespmem:s4+$0xA890]  }
0x117: {  	v16 =	vld [tilespmem:s4+$0xA8A0]  }
0x118: {  	v17 =	vld [tilespmem:s4+$0xA8B0]  }
0x119: {  	v18 =	vld [tilespmem:s4+$0xA8C0]  }
0x11a: {  	s19 =	sor.u32 $0x5, s18;
	v19 =	vld [tilespmem:s4+$0xA8D0];
	v4 =	vmul.f32 v4, v3  }
0x11b: {  	s20 =	sadd.s32 s14, s19;
	v20 =	vld [tilespmem:s4+$0xA8E0];
	v5 =	vmul.f32 v5, v3  }
0x11c: {  	v23 =	vmov s20;
	v22 =	vld [tilespmem:s4+$0xA8F0];
	v21 =	vmul.f32 v16, v3;
	[tilespmem:s4+$0xA880] =	vst v4  }
0x11d: {  	v25 =	vand.u32 $0xFFFFFFF5, v23;
	v24 =	vmul.f32 v17, v3;
	[tilespmem:s4+$0xA890] =	vst v5  }
0x11e: {  	v7 =	vbroadcast v25, $0x0;
	v26 =	vmul.f32 v18, v3;
	[tilespmem:s4+$0xA8A0] =	vst v21  }
0x11f: {  	v27 =	vmul.f32 v19, v3;
	[tilespmem:s4+$0xA8B0] =	vst v24  }
0x120: {  	v28 =	vmul.f32 v20, v3;
	[tilespmem:s4+$0xA8C0] =	vst v26  }
0x121: {  	v3 =	vmul.f32 v22, v3;
	[tilespmem:s4+$0xA8D0] =	vst v27  }
0x122: {  	[tilespmem:s4+$0xA8E0] =	vst v28  }
0x123: {  	s8 =	sshll.u32 s19, $0x7;
	[tilespmem:s4+$0xA8F0] =	vst v3  }
0x124: {  	s4 =	sand.u32 $0x3FFFFA80, s8;
	v3 =	vld.idx.msk [tilespmem:v7+s31+$0x0], $0xffff  }
0x125: {  	v4 =	vld [tilespmem:s4+$0xA880]  }
0x126: {  	v5 =	vld [tilespmem:s4+$0xA890]  }
0x127: {  	v29 =	vld [tilespmem:s4+$0xA8A0]  }
0x128: {  	v30 =	vld [tilespmem:s4+$0xA8B0]  }
0x129: {  	v31 =	vld [tilespmem:s4+$0xA8C0]  }
0x12a: {  	s19 =	sor.u32 $0x6, s18;
	v32 =	vld [tilespmem:s4+$0xA8D0];
	v4 =	vmul.f32 v4, v3  }
0x12b: {  	s20 =	sadd.s32 s14, s19;
	v33 =	vld [tilespmem:s4+$0xA8E0];
	v5 =	vmul.f32 v5, v3  }
0x12c: {  	v36 =	vmov s20;
	v35 =	vld [tilespmem:s4+$0xA8F0];
	v34 =	vmul.f32 v29, v3;
	[tilespmem:s4+$0xA880] =	vst v4  }
0x12d: {  	v38 =	vand.u32 $0xFFFFFFF6, v36;
	v37 =	vmul.f32 v30, v3;
	[tilespmem:s4+$0xA890] =	vst v5  }
0x12e: {  	v7 =	vbroadcast v38, $0x0;
	v39 =	vmul.f32 v31, v3;
	[tilespmem:s4+$0xA8A0] =	vst v34  }
0x12f: {  	v40 =	vmul.f32 v32, v3;
	[tilespmem:s4+$0xA8B0] =	vst v37  }
0x130: {  	v41 =	vmul.f32 v33, v3;
	[tilespmem:s4+$0xA8C0] =	vst v39  }
0x131: {  	v3 =	vmul.f32 v35, v3;
	[tilespmem:s4+$0xA8D0] =	vst v40  }
0x132: {  	[tilespmem:s4+$0xA8E0] =	vst v41  }
0x133: {  	s8 =	sshll.u32 s19, $0x7;
	[tilespmem:s4+$0xA8F0] =	vst v3  }
0x134: {  	s4 =	sand.u32 $0x3FFFFB00, s8;
	v3 =	vld.idx.msk [tilespmem:v7+s31+$0x0], $0xffff  }
0x135: {  	v4 =	vld [tilespmem:s4+$0xA880]  }
0x136: {  	v5 =	vld [tilespmem:s4+$0xA890]  }
0x137: {  	v42 =	vld [tilespmem:s4+$0xA8A0]  }
0x138: {  	v43 =	vld [tilespmem:s4+$0xA8B0]  }
0x139: {  	v44 =	vld [tilespmem:s4+$0xA8C0]  }
0x13a: {  	s19 =	sor.u32 $0x7, s18;
	v45 =	vld [tilespmem:s4+$0xA8D0];
	v4 =	vmul.f32 v4, v3  }
0x13b: {  	s20 =	sadd.s32 s14, s19;
	v46 =	vld [tilespmem:s4+$0xA8E0];
	v5 =	vmul.f32 v5, v3  }
0x13c: {  	v49 =	vmov s20;
	v48 =	vld [tilespmem:s4+$0xA8F0];
	v47 =	vmul.f32 v42, v3;
	[tilespmem:s4+$0xA880] =	vst v4  }
0x13d: {  	v51 =	vand.u32 $0xFFFFFFF7, v49;
	v50 =	vmul.f32 v43, v3;
	[tilespmem:s4+$0xA890] =	vst v5  }
0x13e: {  	v7 =	vbroadcast v51, $0x0;
	v52 =	vmul.f32 v44, v3;
	[tilespmem:s4+$0xA8A0] =	vst v47  }
0x13f: {  	v53 =	vmul.f32 v45, v3;
	[tilespmem:s4+$0xA8B0] =	vst v50  }
0x140: {  	v54 =	vmul.f32 v46, v3;
	[tilespmem:s4+$0xA8C0] =	vst v52  }
0x141: {  	v3 =	vmul.f32 v48, v3;
	[tilespmem:s4+$0xA8D0] =	vst v53  }
0x142: {  	[tilespmem:s4+$0xA8E0] =	vst v54  }
0x143: {  	s8 =	sshll.u32 s19, $0x7;
	[tilespmem:s4+$0xA8F0] =	vst v3  }
0x144: {  	s4 =	sand.u32 $0x3FFFFB80, s8;
	v3 =	vld.idx.msk [tilespmem:v7+s31+$0x0], $0xffff  }
0x145: {  	v4 =	vld [tilespmem:s4+$0xA880]  }
0x146: {  	v5 =	vld [tilespmem:s4+$0xA890]  }
0x147: {  	v55 =	vld [tilespmem:s4+$0xA8A0]  }
0x148: {  	v56 =	vld [tilespmem:s4+$0xA8B0]  }
0x149: {  	v57 =	vld [tilespmem:s4+$0xA8C0]  }
0x14a: {  	s19 =	sor.u32 $0x8, s18;
	v58 =	vld [tilespmem:s4+$0xA8D0];
	v4 =	vmul.f32 v4, v3  }
0x14b: {  	s20 =	sadd.s32 s14, s19;
	v59 =	vld [tilespmem:s4+$0xA8E0];
	v5 =	vmul.f32 v5, v3  }
0x14c: {  	v62 =	vmov s20;
	v61 =	vld [tilespmem:s4+$0xA8F0];
	v60 =	vmul.f32 v55, v3;
	[tilespmem:s4+$0xA880] =	vst v4  }
0x14d: {  	v12 =	vand.u32 $0xFFFFFFF8, v62;
	v63 =	vmul.f32 v56, v3;
	[tilespmem:s4+$0xA890] =	vst v5  }
0x14e: {  	v7 =	vbroadcast v12, $0x0;
	v13 =	vmul.f32 v57, v3;
	[tilespmem:s4+$0xA8A0] =	vst v60  }
0x14f: {  	v14 =	vmul.f32 v58, v3;
	[tilespmem:s4+$0xA8B0] =	vst v63  }
0x150: {  	v15 =	vmul.f32 v59, v3;
	[tilespmem:s4+$0xA8C0] =	vst v13  }
0x151: {  	v3 =	vmul.f32 v61, v3;
	[tilespmem:s4+$0xA8D0] =	vst v14  }
0x152: {  	[tilespmem:s4+$0xA8E0] =	vst v15  }
0x153: {  	s8 =	sshll.u32 s19, $0x7;
	[tilespmem:s4+$0xA8F0] =	vst v3  }
0x154: {  	s4 =	sand.u32 $0x3FFFFC00, s8;
	v3 =	vld.idx.msk [tilespmem:v7+s31+$0x0], $0xffff  }
0x155: {  	v4 =	vld [tilespmem:s4+$0xA880]  }
0x156: {  	v5 =	vld [tilespmem:s4+$0xA890]  }
0x157: {  	v16 =	vld [tilespmem:s4+$0xA8A0]  }
0x158: {  	v17 =	vld [tilespmem:s4+$0xA8B0]  }
0x159: {  	v18 =	vld [tilespmem:s4+$0xA8C0]  }
0x15a: {  	s19 =	sor.u32 $0x9, s18;
	v19 =	vld [tilespmem:s4+$0xA8D0];
	v4 =	vmul.f32 v4, v3  }
0x15b: {  	s20 =	sadd.s32 s14, s19;
	v20 =	vld [tilespmem:s4+$0xA8E0];
	v5 =	vmul.f32 v5, v3  }
0x15c: {  	v23 =	vmov s20;
	v22 =	vld [tilespmem:s4+$0xA8F0];
	v21 =	vmul.f32 v16, v3;
	[tilespmem:s4+$0xA880] =	vst v4  }
0x15d: {  	v25 =	vand.u32 $0xFFFFFFF9, v23;
	v24 =	vmul.f32 v17, v3;
	[tilespmem:s4+$0xA890] =	vst v5  }
0x15e: {  	v7 =	vbroadcast v25, $0x0;
	v26 =	vmul.f32 v18, v3;
	[tilespmem:s4+$0xA8A0] =	vst v21  }
0x15f: {  	v27 =	vmul.f32 v19, v3;
	[tilespmem:s4+$0xA8B0] =	vst v24  }
0x160: {  	v28 =	vmul.f32 v20, v3;
	[tilespmem:s4+$0xA8C0] =	vst v26  }
0x161: {  	v3 =	vmul.f32 v22, v3;
	[tilespmem:s4+$0xA8D0] =	vst v27  }
0x162: {  	[tilespmem:s4+$0xA8E0] =	vst v28  }
0x163: {  	s8 =	sshll.u32 s19, $0x7;
	[tilespmem:s4+$0xA8F0] =	vst v3  }
0x164: {  	s4 =	sand.u32 $0x3FFFFC80, s8;
	v3 =	vld.idx.msk [tilespmem:v7+s31+$0x0], $0xffff  }
0x165: {  	v4 =	vld [tilespmem:s4+$0xA880]  }
0x166: {  	v5 =	vld [tilespmem:s4+$0xA890]  }
0x167: {  	v29 =	vld [tilespmem:s4+$0xA8A0]  }
0x168: {  	v30 =	vld [tilespmem:s4+$0xA8B0]  }
0x169: {  	v31 =	vld [tilespmem:s4+$0xA8C0]  }
0x16a: {  	s19 =	sor.u32 $0xA, s18;
	v32 =	vld [tilespmem:s4+$0xA8D0];
	v4 =	vmul.f32 v4, v3  }
0x16b: {  	s20 =	sadd.s32 s14, s19;
	v33 =	vld [tilespmem:s4+$0xA8E0];
	v5 =	vmul.f32 v5, v3  }
0x16c: {  	v36 =	vmov s20;
	v35 =	vld [tilespmem:s4+$0xA8F0];
	v34 =	vmul.f32 v29, v3;
	[tilespmem:s4+$0xA880] =	vst v4  }
0x16d: {  	v38 =	vand.u32 $0xFFFFFFFA, v36;
	v37 =	vmul.f32 v30, v3;
	[tilespmem:s4+$0xA890] =	vst v5  }
0x16e: {  	v7 =	vbroadcast v38, $0x0;
	v39 =	vmul.f32 v31, v3;
	[tilespmem:s4+$0xA8A0] =	vst v34  }
0x16f: {  	v40 =	vmul.f32 v32, v3;
	[tilespmem:s4+$0xA8B0] =	vst v37  }
0x170: {  	v41 =	vmul.f32 v33, v3;
	[tilespmem:s4+$0xA8C0] =	vst v39  }
0x171: {  	v3 =	vmul.f32 v35, v3;
	[tilespmem:s4+$0xA8D0] =	vst v40  }
0x172: {  	[tilespmem:s4+$0xA8E0] =	vst v41  }
0x173: {  	s8 =	sshll.u32 s19, $0x7;
	[tilespmem:s4+$0xA8F0] =	vst v3  }
0x174: {  	s4 =	sand.u32 $0x3FFFFD00, s8;
	v3 =	vld.idx.msk [tilespmem:v7+s31+$0x0], $0xffff  }
0x175: {  	v4 =	vld [tilespmem:s4+$0xA880]  }
0x176: {  	v5 =	vld [tilespmem:s4+$0xA890]  }
0x177: {  	v42 =	vld [tilespmem:s4+$0xA8A0]  }
0x178: {  	v43 =	vld [tilespmem:s4+$0xA8B0]  }
0x179: {  	v44 =	vld [tilespmem:s4+$0xA8C0]  }
0x17a: {  	s19 =	sor.u32 $0xB, s18;
	v45 =	vld [tilespmem:s4+$0xA8D0];
	v4 =	vmul.f32 v4, v3  }
0x17b: {  	s20 =	sadd.s32 s14, s19;
	v46 =	vld [tilespmem:s4+$0xA8E0];
	v5 =	vmul.f32 v5, v3  }
0x17c: {  	v49 =	vmov s20;
	v48 =	vld [tilespmem:s4+$0xA8F0];
	v47 =	vmul.f32 v42, v3;
	[tilespmem:s4+$0xA880] =	vst v4  }
0x17d: {  	v51 =	vand.u32 $0xFFFFFFFB, v49;
	v50 =	vmul.f32 v43, v3;
	[tilespmem:s4+$0xA890] =	vst v5  }
0x17e: {  	v7 =	vbroadcast v51, $0x0;
	v52 =	vmul.f32 v44, v3;
	[tilespmem:s4+$0xA8A0] =	vst v47  }
0x17f: {  	v53 =	vmul.f32 v45, v3;
	[tilespmem:s4+$0xA8B0] =	vst v50  }
0x180: {  	v54 =	vmul.f32 v46, v3;
	[tilespmem:s4+$0xA8C0] =	vst v52  }
0x181: {  	v3 =	vmul.f32 v48, v3;
	[tilespmem:s4+$0xA8D0] =	vst v53  }
0x182: {  	[tilespmem:s4+$0xA8E0] =	vst v54  }
0x183: {  	s8 =	sshll.u32 s19, $0x7;
	[tilespmem:s4+$0xA8F0] =	vst v3  }
0x184: {  	s4 =	sand.u32 $0x3FFFFD80, s8;
	v3 =	vld.idx.msk [tilespmem:v7+s31+$0x0], $0xffff  }
0x185: {  	v4 =	vld [tilespmem:s4+$0xA880]  }
0x186: {  	v5 =	vld [tilespmem:s4+$0xA890]  }
0x187: {  	v55 =	vld [tilespmem:s4+$0xA8A0]  }
0x188: {  	v56 =	vld [tilespmem:s4+$0xA8B0]  }
0x189: {  	v57 =	vld [tilespmem:s4+$0xA8C0]  }
0x18a: {  	s19 =	sor.u32 $0xC, s18;
	v58 =	vld [tilespmem:s4+$0xA8D0];
	v4 =	vmul.f32 v4, v3  }
0x18b: {  	s20 =	sadd.s32 s14, s19;
	v59 =	vld [tilespmem:s4+$0xA8E0];
	v5 =	vmul.f32 v5, v3  }
0x18c: {  	v62 =	vmov s20;
	v61 =	vld [tilespmem:s4+$0xA8F0];
	v60 =	vmul.f32 v55, v3;
	[tilespmem:s4+$0xA880] =	vst v4  }
0x18d: {  	v11 =	vand.u32 $0xFFFFFFFC, v62;
	v63 =	vmul.f32 v56, v3;
	[tilespmem:s4+$0xA890] =	vst v5  }
0x18e: {  	v7 =	vbroadcast v11, $0x0;
	v12 =	vmul.f32 v57, v3;
	[tilespmem:s4+$0xA8A0] =	vst v60  }
0x18f: {  	v13 =	vmul.f32 v58, v3;
	[tilespmem:s4+$0xA8B0] =	vst v63  }
0x190: {  	v14 =	vmul.f32 v59, v3;
	[tilespmem:s4+$0xA8C0] =	vst v12  }
0x191: {  	v3 =	vmul.f32 v61, v3;
	[tilespmem:s4+$0xA8D0] =	vst v13  }
0x192: {  	[tilespmem:s4+$0xA8E0] =	vst v14  }
0x193: {  	s8 =	sshll.u32 s19, $0x7;
	[tilespmem:s4+$0xA8F0] =	vst v3  }
0x194: {  	s4 =	sand.u32 $0x3FFFFE00, s8;
	v3 =	vld.idx.msk [tilespmem:v7+s31+$0x0], $0xffff  }
0x195: {  	v4 =	vld [tilespmem:s4+$0xA880]  }
0x196: {  	v5 =	vld [tilespmem:s4+$0xA890]  }
0x197: {  	v15 =	vld [tilespmem:s4+$0xA8A0]  }
0x198: {  	v16 =	vld [tilespmem:s4+$0xA8B0]  }
0x199: {  	v17 =	vld [tilespmem:s4+$0xA8C0]  }
0x19a: {  	s19 =	sor.u32 $0xD, s18;
	v18 =	vld [tilespmem:s4+$0xA8D0];
	v4 =	vmul.f32 v4, v3  }
0x19b: {  	s20 =	sadd.s32 s14, s19;
	v19 =	vld [tilespmem:s4+$0xA8E0];
	v5 =	vmul.f32 v5, v3  }
0x19c: {  	v20 =	vmov s20;
	v22 =	vld [tilespmem:s4+$0xA8F0];
	v21 =	vmul.f32 v15, v3;
	[tilespmem:s4+$0xA880] =	vst v4  }
0x19d: {  	v24 =	vand.u32 $0xFFFFFFFD, v20;
	v23 =	vmul.f32 v16, v3;
	[tilespmem:s4+$0xA890] =	vst v5  }
0x19e: {  	v7 =	vbroadcast v24, $0x0;
	v25 =	vmul.f32 v17, v3;
	[tilespmem:s4+$0xA8A0] =	vst v21  }
0x19f: {  	v26 =	vmul.f32 v18, v3;
	[tilespmem:s4+$0xA8B0] =	vst v23  }
0x1a0: {  	v27 =	vmul.f32 v19, v3;
	[tilespmem:s4+$0xA8C0] =	vst v25  }
0x1a1: {  	v3 =	vmul.f32 v22, v3;
	[tilespmem:s4+$0xA8D0] =	vst v26  }
0x1a2: {  	[tilespmem:s4+$0xA8E0] =	vst v27  }
0x1a3: {  	s8 =	sshll.u32 s19, $0x7;
	[tilespmem:s4+$0xA8F0] =	vst v3  }
0x1a4: {  	s4 =	sand.u32 $0x3FFFFE80, s8;
	v3 =	vld.idx.msk [tilespmem:v7+s31+$0x0], $0xffff  }
0x1a5: {  	v4 =	vld [tilespmem:s4+$0xA880]  }
0x1a6: {  	v5 =	vld [tilespmem:s4+$0xA890]  }
0x1a7: {  	v28 =	vld [tilespmem:s4+$0xA8A0]  }
0x1a8: {  	v29 =	vld [tilespmem:s4+$0xA8B0]  }
0x1a9: {  	v30 =	vld [tilespmem:s4+$0xA8C0]  }
0x1aa: {  	s19 =	sor.u32 $0xE, s18;
	v31 =	vld [tilespmem:s4+$0xA8D0];
	v4 =	vmul.f32 v4, v3  }
0x1ab: {  	s20 =	sadd.s32 s14, s19;
	v32 =	vld [tilespmem:s4+$0xA8E0];
	v5 =	vmul.f32 v5, v3  }
0x1ac: {  	v35 =	vmov s20;
	v34 =	vld [tilespmem:s4+$0xA8F0];
	v33 =	vmul.f32 v28, v3;
	[tilespmem:s4+$0xA880] =	vst v4  }
0x1ad: {  	v37 =	vand.u32 $0xFFFFFFFE, v35;
	v36 =	vmul.f32 v29, v3;
	[tilespmem:s4+$0xA890] =	vst v5  }
0x1ae: {  	v7 =	vbroadcast v37, $0x0;
	v38 =	vmul.f32 v30, v3;
	[tilespmem:s4+$0xA8A0] =	vst v33  }
0x1af: {  	v39 =	vmul.f32 v31, v3;
	[tilespmem:s4+$0xA8B0] =	vst v36  }
0x1b0: {  	v40 =	vmul.f32 v32, v3;
	[tilespmem:s4+$0xA8C0] =	vst v38  }
0x1b1: {  	v3 =	vmul.f32 v34, v3;
	[tilespmem:s4+$0xA8D0] =	vst v39  }
0x1b2: {  	[tilespmem:s4+$0xA8E0] =	vst v40  }
0x1b3: {  	s8 =	sshll.u32 s19, $0x7;
	[tilespmem:s4+$0xA8F0] =	vst v3  }
0x1b4: {  	s4 =	sand.u32 $0x3FFFFF00, s8;
	v3 =	vld.idx.msk [tilespmem:v7+s31+$0x0], $0xffff  }
0x1b5: {  	v4 =	vld [tilespmem:s4+$0xA880]  }
0x1b6: {  	v5 =	vld [tilespmem:s4+$0xA890]  }
0x1b7: {  	v41 =	vld [tilespmem:s4+$0xA8A0]  }
0x1b8: {  	v42 =	vld [tilespmem:s4+$0xA8B0]  }
0x1b9: {  	v43 =	vld [tilespmem:s4+$0xA8C0]  }
0x1ba: {  	v44 =	vld [tilespmem:s4+$0xA8D0];
	v4 =	vmul.f32 v4, v3  }
0x1bb: {  	v45 =	vld [tilespmem:s4+$0xA8E0];
	v5 =	vmul.f32 v5, v3  }
0x1bc: {  	v47 =	vld [tilespmem:s4+$0xA8F0];
	v46 =	vmul.f32 v41, v3;
	[tilespmem:s4+$0xA880] =	vst v4  }
0x1bd: {  	s18 =	sshllo.u32 s17, $0x4;
	v48 =	vmul.f32 v42, v3;
	[tilespmem:s4+$0xA890] =	vst v5  }
0x1be: {  	s19 =	sadd.s32 s14, s18;
	v49 =	vmul.f32 v43, v3;
	[tilespmem:s4+$0xA8A0] =	vst v46  }
0x1bf: {  	v51 =	vmov s19;
	v50 =	vmul.f32 v44, v3;
	[tilespmem:s4+$0xA8B0] =	vst v48  }
0x1c0: {  	v52 =	vmul.f32 v45, v3;
	[tilespmem:s4+$0xA8C0] =	vst v49  }
0x1c1: {  	v3 =	vmul.f32 v47, v3;
	[tilespmem:s4+$0xA8D0] =	vst v50  }
0x1c2: {  	[tilespmem:s4+$0xA8E0] =	vst v52  }
0x1c3: {  	s20 =	sshll.u32 s18, $0x7;
	[tilespmem:s4+$0xA8F0] =	vst v3  }
0x1c4: {  	s4 =	sand.u32 $0x3FFFFF80, s20;
	v3 =	vld.idx.msk [tilespmem:v51+s31+$0x0], $0xffff  }
0x1c5: {  	v4 =	vld [tilespmem:s4+$0xA880]  }
0x1c6: {  	v5 =	vld [tilespmem:s4+$0xA890]  }
0x1c7: {  	v53 =	vld [tilespmem:s4+$0xA8A0]  }
0x1c8: {  	v54 =	vld [tilespmem:s4+$0xA8B0]  }
0x1c9: {  	v55 =	vld [tilespmem:s4+$0xA8C0]  }
0x1ca: {  	v56 =	vld [tilespmem:s4+$0xA8D0];
	v4 =	vmul.f32 v4, v3  }
0x1cb: {  	v57 =	vld [tilespmem:s4+$0xA8E0];
	v5 =	vmul.f32 v5, v3  }
0x1cc: {  	v59 =	vld [tilespmem:s4+$0xA8F0];
	v58 =	vmul.f32 v53, v3;
	[tilespmem:s4+$0xA880] =	vst v4  }
0x1cd: {  	v60 =	vmul.f32 v54, v3;
	[tilespmem:s4+$0xA890] =	vst v5  }
0x1ce: {  	p1 =	sne.s32 s17, $0x2;
	v61 =	vmul.f32 v55, v3;
	[tilespmem:s4+$0xA8A0] =	vst v58  }
.Ltmp7:
0x1cf: {  	v62 =	vmul.f32 v56, v3;
	[tilespmem:s4+$0xA8B0] =	vst v60;
	(pc) =	sbr.rel @p1 .LBB2_8-.Ltmp7, $4  }
0x1d0: {  	v63 =	vmul.f32 v57, v3;
	[tilespmem:s4+$0xA8C0] =	vst v61  }
0x1d1: {  	v3 =	vmul.f32 v59, v3;
	[tilespmem:s4+$0xA8D0] =	vst v62  }
0x1d2: {  	[tilespmem:s4+$0xA8E0] =	vst v63  }
0x1d3: {  	s17 =	sadd.s32 $0x1, s17;
	[tilespmem:s4+$0xA8F0] =	vst v3  }
0x1d4: {  	[spmem:s2] =	stream.indirect.scatter.add.f32 [tilespmem:s30], [sflag:$0x2], $0x80, s0, s29, $0xb8;
	[tilespmem:$0x1F900] =	vst v63  }
0x1d5: {  	s13 =	sadd.s32 $0x1, s13  }
0x1d6: {  	p1 =	sne.s32 s13, s12  }
.Ltmp8:
0x1d7: {  	_ = 	snop;
	(pc) =	sbr.rel @p1 .LBB2_7-.Ltmp8, $4  }
.Ltmp9:
0x1d8: {  	_ = 	snop;
	(pc) =	sbr.rel @!p1 .LBB2_10-.Ltmp9, $4  }
0x1d9: {  	_ =	swait.ge [sflag:s21], $0x1800  }
0x1da: {  	[sflag:s21] =	ssyncset.done $0x0  }
0x1db: {  	[sflag:s21] =	ssyncadd.s32 $0xFFFFE800  }
0x1dc: {  	_ = 	snop  }
.LBB2_12:
0x1dd: {  	_ =	sfence.sel $0x180000  }
0x1de: {  	[bflag:$0x0] =	sbarrier.arrive $0xFFFF  }
0x1df: {  	_ =	strace $0x90000047  }
0x1e0: {  	s0 =	stileid.u32;
	[bflag:$0x2] =	sbarrier.arrive $0xFFFF  }
0x1e1: {  	p0 =	sne.s32 s0, $0x0;
	s0 =	rddreg [dreg:$0x3]  }
0x1e2: {  	s0 =	sadd.s32 @!p0 $0x100000, s0  }
0x1e3: {  	[sflag:s0] =	ssyncadd.tile.s32 @!p0 $0x1;
	_ =	shalt  }
.Lfunc_end2:
_tile_overlayer_lowered:
.L_overlay_start_2:
0x1e4: {  	(tag) =	ssettag $0x2  }
0x1e5: {  	s0 =	rddreg [dreg:$0x0];
	s2 =	stileid.u32  }
0x1e6: {  	s1 =	rddreg [dreg:$0x1];
	p0 =	sne.s32 s2, $0x0  }
0x1e7: {  	s3 =	rddreg [dreg:$0x2];
	[bflag:$0x3] =	sbarrier.arrive $0xFFFF;
	s2 =	simm.s32 @!p0 $0x1C02  }
0x1e8: {  	[timem:s3], [sflag:s2] =	dma.local @!p0 [hbm:s0], s1  }
0x1e9: {  	s0 =	simm.s32 @!p0 $0x2  }
0x1ea: {  	_ =	swait.ge @!p0 [sflag:s0], s1  }
0x1eb: {  	s1 =	ssub.s32 @!p0 $0x0, s1;
	[sflag:s0] =	ssyncset.done @!p0 $0x0  }
0x1ec: {  	[sflag:s0] =	ssyncadd.s32 @!p0 s1  }
0x1ed: {  	[bflag:$0x3] =	sbarrier.arrive $0xFFFF  }
0x1ee: {  	_ =	shalt  }

</sc_bundles>
